<compile_context>
chip_gen: v7x
topology: tpu7x:2x2x1
jax: 0.10.2.dev20260603
libtpu: 0.0.44.dev20260713+nightly
codegen_flags: <defaults>
</compile_context>

<pallas_src>
import functools

import jax
import jax.numpy as jnp
from jax import lax
from jax.experimental import pallas as pl
from jax.experimental.pallas import tpu as pltpu
from jax.experimental.pallas import tpu_sc as plsc

N_NODES = 10000
N_EDGES = 320000
D = 128

NC = 2
NS = 16
NW = NC * NS
EDGES_PER_WORKER = N_EDGES // NW
CHUNK = 80
NUM_CHUNKS = EDGES_PER_WORKER // CHUNK
N_PAD = 10240
ROWS_PER_TILE = N_PAD // NS
DW = 16

_MESH = plsc.VectorSubcoreMesh(core_axis_name="c", subcore_axis_name="s")


NBUF = 4
SBUF = 2 * NBUF
LOOP8 = (NUM_CHUNKS // SBUF) * SBUF


def _make_sc_agg(with_deg: bool):
    out_type = [jax.ShapeDtypeStruct((NC, N_PAD, D), jnp.float32)]
    if with_deg:
        out_type.append(jax.ShapeDtypeStruct((NC, N_PAD, D), jnp.float32))

    @functools.partial(
        pl.kernel,
        mesh=_MESH,
        out_type=tuple(out_type) if with_deg else out_type[0],
        scratch_types=(
            pltpu.VMEM_SHARED((N_PAD, D), jnp.float32),
        )
        + tuple(pltpu.VMEM((CHUNK, D), jnp.float32) for _ in range(NBUF))
        + tuple(pltpu.VMEM((CHUNK,), jnp.int32) for _ in range(NBUF))
        + tuple(pltpu.VMEM((CHUNK,), jnp.int32) for _ in range(SBUF))
        + tuple(pltpu.SemaphoreType.DMA for _ in range(2 * NBUF + SBUF)),
    )
    def sc_agg(x_hbm, src_hbm, dst_hbm, *rest):
        if with_deg:
            part_hbm, deg_hbm = rest[:2]
            rest = rest[2:]
        else:
            part_hbm = rest[0]
            rest = rest[1:]
        acc = rest[0]
        rest = rest[1:]
        rows = rest[:NBUF]
        dsts = rest[NBUF:2 * NBUF]
        srcs = rest[2 * NBUF:2 * NBUF + SBUF]
        gsems = rest[2 * NBUF + SBUF:3 * NBUF + SBUF]
        dsems = rest[3 * NBUF + SBUF:4 * NBUF + SBUF]
        ssems = rest[4 * NBUF + SBUF:]
        c = lax.axis_index("c")
        s = lax.axis_index("s")
        w = c * NS + s
        row0 = s * ROWS_PER_TILE
        base = w * EDGES_PER_WORKER

        def dst_load(i, b):
            pltpu.async_copy(
                dst_hbm.at[pl.ds(base + i * CHUNK, CHUNK)], dsts[b], dsems[b])

        def dst_wait(b):
            pltpu.make_async_copy(
                dst_hbm.at[pl.ds(base, CHUNK)], dsts[b], dsems[b]).wait()

        def src_load(i, q):
            pltpu.async_copy(
                src_hbm.at[pl.ds(base + i * CHUNK, CHUNK)], srcs[q], ssems[q])

        def src_wait(q):
            pltpu.make_async_copy(
                src_hbm.at[pl.ds(base, CHUNK)], srcs[q], ssems[q]).wait()

        def gather(i_q):
            pltpu.async_copy(x_hbm.at[srcs[i_q % SBUF]], rows[i_q % NBUF],
                             gsems[i_q % NBUF])

        z16 = jnp.zeros((16,), jnp.float32)

        def fill_row(r, carry):
            for j in range(D // 16):
                rows[1][r, pl.ds(j * 16, 16)] = z16
            return carry

        lax.fori_loop(0, CHUNK, fill_row, 0)

        def zero_acc_slice():
            for j in range(ROWS_PER_TILE // CHUNK):
                pltpu.sync_copy(
                    rows[1], acc.at[pl.ds(row0 + j * CHUNK, CHUNK)])

        zero_acc_slice()
        plsc.subcore_barrier()

        if with_deg:
            o16 = jnp.ones((16,), jnp.float32)

            def fill_ones(r, carry):
                for j in range(D // 16):
                    rows[0][r, pl.ds(j * 16, 16)] = o16
                return carry

            lax.fori_loop(0, CHUNK, fill_ones, 0)
            for b in range(NBUF):
                dst_load(b, b)

            def deg_step(i, b, refill):
                dst_wait(b)
                pltpu.sync_copy(rows[0], acc.at[dsts[b]], add=True)
                if refill:
                    nxt = i + NBUF

                    @pl.when(nxt < NUM_CHUNKS)
                    def _():
                        dst_load(nxt, b)

            def deg_body(g, carry):
                for b in range(NBUF):
                    deg_step(g * NBUF + b, b, True)
                return carry

            n_full = (NUM_CHUNKS // NBUF) * NBUF
            lax.fori_loop(0, n_full // NBUF, deg_body, 0)
            for i in range(n_full, NUM_CHUNKS):
                deg_step(i, i % NBUF, False)
            plsc.subcore_barrier()
            pltpu.sync_copy(
                acc.at[pl.ds(row0, ROWS_PER_TILE)],
                deg_hbm.at[c, pl.ds(row0, ROWS_PER_TILE)],
            )
            zero_acc_slice()
            plsc.subcore_barrier()

        for q in range(SBUF):
            src_load(q, q)
        for b in range(NBUF):
            src_wait(b)
            gather(b)
            dst_load(b, b)

        def agg_body(g, carry):
            for k in range(SBUF):
                i = g * SBUF + k
                b = k % NBUF
                q = k
                pltpu.make_async_copy(
                    x_hbm.at[srcs[q]], rows[b], gsems[b]).wait()
                dst_wait(b)
                pltpu.sync_copy(rows[b], acc.at[dsts[b]], add=True)
                nxt = i + NBUF
                nq = (k + NBUF) % SBUF
                src_wait(nq)
                pltpu.async_copy(x_hbm.at[srcs[nq]], rows[b], gsems[b])
                dst_load(nxt, b)
                nxt2 = i + SBUF

                @pl.when(nxt2 < NUM_CHUNKS)
                def _():
                    src_load(nxt2, q)
            return carry

        lax.fori_loop(0, LOOP8 // SBUF, agg_body, 0)
        for i in range(LOOP8, NUM_CHUNKS):
            b = i % NBUF
            q = i % SBUF
            pltpu.make_async_copy(x_hbm.at[srcs[q]], rows[b], gsems[b]).wait()
            dst_wait(b)
            pltpu.sync_copy(rows[b], acc.at[dsts[b]], add=True)
            nxt = i + NBUF
            if nxt < NUM_CHUNKS:
                nq = nxt % SBUF
                src_wait(nq)
                pltpu.async_copy(x_hbm.at[srcs[nq]], rows[b], gsems[b])
                dst_load(nxt, b)
        plsc.subcore_barrier()

        pltpu.sync_copy(
            acc.at[pl.ds(row0, ROWS_PER_TILE)],
            part_hbm.at[c, pl.ds(row0, ROWS_PER_TILE)],
        )

    return sc_agg


_sc_agg_deg = _make_sc_agg(True)
_sc_agg = _make_sc_agg(False)


BLK = 1000


def _combine_body(relu):
    def body(h_ref, p_ref, deg_ref, ws_ref, wn_ref, o_ref):
        degs = deg_ref[...]
        deg = degs[0, :, 0] + degs[1, :, 0]
        invd = 1.0 / jnp.maximum(deg, 1.0)
        agg = (p_ref[0] + p_ref[1]) * invd[:, None]
        out = jnp.dot(h_ref[...], ws_ref[...], preferred_element_type=jnp.float32)
        out = out + jnp.dot(agg, wn_ref[...], preferred_element_type=jnp.float32)
        if relu:
            out = jnp.maximum(out, 0.0)
        o_ref[...] = out

    return body


def _combine(h, parts, deg, w_self, w_neigh, relu):
    return pl.pallas_call(
        _combine_body(relu),
        grid=(N_NODES // BLK,),
        in_specs=[
            pl.BlockSpec((BLK, D), lambda i: (i, 0)),
            pl.BlockSpec((NC, BLK, D), lambda i: (0, i, 0)),
            pl.BlockSpec((NC, BLK, D), lambda i: (0, i, 0)),
            pl.BlockSpec((D, D), lambda i: (0, 0)),
            pl.BlockSpec((D, D), lambda i: (0, 0)),
        ],
        out_specs=pl.BlockSpec((BLK, D), lambda i: (i, 0)),
        out_shape=jax.ShapeDtypeStruct((N_NODES, D), jnp.float32),
    )(h, parts, deg, w_self, w_neigh)


def kernel(x, edge_index, W_self1, W_neigh1, W_self2, W_neigh2):
    src = edge_index[0].astype(jnp.int32)
    dst = edge_index[1].astype(jnp.int32)

    parts1, deg = _sc_agg_deg(x, src, dst)
    h1 = _combine(x, parts1, deg, W_self1, W_neigh1, relu=True)
    parts2 = _sc_agg(h1, src, dst)
    out = _combine(h1, parts2, deg, W_self2, W_neigh2, relu=False)
    return out

# --- scband reference (transcript-rebuilt; emitter-appended) ---
"""Pipeline reference for scband-graph-sage-75282186764725 (READ-ONLY COPY).

The authoritative reference and input builder live on the scoring server;
editing this copy changes nothing except your own understanding.
"""

import jax, jax.numpy as jnp
import numpy as np

N_NODES = 10000
N_EDGES = 320000
D_IN = 128
D_HID = 128
D_OUT = 128


def setup_inputs(seed: int = 0) -> dict:
    key = jax.random.key(seed)
    k1, k2, k3, k4, k5, k6 = jax.random.split(key, 6)
    x = jax.random.normal(k1, (N_NODES, D_IN), dtype=jnp.float32)
    edge_index = jax.random.randint(k2, (2, N_EDGES), 0, N_NODES, dtype=jnp.int64)
    # DGL SAGEConv (mean aggregator, bias=False) has fc_self and fc_neigh per layer
    s1 = 1.0 / np.sqrt(D_IN)
    s2 = 1.0 / np.sqrt(D_HID)
    W_self1 = jax.random.uniform(k3, (D_IN, D_HID), dtype=jnp.float32, minval=-s1, maxval=s1)
    W_neigh1 = jax.random.uniform(k4, (D_IN, D_HID), dtype=jnp.float32, minval=-s1, maxval=s1)
    W_self2 = jax.random.uniform(k5, (D_HID, D_OUT), dtype=jnp.float32, minval=-s2, maxval=s2)
    W_neigh2 = jax.random.uniform(k6, (D_HID, D_OUT), dtype=jnp.float32, minval=-s2, maxval=s2)
    return {"x": x, "edge_index": edge_index, "W_self1": W_self1, "W_neigh1": W_neigh1,
            "W_self2": W_self2, "W_neigh2": W_neigh2}


def _sage_layer(h, src, dst, n_nodes, W_self, W_neigh, activation):
    # message passing: gather src features, mean-reduce into dst
    msgs = jnp.take(h, src, axis=0)                      # [E, d] gather
    agg = jax.ops.segment_sum(msgs, dst, num_segments=n_nodes)  # [N, d] scatter-add
    deg = jax.ops.segment_sum(jnp.ones((src.shape[0],), dtype=h.dtype), dst, num_segments=n_nodes)
    agg = agg / jnp.clip(deg, 1.0, None)[:, None]        # mean aggregation
    out = h @ W_self + agg @ W_neigh                      # fc_self(h) + fc_neigh(mean)
    if activation:
        out = jax.nn.relu(out)
    return out


def reference(x, edge_index, W_self1, W_neigh1, W_self2, W_neigh2):
    src = edge_index[0]
    dst = edge_index[1]
    n = x.shape[0]
    h = _sage_layer(x, src, dst, n, W_self1, W_neigh1, activation=True)
    h = _sage_layer(h, src, dst, n, W_self2, W_neigh2, activation=False)
    return h

if __name__ == "__main__":
    import jax
    _d = setup_inputs()
    print(jax.jit(kernel)(*tuple(_d.values())))

</pallas_src>

<mosaic_0001>
#map = affine_map<(d0, d1) -> (0, 0)>
#map1 = affine_map<(d0, d1) -> (0)>
#map2 = affine_map<(d0, d1) -> (0, 0, 0)>
module attributes {stable_mosaic.version = 14 : i64} {
  func.func @sc_agg(%arg0: i32, %arg1: i32, %arg2: memref<10000x128xf32, #tpu.memory_space<hbm>>, %arg3: memref<320000xi32, #tpu.memory_space<hbm>>, %arg4: memref<320000xi32, #tpu.memory_space<hbm>>, %arg5: memref<2x10240x128xf32, #tpu.memory_space<hbm>>, %arg6: memref<2x10240x128xf32, #tpu.memory_space<hbm>>, %arg7: memref<10240x128xf32, #tpu.memory_space<vmem_shared>>, %arg8: memref<80x128xf32, #tpu.memory_space<vmem>>, %arg9: memref<80x128xf32, #tpu.memory_space<vmem>>, %arg10: memref<80x128xf32, #tpu.memory_space<vmem>>, %arg11: memref<80x128xf32, #tpu.memory_space<vmem>>, %arg12: memref<80xi32, #tpu.memory_space<vmem>>, %arg13: memref<80xi32, #tpu.memory_space<vmem>>, %arg14: memref<80xi32, #tpu.memory_space<vmem>>, %arg15: memref<80xi32, #tpu.memory_space<vmem>>, %arg16: memref<80xi32, #tpu.memory_space<vmem>>, %arg17: memref<80xi32, #tpu.memory_space<vmem>>, %arg18: memref<80xi32, #tpu.memory_space<vmem>>, %arg19: memref<80xi32, #tpu.memory_space<vmem>>, %arg20: memref<80xi32, #tpu.memory_space<vmem>>, %arg21: memref<80xi32, #tpu.memory_space<vmem>>, %arg22: memref<80xi32, #tpu.memory_space<vmem>>, %arg23: memref<80xi32, #tpu.memory_space<vmem>>, %arg24: memref<!tpu.dma_semaphore, #tpu.memory_space<semaphore_mem>>, %arg25: memref<!tpu.dma_semaphore, #tpu.memory_space<semaphore_mem>>, %arg26: memref<!tpu.dma_semaphore, #tpu.memory_space<semaphore_mem>>, %arg27: memref<!tpu.dma_semaphore, #tpu.memory_space<semaphore_mem>>, %arg28: memref<!tpu.dma_semaphore, #tpu.memory_space<semaphore_mem>>, %arg29: memref<!tpu.dma_semaphore, #tpu.memory_space<semaphore_mem>>, %arg30: memref<!tpu.dma_semaphore, #tpu.memory_space<semaphore_mem>>, %arg31: memref<!tpu.dma_semaphore, #tpu.memory_space<semaphore_mem>>, %arg32: memref<!tpu.dma_semaphore, #tpu.memory_space<semaphore_mem>>, %arg33: memref<!tpu.dma_semaphore, #tpu.memory_space<semaphore_mem>>, %arg34: memref<!tpu.dma_semaphore, #tpu.memory_space<semaphore_mem>>, %arg35: memref<!tpu.dma_semaphore, #tpu.memory_space<semaphore_mem>>, %arg36: memref<!tpu.dma_semaphore, #tpu.memory_space<semaphore_mem>>, %arg37: memref<!tpu.dma_semaphore, #tpu.memory_space<semaphore_mem>>, %arg38: memref<!tpu.dma_semaphore, #tpu.memory_space<semaphore_mem>>, %arg39: memref<!tpu.dma_semaphore, #tpu.memory_space<semaphore_mem>>) attributes {dimension_semantics = [#tpu.dimension_semantics<core_parallel>, #tpu.dimension_semantics<subcore_parallel>], iteration_bounds = array<i64: 2, 16>, scalar_prefetch = 0 : i64, scratch_operands = 33 : i64, tpu.core_type = #tpu.core_type<sc_vector_subcore>, window_params = [{transform_indices = #map}, {transform_indices = #map1}, {transform_indices = #map1}, {transform_indices = #map2}, {transform_indices = #map2}]} {
    %mul3A = arith.constant 16 : i32
    %mul3A_0 = arith.muli %arg0, %mul3A : i32
    %add3A = arith.addi %mul3A_0, %arg1 : i32
    %mul3A_1 = arith.constant 640 : i32
    %mul3A_2 = arith.muli %arg1, %mul3A_1 : i32
    %mul3A_3 = arith.constant 10000 : i32
    %mul3A_4 = arith.muli %add3A, %mul3A_3 : i32
    %broadcast_in_dim3A = arith.constant 0.000000e+00 : f32
    %broadcast_in_dim3A_5 = vector.broadcast %broadcast_in_dim3A : f32 to vector<16xf32>
    %scan3A = arith.constant 0 : i32
    %scan3A_6 = arith.constant 0 : i32
    %scan3A_7 = arith.constant 80 : i32
    %scan3A_8 = arith.addi %scan3A_6, %scan3A_7 : i32
    %scan3A_9 = arith.constant 1 : i32
    scf.for %scan3A_184 = %scan3A_6 to %scan3A_8 step %scan3A_9  : i32 {
      %swap3A = arith.index_cast %scan3A_184 : i32 to index
      %swap3A_185 = arith.constant 0 : index
      %swap3A_186 = tpu.vector_load %arg9[%swap3A, %swap3A_185] {strides = array<i32>} : memref<80x128xf32, #tpu.memory_space<vmem>>, vector<1x16xf32>,
      %swap3A_187 = vector.shape_cast %swap3A_186 : vector<1x16xf32> to vector<16xf32>
      %swap3A_188 = vector.shape_cast %broadcast_in_dim3A_5 : vector<16xf32> to vector<1x16xf32>
      tpu.vector_store %arg9[%swap3A, %swap3A_185], %swap3A_188 {strides = array<i32>} : memref<80x128xf32, #tpu.memory_space<vmem>>, vector<1x16xf32>,
      %swap3A_189 = arith.index_cast %scan3A_184 : i32 to index
      %swap3A_190 = arith.constant 16 : index
      %swap3A_191 = tpu.vector_load %arg9[%swap3A_189, %swap3A_190] {strides = array<i32>} : memref<80x128xf32, #tpu.memory_space<vmem>>, vector<1x16xf32>,
      %swap3A_192 = vector.shape_cast %swap3A_191 : vector<1x16xf32> to vector<16xf32>
      %swap3A_193 = vector.shape_cast %broadcast_in_dim3A_5 : vector<16xf32> to vector<1x16xf32>
      tpu.vector_store %arg9[%swap3A_189, %swap3A_190], %swap3A_193 {strides = array<i32>} : memref<80x128xf32, #tpu.memory_space<vmem>>, vector<1x16xf32>,
      %swap3A_194 = arith.index_cast %scan3A_184 : i32 to index
      %swap3A_195 = arith.constant 32 : index
      %swap3A_196 = tpu.vector_load %arg9[%swap3A_194, %swap3A_195] {strides = array<i32>} : memref<80x128xf32, #tpu.memory_space<vmem>>, vector<1x16xf32>,
      %swap3A_197 = vector.shape_cast %swap3A_196 : vector<1x16xf32> to vector<16xf32>
      %swap3A_198 = vector.shape_cast %broadcast_in_dim3A_5 : vector<16xf32> to vector<1x16xf32>
      tpu.vector_store %arg9[%swap3A_194, %swap3A_195], %swap3A_198 {strides = array<i32>} : memref<80x128xf32, #tpu.memory_space<vmem>>, vector<1x16xf32>,
      %swap3A_199 = arith.index_cast %scan3A_184 : i32 to index
      %swap3A_200 = arith.constant 48 : index
      %swap3A_201 = tpu.vector_load %arg9[%swap3A_199, %swap3A_200] {strides = array<i32>} : memref<80x128xf32, #tpu.memory_space<vmem>>, vector<1x16xf32>,
      %swap3A_202 = vector.shape_cast %swap3A_201 : vector<1x16xf32> to vector<16xf32>
      %swap3A_203 = vector.shape_cast %broadcast_in_dim3A_5 : vector<16xf32> to vector<1x16xf32>
      tpu.vector_store %arg9[%swap3A_199, %swap3A_200], %swap3A_203 {strides = array<i32>} : memref<80x128xf32, #tpu.memory_space<vmem>>, vector<1x16xf32>,
      %swap3A_204 = arith.index_cast %scan3A_184 : i32 to index
      %swap3A_205 = arith.constant 64 : index
      %swap3A_206 = tpu.vector_load %arg9[%swap3A_204, %swap3A_205] {strides = array<i32>} : memref<80x128xf32, #tpu.memory_space<vmem>>, vector<1x16xf32>,
      %swap3A_207 = vector.shape_cast %swap3A_206 : vector<1x16xf32> to vector<16xf32>
      %swap3A_208 = vector.shape_cast %broadcast_in_dim3A_5 : vector<16xf32> to vector<1x16xf32>
      tpu.vector_store %arg9[%swap3A_204, %swap3A_205], %swap3A_208 {strides = array<i32>} : memref<80x128xf32, #tpu.memory_space<vmem>>, vector<1x16xf32>,
      %swap3A_209 = arith.index_cast %scan3A_184 : i32 to index
      %swap3A_210 = arith.constant 80 : index
      %swap3A_211 = tpu.vector_load %arg9[%swap3A_209, %swap3A_210] {strides = array<i32>} : memref<80x128xf32, #tpu.memory_space<vmem>>, vector<1x16xf32>,
      %swap3A_212 = vector.shape_cast %swap3A_211 : vector<1x16xf32> to vector<16xf32>
      %swap3A_213 = vector.shape_cast %broadcast_in_dim3A_5 : vector<16xf32> to vector<1x16xf32>
      tpu.vector_store %arg9[%swap3A_209, %swap3A_210], %swap3A_213 {strides = array<i32>} : memref<80x128xf32, #tpu.memory_space<vmem>>, vector<1x16xf32>,
      %swap3A_214 = arith.index_cast %scan3A_184 : i32 to index
      %swap3A_215 = arith.constant 96 : index
      %swap3A_216 = tpu.vector_load %arg9[%swap3A_214, %swap3A_215] {strides = array<i32>} : memref<80x128xf32, #tpu.memory_space<vmem>>, vector<1x16xf32>,
      %swap3A_217 = vector.shape_cast %swap3A_216 : vector<1x16xf32> to vector<16xf32>
      %swap3A_218 = vector.shape_cast %broadcast_in_dim3A_5 : vector<16xf32> to vector<1x16xf32>
      tpu.vector_store %arg9[%swap3A_214, %swap3A_215], %swap3A_218 {strides = array<i32>} : memref<80x128xf32, #tpu.memory_space<vmem>>, vector<1x16xf32>,
      %swap3A_219 = arith.index_cast %scan3A_184 : i32 to index
      %swap3A_220 = arith.constant 112 : index
      %swap3A_221 = tpu.vector_load %arg9[%swap3A_219, %swap3A_220] {strides = array<i32>} : memref<80x128xf32, #tpu.memory_space<vmem>>, vector<1x16xf32>,
      %swap3A_222 = vector.shape_cast %swap3A_221 : vector<1x16xf32> to vector<16xf32>
      %swap3A_223 = vector.shape_cast %broadcast_in_dim3A_5 : vector<16xf32> to vector<1x16xf32>
      tpu.vector_store %arg9[%swap3A_219, %swap3A_220], %swap3A_223 {strides = array<i32>} : memref<80x128xf32, #tpu.memory_space<vmem>>, vector<1x16xf32>,
    }
    %scan3A_10 = arith.constant 80 : i32
    %add3A_11 = arith.constant 0 : i32
    %add3A_12 = arith.addi %mul3A_2, %add3A_11 : i32
    "tpu.region"() ({
      %run_scoped3A = tpu.sem_alloc : memref<!tpu.dma_semaphore, #tpu.memory_space<semaphore_mem>>
      %dma_start3A_184 = arith.constant 0 : i32
      %dma_start3A_185 = tpu.memref_slice %arg7[%add3A_12, %dma_start3A_184] : memref<10240x128xf32, #tpu.memory_space<vmem_shared>> -> memref<80x128xf32, #tpu.memory_space<vmem_shared>>
      %dma_start3A_186 = arith.constant 0 : i32
      %dma_start3A_187 = tpu.memref_slice %arg7[%add3A_12, %dma_start3A_186] : memref<10240x128xf32, #tpu.memory_space<vmem_shared>> -> memref<80x128xf32, #tpu.memory_space<vmem_shared>>
      tpu.enqueue_dma source(%arg9 : memref<80x128xf32, #tpu.memory_space<vmem>>) target(%dma_start3A_187 : memref<80x128xf32, #tpu.memory_space<vmem_shared>>) target_semaphore(%run_scoped3A : memref<!tpu.dma_semaphore, #tpu.memory_space<semaphore_mem>>)
      %dma_wait3A_188 = arith.constant 0 : i32
      %dma_wait3A_189 = tpu.memref_slice %arg7[%add3A_12, %dma_wait3A_188] : memref<10240x128xf32, #tpu.memory_space<vmem_shared>> -> memref<80x128xf32, #tpu.memory_space<vmem_shared>>
      %dma_wait3A_190 = arith.constant 0 : i32
      %dma_wait3A_191 = tpu.memref_slice %arg7[%add3A_12, %dma_wait3A_190] : memref<10240x128xf32, #tpu.memory_space<vmem_shared>> -> memref<80x128xf32, #tpu.memory_space<vmem_shared>>
      tpu.wait_dma2 semaphore(%run_scoped3A : memref<!tpu.dma_semaphore, #tpu.memory_space<semaphore_mem>>) src(%arg9 : memref<80x128xf32, #tpu.memory_space<vmem>>) dst(%dma_wait3A_191 : memref<80x128xf32, #tpu.memory_space<vmem_shared>>)
      tpu.yield
    }) : () -> ()
    %add3A_13 = arith.constant 80 : i32
    %add3A_14 = arith.addi %mul3A_2, %add3A_13 : i32
    "tpu.region"() ({
      %run_scoped3A = tpu.sem_alloc : memref<!tpu.dma_semaphore, #tpu.memory_space<semaphore_mem>>
      %dma_start3A_184 = arith.constant 0 : i32
      %dma_start3A_185 = tpu.memref_slice %arg7[%add3A_14, %dma_start3A_184] : memref<10240x128xf32, #tpu.memory_space<vmem_shared>> -> memref<80x128xf32, #tpu.memory_space<vmem_shared>>
      %dma_start3A_186 = arith.constant 0 : i32
      %dma_start3A_187 = tpu.memref_slice %arg7[%add3A_14, %dma_start3A_186] : memref<10240x128xf32, #tpu.memory_space<vmem_shared>> -> memref<80x128xf32, #tpu.memory_space<vmem_shared>>
      tpu.enqueue_dma source(%arg9 : memref<80x128xf32, #tpu.memory_space<vmem>>) target(%dma_start3A_187 : memref<80x128xf32, #tpu.memory_space<vmem_shared>>) target_semaphore(%run_scoped3A : memref<!tpu.dma_semaphore, #tpu.memory_space<semaphore_mem>>)
      %dma_wait3A_188 = arith.constant 0 : i32
      %dma_wait3A_189 = tpu.memref_slice %arg7[%add3A_14, %dma_wait3A_188] : memref<10240x128xf32, #tpu.memory_space<vmem_shared>> -> memref<80x128xf32, #tpu.memory_space<vmem_shared>>
      %dma_wait3A_190 = arith.constant 0 : i32
      %dma_wait3A_191 = tpu.memref_slice %arg7[%add3A_14, %dma_wait3A_190] : memref<10240x128xf32, #tpu.memory_space<vmem_shared>> -> memref<80x128xf32, #tpu.memory_space<vmem_shared>>
      tpu.wait_dma2 semaphore(%run_scoped3A : memref<!tpu.dma_semaphore, #tpu.memory_space<semaphore_mem>>) src(%arg9 : memref<80x128xf32, #tpu.memory_space<vmem>>) dst(%dma_wait3A_191 : memref<80x128xf32, #tpu.memory_space<vmem_shared>>)
      tpu.yield
    }) : () -> ()
    %add3A_15 = arith.constant 160 : i32
    %add3A_16 = arith.addi %mul3A_2, %add3A_15 : i32
    "tpu.region"() ({
      %run_scoped3A = tpu.sem_alloc : memref<!tpu.dma_semaphore, #tpu.memory_space<semaphore_mem>>
      %dma_start3A_184 = arith.constant 0 : i32
      %dma_start3A_185 = tpu.memref_slice %arg7[%add3A_16, %dma_start3A_184] : memref<10240x128xf32, #tpu.memory_space<vmem_shared>> -> memref<80x128xf32, #tpu.memory_space<vmem_shared>>
      %dma_start3A_186 = arith.constant 0 : i32
      %dma_start3A_187 = tpu.memref_slice %arg7[%add3A_16, %dma_start3A_186] : memref<10240x128xf32, #tpu.memory_space<vmem_shared>> -> memref<80x128xf32, #tpu.memory_space<vmem_shared>>
      tpu.enqueue_dma source(%arg9 : memref<80x128xf32, #tpu.memory_space<vmem>>) target(%dma_start3A_187 : memref<80x128xf32, #tpu.memory_space<vmem_shared>>) target_semaphore(%run_scoped3A : memref<!tpu.dma_semaphore, #tpu.memory_space<semaphore_mem>>)
      %dma_wait3A_188 = arith.constant 0 : i32
      %dma_wait3A_189 = tpu.memref_slice %arg7[%add3A_16, %dma_wait3A_188] : memref<10240x128xf32, #tpu.memory_space<vmem_shared>> -> memref<80x128xf32, #tpu.memory_space<vmem_shared>>
      %dma_wait3A_190 = arith.constant 0 : i32
      %dma_wait3A_191 = tpu.memref_slice %arg7[%add3A_16, %dma_wait3A_190] : memref<10240x128xf32, #tpu.memory_space<vmem_shared>> -> memref<80x128xf32, #tpu.memory_space<vmem_shared>>
      tpu.wait_dma2 semaphore(%run_scoped3A : memref<!tpu.dma_semaphore, #tpu.memory_space<semaphore_mem>>) src(%arg9 : memref<80x128xf32, #tpu.memory_space<vmem>>) dst(%dma_wait3A_191 : memref<80x128xf32, #tpu.memory_space<vmem_shared>>)
      tpu.yield
    }) : () -> ()
    %add3A_17 = arith.constant 240 : i32
    %add3A_18 = arith.addi %mul3A_2, %add3A_17 : i32
    "tpu.region"() ({
      %run_scoped3A = tpu.sem_alloc : memref<!tpu.dma_semaphore, #tpu.memory_space<semaphore_mem>>
      %dma_start3A_184 = arith.constant 0 : i32
      %dma_start3A_185 = tpu.memref_slice %arg7[%add3A_18, %dma_start3A_184] : memref<10240x128xf32, #tpu.memory_space<vmem_shared>> -> memref<80x128xf32, #tpu.memory_space<vmem_shared>>
      %dma_start3A_186 = arith.constant 0 : i32
      %dma_start3A_187 = tpu.memref_slice %arg7[%add3A_18, %dma_start3A_186] : memref<10240x128xf32, #tpu.memory_space<vmem_shared>> -> memref<80x128xf32, #tpu.memory_space<vmem_shared>>
      tpu.enqueue_dma source(%arg9 : memref<80x128xf32, #tpu.memory_space<vmem>>) target(%dma_start3A_187 : memref<80x128xf32, #tpu.memory_space<vmem_shared>>) target_semaphore(%run_scoped3A : memref<!tpu.dma_semaphore, #tpu.memory_space<semaphore_mem>>)
      %dma_wait3A_188 = arith.constant 0 : i32
      %dma_wait3A_189 = tpu.memref_slice %arg7[%add3A_18, %dma_wait3A_188] : memref<10240x128xf32, #tpu.memory_space<vmem_shared>> -> memref<80x128xf32, #tpu.memory_space<vmem_shared>>
      %dma_wait3A_190 = arith.constant 0 : i32
      %dma_wait3A_191 = tpu.memref_slice %arg7[%add3A_18, %dma_wait3A_190] : memref<10240x128xf32, #tpu.memory_space<vmem_shared>> -> memref<80x128xf32, #tpu.memory_space<vmem_shared>>
      tpu.wait_dma2 semaphore(%run_scoped3A : memref<!tpu.dma_semaphore, #tpu.memory_space<semaphore_mem>>) src(%arg9 : memref<80x128xf32, #tpu.memory_space<vmem>>) dst(%dma_wait3A_191 : memref<80x128xf32, #tpu.memory_space<vmem_shared>>)
      tpu.yield
    }) : () -> ()
    %add3A_19 = arith.constant 320 : i32
    %add3A_20 = arith.addi %mul3A_2, %add3A_19 : i32
    "tpu.region"() ({
      %run_scoped3A = tpu.sem_alloc : memref<!tpu.dma_semaphore, #tpu.memory_space<semaphore_mem>>
      %dma_start3A_184 = arith.constant 0 : i32
      %dma_start3A_185 = tpu.memref_slice %arg7[%add3A_20, %dma_start3A_184] : memref<10240x128xf32, #tpu.memory_space<vmem_shared>> -> memref<80x128xf32, #tpu.memory_space<vmem_shared>>
      %dma_start3A_186 = arith.constant 0 : i32
      %dma_start3A_187 = tpu.memref_slice %arg7[%add3A_20, %dma_start3A_186] : memref<10240x128xf32, #tpu.memory_space<vmem_shared>> -> memref<80x128xf32, #tpu.memory_space<vmem_shared>>
      tpu.enqueue_dma source(%arg9 : memref<80x128xf32, #tpu.memory_space<vmem>>) target(%dma_start3A_187 : memref<80x128xf32, #tpu.memory_space<vmem_shared>>) target_semaphore(%run_scoped3A : memref<!tpu.dma_semaphore, #tpu.memory_space<semaphore_mem>>)
      %dma_wait3A_188 = arith.constant 0 : i32
      %dma_wait3A_189 = tpu.memref_slice %arg7[%add3A_20, %dma_wait3A_188] : memref<10240x128xf32, #tpu.memory_space<vmem_shared>> -> memref<80x128xf32, #tpu.memory_space<vmem_shared>>
      %dma_wait3A_190 = arith.constant 0 : i32
      %dma_wait3A_191 = tpu.memref_slice %arg7[%add3A_20, %dma_wait3A_190] : memref<10240x128xf32, #tpu.memory_space<vmem_shared>> -> memref<80x128xf32, #tpu.memory_space<vmem_shared>>
      tpu.wait_dma2 semaphore(%run_scoped3A : memref<!tpu.dma_semaphore, #tpu.memory_space<semaphore_mem>>) src(%arg9 : memref<80x128xf32, #tpu.memory_space<vmem>>) dst(%dma_wait3A_191 : memref<80x128xf32, #tpu.memory_space<vmem_shared>>)
      tpu.yield
    }) : () -> ()
    %add3A_21 = arith.constant 400 : i32
    %add3A_22 = arith.addi %mul3A_2, %add3A_21 : i32
    "tpu.region"() ({
      %run_scoped3A = tpu.sem_alloc : memref<!tpu.dma_semaphore, #tpu.memory_space<semaphore_mem>>
      %dma_start3A_184 = arith.constant 0 : i32
      %dma_start3A_185 = tpu.memref_slice %arg7[%add3A_22, %dma_start3A_184] : memref<10240x128xf32, #tpu.memory_space<vmem_shared>> -> memref<80x128xf32, #tpu.memory_space<vmem_shared>>
      %dma_start3A_186 = arith.constant 0 : i32
      %dma_start3A_187 = tpu.memref_slice %arg7[%add3A_22, %dma_start3A_186] : memref<10240x128xf32, #tpu.memory_space<vmem_shared>> -> memref<80x128xf32, #tpu.memory_space<vmem_shared>>
      tpu.enqueue_dma source(%arg9 : memref<80x128xf32, #tpu.memory_space<vmem>>) target(%dma_start3A_187 : memref<80x128xf32, #tpu.memory_space<vmem_shared>>) target_semaphore(%run_scoped3A : memref<!tpu.dma_semaphore, #tpu.memory_space<semaphore_mem>>)
      %dma_wait3A_188 = arith.constant 0 : i32
      %dma_wait3A_189 = tpu.memref_slice %arg7[%add3A_22, %dma_wait3A_188] : memref<10240x128xf32, #tpu.memory_space<vmem_shared>> -> memref<80x128xf32, #tpu.memory_space<vmem_shared>>
      %dma_wait3A_190 = arith.constant 0 : i32
      %dma_wait3A_191 = tpu.memref_slice %arg7[%add3A_22, %dma_wait3A_190] : memref<10240x128xf32, #tpu.memory_space<vmem_shared>> -> memref<80x128xf32, #tpu.memory_space<vmem_shared>>
      tpu.wait_dma2 semaphore(%run_scoped3A : memref<!tpu.dma_semaphore, #tpu.memory_space<semaphore_mem>>) src(%arg9 : memref<80x128xf32, #tpu.memory_space<vmem>>) dst(%dma_wait3A_191 : memref<80x128xf32, #tpu.memory_space<vmem_shared>>)
      tpu.yield
    }) : () -> ()
    %add3A_23 = arith.constant 480 : i32
    %add3A_24 = arith.addi %mul3A_2, %add3A_23 : i32
    "tpu.region"() ({
      %run_scoped3A = tpu.sem_alloc : memref<!tpu.dma_semaphore, #tpu.memory_space<semaphore_mem>>
      %dma_start3A_184 = arith.constant 0 : i32
      %dma_start3A_185 = tpu.memref_slice %arg7[%add3A_24, %dma_start3A_184] : memref<10240x128xf32, #tpu.memory_space<vmem_shared>> -> memref<80x128xf32, #tpu.memory_space<vmem_shared>>
      %dma_start3A_186 = arith.constant 0 : i32
      %dma_start3A_187 = tpu.memref_slice %arg7[%add3A_24, %dma_start3A_186] : memref<10240x128xf32, #tpu.memory_space<vmem_shared>> -> memref<80x128xf32, #tpu.memory_space<vmem_shared>>
      tpu.enqueue_dma source(%arg9 : memref<80x128xf32, #tpu.memory_space<vmem>>) target(%dma_start3A_187 : memref<80x128xf32, #tpu.memory_space<vmem_shared>>) target_semaphore(%run_scoped3A : memref<!tpu.dma_semaphore, #tpu.memory_space<semaphore_mem>>)
      %dma_wait3A_188 = arith.constant 0 : i32
      %dma_wait3A_189 = tpu.memref_slice %arg7[%add3A_24, %dma_wait3A_188] : memref<10240x128xf32, #tpu.memory_space<vmem_shared>> -> memref<80x128xf32, #tpu.memory_space<vmem_shared>>
      %dma_wait3A_190 = arith.constant 0 : i32
      %dma_wait3A_191 = tpu.memref_slice %arg7[%add3A_24, %dma_wait3A_190] : memref<10240x128xf32, #tpu.memory_space<vmem_shared>> -> memref<80x128xf32, #tpu.memory_space<vmem_shared>>
      tpu.wait_dma2 semaphore(%run_scoped3A : memref<!tpu.dma_semaphore, #tpu.memory_space<semaphore_mem>>) src(%arg9 : memref<80x128xf32, #tpu.memory_space<vmem>>) dst(%dma_wait3A_191 : memref<80x128xf32, #tpu.memory_space<vmem_shared>>)
      tpu.yield
    }) : () -> ()
    %add3A_25 = arith.constant 560 : i32
    %add3A_26 = arith.addi %mul3A_2, %add3A_25 : i32
    "tpu.region"() ({
      %run_scoped3A = tpu.sem_alloc : memref<!tpu.dma_semaphore, #tpu.memory_space<semaphore_mem>>
      %dma_start3A_184 = arith.constant 0 : i32
      %dma_start3A_185 = tpu.memref_slice %arg7[%add3A_26, %dma_start3A_184] : memref<10240x128xf32, #tpu.memory_space<vmem_shared>> -> memref<80x128xf32, #tpu.memory_space<vmem_shared>>
      %dma_start3A_186 = arith.constant 0 : i32
      %dma_start3A_187 = tpu.memref_slice %arg7[%add3A_26, %dma_start3A_186] : memref<10240x128xf32, #tpu.memory_space<vmem_shared>> -> memref<80x128xf32, #tpu.memory_space<vmem_shared>>
      tpu.enqueue_dma source(%arg9 : memref<80x128xf32, #tpu.memory_space<vmem>>) target(%dma_start3A_187 : memref<80x128xf32, #tpu.memory_space<vmem_shared>>) target_semaphore(%run_scoped3A : memref<!tpu.dma_semaphore, #tpu.memory_space<semaphore_mem>>)
      %dma_wait3A_188 = arith.constant 0 : i32
      %dma_wait3A_189 = tpu.memref_slice %arg7[%add3A_26, %dma_wait3A_188] : memref<10240x128xf32, #tpu.memory_space<vmem_shared>> -> memref<80x128xf32, #tpu.memory_space<vmem_shared>>
      %dma_wait3A_190 = arith.constant 0 : i32
      %dma_wait3A_191 = tpu.memref_slice %arg7[%add3A_26, %dma_wait3A_190] : memref<10240x128xf32, #tpu.memory_space<vmem_shared>> -> memref<80x128xf32, #tpu.memory_space<vmem_shared>>
      tpu.wait_dma2 semaphore(%run_scoped3A : memref<!tpu.dma_semaphore, #tpu.memory_space<semaphore_mem>>) src(%arg9 : memref<80x128xf32, #tpu.memory_space<vmem>>) dst(%dma_wait3A_191 : memref<80x128xf32, #tpu.memory_space<vmem_shared>>)
      tpu.yield
    }) : () -> ()
    %barrier3A = arith.constant 0 : index
    tpu.barrier barrier_id(%barrier3A)
    %broadcast_in_dim3A_27 = arith.constant 1.000000e+00 : f32
    %broadcast_in_dim3A_28 = vector.broadcast %broadcast_in_dim3A_27 : f32 to vector<16xf32>
    %scan3A_29 = arith.constant 0 : i32
    %scan3A_30 = arith.constant 0 : i32
    %scan3A_31 = arith.constant 80 : i32
    %scan3A_32 = arith.addi %scan3A_30, %scan3A_31 : i32
    %scan3A_33 = arith.constant 1 : i32
    scf.for %scan3A_184 = %scan3A_30 to %scan3A_32 step %scan3A_33  : i32 {
      %swap3A = arith.index_cast %scan3A_184 : i32 to index
      %swap3A_185 = arith.constant 0 : index
      %swap3A_186 = tpu.vector_load %arg8[%swap3A, %swap3A_185] {strides = array<i32>} : memref<80x128xf32, #tpu.memory_space<vmem>>, vector<1x16xf32>,
      %swap3A_187 = vector.shape_cast %swap3A_186 : vector<1x16xf32> to vector<16xf32>
      %swap3A_188 = vector.shape_cast %broadcast_in_dim3A_28 : vector<16xf32> to vector<1x16xf32>
      tpu.vector_store %arg8[%swap3A, %swap3A_185], %swap3A_188 {strides = array<i32>} : memref<80x128xf32, #tpu.memory_space<vmem>>, vector<1x16xf32>,
      %swap3A_189 = arith.index_cast %scan3A_184 : i32 to index
      %swap3A_190 = arith.constant 16 : index
      %swap3A_191 = tpu.vector_load %arg8[%swap3A_189, %swap3A_190] {strides = array<i32>} : memref<80x128xf32, #tpu.memory_space<vmem>>, vector<1x16xf32>,
      %swap3A_192 = vector.shape_cast %swap3A_191 : vector<1x16xf32> to vector<16xf32>
      %swap3A_193 = vector.shape_cast %broadcast_in_dim3A_28 : vector<16xf32> to vector<1x16xf32>
      tpu.vector_store %arg8[%swap3A_189, %swap3A_190], %swap3A_193 {strides = array<i32>} : memref<80x128xf32, #tpu.memory_space<vmem>>, vector<1x16xf32>,
      %swap3A_194 = arith.index_cast %scan3A_184 : i32 to index
      %swap3A_195 = arith.constant 32 : index
      %swap3A_196 = tpu.vector_load %arg8[%swap3A_194, %swap3A_195] {strides = array<i32>} : memref<80x128xf32, #tpu.memory_space<vmem>>, vector<1x16xf32>,
      %swap3A_197 = vector.shape_cast %swap3A_196 : vector<1x16xf32> to vector<16xf32>
      %swap3A_198 = vector.shape_cast %broadcast_in_dim3A_28 : vector<16xf32> to vector<1x16xf32>
      tpu.vector_store %arg8[%swap3A_194, %swap3A_195], %swap3A_198 {strides = array<i32>} : memref<80x128xf32, #tpu.memory_space<vmem>>, vector<1x16xf32>,
      %swap3A_199 = arith.index_cast %scan3A_184 : i32 to index
      %swap3A_200 = arith.constant 48 : index
      %swap3A_201 = tpu.vector_load %arg8[%swap3A_199, %swap3A_200] {strides = array<i32>} : memref<80x128xf32, #tpu.memory_space<vmem>>, vector<1x16xf32>,
      %swap3A_202 = vector.shape_cast %swap3A_201 : vector<1x16xf32> to vector<16xf32>
      %swap3A_203 = vector.shape_cast %broadcast_in_dim3A_28 : vector<16xf32> to vector<1x16xf32>
      tpu.vector_store %arg8[%swap3A_199, %swap3A_200], %swap3A_203 {strides = array<i32>} : memref<80x128xf32, #tpu.memory_space<vmem>>, vector<1x16xf32>,
      %swap3A_204 = arith.index_cast %scan3A_184 : i32 to index
      %swap3A_205 = arith.constant 64 : index
      %swap3A_206 = tpu.vector_load %arg8[%swap3A_204, %swap3A_205] {strides = array<i32>} : memref<80x128xf32, #tpu.memory_space<vmem>>, vector<1x16xf32>,
      %swap3A_207 = vector.shape_cast %swap3A_206 : vector<1x16xf32> to vector<16xf32>
      %swap3A_208 = vector.shape_cast %broadcast_in_dim3A_28 : vector<16xf32> to vector<1x16xf32>
      tpu.vector_store %arg8[%swap3A_204, %swap3A_205], %swap3A_208 {strides = array<i32>} : memref<80x128xf32, #tpu.memory_space<vmem>>, vector<1x16xf32>,
      %swap3A_209 = arith.index_cast %scan3A_184 : i32 to index
      %swap3A_210 = arith.constant 80 : index
      %swap3A_211 = tpu.vector_load %arg8[%swap3A_209, %swap3A_210] {strides = array<i32>} : memref<80x128xf32, #tpu.memory_space<vmem>>, vector<1x16xf32>,
      %swap3A_212 = vector.shape_cast %swap3A_211 : vector<1x16xf32> to vector<16xf32>
      %swap3A_213 = vector.shape_cast %broadcast_in_dim3A_28 : vector<16xf32> to vector<1x16xf32>
      tpu.vector_store %arg8[%swap3A_209, %swap3A_210], %swap3A_213 {strides = array<i32>} : memref<80x128xf32, #tpu.memory_space<vmem>>, vector<1x16xf32>,
      %swap3A_214 = arith.index_cast %scan3A_184 : i32 to index
      %swap3A_215 = arith.constant 96 : index
      %swap3A_216 = tpu.vector_load %arg8[%swap3A_214, %swap3A_215] {strides = array<i32>} : memref<80x128xf32, #tpu.memory_space<vmem>>, vector<1x16xf32>,
      %swap3A_217 = vector.shape_cast %swap3A_216 : vector<1x16xf32> to vector<16xf32>
      %swap3A_218 = vector.shape_cast %broadcast_in_dim3A_28 : vector<16xf32> to vector<1x16xf32>
      tpu.vector_store %arg8[%swap3A_214, %swap3A_215], %swap3A_218 {strides = array<i32>} : memref<80x128xf32, #tpu.memory_space<vmem>>, vector<1x16xf32>,
      %swap3A_219 = arith.index_cast %scan3A_184 : i32 to index
      %swap3A_220 = arith.constant 112 : index
      %swap3A_221 = tpu.vector_load %arg8[%swap3A_219, %swap3A_220] {strides = array<i32>} : memref<80x128xf32, #tpu.memory_space<vmem>>, vector<1x16xf32>,
      %swap3A_222 = vector.shape_cast %swap3A_221 : vector<1x16xf32> to vector<16xf32>
      %swap3A_223 = vector.shape_cast %broadcast_in_dim3A_28 : vector<16xf32> to vector<1x16xf32>
      tpu.vector_store %arg8[%swap3A_219, %swap3A_220], %swap3A_223 {strides = array<i32>} : memref<80x128xf32, #tpu.memory_space<vmem>>, vector<1x16xf32>,
    }
    %scan3A_34 = arith.constant 80 : i32
    %add3A_35 = arith.constant 0 : i32
    %add3A_36 = arith.addi %mul3A_4, %add3A_35 : i32
    %dma_start3A = tpu.memref_slice %arg4[%add3A_36] : memref<320000xi32, #tpu.memory_space<hbm>> -> memref<80xi32, #tpu.memory_space<hbm>>
    %dma_start3A_37 = tpu.memref_slice %arg4[%add3A_36] : memref<320000xi32, #tpu.memory_space<hbm>> -> memref<80xi32, #tpu.memory_space<hbm>>
    tpu.enqueue_dma source(%dma_start3A_37 : memref<80xi32, #tpu.memory_space<hbm>>) target(%arg12 : memref<80xi32, #tpu.memory_space<vmem>>) target_semaphore(%arg28 : memref<!tpu.dma_semaphore, #tpu.memory_space<semaphore_mem>>)
    %add3A_38 = arith.constant 80 : i32
    %add3A_39 = arith.addi %mul3A_4, %add3A_38 : i32
    %dma_start3A_40 = tpu.memref_slice %arg4[%add3A_39] : memref<320000xi32, #tpu.memory_space<hbm>> -> memref<80xi32, #tpu.memory_space<hbm>>
    %dma_start3A_41 = tpu.memref_slice %arg4[%add3A_39] : memref<320000xi32, #tpu.memory_space<hbm>> -> memref<80xi32, #tpu.memory_space<hbm>>
    tpu.enqueue_dma source(%dma_start3A_41 : memref<80xi32, #tpu.memory_space<hbm>>) target(%arg13 : memref<80xi32, #tpu.memory_space<vmem>>) target_semaphore(%arg29 : memref<!tpu.dma_semaphore, #tpu.memory_space<semaphore_mem>>)
    %add3A_42 = arith.constant 160 : i32
    %add3A_43 = arith.addi %mul3A_4, %add3A_42 : i32
    %dma_start3A_44 = tpu.memref_slice %arg4[%add3A_43] : memref<320000xi32, #tpu.memory_space<hbm>> -> memref<80xi32, #tpu.memory_space<hbm>>
    %dma_start3A_45 = tpu.memref_slice %arg4[%add3A_43] : memref<320000xi32, #tpu.memory_space<hbm>> -> memref<80xi32, #tpu.memory_space<hbm>>
    tpu.enqueue_dma source(%dma_start3A_45 : memref<80xi32, #tpu.memory_space<hbm>>) target(%arg14 : memref<80xi32, #tpu.memory_space<vmem>>) target_semaphore(%arg30 : memref<!tpu.dma_semaphore, #tpu.memory_space<semaphore_mem>>)
    %add3A_46 = arith.constant 240 : i32
    %add3A_47 = arith.addi %mul3A_4, %add3A_46 : i32
    %dma_start3A_48 = tpu.memref_slice %arg4[%add3A_47] : memref<320000xi32, #tpu.memory_space<hbm>> -> memref<80xi32, #tpu.memory_space<hbm>>
    %dma_start3A_49 = tpu.memref_slice %arg4[%add3A_47] : memref<320000xi32, #tpu.memory_space<hbm>> -> memref<80xi32, #tpu.memory_space<hbm>>
    tpu.enqueue_dma source(%dma_start3A_49 : memref<80xi32, #tpu.memory_space<hbm>>) target(%arg15 : memref<80xi32, #tpu.memory_space<vmem>>) target_semaphore(%arg31 : memref<!tpu.dma_semaphore, #tpu.memory_space<semaphore_mem>>)
    %scan3A_50 = arith.constant 0 : i32
    %scan3A_51 = arith.constant 0 : i32
    %scan3A_52 = arith.constant 31 : i32
    %scan3A_53 = arith.addi %scan3A_51, %scan3A_52 : i32
    %scan3A_54 = arith.constant 1 : i32
    scf.for %scan3A_184 = %scan3A_51 to %scan3A_53 step %scan3A_54  : i32 {
      %mul3A_185 = arith.constant 4 : i32
      %mul3A_186 = arith.muli %scan3A_184, %mul3A_185 : i32
      %add3A_187 = arith.constant 0 : i32
      %add3A_188 = arith.addi %mul3A_186, %add3A_187 : i32
      %dma_wait3A_189 = tpu.memref_slice %arg4[%mul3A_4] : memref<320000xi32, #tpu.memory_space<hbm>> -> memref<80xi32, #tpu.memory_space<hbm>>
      %dma_wait3A_190 = tpu.memref_slice %arg4[%mul3A_4] : memref<320000xi32, #tpu.memory_space<hbm>> -> memref<80xi32, #tpu.memory_space<hbm>>
      tpu.wait_dma2 semaphore(%arg28 : memref<!tpu.dma_semaphore, #tpu.memory_space<semaphore_mem>>) src(%dma_wait3A_190 : memref<80xi32, #tpu.memory_space<hbm>>) dst(%arg12 : memref<80xi32, #tpu.memory_space<vmem>>)
      "tpu.region"() ({
        %run_scoped3A = tpu.sem_alloc : memref<!tpu.dma_semaphore, #tpu.memory_space<semaphore_mem>>
        %dma_start3A_234 = arith.constant 0 : i32
        %dma_start3A_235 = arith.constant 0 : i32
        %dma_start3A_236 = tpu.memref_slice %arg7[%dma_start3A_234, %dma_start3A_235] : memref<10240x128xf32, #tpu.memory_space<vmem_shared>> -> memref<10240x128xf32, #tpu.memory_space<vmem_shared>>
        tpu.enqueue_indirect_dma source(%arg8 : memref<80x128xf32, #tpu.memory_space<vmem>>) target(%dma_start3A_236 : memref<10240x128xf32, #tpu.memory_space<vmem_shared>>) offsets(%arg12 : memref<80xi32, #tpu.memory_space<vmem>>) semaphore(%run_scoped3A : memref<!tpu.dma_semaphore, #tpu.memory_space<semaphore_mem>>) {add = true}
        %dma_wait3A_237 = arith.constant 0 : i32
        %dma_wait3A_238 = arith.constant 0 : i32
        %dma_wait3A_239 = tpu.memref_slice %arg7[%dma_wait3A_237, %dma_wait3A_238] : memref<10240x128xf32, #tpu.memory_space<vmem_shared>> -> memref<10240x128xf32, #tpu.memory_space<vmem_shared>>
        tpu.wait_indirect_dma semaphore(%run_scoped3A : memref<!tpu.dma_semaphore, #tpu.memory_space<semaphore_mem>>) src(%arg8 : memref<80x128xf32, #tpu.memory_space<vmem>>) dst(%dma_wait3A_239 : memref<10240x128xf32, #tpu.memory_space<vmem_shared>>)
        tpu.yield
      }) : () -> ()
      %add3A_191 = arith.constant 4 : i32
      %add3A_192 = arith.addi %add3A_188, %add3A_191 : i32
      %lt3A = arith.constant 125 : i32
      %lt3A_193 = arith.cmpi slt, %add3A_192, %lt3A : i32
      %convert_element_type3A = arith.extui %lt3A_193 : i1 to i32
      %cond3A = arith.constant 0 : i32
      %cond3A_194 = arith.cmpi ne, %convert_element_type3A, %cond3A : i32
      scf.if %cond3A_194 {
        %mul3A_234 = arith.constant 80 : i32
        %mul3A_235 = arith.muli %add3A_192, %mul3A_234 : i32
        %add3A_236 = arith.addi %mul3A_4, %mul3A_235 : i32
        %dma_start3A_237 = tpu.memref_slice %arg4[%add3A_236] : memref<320000xi32, #tpu.memory_space<hbm>> -> memref<80xi32, #tpu.memory_space<hbm>>
        %dma_start3A_238 = tpu.memref_slice %arg4[%add3A_236] : memref<320000xi32, #tpu.memory_space<hbm>> -> memref<80xi32, #tpu.memory_space<hbm>>
        tpu.enqueue_dma source(%dma_start3A_238 : memref<80xi32, #tpu.memory_space<hbm>>) target(%arg12 : memref<80xi32, #tpu.memory_space<vmem>>) target_semaphore(%arg28 : memref<!tpu.dma_semaphore, #tpu.memory_space<semaphore_mem>>)
      } else {
      }
      %mul3A_195 = arith.constant 4 : i32
      %mul3A_196 = arith.muli %scan3A_184, %mul3A_195 : i32
      %add3A_197 = arith.constant 1 : i32
      %add3A_198 = arith.addi %mul3A_196, %add3A_197 : i32
      %dma_wait3A_199 = tpu.memref_slice %arg4[%mul3A_4] : memref<320000xi32, #tpu.memory_space<hbm>> -> memref<80xi32, #tpu.memory_space<hbm>>
      %dma_wait3A_200 = tpu.memref_slice %arg4[%mul3A_4] : memref<320000xi32, #tpu.memory_space<hbm>> -> memref<80xi32, #tpu.memory_space<hbm>>
      tpu.wait_dma2 semaphore(%arg29 : memref<!tpu.dma_semaphore, #tpu.memory_space<semaphore_mem>>) src(%dma_wait3A_200 : memref<80xi32, #tpu.memory_space<hbm>>) dst(%arg13 : memref<80xi32, #tpu.memory_space<vmem>>)
      "tpu.region"() ({
        %run_scoped3A = tpu.sem_alloc : memref<!tpu.dma_semaphore, #tpu.memory_space<semaphore_mem>>
        %dma_start3A_234 = arith.constant 0 : i32
        %dma_start3A_235 = arith.constant 0 : i32
        %dma_start3A_236 = tpu.memref_slice %arg7[%dma_start3A_234, %dma_start3A_235] : memref<10240x128xf32, #tpu.memory_space<vmem_shared>> -> memref<10240x128xf32, #tpu.memory_space<vmem_shared>>
        tpu.enqueue_indirect_dma source(%arg8 : memref<80x128xf32, #tpu.memory_space<vmem>>) target(%dma_start3A_236 : memref<10240x128xf32, #tpu.memory_space<vmem_shared>>) offsets(%arg13 : memref<80xi32, #tpu.memory_space<vmem>>) semaphore(%run_scoped3A : memref<!tpu.dma_semaphore, #tpu.memory_space<semaphore_mem>>) {add = true}
        %dma_wait3A_237 = arith.constant 0 : i32
        %dma_wait3A_238 = arith.constant 0 : i32
        %dma_wait3A_239 = tpu.memref_slice %arg7[%dma_wait3A_237, %dma_wait3A_238] : memref<10240x128xf32, #tpu.memory_space<vmem_shared>> -> memref<10240x128xf32, #tpu.memory_space<vmem_shared>>
        tpu.wait_indirect_dma semaphore(%run_scoped3A : memref<!tpu.dma_semaphore, #tpu.memory_space<semaphore_mem>>) src(%arg8 : memref<80x128xf32, #tpu.memory_space<vmem>>) dst(%dma_wait3A_239 : memref<10240x128xf32, #tpu.memory_space<vmem_shared>>)
        tpu.yield
      }) : () -> ()
      %add3A_201 = arith.constant 4 : i32
      %add3A_202 = arith.addi %add3A_198, %add3A_201 : i32
      %lt3A_203 = arith.constant 125 : i32
      %lt3A_204 = arith.cmpi slt, %add3A_202, %lt3A_203 : i32
      %convert_element_type3A_205 = arith.extui %lt3A_204 : i1 to i32
      %cond3A_206 = arith.constant 0 : i32
      %cond3A_207 = arith.cmpi ne, %convert_element_type3A_205, %cond3A_206 : i32
      scf.if %cond3A_207 {
        %mul3A_234 = arith.constant 80 : i32
        %mul3A_235 = arith.muli %add3A_202, %mul3A_234 : i32
        %add3A_236 = arith.addi %mul3A_4, %mul3A_235 : i32
        %dma_start3A_237 = tpu.memref_slice %arg4[%add3A_236] : memref<320000xi32, #tpu.memory_space<hbm>> -> memref<80xi32, #tpu.memory_space<hbm>>
        %dma_start3A_238 = tpu.memref_slice %arg4[%add3A_236] : memref<320000xi32, #tpu.memory_space<hbm>> -> memref<80xi32, #tpu.memory_space<hbm>>
        tpu.enqueue_dma source(%dma_start3A_238 : memref<80xi32, #tpu.memory_space<hbm>>) target(%arg13 : memref<80xi32, #tpu.memory_space<vmem>>) target_semaphore(%arg29 : memref<!tpu.dma_semaphore, #tpu.memory_space<semaphore_mem>>)
      } else {
      }
      %mul3A_208 = arith.constant 4 : i32
      %mul3A_209 = arith.muli %scan3A_184, %mul3A_208 : i32
      %add3A_210 = arith.constant 2 : i32
      %add3A_211 = arith.addi %mul3A_209, %add3A_210 : i32
      %dma_wait3A_212 = tpu.memref_slice %arg4[%mul3A_4] : memref<320000xi32, #tpu.memory_space<hbm>> -> memref<80xi32, #tpu.memory_space<hbm>>
      %dma_wait3A_213 = tpu.memref_slice %arg4[%mul3A_4] : memref<320000xi32, #tpu.memory_space<hbm>> -> memref<80xi32, #tpu.memory_space<hbm>>
      tpu.wait_dma2 semaphore(%arg30 : memref<!tpu.dma_semaphore, #tpu.memory_space<semaphore_mem>>) src(%dma_wait3A_213 : memref<80xi32, #tpu.memory_space<hbm>>) dst(%arg14 : memref<80xi32, #tpu.memory_space<vmem>>)
      "tpu.region"() ({
        %run_scoped3A = tpu.sem_alloc : memref<!tpu.dma_semaphore, #tpu.memory_space<semaphore_mem>>
        %dma_start3A_234 = arith.constant 0 : i32
        %dma_start3A_235 = arith.constant 0 : i32
        %dma_start3A_236 = tpu.memref_slice %arg7[%dma_start3A_234, %dma_start3A_235] : memref<10240x128xf32, #tpu.memory_space<vmem_shared>> -> memref<10240x128xf32, #tpu.memory_space<vmem_shared>>
        tpu.enqueue_indirect_dma source(%arg8 : memref<80x128xf32, #tpu.memory_space<vmem>>) target(%dma_start3A_236 : memref<10240x128xf32, #tpu.memory_space<vmem_shared>>) offsets(%arg14 : memref<80xi32, #tpu.memory_space<vmem>>) semaphore(%run_scoped3A : memref<!tpu.dma_semaphore, #tpu.memory_space<semaphore_mem>>) {add = true}
        %dma_wait3A_237 = arith.constant 0 : i32
        %dma_wait3A_238 = arith.constant 0 : i32
        %dma_wait3A_239 = tpu.memref_slice %arg7[%dma_wait3A_237, %dma_wait3A_238] : memref<10240x128xf32, #tpu.memory_space<vmem_shared>> -> memref<10240x128xf32, #tpu.memory_space<vmem_shared>>
        tpu.wait_indirect_dma semaphore(%run_scoped3A : memref<!tpu.dma_semaphore, #tpu.memory_space<semaphore_mem>>) src(%arg8 : memref<80x128xf32, #tpu.memory_space<vmem>>) dst(%dma_wait3A_239 : memref<10240x128xf32, #tpu.memory_space<vmem_shared>>)
        tpu.yield
      }) : () -> ()
      %add3A_214 = arith.constant 4 : i32
      %add3A_215 = arith.addi %add3A_211, %add3A_214 : i32
      %lt3A_216 = arith.constant 125 : i32
      %lt3A_217 = arith.cmpi slt, %add3A_215, %lt3A_216 : i32
      %convert_element_type3A_218 = arith.extui %lt3A_217 : i1 to i32
      %cond3A_219 = arith.constant 0 : i32
      %cond3A_220 = arith.cmpi ne, %convert_element_type3A_218, %cond3A_219 : i32
      scf.if %cond3A_220 {
        %mul3A_234 = arith.constant 80 : i32
        %mul3A_235 = arith.muli %add3A_215, %mul3A_234 : i32
        %add3A_236 = arith.addi %mul3A_4, %mul3A_235 : i32
        %dma_start3A_237 = tpu.memref_slice %arg4[%add3A_236] : memref<320000xi32, #tpu.memory_space<hbm>> -> memref<80xi32, #tpu.memory_space<hbm>>
        %dma_start3A_238 = tpu.memref_slice %arg4[%add3A_236] : memref<320000xi32, #tpu.memory_space<hbm>> -> memref<80xi32, #tpu.memory_space<hbm>>
        tpu.enqueue_dma source(%dma_start3A_238 : memref<80xi32, #tpu.memory_space<hbm>>) target(%arg14 : memref<80xi32, #tpu.memory_space<vmem>>) target_semaphore(%arg30 : memref<!tpu.dma_semaphore, #tpu.memory_space<semaphore_mem>>)
      } else {
      }
      %mul3A_221 = arith.constant 4 : i32
      %mul3A_222 = arith.muli %scan3A_184, %mul3A_221 : i32
      %add3A_223 = arith.constant 3 : i32
      %add3A_224 = arith.addi %mul3A_222, %add3A_223 : i32
      %dma_wait3A_225 = tpu.memref_slice %arg4[%mul3A_4] : memref<320000xi32, #tpu.memory_space<hbm>> -> memref<80xi32, #tpu.memory_space<hbm>>
      %dma_wait3A_226 = tpu.memref_slice %arg4[%mul3A_4] : memref<320000xi32, #tpu.memory_space<hbm>> -> memref<80xi32, #tpu.memory_space<hbm>>
      tpu.wait_dma2 semaphore(%arg31 : memref<!tpu.dma_semaphore, #tpu.memory_space<semaphore_mem>>) src(%dma_wait3A_226 : memref<80xi32, #tpu.memory_space<hbm>>) dst(%arg15 : memref<80xi32, #tpu.memory_space<vmem>>)
      "tpu.region"() ({
        %run_scoped3A = tpu.sem_alloc : memref<!tpu.dma_semaphore, #tpu.memory_space<semaphore_mem>>
        %dma_start3A_234 = arith.constant 0 : i32
        %dma_start3A_235 = arith.constant 0 : i32
        %dma_start3A_236 = tpu.memref_slice %arg7[%dma_start3A_234, %dma_start3A_235] : memref<10240x128xf32, #tpu.memory_space<vmem_shared>> -> memref<10240x128xf32, #tpu.memory_space<vmem_shared>>
        tpu.enqueue_indirect_dma source(%arg8 : memref<80x128xf32, #tpu.memory_space<vmem>>) target(%dma_start3A_236 : memref<10240x128xf32, #tpu.memory_space<vmem_shared>>) offsets(%arg15 : memref<80xi32, #tpu.memory_space<vmem>>) semaphore(%run_scoped3A : memref<!tpu.dma_semaphore, #tpu.memory_space<semaphore_mem>>) {add = true}
        %dma_wait3A_237 = arith.constant 0 : i32
        %dma_wait3A_238 = arith.constant 0 : i32
        %dma_wait3A_239 = tpu.memref_slice %arg7[%dma_wait3A_237, %dma_wait3A_238] : memref<10240x128xf32, #tpu.memory_space<vmem_shared>> -> memref<10240x128xf32, #tpu.memory_space<vmem_shared>>
        tpu.wait_indirect_dma semaphore(%run_scoped3A : memref<!tpu.dma_semaphore, #tpu.memory_space<semaphore_mem>>) src(%arg8 : memref<80x128xf32, #tpu.memory_space<vmem>>) dst(%dma_wait3A_239 : memref<10240x128xf32, #tpu.memory_space<vmem_shared>>)
        tpu.yield
      }) : () -> ()
      %add3A_227 = arith.constant 4 : i32
      %add3A_228 = arith.addi %add3A_224, %add3A_227 : i32
      %lt3A_229 = arith.constant 125 : i32
      %lt3A_230 = arith.cmpi slt, %add3A_228, %lt3A_229 : i32
      %convert_element_type3A_231 = arith.extui %lt3A_230 : i1 to i32
      %cond3A_232 = arith.constant 0 : i32
      %cond3A_233 = arith.cmpi ne, %convert_element_type3A_231, %cond3A_232 : i32
      scf.if %cond3A_233 {
        %mul3A_234 = arith.constant 80 : i32
        %mul3A_235 = arith.muli %add3A_228, %mul3A_234 : i32
        %add3A_236 = arith.addi %mul3A_4, %mul3A_235 : i32
        %dma_start3A_237 = tpu.memref_slice %arg4[%add3A_236] : memref<320000xi32, #tpu.memory_space<hbm>> -> memref<80xi32, #tpu.memory_space<hbm>>
        %dma_start3A_238 = tpu.memref_slice %arg4[%add3A_236] : memref<320000xi32, #tpu.memory_space<hbm>> -> memref<80xi32, #tpu.memory_space<hbm>>
        tpu.enqueue_dma source(%dma_start3A_238 : memref<80xi32, #tpu.memory_space<hbm>>) target(%arg15 : memref<80xi32, #tpu.memory_space<vmem>>) target_semaphore(%arg31 : memref<!tpu.dma_semaphore, #tpu.memory_space<semaphore_mem>>)
      } else {
      }
    }
    %scan3A_55 = arith.constant 31 : i32
    %dma_wait3A = tpu.memref_slice %arg4[%mul3A_4] : memref<320000xi32, #tpu.memory_space<hbm>> -> memref<80xi32, #tpu.memory_space<hbm>>
    %dma_wait3A_56 = tpu.memref_slice %arg4[%mul3A_4] : memref<320000xi32, #tpu.memory_space<hbm>> -> memref<80xi32, #tpu.memory_space<hbm>>
    tpu.wait_dma2 semaphore(%arg28 : memref<!tpu.dma_semaphore, #tpu.memory_space<semaphore_mem>>) src(%dma_wait3A_56 : memref<80xi32, #tpu.memory_space<hbm>>) dst(%arg12 : memref<80xi32, #tpu.memory_space<vmem>>)
    "tpu.region"() ({
      %run_scoped3A = tpu.sem_alloc : memref<!tpu.dma_semaphore, #tpu.memory_space<semaphore_mem>>
      %dma_start3A_184 = arith.constant 0 : i32
      %dma_start3A_185 = arith.constant 0 : i32
      %dma_start3A_186 = tpu.memref_slice %arg7[%dma_start3A_184, %dma_start3A_185] : memref<10240x128xf32, #tpu.memory_space<vmem_shared>> -> memref<10240x128xf32, #tpu.memory_space<vmem_shared>>
      tpu.enqueue_indirect_dma source(%arg8 : memref<80x128xf32, #tpu.memory_space<vmem>>) target(%dma_start3A_186 : memref<10240x128xf32, #tpu.memory_space<vmem_shared>>) offsets(%arg12 : memref<80xi32, #tpu.memory_space<vmem>>) semaphore(%run_scoped3A : memref<!tpu.dma_semaphore, #tpu.memory_space<semaphore_mem>>) {add = true}
      %dma_wait3A_187 = arith.constant 0 : i32
      %dma_wait3A_188 = arith.constant 0 : i32
      %dma_wait3A_189 = tpu.memref_slice %arg7[%dma_wait3A_187, %dma_wait3A_188] : memref<10240x128xf32, #tpu.memory_space<vmem_shared>> -> memref<10240x128xf32, #tpu.memory_space<vmem_shared>>
      tpu.wait_indirect_dma semaphore(%run_scoped3A : memref<!tpu.dma_semaphore, #tpu.memory_space<semaphore_mem>>) src(%arg8 : memref<80x128xf32, #tpu.memory_space<vmem>>) dst(%dma_wait3A_189 : memref<10240x128xf32, #tpu.memory_space<vmem_shared>>)
      tpu.yield
    }) : () -> ()
    %barrier3A_57 = arith.constant 0 : index
    tpu.barrier barrier_id(%barrier3A_57)
    "tpu.region"() ({
      %run_scoped3A = tpu.sem_alloc : memref<!tpu.dma_semaphore, #tpu.memory_space<semaphore_mem>>
      %dma_start3A_184 = arith.constant 0 : i32
      %dma_start3A_185 = tpu.memref_slice %arg6[%arg0, %mul3A_2, %dma_start3A_184] : memref<2x10240x128xf32, #tpu.memory_space<hbm>> -> memref<1x640x128xf32, #tpu.memory_space<hbm>>
      %dma_start3A_186 = tpu.memref_squeeze %dma_start3A_185 : memref<1x640x128xf32, #tpu.memory_space<hbm>> -> memref<640x128xf32, #tpu.memory_space<hbm>>
      %dma_start3A_187 = arith.constant 0 : i32
      %dma_start3A_188 = tpu.memref_slice %arg7[%mul3A_2, %dma_start3A_187] : memref<10240x128xf32, #tpu.memory_space<vmem_shared>> -> memref<640x128xf32, #tpu.memory_space<vmem_shared>>
      tpu.enqueue_dma source(%dma_start3A_188 : memref<640x128xf32, #tpu.memory_space<vmem_shared>>) target(%dma_start3A_186 : memref<640x128xf32, #tpu.memory_space<hbm>>) target_semaphore(%run_scoped3A : memref<!tpu.dma_semaphore, #tpu.memory_space<semaphore_mem>>)
      %dma_wait3A_189 = arith.constant 0 : i32
      %dma_wait3A_190 = tpu.memref_slice %arg6[%arg0, %mul3A_2, %dma_wait3A_189] : memref<2x10240x128xf32, #tpu.memory_space<hbm>> -> memref<1x640x128xf32, #tpu.memory_space<hbm>>
      %dma_wait3A_191 = tpu.memref_squeeze %dma_wait3A_190 : memref<1x640x128xf32, #tpu.memory_space<hbm>> -> memref<640x128xf32, #tpu.memory_space<hbm>>
      %dma_wait3A_192 = arith.constant 0 : i32
      %dma_wait3A_193 = tpu.memref_slice %arg7[%mul3A_2, %dma_wait3A_192] : memref<10240x128xf32, #tpu.memory_space<vmem_shared>> -> memref<640x128xf32, #tpu.memory_space<vmem_shared>>
      tpu.wait_dma2 semaphore(%run_scoped3A : memref<!tpu.dma_semaphore, #tpu.memory_space<semaphore_mem>>) src(%dma_wait3A_193 : memref<640x128xf32, #tpu.memory_space<vmem_shared>>) dst(%dma_wait3A_191 : memref<640x128xf32, #tpu.memory_space<hbm>>)
      tpu.yield
    }) : () -> ()
    %add3A_58 = arith.constant 0 : i32
    %add3A_59 = arith.addi %mul3A_2, %add3A_58 : i32
    "tpu.region"() ({
      %run_scoped3A = tpu.sem_alloc : memref<!tpu.dma_semaphore, #tpu.memory_space<semaphore_mem>>
      %dma_start3A_184 = arith.constant 0 : i32
      %dma_start3A_185 = tpu.memref_slice %arg7[%add3A_59, %dma_start3A_184] : memref<10240x128xf32, #tpu.memory_space<vmem_shared>> -> memref<80x128xf32, #tpu.memory_space<vmem_shared>>
      %dma_start3A_186 = arith.constant 0 : i32
      %dma_start3A_187 = tpu.memref_slice %arg7[%add3A_59, %dma_start3A_186] : memref<10240x128xf32, #tpu.memory_space<vmem_shared>> -> memref<80x128xf32, #tpu.memory_space<vmem_shared>>
      tpu.enqueue_dma source(%arg9 : memref<80x128xf32, #tpu.memory_space<vmem>>) target(%dma_start3A_187 : memref<80x128xf32, #tpu.memory_space<vmem_shared>>) target_semaphore(%run_scoped3A : memref<!tpu.dma_semaphore, #tpu.memory_space<semaphore_mem>>)
      %dma_wait3A_188 = arith.constant 0 : i32
      %dma_wait3A_189 = tpu.memref_slice %arg7[%add3A_59, %dma_wait3A_188] : memref<10240x128xf32, #tpu.memory_space<vmem_shared>> -> memref<80x128xf32, #tpu.memory_space<vmem_shared>>
      %dma_wait3A_190 = arith.constant 0 : i32
      %dma_wait3A_191 = tpu.memref_slice %arg7[%add3A_59, %dma_wait3A_190] : memref<10240x128xf32, #tpu.memory_space<vmem_shared>> -> memref<80x128xf32, #tpu.memory_space<vmem_shared>>
      tpu.wait_dma2 semaphore(%run_scoped3A : memref<!tpu.dma_semaphore, #tpu.memory_space<semaphore_mem>>) src(%arg9 : memref<80x128xf32, #tpu.memory_space<vmem>>) dst(%dma_wait3A_191 : memref<80x128xf32, #tpu.memory_space<vmem_shared>>)
      tpu.yield
    }) : () -> ()
    %add3A_60 = arith.constant 80 : i32
    %add3A_61 = arith.addi %mul3A_2, %add3A_60 : i32
    "tpu.region"() ({
      %run_scoped3A = tpu.sem_alloc : memref<!tpu.dma_semaphore, #tpu.memory_space<semaphore_mem>>
      %dma_start3A_184 = arith.constant 0 : i32
      %dma_start3A_185 = tpu.memref_slice %arg7[%add3A_61, %dma_start3A_184] : memref<10240x128xf32, #tpu.memory_space<vmem_shared>> -> memref<80x128xf32, #tpu.memory_space<vmem_shared>>
      %dma_start3A_186 = arith.constant 0 : i32
      %dma_start3A_187 = tpu.memref_slice %arg7[%add3A_61, %dma_start3A_186] : memref<10240x128xf32, #tpu.memory_space<vmem_shared>> -> memref<80x128xf32, #tpu.memory_space<vmem_shared>>
      tpu.enqueue_dma source(%arg9 : memref<80x128xf32, #tpu.memory_space<vmem>>) target(%dma_start3A_187 : memref<80x128xf32, #tpu.memory_space<vmem_shared>>) target_semaphore(%run_scoped3A : memref<!tpu.dma_semaphore, #tpu.memory_space<semaphore_mem>>)
      %dma_wait3A_188 = arith.constant 0 : i32
      %dma_wait3A_189 = tpu.memref_slice %arg7[%add3A_61, %dma_wait3A_188] : memref<10240x128xf32, #tpu.memory_space<vmem_shared>> -> memref<80x128xf32, #tpu.memory_space<vmem_shared>>
      %dma_wait3A_190 = arith.constant 0 : i32
      %dma_wait3A_191 = tpu.memref_slice %arg7[%add3A_61, %dma_wait3A_190] : memref<10240x128xf32, #tpu.memory_space<vmem_shared>> -> memref<80x128xf32, #tpu.memory_space<vmem_shared>>
      tpu.wait_dma2 semaphore(%run_scoped3A : memref<!tpu.dma_semaphore, #tpu.memory_space<semaphore_mem>>) src(%arg9 : memref<80x128xf32, #tpu.memory_space<vmem>>) dst(%dma_wait3A_191 : memref<80x128xf32, #tpu.memory_space<vmem_shared>>)
      tpu.yield
    }) : () -> ()
    %add3A_62 = arith.constant 160 : i32
    %add3A_63 = arith.addi %mul3A_2, %add3A_62 : i32
    "tpu.region"() ({
      %run_scoped3A = tpu.sem_alloc : memref<!tpu.dma_semaphore, #tpu.memory_space<semaphore_mem>>
      %dma_start3A_184 = arith.constant 0 : i32
      %dma_start3A_185 = tpu.memref_slice %arg7[%add3A_63, %dma_start3A_184] : memref<10240x128xf32, #tpu.memory_space<vmem_shared>> -> memref<80x128xf32, #tpu.memory_space<vmem_shared>>
      %dma_start3A_186 = arith.constant 0 : i32
      %dma_start3A_187 = tpu.memref_slice %arg7[%add3A_63, %dma_start3A_186] : memref<10240x128xf32, #tpu.memory_space<vmem_shared>> -> memref<80x128xf32, #tpu.memory_space<vmem_shared>>
      tpu.enqueue_dma source(%arg9 : memref<80x128xf32, #tpu.memory_space<vmem>>) target(%dma_start3A_187 : memref<80x128xf32, #tpu.memory_space<vmem_shared>>) target_semaphore(%run_scoped3A : memref<!tpu.dma_semaphore, #tpu.memory_space<semaphore_mem>>)
      %dma_wait3A_188 = arith.constant 0 : i32
      %dma_wait3A_189 = tpu.memref_slice %arg7[%add3A_63, %dma_wait3A_188] : memref<10240x128xf32, #tpu.memory_space<vmem_shared>> -> memref<80x128xf32, #tpu.memory_space<vmem_shared>>
      %dma_wait3A_190 = arith.constant 0 : i32
      %dma_wait3A_191 = tpu.memref_slice %arg7[%add3A_63, %dma_wait3A_190] : memref<10240x128xf32, #tpu.memory_space<vmem_shared>> -> memref<80x128xf32, #tpu.memory_space<vmem_shared>>
      tpu.wait_dma2 semaphore(%run_scoped3A : memref<!tpu.dma_semaphore, #tpu.memory_space<semaphore_mem>>) src(%arg9 : memref<80x128xf32, #tpu.memory_space<vmem>>) dst(%dma_wait3A_191 : memref<80x128xf32, #tpu.memory_space<vmem_shared>>)
      tpu.yield
    }) : () -> ()
    %add3A_64 = arith.constant 240 : i32
    %add3A_65 = arith.addi %mul3A_2, %add3A_64 : i32
    "tpu.region"() ({
      %run_scoped3A = tpu.sem_alloc : memref<!tpu.dma_semaphore, #tpu.memory_space<semaphore_mem>>
      %dma_start3A_184 = arith.constant 0 : i32
      %dma_start3A_185 = tpu.memref_slice %arg7[%add3A_65, %dma_start3A_184] : memref<10240x128xf32, #tpu.memory_space<vmem_shared>> -> memref<80x128xf32, #tpu.memory_space<vmem_shared>>
      %dma_start3A_186 = arith.constant 0 : i32
      %dma_start3A_187 = tpu.memref_slice %arg7[%add3A_65, %dma_start3A_186] : memref<10240x128xf32, #tpu.memory_space<vmem_shared>> -> memref<80x128xf32, #tpu.memory_space<vmem_shared>>
      tpu.enqueue_dma source(%arg9 : memref<80x128xf32, #tpu.memory_space<vmem>>) target(%dma_start3A_187 : memref<80x128xf32, #tpu.memory_space<vmem_shared>>) target_semaphore(%run_scoped3A : memref<!tpu.dma_semaphore, #tpu.memory_space<semaphore_mem>>)
      %dma_wait3A_188 = arith.constant 0 : i32
      %dma_wait3A_189 = tpu.memref_slice %arg7[%add3A_65, %dma_wait3A_188] : memref<10240x128xf32, #tpu.memory_space<vmem_shared>> -> memref<80x128xf32, #tpu.memory_space<vmem_shared>>
      %dma_wait3A_190 = arith.constant 0 : i32
      %dma_wait3A_191 = tpu.memref_slice %arg7[%add3A_65, %dma_wait3A_190] : memref<10240x128xf32, #tpu.memory_space<vmem_shared>> -> memref<80x128xf32, #tpu.memory_space<vmem_shared>>
      tpu.wait_dma2 semaphore(%run_scoped3A : memref<!tpu.dma_semaphore, #tpu.memory_space<semaphore_mem>>) src(%arg9 : memref<80x128xf32, #tpu.memory_space<vmem>>) dst(%dma_wait3A_191 : memref<80x128xf32, #tpu.memory_space<vmem_shared>>)
      tpu.yield
    }) : () -> ()
    %add3A_66 = arith.constant 320 : i32
    %add3A_67 = arith.addi %mul3A_2, %add3A_66 : i32
    "tpu.region"() ({
      %run_scoped3A = tpu.sem_alloc : memref<!tpu.dma_semaphore, #tpu.memory_space<semaphore_mem>>
      %dma_start3A_184 = arith.constant 0 : i32
      %dma_start3A_185 = tpu.memref_slice %arg7[%add3A_67, %dma_start3A_184] : memref<10240x128xf32, #tpu.memory_space<vmem_shared>> -> memref<80x128xf32, #tpu.memory_space<vmem_shared>>
      %dma_start3A_186 = arith.constant 0 : i32
      %dma_start3A_187 = tpu.memref_slice %arg7[%add3A_67, %dma_start3A_186] : memref<10240x128xf32, #tpu.memory_space<vmem_shared>> -> memref<80x128xf32, #tpu.memory_space<vmem_shared>>
      tpu.enqueue_dma source(%arg9 : memref<80x128xf32, #tpu.memory_space<vmem>>) target(%dma_start3A_187 : memref<80x128xf32, #tpu.memory_space<vmem_shared>>) target_semaphore(%run_scoped3A : memref<!tpu.dma_semaphore, #tpu.memory_space<semaphore_mem>>)
      %dma_wait3A_188 = arith.constant 0 : i32
      %dma_wait3A_189 = tpu.memref_slice %arg7[%add3A_67, %dma_wait3A_188] : memref<10240x128xf32, #tpu.memory_space<vmem_shared>> -> memref<80x128xf32, #tpu.memory_space<vmem_shared>>
      %dma_wait3A_190 = arith.constant 0 : i32
      %dma_wait3A_191 = tpu.memref_slice %arg7[%add3A_67, %dma_wait3A_190] : memref<10240x128xf32, #tpu.memory_space<vmem_shared>> -> memref<80x128xf32, #tpu.memory_space<vmem_shared>>
      tpu.wait_dma2 semaphore(%run_scoped3A : memref<!tpu.dma_semaphore, #tpu.memory_space<semaphore_mem>>) src(%arg9 : memref<80x128xf32, #tpu.memory_space<vmem>>) dst(%dma_wait3A_191 : memref<80x128xf32, #tpu.memory_space<vmem_shared>>)
      tpu.yield
    }) : () -> ()
    %add3A_68 = arith.constant 400 : i32
    %add3A_69 = arith.addi %mul3A_2, %add3A_68 : i32
    "tpu.region"() ({
      %run_scoped3A = tpu.sem_alloc : memref<!tpu.dma_semaphore, #tpu.memory_space<semaphore_mem>>
      %dma_start3A_184 = arith.constant 0 : i32
      %dma_start3A_185 = tpu.memref_slice %arg7[%add3A_69, %dma_start3A_184] : memref<10240x128xf32, #tpu.memory_space<vmem_shared>> -> memref<80x128xf32, #tpu.memory_space<vmem_shared>>
      %dma_start3A_186 = arith.constant 0 : i32
      %dma_start3A_187 = tpu.memref_slice %arg7[%add3A_69, %dma_start3A_186] : memref<10240x128xf32, #tpu.memory_space<vmem_shared>> -> memref<80x128xf32, #tpu.memory_space<vmem_shared>>
      tpu.enqueue_dma source(%arg9 : memref<80x128xf32, #tpu.memory_space<vmem>>) target(%dma_start3A_187 : memref<80x128xf32, #tpu.memory_space<vmem_shared>>) target_semaphore(%run_scoped3A : memref<!tpu.dma_semaphore, #tpu.memory_space<semaphore_mem>>)
      %dma_wait3A_188 = arith.constant 0 : i32
      %dma_wait3A_189 = tpu.memref_slice %arg7[%add3A_69, %dma_wait3A_188] : memref<10240x128xf32, #tpu.memory_space<vmem_shared>> -> memref<80x128xf32, #tpu.memory_space<vmem_shared>>
      %dma_wait3A_190 = arith.constant 0 : i32
      %dma_wait3A_191 = tpu.memref_slice %arg7[%add3A_69, %dma_wait3A_190] : memref<10240x128xf32, #tpu.memory_space<vmem_shared>> -> memref<80x128xf32, #tpu.memory_space<vmem_shared>>
      tpu.wait_dma2 semaphore(%run_scoped3A : memref<!tpu.dma_semaphore, #tpu.memory_space<semaphore_mem>>) src(%arg9 : memref<80x128xf32, #tpu.memory_space<vmem>>) dst(%dma_wait3A_191 : memref<80x128xf32, #tpu.memory_space<vmem_shared>>)
      tpu.yield
    }) : () -> ()
    %add3A_70 = arith.constant 480 : i32
    %add3A_71 = arith.addi %mul3A_2, %add3A_70 : i32
    "tpu.region"() ({
      %run_scoped3A = tpu.sem_alloc : memref<!tpu.dma_semaphore, #tpu.memory_space<semaphore_mem>>
      %dma_start3A_184 = arith.constant 0 : i32
      %dma_start3A_185 = tpu.memref_slice %arg7[%add3A_71, %dma_start3A_184] : memref<10240x128xf32, #tpu.memory_space<vmem_shared>> -> memref<80x128xf32, #tpu.memory_space<vmem_shared>>
      %dma_start3A_186 = arith.constant 0 : i32
      %dma_start3A_187 = tpu.memref_slice %arg7[%add3A_71, %dma_start3A_186] : memref<10240x128xf32, #tpu.memory_space<vmem_shared>> -> memref<80x128xf32, #tpu.memory_space<vmem_shared>>
      tpu.enqueue_dma source(%arg9 : memref<80x128xf32, #tpu.memory_space<vmem>>) target(%dma_start3A_187 : memref<80x128xf32, #tpu.memory_space<vmem_shared>>) target_semaphore(%run_scoped3A : memref<!tpu.dma_semaphore, #tpu.memory_space<semaphore_mem>>)
      %dma_wait3A_188 = arith.constant 0 : i32
      %dma_wait3A_189 = tpu.memref_slice %arg7[%add3A_71, %dma_wait3A_188] : memref<10240x128xf32, #tpu.memory_space<vmem_shared>> -> memref<80x128xf32, #tpu.memory_space<vmem_shared>>
      %dma_wait3A_190 = arith.constant 0 : i32
      %dma_wait3A_191 = tpu.memref_slice %arg7[%add3A_71, %dma_wait3A_190] : memref<10240x128xf32, #tpu.memory_space<vmem_shared>> -> memref<80x128xf32, #tpu.memory_space<vmem_shared>>
      tpu.wait_dma2 semaphore(%run_scoped3A : memref<!tpu.dma_semaphore, #tpu.memory_space<semaphore_mem>>) src(%arg9 : memref<80x128xf32, #tpu.memory_space<vmem>>) dst(%dma_wait3A_191 : memref<80x128xf32, #tpu.memory_space<vmem_shared>>)
      tpu.yield
    }) : () -> ()
    %add3A_72 = arith.constant 560 : i32
    %add3A_73 = arith.addi %mul3A_2, %add3A_72 : i32
    "tpu.region"() ({
      %run_scoped3A = tpu.sem_alloc : memref<!tpu.dma_semaphore, #tpu.memory_space<semaphore_mem>>
      %dma_start3A_184 = arith.constant 0 : i32
      %dma_start3A_185 = tpu.memref_slice %arg7[%add3A_73, %dma_start3A_184] : memref<10240x128xf32, #tpu.memory_space<vmem_shared>> -> memref<80x128xf32, #tpu.memory_space<vmem_shared>>
      %dma_start3A_186 = arith.constant 0 : i32
      %dma_start3A_187 = tpu.memref_slice %arg7[%add3A_73, %dma_start3A_186] : memref<10240x128xf32, #tpu.memory_space<vmem_shared>> -> memref<80x128xf32, #tpu.memory_space<vmem_shared>>
      tpu.enqueue_dma source(%arg9 : memref<80x128xf32, #tpu.memory_space<vmem>>) target(%dma_start3A_187 : memref<80x128xf32, #tpu.memory_space<vmem_shared>>) target_semaphore(%run_scoped3A : memref<!tpu.dma_semaphore, #tpu.memory_space<semaphore_mem>>)
      %dma_wait3A_188 = arith.constant 0 : i32
      %dma_wait3A_189 = tpu.memref_slice %arg7[%add3A_73, %dma_wait3A_188] : memref<10240x128xf32, #tpu.memory_space<vmem_shared>> -> memref<80x128xf32, #tpu.memory_space<vmem_shared>>
      %dma_wait3A_190 = arith.constant 0 : i32
      %dma_wait3A_191 = tpu.memref_slice %arg7[%add3A_73, %dma_wait3A_190] : memref<10240x128xf32, #tpu.memory_space<vmem_shared>> -> memref<80x128xf32, #tpu.memory_space<vmem_shared>>
      tpu.wait_dma2 semaphore(%run_scoped3A : memref<!tpu.dma_semaphore, #tpu.memory_space<semaphore_mem>>) src(%arg9 : memref<80x128xf32, #tpu.memory_space<vmem>>) dst(%dma_wait3A_191 : memref<80x128xf32, #tpu.memory_space<vmem_shared>>)
      tpu.yield
    }) : () -> ()
    %barrier3A_74 = arith.constant 0 : index
    tpu.barrier barrier_id(%barrier3A_74)
    %add3A_75 = arith.constant 0 : i32
    %add3A_76 = arith.addi %mul3A_4, %add3A_75 : i32
    %dma_start3A_77 = tpu.memref_slice %arg3[%add3A_76] : memref<320000xi32, #tpu.memory_space<hbm>> -> memref<80xi32, #tpu.memory_space<hbm>>
    %dma_start3A_78 = tpu.memref_slice %arg3[%add3A_76] : memref<320000xi32, #tpu.memory_space<hbm>> -> memref<80xi32, #tpu.memory_space<hbm>>
    tpu.enqueue_dma source(%dma_start3A_78 : memref<80xi32, #tpu.memory_space<hbm>>) target(%arg16 : memref<80xi32, #tpu.memory_space<vmem>>) target_semaphore(%arg32 : memref<!tpu.dma_semaphore, #tpu.memory_space<semaphore_mem>>)
    %add3A_79 = arith.constant 80 : i32
    %add3A_80 = arith.addi %mul3A_4, %add3A_79 : i32
    %dma_start3A_81 = tpu.memref_slice %arg3[%add3A_80] : memref<320000xi32, #tpu.memory_space<hbm>> -> memref<80xi32, #tpu.memory_space<hbm>>
    %dma_start3A_82 = tpu.memref_slice %arg3[%add3A_80] : memref<320000xi32, #tpu.memory_space<hbm>> -> memref<80xi32, #tpu.memory_space<hbm>>
    tpu.enqueue_dma source(%dma_start3A_82 : memref<80xi32, #tpu.memory_space<hbm>>) target(%arg17 : memref<80xi32, #tpu.memory_space<vmem>>) target_semaphore(%arg33 : memref<!tpu.dma_semaphore, #tpu.memory_space<semaphore_mem>>)
    %add3A_83 = arith.constant 160 : i32
    %add3A_84 = arith.addi %mul3A_4, %add3A_83 : i32
    %dma_start3A_85 = tpu.memref_slice %arg3[%add3A_84] : memref<320000xi32, #tpu.memory_space<hbm>> -> memref<80xi32, #tpu.memory_space<hbm>>
    %dma_start3A_86 = tpu.memref_slice %arg3[%add3A_84] : memref<320000xi32, #tpu.memory_space<hbm>> -> memref<80xi32, #tpu.memory_space<hbm>>
    tpu.enqueue_dma source(%dma_start3A_86 : memref<80xi32, #tpu.memory_space<hbm>>) target(%arg18 : memref<80xi32, #tpu.memory_space<vmem>>) target_semaphore(%arg34 : memref<!tpu.dma_semaphore, #tpu.memory_space<semaphore_mem>>)
    %add3A_87 = arith.constant 240 : i32
    %add3A_88 = arith.addi %mul3A_4, %add3A_87 : i32
    %dma_start3A_89 = tpu.memref_slice %arg3[%add3A_88] : memref<320000xi32, #tpu.memory_space<hbm>> -> memref<80xi32, #tpu.memory_space<hbm>>
    %dma_start3A_90 = tpu.memref_slice %arg3[%add3A_88] : memref<320000xi32, #tpu.memory_space<hbm>> -> memref<80xi32, #tpu.memory_space<hbm>>
    tpu.enqueue_dma source(%dma_start3A_90 : memref<80xi32, #tpu.memory_space<hbm>>) target(%arg19 : memref<80xi32, #tpu.memory_space<vmem>>) target_semaphore(%arg35 : memref<!tpu.dma_semaphore, #tpu.memory_space<semaphore_mem>>)
    %add3A_91 = arith.constant 320 : i32
    %add3A_92 = arith.addi %mul3A_4, %add3A_91 : i32
    %dma_start3A_93 = tpu.memref_slice %arg3[%add3A_92] : memref<320000xi32, #tpu.memory_space<hbm>> -> memref<80xi32, #tpu.memory_space<hbm>>
    %dma_start3A_94 = tpu.memref_slice %arg3[%add3A_92] : memref<320000xi32, #tpu.memory_space<hbm>> -> memref<80xi32, #tpu.memory_space<hbm>>
    tpu.enqueue_dma source(%dma_start3A_94 : memref<80xi32, #tpu.memory_space<hbm>>) target(%arg20 : memref<80xi32, #tpu.memory_space<vmem>>) target_semaphore(%arg36 : memref<!tpu.dma_semaphore, #tpu.memory_space<semaphore_mem>>)
    %add3A_95 = arith.constant 400 : i32
    %add3A_96 = arith.addi %mul3A_4, %add3A_95 : i32
    %dma_start3A_97 = tpu.memref_slice %arg3[%add3A_96] : memref<320000xi32, #tpu.memory_space<hbm>> -> memref<80xi32, #tpu.memory_space<hbm>>
    %dma_start3A_98 = tpu.memref_slice %arg3[%add3A_96] : memref<320000xi32, #tpu.memory_space<hbm>> -> memref<80xi32, #tpu.memory_space<hbm>>
    tpu.enqueue_dma source(%dma_start3A_98 : memref<80xi32, #tpu.memory_space<hbm>>) target(%arg21 : memref<80xi32, #tpu.memory_space<vmem>>) target_semaphore(%arg37 : memref<!tpu.dma_semaphore, #tpu.memory_space<semaphore_mem>>)
    %add3A_99 = arith.constant 480 : i32
    %add3A_100 = arith.addi %mul3A_4, %add3A_99 : i32
    %dma_start3A_101 = tpu.memref_slice %arg3[%add3A_100] : memref<320000xi32, #tpu.memory_space<hbm>> -> memref<80xi32, #tpu.memory_space<hbm>>
    %dma_start3A_102 = tpu.memref_slice %arg3[%add3A_100] : memref<320000xi32, #tpu.memory_space<hbm>> -> memref<80xi32, #tpu.memory_space<hbm>>
    tpu.enqueue_dma source(%dma_start3A_102 : memref<80xi32, #tpu.memory_space<hbm>>) target(%arg22 : memref<80xi32, #tpu.memory_space<vmem>>) target_semaphore(%arg38 : memref<!tpu.dma_semaphore, #tpu.memory_space<semaphore_mem>>)
    %add3A_103 = arith.constant 560 : i32
    %add3A_104 = arith.addi %mul3A_4, %add3A_103 : i32
    %dma_start3A_105 = tpu.memref_slice %arg3[%add3A_104] : memref<320000xi32, #tpu.memory_space<hbm>> -> memref<80xi32, #tpu.memory_space<hbm>>
    %dma_start3A_106 = tpu.memref_slice %arg3[%add3A_104] : memref<320000xi32, #tpu.memory_space<hbm>> -> memref<80xi32, #tpu.memory_space<hbm>>
    tpu.enqueue_dma source(%dma_start3A_106 : memref<80xi32, #tpu.memory_space<hbm>>) target(%arg23 : memref<80xi32, #tpu.memory_space<vmem>>) target_semaphore(%arg39 : memref<!tpu.dma_semaphore, #tpu.memory_space<semaphore_mem>>)
    %dma_wait3A_107 = tpu.memref_slice %arg3[%mul3A_4] : memref<320000xi32, #tpu.memory_space<hbm>> -> memref<80xi32, #tpu.memory_space<hbm>>
    %dma_wait3A_108 = tpu.memref_slice %arg3[%mul3A_4] : memref<320000xi32, #tpu.memory_space<hbm>> -> memref<80xi32, #tpu.memory_space<hbm>>
    tpu.wait_dma2 semaphore(%arg32 : memref<!tpu.dma_semaphore, #tpu.memory_space<semaphore_mem>>) src(%dma_wait3A_108 : memref<80xi32, #tpu.memory_space<hbm>>) dst(%arg16 : memref<80xi32, #tpu.memory_space<vmem>>)
    %dma_start3A_109 = arith.constant 0 : i32
    %dma_start3A_110 = arith.constant 0 : i32
    %dma_start3A_111 = tpu.memref_slice %arg2[%dma_start3A_109, %dma_start3A_110] : memref<10000x128xf32, #tpu.memory_space<hbm>> -> memref<10000x128xf32, #tpu.memory_space<hbm>>
    tpu.enqueue_indirect_dma source(%dma_start3A_111 : memref<10000x128xf32, #tpu.memory_space<hbm>>) target(%arg8 : memref<80x128xf32, #tpu.memory_space<vmem>>) offsets(%arg16 : memref<80xi32, #tpu.memory_space<vmem>>) semaphore(%arg24 : memref<!tpu.dma_semaphore, #tpu.memory_space<semaphore_mem>>)
    %add3A_112 = arith.constant 0 : i32
    %add3A_113 = arith.addi %mul3A_4, %add3A_112 : i32
    %dma_start3A_114 = tpu.memref_slice %arg4[%add3A_113] : memref<320000xi32, #tpu.memory_space<hbm>> -> memref<80xi32, #tpu.memory_space<hbm>>
    %dma_start3A_115 = tpu.memref_slice %arg4[%add3A_113] : memref<320000xi32, #tpu.memory_space<hbm>> -> memref<80xi32, #tpu.memory_space<hbm>>
    tpu.enqueue_dma source(%dma_start3A_115 : memref<80xi32, #tpu.memory_space<hbm>>) target(%arg12 : memref<80xi32, #tpu.memory_space<vmem>>) target_semaphore(%arg28 : memref<!tpu.dma_semaphore, #tpu.memory_space<semaphore_mem>>)
    %dma_wait3A_116 = tpu.memref_slice %arg3[%mul3A_4] : memref<320000xi32, #tpu.memory_space<hbm>> -> memref<80xi32, #tpu.memory_space<hbm>>
    %dma_wait3A_117 = tpu.memref_slice %arg3[%mul3A_4] : memref<320000xi32, #tpu.memory_space<hbm>> -> memref<80xi32, #tpu.memory_space<hbm>>
    tpu.wait_dma2 semaphore(%arg33 : memref<!tpu.dma_semaphore, #tpu.memory_space<semaphore_mem>>) src(%dma_wait3A_117 : memref<80xi32, #tpu.memory_space<hbm>>) dst(%arg17 : memref<80xi32, #tpu.memory_space<vmem>>)
    %dma_start3A_118 = arith.constant 0 : i32
    %dma_start3A_119 = arith.constant 0 : i32
    %dma_start3A_120 = tpu.memref_slice %arg2[%dma_start3A_118, %dma_start3A_119] : memref<10000x128xf32, #tpu.memory_space<hbm>> -> memref<10000x128xf32, #tpu.memory_space<hbm>>
    tpu.enqueue_indirect_dma source(%dma_start3A_120 : memref<10000x128xf32, #tpu.memory_space<hbm>>) target(%arg9 : memref<80x128xf32, #tpu.memory_space<vmem>>) offsets(%arg17 : memref<80xi32, #tpu.memory_space<vmem>>) semaphore(%arg25 : memref<!tpu.dma_semaphore, #tpu.memory_space<semaphore_mem>>)
    %add3A_121 = arith.constant 80 : i32
    %add3A_122 = arith.addi %mul3A_4, %add3A_121 : i32
    %dma_start3A_123 = tpu.memref_slice %arg4[%add3A_122] : memref<320000xi32, #tpu.memory_space<hbm>> -> memref<80xi32, #tpu.memory_space<hbm>>
    %dma_start3A_124 = tpu.memref_slice %arg4[%add3A_122] : memref<320000xi32, #tpu.memory_space<hbm>> -> memref<80xi32, #tpu.memory_space<hbm>>
    tpu.enqueue_dma source(%dma_start3A_124 : memref<80xi32, #tpu.memory_space<hbm>>) target(%arg13 : memref<80xi32, #tpu.memory_space<vmem>>) target_semaphore(%arg29 : memref<!tpu.dma_semaphore, #tpu.memory_space<semaphore_mem>>)
    %dma_wait3A_125 = tpu.memref_slice %arg3[%mul3A_4] : memref<320000xi32, #tpu.memory_space<hbm>> -> memref<80xi32, #tpu.memory_space<hbm>>
    %dma_wait3A_126 = tpu.memref_slice %arg3[%mul3A_4] : memref<320000xi32, #tpu.memory_space<hbm>> -> memref<80xi32, #tpu.memory_space<hbm>>
    tpu.wait_dma2 semaphore(%arg34 : memref<!tpu.dma_semaphore, #tpu.memory_space<semaphore_mem>>) src(%dma_wait3A_126 : memref<80xi32, #tpu.memory_space<hbm>>) dst(%arg18 : memref<80xi32, #tpu.memory_space<vmem>>)
    %dma_start3A_127 = arith.constant 0 : i32
    %dma_start3A_128 = arith.constant 0 : i32
    %dma_start3A_129 = tpu.memref_slice %arg2[%dma_start3A_127, %dma_start3A_128] : memref<10000x128xf32, #tpu.memory_space<hbm>> -> memref<10000x128xf32, #tpu.memory_space<hbm>>
    tpu.enqueue_indirect_dma source(%dma_start3A_129 : memref<10000x128xf32, #tpu.memory_space<hbm>>) target(%arg10 : memref<80x128xf32, #tpu.memory_space<vmem>>) offsets(%arg18 : memref<80xi32, #tpu.memory_space<vmem>>) semaphore(%arg26 : memref<!tpu.dma_semaphore, #tpu.memory_space<semaphore_mem>>)
    %add3A_130 = arith.constant 160 : i32
    %add3A_131 = arith.addi %mul3A_4, %add3A_130 : i32
    %dma_start3A_132 = tpu.memref_slice %arg4[%add3A_131] : memref<320000xi32, #tpu.memory_space<hbm>> -> memref<80xi32, #tpu.memory_space<hbm>>
    %dma_start3A_133 = tpu.memref_slice %arg4[%add3A_131] : memref<320000xi32, #tpu.memory_space<hbm>> -> memref<80xi32, #tpu.memory_space<hbm>>
    tpu.enqueue_dma source(%dma_start3A_133 : memref<80xi32, #tpu.memory_space<hbm>>) target(%arg14 : memref<80xi32, #tpu.memory_space<vmem>>) target_semaphore(%arg30 : memref<!tpu.dma_semaphore, #tpu.memory_space<semaphore_mem>>)
    %dma_wait3A_134 = tpu.memref_slice %arg3[%mul3A_4] : memref<320000xi32, #tpu.memory_space<hbm>> -> memref<80xi32, #tpu.memory_space<hbm>>
    %dma_wait3A_135 = tpu.memref_slice %arg3[%mul3A_4] : memref<320000xi32, #tpu.memory_space<hbm>> -> memref<80xi32, #tpu.memory_space<hbm>>
    tpu.wait_dma2 semaphore(%arg35 : memref<!tpu.dma_semaphore, #tpu.memory_space<semaphore_mem>>) src(%dma_wait3A_135 : memref<80xi32, #tpu.memory_space<hbm>>) dst(%arg19 : memref<80xi32, #tpu.memory_space<vmem>>)
    %dma_start3A_136 = arith.constant 0 : i32
    %dma_start3A_137 = arith.constant 0 : i32
    %dma_start3A_138 = tpu.memref_slice %arg2[%dma_start3A_136, %dma_start3A_137] : memref<10000x128xf32, #tpu.memory_space<hbm>> -> memref<10000x128xf32, #tpu.memory_space<hbm>>
    tpu.enqueue_indirect_dma source(%dma_start3A_138 : memref<10000x128xf32, #tpu.memory_space<hbm>>) target(%arg11 : memref<80x128xf32, #tpu.memory_space<vmem>>) offsets(%arg19 : memref<80xi32, #tpu.memory_space<vmem>>) semaphore(%arg27 : memref<!tpu.dma_semaphore, #tpu.memory_space<semaphore_mem>>)
    %add3A_139 = arith.constant 240 : i32
    %add3A_140 = arith.addi %mul3A_4, %add3A_139 : i32
    %dma_start3A_141 = tpu.memref_slice %arg4[%add3A_140] : memref<320000xi32, #tpu.memory_space<hbm>> -> memref<80xi32, #tpu.memory_space<hbm>>
    %dma_start3A_142 = tpu.memref_slice %arg4[%add3A_140] : memref<320000xi32, #tpu.memory_space<hbm>> -> memref<80xi32, #tpu.memory_space<hbm>>
    tpu.enqueue_dma source(%dma_start3A_142 : memref<80xi32, #tpu.memory_space<hbm>>) target(%arg15 : memref<80xi32, #tpu.memory_space<vmem>>) target_semaphore(%arg31 : memref<!tpu.dma_semaphore, #tpu.memory_space<semaphore_mem>>)
    %scan3A_143 = arith.constant 0 : i32
    %scan3A_144 = arith.constant 0 : i32
    %scan3A_145 = arith.constant 15 : i32
    %scan3A_146 = arith.addi %scan3A_144, %scan3A_145 : i32
    %scan3A_147 = arith.constant 1 : i32
    scf.for %scan3A_184 = %scan3A_144 to %scan3A_146 step %scan3A_147  : i32 {
      %mul3A_185 = arith.constant 8 : i32
      %mul3A_186 = arith.muli %scan3A_184, %mul3A_185 : i32
      %add3A_187 = arith.constant 0 : i32
      %add3A_188 = arith.addi %mul3A_186, %add3A_187 : i32
      %dma_wait3A_189 = arith.constant 0 : i32
      %dma_wait3A_190 = arith.constant 0 : i32
      %dma_wait3A_191 = tpu.memref_slice %arg2[%dma_wait3A_189, %dma_wait3A_190] : memref<10000x128xf32, #tpu.memory_space<hbm>> -> memref<10000x128xf32, #tpu.memory_space<hbm>>
      tpu.wait_indirect_dma semaphore(%arg24 : memref<!tpu.dma_semaphore, #tpu.memory_space<semaphore_mem>>) src(%dma_wait3A_191 : memref<10000x128xf32, #tpu.memory_space<hbm>>) dst(%arg8 : memref<80x128xf32, #tpu.memory_space<vmem>>)
      %dma_wait3A_192 = tpu.memref_slice %arg4[%mul3A_4] : memref<320000xi32, #tpu.memory_space<hbm>> -> memref<80xi32, #tpu.memory_space<hbm>>
      %dma_wait3A_193 = tpu.memref_slice %arg4[%mul3A_4] : memref<320000xi32, #tpu.memory_space<hbm>> -> memref<80xi32, #tpu.memory_space<hbm>>
      tpu.wait_dma2 semaphore(%arg28 : memref<!tpu.dma_semaphore, #tpu.memory_space<semaphore_mem>>) src(%dma_wait3A_193 : memref<80xi32, #tpu.memory_space<hbm>>) dst(%arg12 : memref<80xi32, #tpu.memory_space<vmem>>)
      "tpu.region"() ({
        %run_scoped3A = tpu.sem_alloc : memref<!tpu.dma_semaphore, #tpu.memory_space<semaphore_mem>>
        %dma_start3A_406 = arith.constant 0 : i32
        %dma_start3A_407 = arith.constant 0 : i32
        %dma_start3A_408 = tpu.memref_slice %arg7[%dma_start3A_406, %dma_start3A_407] : memref<10240x128xf32, #tpu.memory_space<vmem_shared>> -> memref<10240x128xf32, #tpu.memory_space<vmem_shared>>
        tpu.enqueue_indirect_dma source(%arg8 : memref<80x128xf32, #tpu.memory_space<vmem>>) target(%dma_start3A_408 : memref<10240x128xf32, #tpu.memory_space<vmem_shared>>) offsets(%arg12 : memref<80xi32, #tpu.memory_space<vmem>>) semaphore(%run_scoped3A : memref<!tpu.dma_semaphore, #tpu.memory_space<semaphore_mem>>) {add = true}
        %dma_wait3A_409 = arith.constant 0 : i32
        %dma_wait3A_410 = arith.constant 0 : i32
        %dma_wait3A_411 = tpu.memref_slice %arg7[%dma_wait3A_409, %dma_wait3A_410] : memref<10240x128xf32, #tpu.memory_space<vmem_shared>> -> memref<10240x128xf32, #tpu.memory_space<vmem_shared>>
        tpu.wait_indirect_dma semaphore(%run_scoped3A : memref<!tpu.dma_semaphore, #tpu.memory_space<semaphore_mem>>) src(%arg8 : memref<80x128xf32, #tpu.memory_space<vmem>>) dst(%dma_wait3A_411 : memref<10240x128xf32, #tpu.memory_space<vmem_shared>>)
        tpu.yield
      }) : () -> ()
      %add3A_194 = arith.constant 4 : i32
      %add3A_195 = arith.addi %add3A_188, %add3A_194 : i32
      %dma_wait3A_196 = tpu.memref_slice %arg3[%mul3A_4] : memref<320000xi32, #tpu.memory_space<hbm>> -> memref<80xi32, #tpu.memory_space<hbm>>
      %dma_wait3A_197 = tpu.memref_slice %arg3[%mul3A_4] : memref<320000xi32, #tpu.memory_space<hbm>> -> memref<80xi32, #tpu.memory_space<hbm>>
      tpu.wait_dma2 semaphore(%arg36 : memref<!tpu.dma_semaphore, #tpu.memory_space<semaphore_mem>>) src(%dma_wait3A_197 : memref<80xi32, #tpu.memory_space<hbm>>) dst(%arg20 : memref<80xi32, #tpu.memory_space<vmem>>)
      %dma_start3A_198 = arith.constant 0 : i32
      %dma_start3A_199 = arith.constant 0 : i32
      %dma_start3A_200 = tpu.memref_slice %arg2[%dma_start3A_198, %dma_start3A_199] : memref<10000x128xf32, #tpu.memory_space<hbm>> -> memref<10000x128xf32, #tpu.memory_space<hbm>>
      tpu.enqueue_indirect_dma source(%dma_start3A_200 : memref<10000x128xf32, #tpu.memory_space<hbm>>) target(%arg8 : memref<80x128xf32, #tpu.memory_space<vmem>>) offsets(%arg20 : memref<80xi32, #tpu.memory_space<vmem>>) semaphore(%arg24 : memref<!tpu.dma_semaphore, #tpu.memory_space<semaphore_mem>>)
      %mul3A_201 = arith.constant 80 : i32
      %mul3A_202 = arith.muli %add3A_195, %mul3A_201 : i32
      %add3A_203 = arith.addi %mul3A_4, %mul3A_202 : i32
      %dma_start3A_204 = tpu.memref_slice %arg4[%add3A_203] : memref<320000xi32, #tpu.memory_space<hbm>> -> memref<80xi32, #tpu.memory_space<hbm>>
      %dma_start3A_205 = tpu.memref_slice %arg4[%add3A_203] : memref<320000xi32, #tpu.memory_space<hbm>> -> memref<80xi32, #tpu.memory_space<hbm>>
      tpu.enqueue_dma source(%dma_start3A_205 : memref<80xi32, #tpu.memory_space<hbm>>) target(%arg12 : memref<80xi32, #tpu.memory_space<vmem>>) target_semaphore(%arg28 : memref<!tpu.dma_semaphore, #tpu.memory_space<semaphore_mem>>)
      %add3A_206 = arith.constant 8 : i32
      %add3A_207 = arith.addi %add3A_188, %add3A_206 : i32
      %lt3A = arith.constant 125 : i32
      %lt3A_208 = arith.cmpi slt, %add3A_207, %lt3A : i32
      %convert_element_type3A = arith.extui %lt3A_208 : i1 to i32
      %cond3A = arith.constant 0 : i32
      %cond3A_209 = arith.cmpi ne, %convert_element_type3A, %cond3A : i32
      scf.if %cond3A_209 {
        %mul3A_406 = arith.constant 80 : i32
        %mul3A_407 = arith.muli %add3A_207, %mul3A_406 : i32
        %add3A_408 = arith.addi %mul3A_4, %mul3A_407 : i32
        %dma_start3A_409 = tpu.memref_slice %arg3[%add3A_408] : memref<320000xi32, #tpu.memory_space<hbm>> -> memref<80xi32, #tpu.memory_space<hbm>>
        %dma_start3A_410 = tpu.memref_slice %arg3[%add3A_408] : memref<320000xi32, #tpu.memory_space<hbm>> -> memref<80xi32, #tpu.memory_space<hbm>>
        tpu.enqueue_dma source(%dma_start3A_410 : memref<80xi32, #tpu.memory_space<hbm>>) target(%arg16 : memref<80xi32, #tpu.memory_space<vmem>>) target_semaphore(%arg32 : memref<!tpu.dma_semaphore, #tpu.memory_space<semaphore_mem>>)
      } else {
      }
      %mul3A_210 = arith.constant 8 : i32
      %mul3A_211 = arith.muli %scan3A_184, %mul3A_210 : i32
      %add3A_212 = arith.constant 1 : i32
      %add3A_213 = arith.addi %mul3A_211, %add3A_212 : i32
      %dma_wait3A_214 = arith.constant 0 : i32
      %dma_wait3A_215 = arith.constant 0 : i32
      %dma_wait3A_216 = tpu.memref_slice %arg2[%dma_wait3A_214, %dma_wait3A_215] : memref<10000x128xf32, #tpu.memory_space<hbm>> -> memref<10000x128xf32, #tpu.memory_space<hbm>>
      tpu.wait_indirect_dma semaphore(%arg25 : memref<!tpu.dma_semaphore, #tpu.memory_space<semaphore_mem>>) src(%dma_wait3A_216 : memref<10000x128xf32, #tpu.memory_space<hbm>>) dst(%arg9 : memref<80x128xf32, #tpu.memory_space<vmem>>)
      %dma_wait3A_217 = tpu.memref_slice %arg4[%mul3A_4] : memref<320000xi32, #tpu.memory_space<hbm>> -> memref<80xi32, #tpu.memory_space<hbm>>
      %dma_wait3A_218 = tpu.memref_slice %arg4[%mul3A_4] : memref<320000xi32, #tpu.memory_space<hbm>> -> memref<80xi32, #tpu.memory_space<hbm>>
      tpu.wait_dma2 semaphore(%arg29 : memref<!tpu.dma_semaphore, #tpu.memory_space<semaphore_mem>>) src(%dma_wait3A_218 : memref<80xi32, #tpu.memory_space<hbm>>) dst(%arg13 : memref<80xi32, #tpu.memory_space<vmem>>)
      "tpu.region"() ({
        %run_scoped3A = tpu.sem_alloc : memref<!tpu.dma_semaphore, #tpu.memory_space<semaphore_mem>>
        %dma_start3A_406 = arith.constant 0 : i32
        %dma_start3A_407 = arith.constant 0 : i32
        %dma_start3A_408 = tpu.memref_slice %arg7[%dma_start3A_406, %dma_start3A_407] : memref<10240x128xf32, #tpu.memory_space<vmem_shared>> -> memref<10240x128xf32, #tpu.memory_space<vmem_shared>>
        tpu.enqueue_indirect_dma source(%arg9 : memref<80x128xf32, #tpu.memory_space<vmem>>) target(%dma_start3A_408 : memref<10240x128xf32, #tpu.memory_space<vmem_shared>>) offsets(%arg13 : memref<80xi32, #tpu.memory_space<vmem>>) semaphore(%run_scoped3A : memref<!tpu.dma_semaphore, #tpu.memory_space<semaphore_mem>>) {add = true}
        %dma_wait3A_409 = arith.constant 0 : i32
        %dma_wait3A_410 = arith.constant 0 : i32
        %dma_wait3A_411 = tpu.memref_slice %arg7[%dma_wait3A_409, %dma_wait3A_410] : memref<10240x128xf32, #tpu.memory_space<vmem_shared>> -> memref<10240x128xf32, #tpu.memory_space<vmem_shared>>
        tpu.wait_indirect_dma semaphore(%run_scoped3A : memref<!tpu.dma_semaphore, #tpu.memory_space<semaphore_mem>>) src(%arg9 : memref<80x128xf32, #tpu.memory_space<vmem>>) dst(%dma_wait3A_411 : memref<10240x128xf32, #tpu.memory_space<vmem_shared>>)
        tpu.yield
      }) : () -> ()
      %add3A_219 = arith.constant 4 : i32
      %add3A_220 = arith.addi %add3A_213, %add3A_219 : i32
      %dma_wait3A_221 = tpu.memref_slice %arg3[%mul3A_4] : memref<320000xi32, #tpu.memory_space<hbm>> -> memref<80xi32, #tpu.memory_space<hbm>>
      %dma_wait3A_222 = tpu.memref_slice %arg3[%mul3A_4] : memref<320000xi32, #tpu.memory_space<hbm>> -> memref<80xi32, #tpu.memory_space<hbm>>
      tpu.wait_dma2 semaphore(%arg37 : memref<!tpu.dma_semaphore, #tpu.memory_space<semaphore_mem>>) src(%dma_wait3A_222 : memref<80xi32, #tpu.memory_space<hbm>>) dst(%arg21 : memref<80xi32, #tpu.memory_space<vmem>>)
      %dma_start3A_223 = arith.constant 0 : i32
      %dma_start3A_224 = arith.constant 0 : i32
      %dma_start3A_225 = tpu.memref_slice %arg2[%dma_start3A_223, %dma_start3A_224] : memref<10000x128xf32, #tpu.memory_space<hbm>> -> memref<10000x128xf32, #tpu.memory_space<hbm>>
      tpu.enqueue_indirect_dma source(%dma_start3A_225 : memref<10000x128xf32, #tpu.memory_space<hbm>>) target(%arg9 : memref<80x128xf32, #tpu.memory_space<vmem>>) offsets(%arg21 : memref<80xi32, #tpu.memory_space<vmem>>) semaphore(%arg25 : memref<!tpu.dma_semaphore, #tpu.memory_space<semaphore_mem>>)
      %mul3A_226 = arith.constant 80 : i32
      %mul3A_227 = arith.muli %add3A_220, %mul3A_226 : i32
      %add3A_228 = arith.addi %mul3A_4, %mul3A_227 : i32
      %dma_start3A_229 = tpu.memref_slice %arg4[%add3A_228] : memref<320000xi32, #tpu.memory_space<hbm>> -> memref<80xi32, #tpu.memory_space<hbm>>
      %dma_start3A_230 = tpu.memref_slice %arg4[%add3A_228] : memref<320000xi32, #tpu.memory_space<hbm>> -> memref<80xi32, #tpu.memory_space<hbm>>
      tpu.enqueue_dma source(%dma_start3A_230 : memref<80xi32, #tpu.memory_space<hbm>>) target(%arg13 : memref<80xi32, #tpu.memory_space<vmem>>) target_semaphore(%arg29 : memref<!tpu.dma_semaphore, #tpu.memory_space<semaphore_mem>>)
      %add3A_231 = arith.constant 8 : i32
      %add3A_232 = arith.addi %add3A_213, %add3A_231 : i32
      %lt3A_233 = arith.constant 125 : i32
      %lt3A_234 = arith.cmpi slt, %add3A_232, %lt3A_233 : i32
      %convert_element_type3A_235 = arith.extui %lt3A_234 : i1 to i32
      %cond3A_236 = arith.constant 0 : i32
      %cond3A_237 = arith.cmpi ne, %convert_element_type3A_235, %cond3A_236 : i32
      scf.if %cond3A_237 {
        %mul3A_406 = arith.constant 80 : i32
        %mul3A_407 = arith.muli %add3A_232, %mul3A_406 : i32
        %add3A_408 = arith.addi %mul3A_4, %mul3A_407 : i32
        %dma_start3A_409 = tpu.memref_slice %arg3[%add3A_408] : memref<320000xi32, #tpu.memory_space<hbm>> -> memref<80xi32, #tpu.memory_space<hbm>>
        %dma_start3A_410 = tpu.memref_slice %arg3[%add3A_408] : memref<320000xi32, #tpu.memory_space<hbm>> -> memref<80xi32, #tpu.memory_space<hbm>>
        tpu.enqueue_dma source(%dma_start3A_410 : memref<80xi32, #tpu.memory_space<hbm>>) target(%arg17 : memref<80xi32, #tpu.memory_space<vmem>>) target_semaphore(%arg33 : memref<!tpu.dma_semaphore, #tpu.memory_space<semaphore_mem>>)
      } else {
      }
      %mul3A_238 = arith.constant 8 : i32
      %mul3A_239 = arith.muli %scan3A_184, %mul3A_238 : i32
      %add3A_240 = arith.constant 2 : i32
      %add3A_241 = arith.addi %mul3A_239, %add3A_240 : i32
      %dma_wait3A_242 = arith.constant 0 : i32
      %dma_wait3A_243 = arith.constant 0 : i32
      %dma_wait3A_244 = tpu.memref_slice %arg2[%dma_wait3A_242, %dma_wait3A_243] : memref<10000x128xf32, #tpu.memory_space<hbm>> -> memref<10000x128xf32, #tpu.memory_space<hbm>>
      tpu.wait_indirect_dma semaphore(%arg26 : memref<!tpu.dma_semaphore, #tpu.memory_space<semaphore_mem>>) src(%dma_wait3A_244 : memref<10000x128xf32, #tpu.memory_space<hbm>>) dst(%arg10 : memref<80x128xf32, #tpu.memory_space<vmem>>)
      %dma_wait3A_245 = tpu.memref_slice %arg4[%mul3A_4] : memref<320000xi32, #tpu.memory_space<hbm>> -> memref<80xi32, #tpu.memory_space<hbm>>
      %dma_wait3A_246 = tpu.memref_slice %arg4[%mul3A_4] : memref<320000xi32, #tpu.memory_space<hbm>> -> memref<80xi32, #tpu.memory_space<hbm>>
      tpu.wait_dma2 semaphore(%arg30 : memref<!tpu.dma_semaphore, #tpu.memory_space<semaphore_mem>>) src(%dma_wait3A_246 : memref<80xi32, #tpu.memory_space<hbm>>) dst(%arg14 : memref<80xi32, #tpu.memory_space<vmem>>)
      "tpu.region"() ({
        %run_scoped3A = tpu.sem_alloc : memref<!tpu.dma_semaphore, #tpu.memory_space<semaphore_mem>>
        %dma_start3A_406 = arith.constant 0 : i32
        %dma_start3A_407 = arith.constant 0 : i32
        %dma_start3A_408 = tpu.memref_slice %arg7[%dma_start3A_406, %dma_start3A_407] : memref<10240x128xf32, #tpu.memory_space<vmem_shared>> -> memref<10240x128xf32, #tpu.memory_space<vmem_shared>>
        tpu.enqueue_indirect_dma source(%arg10 : memref<80x128xf32, #tpu.memory_space<vmem>>) target(%dma_start3A_408 : memref<10240x128xf32, #tpu.memory_space<vmem_shared>>) offsets(%arg14 : memref<80xi32, #tpu.memory_space<vmem>>) semaphore(%run_scoped3A : memref<!tpu.dma_semaphore, #tpu.memory_space<semaphore_mem>>) {add = true}
        %dma_wait3A_409 = arith.constant 0 : i32
        %dma_wait3A_410 = arith.constant 0 : i32
        %dma_wait3A_411 = tpu.memref_slice %arg7[%dma_wait3A_409, %dma_wait3A_410] : memref<10240x128xf32, #tpu.memory_space<vmem_shared>> -> memref<10240x128xf32, #tpu.memory_space<vmem_shared>>
        tpu.wait_indirect_dma semaphore(%run_scoped3A : memref<!tpu.dma_semaphore, #tpu.memory_space<semaphore_mem>>) src(%arg10 : memref<80x128xf32, #tpu.memory_space<vmem>>) dst(%dma_wait3A_411 : memref<10240x128xf32, #tpu.memory_space<vmem_shared>>)
        tpu.yield
      }) : () -> ()
      %add3A_247 = arith.constant 4 : i32
      %add3A_248 = arith.addi %add3A_241, %add3A_247 : i32
      %dma_wait3A_249 = tpu.memref_slice %arg3[%mul3A_4] : memref<320000xi32, #tpu.memory_space<hbm>> -> memref<80xi32, #tpu.memory_space<hbm>>
      %dma_wait3A_250 = tpu.memref_slice %arg3[%mul3A_4] : memref<320000xi32, #tpu.memory_space<hbm>> -> memref<80xi32, #tpu.memory_space<hbm>>
      tpu.wait_dma2 semaphore(%arg38 : memref<!tpu.dma_semaphore, #tpu.memory_space<semaphore_mem>>) src(%dma_wait3A_250 : memref<80xi32, #tpu.memory_space<hbm>>) dst(%arg22 : memref<80xi32, #tpu.memory_space<vmem>>)
      %dma_start3A_251 = arith.constant 0 : i32
      %dma_start3A_252 = arith.constant 0 : i32
      %dma_start3A_253 = tpu.memref_slice %arg2[%dma_start3A_251, %dma_start3A_252] : memref<10000x128xf32, #tpu.memory_space<hbm>> -> memref<10000x128xf32, #tpu.memory_space<hbm>>
      tpu.enqueue_indirect_dma source(%dma_start3A_253 : memref<10000x128xf32, #tpu.memory_space<hbm>>) target(%arg10 : memref<80x128xf32, #tpu.memory_space<vmem>>) offsets(%arg22 : memref<80xi32, #tpu.memory_space<vmem>>) semaphore(%arg26 : memref<!tpu.dma_semaphore, #tpu.memory_space<semaphore_mem>>)
      %mul3A_254 = arith.constant 80 : i32
      %mul3A_255 = arith.muli %add3A_248, %mul3A_254 : i32
      %add3A_256 = arith.addi %mul3A_4, %mul3A_255 : i32
      %dma_start3A_257 = tpu.memref_slice %arg4[%add3A_256] : memref<320000xi32, #tpu.memory_space<hbm>> -> memref<80xi32, #tpu.memory_space<hbm>>
      %dma_start3A_258 = tpu.memref_slice %arg4[%add3A_256] : memref<320000xi32, #tpu.memory_space<hbm>> -> memref<80xi32, #tpu.memory_space<hbm>>
      tpu.enqueue_dma source(%dma_start3A_258 : memref<80xi32, #tpu.memory_space<hbm>>) target(%arg14 : memref<80xi32, #tpu.memory_space<vmem>>) target_semaphore(%arg30 : memref<!tpu.dma_semaphore, #tpu.memory_space<semaphore_mem>>)
      %add3A_259 = arith.constant 8 : i32
      %add3A_260 = arith.addi %add3A_241, %add3A_259 : i32
      %lt3A_261 = arith.constant 125 : i32
      %lt3A_262 = arith.cmpi slt, %add3A_260, %lt3A_261 : i32
      %convert_element_type3A_263 = arith.extui %lt3A_262 : i1 to i32
      %cond3A_264 = arith.constant 0 : i32
      %cond3A_265 = arith.cmpi ne, %convert_element_type3A_263, %cond3A_264 : i32
      scf.if %cond3A_265 {
        %mul3A_406 = arith.constant 80 : i32
        %mul3A_407 = arith.muli %add3A_260, %mul3A_406 : i32
        %add3A_408 = arith.addi %mul3A_4, %mul3A_407 : i32
        %dma_start3A_409 = tpu.memref_slice %arg3[%add3A_408] : memref<320000xi32, #tpu.memory_space<hbm>> -> memref<80xi32, #tpu.memory_space<hbm>>
        %dma_start3A_410 = tpu.memref_slice %arg3[%add3A_408] : memref<320000xi32, #tpu.memory_space<hbm>> -> memref<80xi32, #tpu.memory_space<hbm>>
        tpu.enqueue_dma source(%dma_start3A_410 : memref<80xi32, #tpu.memory_space<hbm>>) target(%arg18 : memref<80xi32, #tpu.memory_space<vmem>>) target_semaphore(%arg34 : memref<!tpu.dma_semaphore, #tpu.memory_space<semaphore_mem>>)
      } else {
      }
      %mul3A_266 = arith.constant 8 : i32
      %mul3A_267 = arith.muli %scan3A_184, %mul3A_266 : i32
      %add3A_268 = arith.constant 3 : i32
      %add3A_269 = arith.addi %mul3A_267, %add3A_268 : i32
      %dma_wait3A_270 = arith.constant 0 : i32
      %dma_wait3A_271 = arith.constant 0 : i32
      %dma_wait3A_272 = tpu.memref_slice %arg2[%dma_wait3A_270, %dma_wait3A_271] : memref<10000x128xf32, #tpu.memory_space<hbm>> -> memref<10000x128xf32, #tpu.memory_space<hbm>>
      tpu.wait_indirect_dma semaphore(%arg27 : memref<!tpu.dma_semaphore, #tpu.memory_space<semaphore_mem>>) src(%dma_wait3A_272 : memref<10000x128xf32, #tpu.memory_space<hbm>>) dst(%arg11 : memref<80x128xf32, #tpu.memory_space<vmem>>)
      %dma_wait3A_273 = tpu.memref_slice %arg4[%mul3A_4] : memref<320000xi32, #tpu.memory_space<hbm>> -> memref<80xi32, #tpu.memory_space<hbm>>
      %dma_wait3A_274 = tpu.memref_slice %arg4[%mul3A_4] : memref<320000xi32, #tpu.memory_space<hbm>> -> memref<80xi32, #tpu.memory_space<hbm>>
      tpu.wait_dma2 semaphore(%arg31 : memref<!tpu.dma_semaphore, #tpu.memory_space<semaphore_mem>>) src(%dma_wait3A_274 : memref<80xi32, #tpu.memory_space<hbm>>) dst(%arg15 : memref<80xi32, #tpu.memory_space<vmem>>)
      "tpu.region"() ({
        %run_scoped3A = tpu.sem_alloc : memref<!tpu.dma_semaphore, #tpu.memory_space<semaphore_mem>>
        %dma_start3A_406 = arith.constant 0 : i32
        %dma_start3A_407 = arith.constant 0 : i32
        %dma_start3A_408 = tpu.memref_slice %arg7[%dma_start3A_406, %dma_start3A_407] : memref<10240x128xf32, #tpu.memory_space<vmem_shared>> -> memref<10240x128xf32, #tpu.memory_space<vmem_shared>>
        tpu.enqueue_indirect_dma source(%arg11 : memref<80x128xf32, #tpu.memory_space<vmem>>) target(%dma_start3A_408 : memref<10240x128xf32, #tpu.memory_space<vmem_shared>>) offsets(%arg15 : memref<80xi32, #tpu.memory_space<vmem>>) semaphore(%run_scoped3A : memref<!tpu.dma_semaphore, #tpu.memory_space<semaphore_mem>>) {add = true}
        %dma_wait3A_409 = arith.constant 0 : i32
        %dma_wait3A_410 = arith.constant 0 : i32
        %dma_wait3A_411 = tpu.memref_slice %arg7[%dma_wait3A_409, %dma_wait3A_410] : memref<10240x128xf32, #tpu.memory_space<vmem_shared>> -> memref<10240x128xf32, #tpu.memory_space<vmem_shared>>
        tpu.wait_indirect_dma semaphore(%run_scoped3A : memref<!tpu.dma_semaphore, #tpu.memory_space<semaphore_mem>>) src(%arg11 : memref<80x128xf32, #tpu.memory_space<vmem>>) dst(%dma_wait3A_411 : memref<10240x128xf32, #tpu.memory_space<vmem_shared>>)
        tpu.yield
      }) : () -> ()
      %add3A_275 = arith.constant 4 : i32
      %add3A_276 = arith.addi %add3A_269, %add3A_275 : i32
      %dma_wait3A_277 = tpu.memref_slice %arg3[%mul3A_4] : memref<320000xi32, #tpu.memory_space<hbm>> -> memref<80xi32, #tpu.memory_space<hbm>>
      %dma_wait3A_278 = tpu.memref_slice %arg3[%mul3A_4] : memref<320000xi32, #tpu.memory_space<hbm>> -> memref<80xi32, #tpu.memory_space<hbm>>
      tpu.wait_dma2 semaphore(%arg39 : memref<!tpu.dma_semaphore, #tpu.memory_space<semaphore_mem>>) src(%dma_wait3A_278 : memref<80xi32, #tpu.memory_space<hbm>>) dst(%arg23 : memref<80xi32, #tpu.memory_space<vmem>>)
      %dma_start3A_279 = arith.constant 0 : i32
      %dma_start3A_280 = arith.constant 0 : i32
      %dma_start3A_281 = tpu.memref_slice %arg2[%dma_start3A_279, %dma_start3A_280] : memref<10000x128xf32, #tpu.memory_space<hbm>> -> memref<10000x128xf32, #tpu.memory_space<hbm>>
      tpu.enqueue_indirect_dma source(%dma_start3A_281 : memref<10000x128xf32, #tpu.memory_space<hbm>>) target(%arg11 : memref<80x128xf32, #tpu.memory_space<vmem>>) offsets(%arg23 : memref<80xi32, #tpu.memory_space<vmem>>) semaphore(%arg27 : memref<!tpu.dma_semaphore, #tpu.memory_space<semaphore_mem>>)
      %mul3A_282 = arith.constant 80 : i32
      %mul3A_283 = arith.muli %add3A_276, %mul3A_282 : i32
      %add3A_284 = arith.addi %mul3A_4, %mul3A_283 : i32
      %dma_start3A_285 = tpu.memref_slice %arg4[%add3A_284] : memref<320000xi32, #tpu.memory_space<hbm>> -> memref<80xi32, #tpu.memory_space<hbm>>
      %dma_start3A_286 = tpu.memref_slice %arg4[%add3A_284] : memref<320000xi32, #tpu.memory_space<hbm>> -> memref<80xi32, #tpu.memory_space<hbm>>
      tpu.enqueue_dma source(%dma_start3A_286 : memref<80xi32, #tpu.memory_space<hbm>>) target(%arg15 : memref<80xi32, #tpu.memory_space<vmem>>) target_semaphore(%arg31 : memref<!tpu.dma_semaphore, #tpu.memory_space<semaphore_mem>>)
      %add3A_287 = arith.constant 8 : i32
      %add3A_288 = arith.addi %add3A_269, %add3A_287 : i32
      %lt3A_289 = arith.constant 125 : i32
      %lt3A_290 = arith.cmpi slt, %add3A_288, %lt3A_289 : i32
      %convert_element_type3A_291 = arith.extui %lt3A_290 : i1 to i32
      %cond3A_292 = arith.constant 0 : i32
      %cond3A_293 = arith.cmpi ne, %convert_element_type3A_291, %cond3A_292 : i32
      scf.if %cond3A_293 {
        %mul3A_406 = arith.constant 80 : i32
        %mul3A_407 = arith.muli %add3A_288, %mul3A_406 : i32
        %add3A_408 = arith.addi %mul3A_4, %mul3A_407 : i32
        %dma_start3A_409 = tpu.memref_slice %arg3[%add3A_408] : memref<320000xi32, #tpu.memory_space<hbm>> -> memref<80xi32, #tpu.memory_space<hbm>>
        %dma_start3A_410 = tpu.memref_slice %arg3[%add3A_408] : memref<320000xi32, #tpu.memory_space<hbm>> -> memref<80xi32, #tpu.memory_space<hbm>>
        tpu.enqueue_dma source(%dma_start3A_410 : memref<80xi32, #tpu.memory_space<hbm>>) target(%arg19 : memref<80xi32, #tpu.memory_space<vmem>>) target_semaphore(%arg35 : memref<!tpu.dma_semaphore, #tpu.memory_space<semaphore_mem>>)
      } else {
      }
      %mul3A_294 = arith.constant 8 : i32
      %mul3A_295 = arith.muli %scan3A_184, %mul3A_294 : i32
      %add3A_296 = arith.constant 4 : i32
      %add3A_297 = arith.addi %mul3A_295, %add3A_296 : i32
      %dma_wait3A_298 = arith.constant 0 : i32
      %dma_wait3A_299 = arith.constant 0 : i32
      %dma_wait3A_300 = tpu.memref_slice %arg2[%dma_wait3A_298, %dma_wait3A_299] : memref<10000x128xf32, #tpu.memory_space<hbm>> -> memref<10000x128xf32, #tpu.memory_space<hbm>>
      tpu.wait_indirect_dma semaphore(%arg24 : memref<!tpu.dma_semaphore, #tpu.memory_space<semaphore_mem>>) src(%dma_wait3A_300 : memref<10000x128xf32, #tpu.memory_space<hbm>>) dst(%arg8 : memref<80x128xf32, #tpu.memory_space<vmem>>)
      %dma_wait3A_301 = tpu.memref_slice %arg4[%mul3A_4] : memref<320000xi32, #tpu.memory_space<hbm>> -> memref<80xi32, #tpu.memory_space<hbm>>
      %dma_wait3A_302 = tpu.memref_slice %arg4[%mul3A_4] : memref<320000xi32, #tpu.memory_space<hbm>> -> memref<80xi32, #tpu.memory_space<hbm>>
      tpu.wait_dma2 semaphore(%arg28 : memref<!tpu.dma_semaphore, #tpu.memory_space<semaphore_mem>>) src(%dma_wait3A_302 : memref<80xi32, #tpu.memory_space<hbm>>) dst(%arg12 : memref<80xi32, #tpu.memory_space<vmem>>)
      "tpu.region"() ({
        %run_scoped3A = tpu.sem_alloc : memref<!tpu.dma_semaphore, #tpu.memory_space<semaphore_mem>>
        %dma_start3A_406 = arith.constant 0 : i32
        %dma_start3A_407 = arith.constant 0 : i32
        %dma_start3A_408 = tpu.memref_slice %arg7[%dma_start3A_406, %dma_start3A_407] : memref<10240x128xf32, #tpu.memory_space<vmem_shared>> -> memref<10240x128xf32, #tpu.memory_space<vmem_shared>>
        tpu.enqueue_indirect_dma source(%arg8 : memref<80x128xf32, #tpu.memory_space<vmem>>) target(%dma_start3A_408 : memref<10240x128xf32, #tpu.memory_space<vmem_shared>>) offsets(%arg12 : memref<80xi32, #tpu.memory_space<vmem>>) semaphore(%run_scoped3A : memref<!tpu.dma_semaphore, #tpu.memory_space<semaphore_mem>>) {add = true}
        %dma_wait3A_409 = arith.constant 0 : i32
        %dma_wait3A_410 = arith.constant 0 : i32
        %dma_wait3A_411 = tpu.memref_slice %arg7[%dma_wait3A_409, %dma_wait3A_410] : memref<10240x128xf32, #tpu.memory_space<vmem_shared>> -> memref<10240x128xf32, #tpu.memory_space<vmem_shared>>
        tpu.wait_indirect_dma semaphore(%run_scoped3A : memref<!tpu.dma_semaphore, #tpu.memory_space<semaphore_mem>>) src(%arg8 : memref<80x128xf32, #tpu.memory_space<vmem>>) dst(%dma_wait3A_411 : memref<10240x128xf32, #tpu.memory_space<vmem_shared>>)
        tpu.yield
      }) : () -> ()
      %add3A_303 = arith.constant 4 : i32
      %add3A_304 = arith.addi %add3A_297, %add3A_303 : i32
      %dma_wait3A_305 = tpu.memref_slice %arg3[%mul3A_4] : memref<320000xi32, #tpu.memory_space<hbm>> -> memref<80xi32, #tpu.memory_space<hbm>>
      %dma_wait3A_306 = tpu.memref_slice %arg3[%mul3A_4] : memref<320000xi32, #tpu.memory_space<hbm>> -> memref<80xi32, #tpu.memory_space<hbm>>
      tpu.wait_dma2 semaphore(%arg32 : memref<!tpu.dma_semaphore, #tpu.memory_space<semaphore_mem>>) src(%dma_wait3A_306 : memref<80xi32, #tpu.memory_space<hbm>>) dst(%arg16 : memref<80xi32, #tpu.memory_space<vmem>>)
      %dma_start3A_307 = arith.constant 0 : i32
      %dma_start3A_308 = arith.constant 0 : i32
      %dma_start3A_309 = tpu.memref_slice %arg2[%dma_start3A_307, %dma_start3A_308] : memref<10000x128xf32, #tpu.memory_space<hbm>> -> memref<10000x128xf32, #tpu.memory_space<hbm>>
      tpu.enqueue_indirect_dma source(%dma_start3A_309 : memref<10000x128xf32, #tpu.memory_space<hbm>>) target(%arg8 : memref<80x128xf32, #tpu.memory_space<vmem>>) offsets(%arg16 : memref<80xi32, #tpu.memory_space<vmem>>) semaphore(%arg24 : memref<!tpu.dma_semaphore, #tpu.memory_space<semaphore_mem>>)
      %mul3A_310 = arith.constant 80 : i32
      %mul3A_311 = arith.muli %add3A_304, %mul3A_310 : i32
      %add3A_312 = arith.addi %mul3A_4, %mul3A_311 : i32
      %dma_start3A_313 = tpu.memref_slice %arg4[%add3A_312] : memref<320000xi32, #tpu.memory_space<hbm>> -> memref<80xi32, #tpu.memory_space<hbm>>
      %dma_start3A_314 = tpu.memref_slice %arg4[%add3A_312] : memref<320000xi32, #tpu.memory_space<hbm>> -> memref<80xi32, #tpu.memory_space<hbm>>
      tpu.enqueue_dma source(%dma_start3A_314 : memref<80xi32, #tpu.memory_space<hbm>>) target(%arg12 : memref<80xi32, #tpu.memory_space<vmem>>) target_semaphore(%arg28 : memref<!tpu.dma_semaphore, #tpu.memory_space<semaphore_mem>>)
      %add3A_315 = arith.constant 8 : i32
      %add3A_316 = arith.addi %add3A_297, %add3A_315 : i32
      %lt3A_317 = arith.constant 125 : i32
      %lt3A_318 = arith.cmpi slt, %add3A_316, %lt3A_317 : i32
      %convert_element_type3A_319 = arith.extui %lt3A_318 : i1 to i32
      %cond3A_320 = arith.constant 0 : i32
      %cond3A_321 = arith.cmpi ne, %convert_element_type3A_319, %cond3A_320 : i32
      scf.if %cond3A_321 {
        %mul3A_406 = arith.constant 80 : i32
        %mul3A_407 = arith.muli %add3A_316, %mul3A_406 : i32
        %add3A_408 = arith.addi %mul3A_4, %mul3A_407 : i32
        %dma_start3A_409 = tpu.memref_slice %arg3[%add3A_408] : memref<320000xi32, #tpu.memory_space<hbm>> -> memref<80xi32, #tpu.memory_space<hbm>>
        %dma_start3A_410 = tpu.memref_slice %arg3[%add3A_408] : memref<320000xi32, #tpu.memory_space<hbm>> -> memref<80xi32, #tpu.memory_space<hbm>>
        tpu.enqueue_dma source(%dma_start3A_410 : memref<80xi32, #tpu.memory_space<hbm>>) target(%arg20 : memref<80xi32, #tpu.memory_space<vmem>>) target_semaphore(%arg36 : memref<!tpu.dma_semaphore, #tpu.memory_space<semaphore_mem>>)
      } else {
      }
      %mul3A_322 = arith.constant 8 : i32
      %mul3A_323 = arith.muli %scan3A_184, %mul3A_322 : i32
      %add3A_324 = arith.constant 5 : i32
      %add3A_325 = arith.addi %mul3A_323, %add3A_324 : i32
      %dma_wait3A_326 = arith.constant 0 : i32
      %dma_wait3A_327 = arith.constant 0 : i32
      %dma_wait3A_328 = tpu.memref_slice %arg2[%dma_wait3A_326, %dma_wait3A_327] : memref<10000x128xf32, #tpu.memory_space<hbm>> -> memref<10000x128xf32, #tpu.memory_space<hbm>>
      tpu.wait_indirect_dma semaphore(%arg25 : memref<!tpu.dma_semaphore, #tpu.memory_space<semaphore_mem>>) src(%dma_wait3A_328 : memref<10000x128xf32, #tpu.memory_space<hbm>>) dst(%arg9 : memref<80x128xf32, #tpu.memory_space<vmem>>)
      %dma_wait3A_329 = tpu.memref_slice %arg4[%mul3A_4] : memref<320000xi32, #tpu.memory_space<hbm>> -> memref<80xi32, #tpu.memory_space<hbm>>
      %dma_wait3A_330 = tpu.memref_slice %arg4[%mul3A_4] : memref<320000xi32, #tpu.memory_space<hbm>> -> memref<80xi32, #tpu.memory_space<hbm>>
      tpu.wait_dma2 semaphore(%arg29 : memref<!tpu.dma_semaphore, #tpu.memory_space<semaphore_mem>>) src(%dma_wait3A_330 : memref<80xi32, #tpu.memory_space<hbm>>) dst(%arg13 : memref<80xi32, #tpu.memory_space<vmem>>)
      "tpu.region"() ({
        %run_scoped3A = tpu.sem_alloc : memref<!tpu.dma_semaphore, #tpu.memory_space<semaphore_mem>>
        %dma_start3A_406 = arith.constant 0 : i32
        %dma_start3A_407 = arith.constant 0 : i32
        %dma_start3A_408 = tpu.memref_slice %arg7[%dma_start3A_406, %dma_start3A_407] : memref<10240x128xf32, #tpu.memory_space<vmem_shared>> -> memref<10240x128xf32, #tpu.memory_space<vmem_shared>>
        tpu.enqueue_indirect_dma source(%arg9 : memref<80x128xf32, #tpu.memory_space<vmem>>) target(%dma_start3A_408 : memref<10240x128xf32, #tpu.memory_space<vmem_shared>>) offsets(%arg13 : memref<80xi32, #tpu.memory_space<vmem>>) semaphore(%run_scoped3A : memref<!tpu.dma_semaphore, #tpu.memory_space<semaphore_mem>>) {add = true}
        %dma_wait3A_409 = arith.constant 0 : i32
        %dma_wait3A_410 = arith.constant 0 : i32
        %dma_wait3A_411 = tpu.memref_slice %arg7[%dma_wait3A_409, %dma_wait3A_410] : memref<10240x128xf32, #tpu.memory_space<vmem_shared>> -> memref<10240x128xf32, #tpu.memory_space<vmem_shared>>
        tpu.wait_indirect_dma semaphore(%run_scoped3A : memref<!tpu.dma_semaphore, #tpu.memory_space<semaphore_mem>>) src(%arg9 : memref<80x128xf32, #tpu.memory_space<vmem>>) dst(%dma_wait3A_411 : memref<10240x128xf32, #tpu.memory_space<vmem_shared>>)
        tpu.yield
      }) : () -> ()
      %add3A_331 = arith.constant 4 : i32
      %add3A_332 = arith.addi %add3A_325, %add3A_331 : i32
      %dma_wait3A_333 = tpu.memref_slice %arg3[%mul3A_4] : memref<320000xi32, #tpu.memory_space<hbm>> -> memref<80xi32, #tpu.memory_space<hbm>>
      %dma_wait3A_334 = tpu.memref_slice %arg3[%mul3A_4] : memref<320000xi32, #tpu.memory_space<hbm>> -> memref<80xi32, #tpu.memory_space<hbm>>
      tpu.wait_dma2 semaphore(%arg33 : memref<!tpu.dma_semaphore, #tpu.memory_space<semaphore_mem>>) src(%dma_wait3A_334 : memref<80xi32, #tpu.memory_space<hbm>>) dst(%arg17 : memref<80xi32, #tpu.memory_space<vmem>>)
      %dma_start3A_335 = arith.constant 0 : i32
      %dma_start3A_336 = arith.constant 0 : i32
      %dma_start3A_337 = tpu.memref_slice %arg2[%dma_start3A_335, %dma_start3A_336] : memref<10000x128xf32, #tpu.memory_space<hbm>> -> memref<10000x128xf32, #tpu.memory_space<hbm>>
      tpu.enqueue_indirect_dma source(%dma_start3A_337 : memref<10000x128xf32, #tpu.memory_space<hbm>>) target(%arg9 : memref<80x128xf32, #tpu.memory_space<vmem>>) offsets(%arg17 : memref<80xi32, #tpu.memory_space<vmem>>) semaphore(%arg25 : memref<!tpu.dma_semaphore, #tpu.memory_space<semaphore_mem>>)
      %mul3A_338 = arith.constant 80 : i32
      %mul3A_339 = arith.muli %add3A_332, %mul3A_338 : i32
      %add3A_340 = arith.addi %mul3A_4, %mul3A_339 : i32
      %dma_start3A_341 = tpu.memref_slice %arg4[%add3A_340] : memref<320000xi32, #tpu.memory_space<hbm>> -> memref<80xi32, #tpu.memory_space<hbm>>
      %dma_start3A_342 = tpu.memref_slice %arg4[%add3A_340] : memref<320000xi32, #tpu.memory_space<hbm>> -> memref<80xi32, #tpu.memory_space<hbm>>
      tpu.enqueue_dma source(%dma_start3A_342 : memref<80xi32, #tpu.memory_space<hbm>>) target(%arg13 : memref<80xi32, #tpu.memory_space<vmem>>) target_semaphore(%arg29 : memref<!tpu.dma_semaphore, #tpu.memory_space<semaphore_mem>>)
      %add3A_343 = arith.constant 8 : i32
      %add3A_344 = arith.addi %add3A_325, %add3A_343 : i32
      %lt3A_345 = arith.constant 125 : i32
      %lt3A_346 = arith.cmpi slt, %add3A_344, %lt3A_345 : i32
      %convert_element_type3A_347 = arith.extui %lt3A_346 : i1 to i32
      %cond3A_348 = arith.constant 0 : i32
      %cond3A_349 = arith.cmpi ne, %convert_element_type3A_347, %cond3A_348 : i32
      scf.if %cond3A_349 {
        %mul3A_406 = arith.constant 80 : i32
        %mul3A_407 = arith.muli %add3A_344, %mul3A_406 : i32
        %add3A_408 = arith.addi %mul3A_4, %mul3A_407 : i32
        %dma_start3A_409 = tpu.memref_slice %arg3[%add3A_408] : memref<320000xi32, #tpu.memory_space<hbm>> -> memref<80xi32, #tpu.memory_space<hbm>>
        %dma_start3A_410 = tpu.memref_slice %arg3[%add3A_408] : memref<320000xi32, #tpu.memory_space<hbm>> -> memref<80xi32, #tpu.memory_space<hbm>>
        tpu.enqueue_dma source(%dma_start3A_410 : memref<80xi32, #tpu.memory_space<hbm>>) target(%arg21 : memref<80xi32, #tpu.memory_space<vmem>>) target_semaphore(%arg37 : memref<!tpu.dma_semaphore, #tpu.memory_space<semaphore_mem>>)
      } else {
      }
      %mul3A_350 = arith.constant 8 : i32
      %mul3A_351 = arith.muli %scan3A_184, %mul3A_350 : i32
      %add3A_352 = arith.constant 6 : i32
      %add3A_353 = arith.addi %mul3A_351, %add3A_352 : i32
      %dma_wait3A_354 = arith.constant 0 : i32
      %dma_wait3A_355 = arith.constant 0 : i32
      %dma_wait3A_356 = tpu.memref_slice %arg2[%dma_wait3A_354, %dma_wait3A_355] : memref<10000x128xf32, #tpu.memory_space<hbm>> -> memref<10000x128xf32, #tpu.memory_space<hbm>>
      tpu.wait_indirect_dma semaphore(%arg26 : memref<!tpu.dma_semaphore, #tpu.memory_space<semaphore_mem>>) src(%dma_wait3A_356 : memref<10000x128xf32, #tpu.memory_space<hbm>>) dst(%arg10 : memref<80x128xf32, #tpu.memory_space<vmem>>)
      %dma_wait3A_357 = tpu.memref_slice %arg4[%mul3A_4] : memref<320000xi32, #tpu.memory_space<hbm>> -> memref<80xi32, #tpu.memory_space<hbm>>
      %dma_wait3A_358 = tpu.memref_slice %arg4[%mul3A_4] : memref<320000xi32, #tpu.memory_space<hbm>> -> memref<80xi32, #tpu.memory_space<hbm>>
      tpu.wait_dma2 semaphore(%arg30 : memref<!tpu.dma_semaphore, #tpu.memory_space<semaphore_mem>>) src(%dma_wait3A_358 : memref<80xi32, #tpu.memory_space<hbm>>) dst(%arg14 : memref<80xi32, #tpu.memory_space<vmem>>)
      "tpu.region"() ({
        %run_scoped3A = tpu.sem_alloc : memref<!tpu.dma_semaphore, #tpu.memory_space<semaphore_mem>>
        %dma_start3A_406 = arith.constant 0 : i32
        %dma_start3A_407 = arith.constant 0 : i32
        %dma_start3A_408 = tpu.memref_slice %arg7[%dma_start3A_406, %dma_start3A_407] : memref<10240x128xf32, #tpu.memory_space<vmem_shared>> -> memref<10240x128xf32, #tpu.memory_space<vmem_shared>>
        tpu.enqueue_indirect_dma source(%arg10 : memref<80x128xf32, #tpu.memory_space<vmem>>) target(%dma_start3A_408 : memref<10240x128xf32, #tpu.memory_space<vmem_shared>>) offsets(%arg14 : memref<80xi32, #tpu.memory_space<vmem>>) semaphore(%run_scoped3A : memref<!tpu.dma_semaphore, #tpu.memory_space<semaphore_mem>>) {add = true}
        %dma_wait3A_409 = arith.constant 0 : i32
        %dma_wait3A_410 = arith.constant 0 : i32
        %dma_wait3A_411 = tpu.memref_slice %arg7[%dma_wait3A_409, %dma_wait3A_410] : memref<10240x128xf32, #tpu.memory_space<vmem_shared>> -> memref<10240x128xf32, #tpu.memory_space<vmem_shared>>
        tpu.wait_indirect_dma semaphore(%run_scoped3A : memref<!tpu.dma_semaphore, #tpu.memory_space<semaphore_mem>>) src(%arg10 : memref<80x128xf32, #tpu.memory_space<vmem>>) dst(%dma_wait3A_411 : memref<10240x128xf32, #tpu.memory_space<vmem_shared>>)
        tpu.yield
      }) : () -> ()
      %add3A_359 = arith.constant 4 : i32
      %add3A_360 = arith.addi %add3A_353, %add3A_359 : i32
      %dma_wait3A_361 = tpu.memref_slice %arg3[%mul3A_4] : memref<320000xi32, #tpu.memory_space<hbm>> -> memref<80xi32, #tpu.memory_space<hbm>>
      %dma_wait3A_362 = tpu.memref_slice %arg3[%mul3A_4] : memref<320000xi32, #tpu.memory_space<hbm>> -> memref<80xi32, #tpu.memory_space<hbm>>
      tpu.wait_dma2 semaphore(%arg34 : memref<!tpu.dma_semaphore, #tpu.memory_space<semaphore_mem>>) src(%dma_wait3A_362 : memref<80xi32, #tpu.memory_space<hbm>>) dst(%arg18 : memref<80xi32, #tpu.memory_space<vmem>>)
      %dma_start3A_363 = arith.constant 0 : i32
      %dma_start3A_364 = arith.constant 0 : i32
      %dma_start3A_365 = tpu.memref_slice %arg2[%dma_start3A_363, %dma_start3A_364] : memref<10000x128xf32, #tpu.memory_space<hbm>> -> memref<10000x128xf32, #tpu.memory_space<hbm>>
      tpu.enqueue_indirect_dma source(%dma_start3A_365 : memref<10000x128xf32, #tpu.memory_space<hbm>>) target(%arg10 : memref<80x128xf32, #tpu.memory_space<vmem>>) offsets(%arg18 : memref<80xi32, #tpu.memory_space<vmem>>) semaphore(%arg26 : memref<!tpu.dma_semaphore, #tpu.memory_space<semaphore_mem>>)
      %mul3A_366 = arith.constant 80 : i32
      %mul3A_367 = arith.muli %add3A_360, %mul3A_366 : i32
      %add3A_368 = arith.addi %mul3A_4, %mul3A_367 : i32
      %dma_start3A_369 = tpu.memref_slice %arg4[%add3A_368] : memref<320000xi32, #tpu.memory_space<hbm>> -> memref<80xi32, #tpu.memory_space<hbm>>
      %dma_start3A_370 = tpu.memref_slice %arg4[%add3A_368] : memref<320000xi32, #tpu.memory_space<hbm>> -> memref<80xi32, #tpu.memory_space<hbm>>
      tpu.enqueue_dma source(%dma_start3A_370 : memref<80xi32, #tpu.memory_space<hbm>>) target(%arg14 : memref<80xi32, #tpu.memory_space<vmem>>) target_semaphore(%arg30 : memref<!tpu.dma_semaphore, #tpu.memory_space<semaphore_mem>>)
      %add3A_371 = arith.constant 8 : i32
      %add3A_372 = arith.addi %add3A_353, %add3A_371 : i32
      %lt3A_373 = arith.constant 125 : i32
      %lt3A_374 = arith.cmpi slt, %add3A_372, %lt3A_373 : i32
      %convert_element_type3A_375 = arith.extui %lt3A_374 : i1 to i32
      %cond3A_376 = arith.constant 0 : i32
      %cond3A_377 = arith.cmpi ne, %convert_element_type3A_375, %cond3A_376 : i32
      scf.if %cond3A_377 {
        %mul3A_406 = arith.constant 80 : i32
        %mul3A_407 = arith.muli %add3A_372, %mul3A_406 : i32
        %add3A_408 = arith.addi %mul3A_4, %mul3A_407 : i32
        %dma_start3A_409 = tpu.memref_slice %arg3[%add3A_408] : memref<320000xi32, #tpu.memory_space<hbm>> -> memref<80xi32, #tpu.memory_space<hbm>>
        %dma_start3A_410 = tpu.memref_slice %arg3[%add3A_408] : memref<320000xi32, #tpu.memory_space<hbm>> -> memref<80xi32, #tpu.memory_space<hbm>>
        tpu.enqueue_dma source(%dma_start3A_410 : memref<80xi32, #tpu.memory_space<hbm>>) target(%arg22 : memref<80xi32, #tpu.memory_space<vmem>>) target_semaphore(%arg38 : memref<!tpu.dma_semaphore, #tpu.memory_space<semaphore_mem>>)
      } else {
      }
      %mul3A_378 = arith.constant 8 : i32
      %mul3A_379 = arith.muli %scan3A_184, %mul3A_378 : i32
      %add3A_380 = arith.constant 7 : i32
      %add3A_381 = arith.addi %mul3A_379, %add3A_380 : i32
      %dma_wait3A_382 = arith.constant 0 : i32
      %dma_wait3A_383 = arith.constant 0 : i32
      %dma_wait3A_384 = tpu.memref_slice %arg2[%dma_wait3A_382, %dma_wait3A_383] : memref<10000x128xf32, #tpu.memory_space<hbm>> -> memref<10000x128xf32, #tpu.memory_space<hbm>>
      tpu.wait_indirect_dma semaphore(%arg27 : memref<!tpu.dma_semaphore, #tpu.memory_space<semaphore_mem>>) src(%dma_wait3A_384 : memref<10000x128xf32, #tpu.memory_space<hbm>>) dst(%arg11 : memref<80x128xf32, #tpu.memory_space<vmem>>)
      %dma_wait3A_385 = tpu.memref_slice %arg4[%mul3A_4] : memref<320000xi32, #tpu.memory_space<hbm>> -> memref<80xi32, #tpu.memory_space<hbm>>
      %dma_wait3A_386 = tpu.memref_slice %arg4[%mul3A_4] : memref<320000xi32, #tpu.memory_space<hbm>> -> memref<80xi32, #tpu.memory_space<hbm>>
      tpu.wait_dma2 semaphore(%arg31 : memref<!tpu.dma_semaphore, #tpu.memory_space<semaphore_mem>>) src(%dma_wait3A_386 : memref<80xi32, #tpu.memory_space<hbm>>) dst(%arg15 : memref<80xi32, #tpu.memory_space<vmem>>)
      "tpu.region"() ({
        %run_scoped3A = tpu.sem_alloc : memref<!tpu.dma_semaphore, #tpu.memory_space<semaphore_mem>>
        %dma_start3A_406 = arith.constant 0 : i32
        %dma_start3A_407 = arith.constant 0 : i32
        %dma_start3A_408 = tpu.memref_slice %arg7[%dma_start3A_406, %dma_start3A_407] : memref<10240x128xf32, #tpu.memory_space<vmem_shared>> -> memref<10240x128xf32, #tpu.memory_space<vmem_shared>>
        tpu.enqueue_indirect_dma source(%arg11 : memref<80x128xf32, #tpu.memory_space<vmem>>) target(%dma_start3A_408 : memref<10240x128xf32, #tpu.memory_space<vmem_shared>>) offsets(%arg15 : memref<80xi32, #tpu.memory_space<vmem>>) semaphore(%run_scoped3A : memref<!tpu.dma_semaphore, #tpu.memory_space<semaphore_mem>>) {add = true}
        %dma_wait3A_409 = arith.constant 0 : i32
        %dma_wait3A_410 = arith.constant 0 : i32
        %dma_wait3A_411 = tpu.memref_slice %arg7[%dma_wait3A_409, %dma_wait3A_410] : memref<10240x128xf32, #tpu.memory_space<vmem_shared>> -> memref<10240x128xf32, #tpu.memory_space<vmem_shared>>
        tpu.wait_indirect_dma semaphore(%run_scoped3A : memref<!tpu.dma_semaphore, #tpu.memory_space<semaphore_mem>>) src(%arg11 : memref<80x128xf32, #tpu.memory_space<vmem>>) dst(%dma_wait3A_411 : memref<10240x128xf32, #tpu.memory_space<vmem_shared>>)
        tpu.yield
      }) : () -> ()
      %add3A_387 = arith.constant 4 : i32
      %add3A_388 = arith.addi %add3A_381, %add3A_387 : i32
      %dma_wait3A_389 = tpu.memref_slice %arg3[%mul3A_4] : memref<320000xi32, #tpu.memory_space<hbm>> -> memref<80xi32, #tpu.memory_space<hbm>>
      %dma_wait3A_390 = tpu.memref_slice %arg3[%mul3A_4] : memref<320000xi32, #tpu.memory_space<hbm>> -> memref<80xi32, #tpu.memory_space<hbm>>
      tpu.wait_dma2 semaphore(%arg35 : memref<!tpu.dma_semaphore, #tpu.memory_space<semaphore_mem>>) src(%dma_wait3A_390 : memref<80xi32, #tpu.memory_space<hbm>>) dst(%arg19 : memref<80xi32, #tpu.memory_space<vmem>>)
      %dma_start3A_391 = arith.constant 0 : i32
      %dma_start3A_392 = arith.constant 0 : i32
      %dma_start3A_393 = tpu.memref_slice %arg2[%dma_start3A_391, %dma_start3A_392] : memref<10000x128xf32, #tpu.memory_space<hbm>> -> memref<10000x128xf32, #tpu.memory_space<hbm>>
      tpu.enqueue_indirect_dma source(%dma_start3A_393 : memref<10000x128xf32, #tpu.memory_space<hbm>>) target(%arg11 : memref<80x128xf32, #tpu.memory_space<vmem>>) offsets(%arg19 : memref<80xi32, #tpu.memory_space<vmem>>) semaphore(%arg27 : memref<!tpu.dma_semaphore, #tpu.memory_space<semaphore_mem>>)
      %mul3A_394 = arith.constant 80 : i32
      %mul3A_395 = arith.muli %add3A_388, %mul3A_394 : i32
      %add3A_396 = arith.addi %mul3A_4, %mul3A_395 : i32
      %dma_start3A_397 = tpu.memref_slice %arg4[%add3A_396] : memref<320000xi32, #tpu.memory_space<hbm>> -> memref<80xi32, #tpu.memory_space<hbm>>
      %dma_start3A_398 = tpu.memref_slice %arg4[%add3A_396] : memref<320000xi32, #tpu.memory_space<hbm>> -> memref<80xi32, #tpu.memory_space<hbm>>
      tpu.enqueue_dma source(%dma_start3A_398 : memref<80xi32, #tpu.memory_space<hbm>>) target(%arg15 : memref<80xi32, #tpu.memory_space<vmem>>) target_semaphore(%arg31 : memref<!tpu.dma_semaphore, #tpu.memory_space<semaphore_mem>>)
      %add3A_399 = arith.constant 8 : i32
      %add3A_400 = arith.addi %add3A_381, %add3A_399 : i32
      %lt3A_401 = arith.constant 125 : i32
      %lt3A_402 = arith.cmpi slt, %add3A_400, %lt3A_401 : i32
      %convert_element_type3A_403 = arith.extui %lt3A_402 : i1 to i32
      %cond3A_404 = arith.constant 0 : i32
      %cond3A_405 = arith.cmpi ne, %convert_element_type3A_403, %cond3A_404 : i32
      scf.if %cond3A_405 {
        %mul3A_406 = arith.constant 80 : i32
        %mul3A_407 = arith.muli %add3A_400, %mul3A_406 : i32
        %add3A_408 = arith.addi %mul3A_4, %mul3A_407 : i32
        %dma_start3A_409 = tpu.memref_slice %arg3[%add3A_408] : memref<320000xi32, #tpu.memory_space<hbm>> -> memref<80xi32, #tpu.memory_space<hbm>>
        %dma_start3A_410 = tpu.memref_slice %arg3[%add3A_408] : memref<320000xi32, #tpu.memory_space<hbm>> -> memref<80xi32, #tpu.memory_space<hbm>>
        tpu.enqueue_dma source(%dma_start3A_410 : memref<80xi32, #tpu.memory_space<hbm>>) target(%arg23 : memref<80xi32, #tpu.memory_space<vmem>>) target_semaphore(%arg39 : memref<!tpu.dma_semaphore, #tpu.memory_space<semaphore_mem>>)
      } else {
      }
    }
    %scan3A_148 = arith.constant 15 : i32
    %dma_wait3A_149 = arith.constant 0 : i32
    %dma_wait3A_150 = arith.constant 0 : i32
    %dma_wait3A_151 = tpu.memref_slice %arg2[%dma_wait3A_149, %dma_wait3A_150] : memref<10000x128xf32, #tpu.memory_space<hbm>> -> memref<10000x128xf32, #tpu.memory_space<hbm>>
    tpu.wait_indirect_dma semaphore(%arg24 : memref<!tpu.dma_semaphore, #tpu.memory_space<semaphore_mem>>) src(%dma_wait3A_151 : memref<10000x128xf32, #tpu.memory_space<hbm>>) dst(%arg8 : memref<80x128xf32, #tpu.memory_space<vmem>>)
    %dma_wait3A_152 = tpu.memref_slice %arg4[%mul3A_4] : memref<320000xi32, #tpu.memory_space<hbm>> -> memref<80xi32, #tpu.memory_space<hbm>>
    %dma_wait3A_153 = tpu.memref_slice %arg4[%mul3A_4] : memref<320000xi32, #tpu.memory_space<hbm>> -> memref<80xi32, #tpu.memory_space<hbm>>
    tpu.wait_dma2 semaphore(%arg28 : memref<!tpu.dma_semaphore, #tpu.memory_space<semaphore_mem>>) src(%dma_wait3A_153 : memref<80xi32, #tpu.memory_space<hbm>>) dst(%arg12 : memref<80xi32, #tpu.memory_space<vmem>>)
    "tpu.region"() ({
      %run_scoped3A = tpu.sem_alloc : memref<!tpu.dma_semaphore, #tpu.memory_space<semaphore_mem>>
      %dma_start3A_184 = arith.constant 0 : i32
      %dma_start3A_185 = arith.constant 0 : i32
      %dma_start3A_186 = tpu.memref_slice %arg7[%dma_start3A_184, %dma_start3A_185] : memref<10240x128xf32, #tpu.memory_space<vmem_shared>> -> memref<10240x128xf32, #tpu.memory_space<vmem_shared>>
      tpu.enqueue_indirect_dma source(%arg8 : memref<80x128xf32, #tpu.memory_space<vmem>>) target(%dma_start3A_186 : memref<10240x128xf32, #tpu.memory_space<vmem_shared>>) offsets(%arg12 : memref<80xi32, #tpu.memory_space<vmem>>) semaphore(%run_scoped3A : memref<!tpu.dma_semaphore, #tpu.memory_space<semaphore_mem>>) {add = true}
      %dma_wait3A_187 = arith.constant 0 : i32
      %dma_wait3A_188 = arith.constant 0 : i32
      %dma_wait3A_189 = tpu.memref_slice %arg7[%dma_wait3A_187, %dma_wait3A_188] : memref<10240x128xf32, #tpu.memory_space<vmem_shared>> -> memref<10240x128xf32, #tpu.memory_space<vmem_shared>>
      tpu.wait_indirect_dma semaphore(%run_scoped3A : memref<!tpu.dma_semaphore, #tpu.memory_space<semaphore_mem>>) src(%arg8 : memref<80x128xf32, #tpu.memory_space<vmem>>) dst(%dma_wait3A_189 : memref<10240x128xf32, #tpu.memory_space<vmem_shared>>)
      tpu.yield
    }) : () -> ()
    %dma_wait3A_154 = tpu.memref_slice %arg3[%mul3A_4] : memref<320000xi32, #tpu.memory_space<hbm>> -> memref<80xi32, #tpu.memory_space<hbm>>
    %dma_wait3A_155 = tpu.memref_slice %arg3[%mul3A_4] : memref<320000xi32, #tpu.memory_space<hbm>> -> memref<80xi32, #tpu.memory_space<hbm>>
    tpu.wait_dma2 semaphore(%arg36 : memref<!tpu.dma_semaphore, #tpu.memory_space<semaphore_mem>>) src(%dma_wait3A_155 : memref<80xi32, #tpu.memory_space<hbm>>) dst(%arg20 : memref<80xi32, #tpu.memory_space<vmem>>)
    %dma_start3A_156 = arith.constant 0 : i32
    %dma_start3A_157 = arith.constant 0 : i32
    %dma_start3A_158 = tpu.memref_slice %arg2[%dma_start3A_156, %dma_start3A_157] : memref<10000x128xf32, #tpu.memory_space<hbm>> -> memref<10000x128xf32, #tpu.memory_space<hbm>>
    tpu.enqueue_indirect_dma source(%dma_start3A_158 : memref<10000x128xf32, #tpu.memory_space<hbm>>) target(%arg8 : memref<80x128xf32, #tpu.memory_space<vmem>>) offsets(%arg20 : memref<80xi32, #tpu.memory_space<vmem>>) semaphore(%arg24 : memref<!tpu.dma_semaphore, #tpu.memory_space<semaphore_mem>>)
    %add3A_159 = arith.constant 9920 : i32
    %add3A_160 = arith.addi %mul3A_4, %add3A_159 : i32
    %dma_start3A_161 = tpu.memref_slice %arg4[%add3A_160] : memref<320000xi32, #tpu.memory_space<hbm>> -> memref<80xi32, #tpu.memory_space<hbm>>
    %dma_start3A_162 = tpu.memref_slice %arg4[%add3A_160] : memref<320000xi32, #tpu.memory_space<hbm>> -> memref<80xi32, #tpu.memory_space<hbm>>
    tpu.enqueue_dma source(%dma_start3A_162 : memref<80xi32, #tpu.memory_space<hbm>>) target(%arg12 : memref<80xi32, #tpu.memory_space<vmem>>) target_semaphore(%arg28 : memref<!tpu.dma_semaphore, #tpu.memory_space<semaphore_mem>>)
    %dma_wait3A_163 = arith.constant 0 : i32
    %dma_wait3A_164 = arith.constant 0 : i32
    %dma_wait3A_165 = tpu.memref_slice %arg2[%dma_wait3A_163, %dma_wait3A_164] : memref<10000x128xf32, #tpu.memory_space<hbm>> -> memref<10000x128xf32, #tpu.memory_space<hbm>>
    tpu.wait_indirect_dma semaphore(%arg25 : memref<!tpu.dma_semaphore, #tpu.memory_space<semaphore_mem>>) src(%dma_wait3A_165 : memref<10000x128xf32, #tpu.memory_space<hbm>>) dst(%arg9 : memref<80x128xf32, #tpu.memory_space<vmem>>)
    %dma_wait3A_166 = tpu.memref_slice %arg4[%mul3A_4] : memref<320000xi32, #tpu.memory_space<hbm>> -> memref<80xi32, #tpu.memory_space<hbm>>
    %dma_wait3A_167 = tpu.memref_slice %arg4[%mul3A_4] : memref<320000xi32, #tpu.memory_space<hbm>> -> memref<80xi32, #tpu.memory_space<hbm>>
    tpu.wait_dma2 semaphore(%arg29 : memref<!tpu.dma_semaphore, #tpu.memory_space<semaphore_mem>>) src(%dma_wait3A_167 : memref<80xi32, #tpu.memory_space<hbm>>) dst(%arg13 : memref<80xi32, #tpu.memory_space<vmem>>)
    "tpu.region"() ({
      %run_scoped3A = tpu.sem_alloc : memref<!tpu.dma_semaphore, #tpu.memory_space<semaphore_mem>>
      %dma_start3A_184 = arith.constant 0 : i32
      %dma_start3A_185 = arith.constant 0 : i32
      %dma_start3A_186 = tpu.memref_slice %arg7[%dma_start3A_184, %dma_start3A_185] : memref<10240x128xf32, #tpu.memory_space<vmem_shared>> -> memref<10240x128xf32, #tpu.memory_space<vmem_shared>>
      tpu.enqueue_indirect_dma source(%arg9 : memref<80x128xf32, #tpu.memory_space<vmem>>) target(%dma_start3A_186 : memref<10240x128xf32, #tpu.memory_space<vmem_shared>>) offsets(%arg13 : memref<80xi32, #tpu.memory_space<vmem>>) semaphore(%run_scoped3A : memref<!tpu.dma_semaphore, #tpu.memory_space<semaphore_mem>>) {add = true}
      %dma_wait3A_187 = arith.constant 0 : i32
      %dma_wait3A_188 = arith.constant 0 : i32
      %dma_wait3A_189 = tpu.memref_slice %arg7[%dma_wait3A_187, %dma_wait3A_188] : memref<10240x128xf32, #tpu.memory_space<vmem_shared>> -> memref<10240x128xf32, #tpu.memory_space<vmem_shared>>
      tpu.wait_indirect_dma semaphore(%run_scoped3A : memref<!tpu.dma_semaphore, #tpu.memory_space<semaphore_mem>>) src(%arg9 : memref<80x128xf32, #tpu.memory_space<vmem>>) dst(%dma_wait3A_189 : memref<10240x128xf32, #tpu.memory_space<vmem_shared>>)
      tpu.yield
    }) : () -> ()
    %dma_wait3A_168 = arith.constant 0 : i32
    %dma_wait3A_169 = arith.constant 0 : i32
    %dma_wait3A_170 = tpu.memref_slice %arg2[%dma_wait3A_168, %dma_wait3A_169] : memref<10000x128xf32, #tpu.memory_space<hbm>> -> memref<10000x128xf32, #tpu.memory_space<hbm>>
    tpu.wait_indirect_dma semaphore(%arg26 : memref<!tpu.dma_semaphore, #tpu.memory_space<semaphore_mem>>) src(%dma_wait3A_170 : memref<10000x128xf32, #tpu.memory_space<hbm>>) dst(%arg10 : memref<80x128xf32, #tpu.memory_space<vmem>>)
    %dma_wait3A_171 = tpu.memref_slice %arg4[%mul3A_4] : memref<320000xi32, #tpu.memory_space<hbm>> -> memref<80xi32, #tpu.memory_space<hbm>>
    %dma_wait3A_172 = tpu.memref_slice %arg4[%mul3A_4] : memref<320000xi32, #tpu.memory_space<hbm>> -> memref<80xi32, #tpu.memory_space<hbm>>
    tpu.wait_dma2 semaphore(%arg30 : memref<!tpu.dma_semaphore, #tpu.memory_space<semaphore_mem>>) src(%dma_wait3A_172 : memref<80xi32, #tpu.memory_space<hbm>>) dst(%arg14 : memref<80xi32, #tpu.memory_space<vmem>>)
    "tpu.region"() ({
      %run_scoped3A = tpu.sem_alloc : memref<!tpu.dma_semaphore, #tpu.memory_space<semaphore_mem>>
      %dma_start3A_184 = arith.constant 0 : i32
      %dma_start3A_185 = arith.constant 0 : i32
      %dma_start3A_186 = tpu.memref_slice %arg7[%dma_start3A_184, %dma_start3A_185] : memref<10240x128xf32, #tpu.memory_space<vmem_shared>> -> memref<10240x128xf32, #tpu.memory_space<vmem_shared>>
      tpu.enqueue_indirect_dma source(%arg10 : memref<80x128xf32, #tpu.memory_space<vmem>>) target(%dma_start3A_186 : memref<10240x128xf32, #tpu.memory_space<vmem_shared>>) offsets(%arg14 : memref<80xi32, #tpu.memory_space<vmem>>) semaphore(%run_scoped3A : memref<!tpu.dma_semaphore, #tpu.memory_space<semaphore_mem>>) {add = true}
      %dma_wait3A_187 = arith.constant 0 : i32
      %dma_wait3A_188 = arith.constant 0 : i32
      %dma_wait3A_189 = tpu.memref_slice %arg7[%dma_wait3A_187, %dma_wait3A_188] : memref<10240x128xf32, #tpu.memory_space<vmem_shared>> -> memref<10240x128xf32, #tpu.memory_space<vmem_shared>>
      tpu.wait_indirect_dma semaphore(%run_scoped3A : memref<!tpu.dma_semaphore, #tpu.memory_space<semaphore_mem>>) src(%arg10 : memref<80x128xf32, #tpu.memory_space<vmem>>) dst(%dma_wait3A_189 : memref<10240x128xf32, #tpu.memory_space<vmem_shared>>)
      tpu.yield
    }) : () -> ()
    %dma_wait3A_173 = arith.constant 0 : i32
    %dma_wait3A_174 = arith.constant 0 : i32
    %dma_wait3A_175 = tpu.memref_slice %arg2[%dma_wait3A_173, %dma_wait3A_174] : memref<10000x128xf32, #tpu.memory_space<hbm>> -> memref<10000x128xf32, #tpu.memory_space<hbm>>
    tpu.wait_indirect_dma semaphore(%arg27 : memref<!tpu.dma_semaphore, #tpu.memory_space<semaphore_mem>>) src(%dma_wait3A_175 : memref<10000x128xf32, #tpu.memory_space<hbm>>) dst(%arg11 : memref<80x128xf32, #tpu.memory_space<vmem>>)
    %dma_wait3A_176 = tpu.memref_slice %arg4[%mul3A_4] : memref<320000xi32, #tpu.memory_space<hbm>> -> memref<80xi32, #tpu.memory_space<hbm>>
    %dma_wait3A_177 = tpu.memref_slice %arg4[%mul3A_4] : memref<320000xi32, #tpu.memory_space<hbm>> -> memref<80xi32, #tpu.memory_space<hbm>>
    tpu.wait_dma2 semaphore(%arg31 : memref<!tpu.dma_semaphore, #tpu.memory_space<semaphore_mem>>) src(%dma_wait3A_177 : memref<80xi32, #tpu.memory_space<hbm>>) dst(%arg15 : memref<80xi32, #tpu.memory_space<vmem>>)
    "tpu.region"() ({
      %run_scoped3A = tpu.sem_alloc : memref<!tpu.dma_semaphore, #tpu.memory_space<semaphore_mem>>
      %dma_start3A_184 = arith.constant 0 : i32
      %dma_start3A_185 = arith.constant 0 : i32
      %dma_start3A_186 = tpu.memref_slice %arg7[%dma_start3A_184, %dma_start3A_185] : memref<10240x128xf32, #tpu.memory_space<vmem_shared>> -> memref<10240x128xf32, #tpu.memory_space<vmem_shared>>
      tpu.enqueue_indirect_dma source(%arg11 : memref<80x128xf32, #tpu.memory_space<vmem>>) target(%dma_start3A_186 : memref<10240x128xf32, #tpu.memory_space<vmem_shared>>) offsets(%arg15 : memref<80xi32, #tpu.memory_space<vmem>>) semaphore(%run_scoped3A : memref<!tpu.dma_semaphore, #tpu.memory_space<semaphore_mem>>) {add = true}
      %dma_wait3A_187 = arith.constant 0 : i32
      %dma_wait3A_188 = arith.constant 0 : i32
      %dma_wait3A_189 = tpu.memref_slice %arg7[%dma_wait3A_187, %dma_wait3A_188] : memref<10240x128xf32, #tpu.memory_space<vmem_shared>> -> memref<10240x128xf32, #tpu.memory_space<vmem_shared>>
      tpu.wait_indirect_dma semaphore(%run_scoped3A : memref<!tpu.dma_semaphore, #tpu.memory_space<semaphore_mem>>) src(%arg11 : memref<80x128xf32, #tpu.memory_space<vmem>>) dst(%dma_wait3A_189 : memref<10240x128xf32, #tpu.memory_space<vmem_shared>>)
      tpu.yield
    }) : () -> ()
    %dma_wait3A_178 = arith.constant 0 : i32
    %dma_wait3A_179 = arith.constant 0 : i32
    %dma_wait3A_180 = tpu.memref_slice %arg2[%dma_wait3A_178, %dma_wait3A_179] : memref<10000x128xf32, #tpu.memory_space<hbm>> -> memref<10000x128xf32, #tpu.memory_space<hbm>>
    tpu.wait_indirect_dma semaphore(%arg24 : memref<!tpu.dma_semaphore, #tpu.memory_space<semaphore_mem>>) src(%dma_wait3A_180 : memref<10000x128xf32, #tpu.memory_space<hbm>>) dst(%arg8 : memref<80x128xf32, #tpu.memory_space<vmem>>)
    %dma_wait3A_181 = tpu.memref_slice %arg4[%mul3A_4] : memref<320000xi32, #tpu.memory_space<hbm>> -> memref<80xi32, #tpu.memory_space<hbm>>
    %dma_wait3A_182 = tpu.memref_slice %arg4[%mul3A_4] : memref<320000xi32, #tpu.memory_space<hbm>> -> memref<80xi32, #tpu.memory_space<hbm>>
    tpu.wait_dma2 semaphore(%arg28 : memref<!tpu.dma_semaphore, #tpu.memory_space<semaphore_mem>>) src(%dma_wait3A_182 : memref<80xi32, #tpu.memory_space<hbm>>) dst(%arg12 : memref<80xi32, #tpu.memory_space<vmem>>)
    "tpu.region"() ({
      %run_scoped3A = tpu.sem_alloc : memref<!tpu.dma_semaphore, #tpu.memory_space<semaphore_mem>>
      %dma_start3A_184 = arith.constant 0 : i32
      %dma_start3A_185 = arith.constant 0 : i32
      %dma_start3A_186 = tpu.memref_slice %arg7[%dma_start3A_184, %dma_start3A_185] : memref<10240x128xf32, #tpu.memory_space<vmem_shared>> -> memref<10240x128xf32, #tpu.memory_space<vmem_shared>>
      tpu.enqueue_indirect_dma source(%arg8 : memref<80x128xf32, #tpu.memory_space<vmem>>) target(%dma_start3A_186 : memref<10240x128xf32, #tpu.memory_space<vmem_shared>>) offsets(%arg12 : memref<80xi32, #tpu.memory_space<vmem>>) semaphore(%run_scoped3A : memref<!tpu.dma_semaphore, #tpu.memory_space<semaphore_mem>>) {add = true}
      %dma_wait3A_187 = arith.constant 0 : i32
      %dma_wait3A_188 = arith.constant 0 : i32
      %dma_wait3A_189 = tpu.memref_slice %arg7[%dma_wait3A_187, %dma_wait3A_188] : memref<10240x128xf32, #tpu.memory_space<vmem_shared>> -> memref<10240x128xf32, #tpu.memory_space<vmem_shared>>
      tpu.wait_indirect_dma semaphore(%run_scoped3A : memref<!tpu.dma_semaphore, #tpu.memory_space<semaphore_mem>>) src(%arg8 : memref<80x128xf32, #tpu.memory_space<vmem>>) dst(%dma_wait3A_189 : memref<10240x128xf32, #tpu.memory_space<vmem_shared>>)
      tpu.yield
    }) : () -> ()
    %barrier3A_183 = arith.constant 0 : index
    tpu.barrier barrier_id(%barrier3A_183)
    "tpu.region"() ({
      %run_scoped3A = tpu.sem_alloc : memref<!tpu.dma_semaphore, #tpu.memory_space<semaphore_mem>>
      %dma_start3A_184 = arith.constant 0 : i32
      %dma_start3A_185 = tpu.memref_slice %arg5[%arg0, %mul3A_2, %dma_start3A_184] : memref<2x10240x128xf32, #tpu.memory_space<hbm>> -> memref<1x640x128xf32, #tpu.memory_space<hbm>>
      %dma_start3A_186 = tpu.memref_squeeze %dma_start3A_185 : memref<1x640x128xf32, #tpu.memory_space<hbm>> -> memref<640x128xf32, #tpu.memory_space<hbm>>
      %dma_start3A_187 = arith.constant 0 : i32
      %dma_start3A_188 = tpu.memref_slice %arg7[%mul3A_2, %dma_start3A_187] : memref<10240x128xf32, #tpu.memory_space<vmem_shared>> -> memref<640x128xf32, #tpu.memory_space<vmem_shared>>
      tpu.enqueue_dma source(%dma_start3A_188 : memref<640x128xf32, #tpu.memory_space<vmem_shared>>) target(%dma_start3A_186 : memref<640x128xf32, #tpu.memory_space<hbm>>) target_semaphore(%run_scoped3A : memref<!tpu.dma_semaphore, #tpu.memory_space<semaphore_mem>>)
      %dma_wait3A_189 = arith.constant 0 : i32
      %dma_wait3A_190 = tpu.memref_slice %arg5[%arg0, %mul3A_2, %dma_wait3A_189] : memref<2x10240x128xf32, #tpu.memory_space<hbm>> -> memref<1x640x128xf32, #tpu.memory_space<hbm>>
      %dma_wait3A_191 = tpu.memref_squeeze %dma_wait3A_190 : memref<1x640x128xf32, #tpu.memory_space<hbm>> -> memref<640x128xf32, #tpu.memory_space<hbm>>
      %dma_wait3A_192 = arith.constant 0 : i32
      %dma_wait3A_193 = tpu.memref_slice %arg7[%mul3A_2, %dma_wait3A_192] : memref<10240x128xf32, #tpu.memory_space<vmem_shared>> -> memref<640x128xf32, #tpu.memory_space<vmem_shared>>
      tpu.wait_dma2 semaphore(%run_scoped3A : memref<!tpu.dma_semaphore, #tpu.memory_space<semaphore_mem>>) src(%dma_wait3A_193 : memref<640x128xf32, #tpu.memory_space<vmem_shared>>) dst(%dma_wait3A_191 : memref<640x128xf32, #tpu.memory_space<hbm>>)
      tpu.yield
    }) : () -> ()
    return
  }
}

#map = affine_map<(d0, d1) -> (0, 0)>
#map1 = affine_map<(d0, d1) -> (0)>
#map2 = affine_map<(d0, d1) -> (0, 0, 0)>
module attributes {stable_mosaic.version = 14 : i64} {
  func.func @sc_agg(%arg0: i32, %arg1: i32, %arg2: memref<10000x128xf32, #tpu.memory_space<hbm>>, %arg3: memref<320000xi32, #tpu.memory_space<hbm>>, %arg4: memref<320000xi32, #tpu.memory_space<hbm>>, %arg5: memref<2x10240x128xf32, #tpu.memory_space<hbm>>, %arg6: memref<10240x128xf32, #tpu.memory_space<vmem_shared>>, %arg7: memref<80x128xf32, #tpu.memory_space<vmem>>, %arg8: memref<80x128xf32, #tpu.memory_space<vmem>>, %arg9: memref<80x128xf32, #tpu.memory_space<vmem>>, %arg10: memref<80x128xf32, #tpu.memory_space<vmem>>, %arg11: memref<80xi32, #tpu.memory_space<vmem>>, %arg12: memref<80xi32, #tpu.memory_space<vmem>>, %arg13: memref<80xi32, #tpu.memory_space<vmem>>, %arg14: memref<80xi32, #tpu.memory_space<vmem>>, %arg15: memref<80xi32, #tpu.memory_space<vmem>>, %arg16: memref<80xi32, #tpu.memory_space<vmem>>, %arg17: memref<80xi32, #tpu.memory_space<vmem>>, %arg18: memref<80xi32, #tpu.memory_space<vmem>>, %arg19: memref<80xi32, #tpu.memory_space<vmem>>, %arg20: memref<80xi32, #tpu.memory_space<vmem>>, %arg21: memref<80xi32, #tpu.memory_space<vmem>>, %arg22: memref<80xi32, #tpu.memory_space<vmem>>, %arg23: memref<!tpu.dma_semaphore, #tpu.memory_space<semaphore_mem>>, %arg24: memref<!tpu.dma_semaphore, #tpu.memory_space<semaphore_mem>>, %arg25: memref<!tpu.dma_semaphore, #tpu.memory_space<semaphore_mem>>, %arg26: memref<!tpu.dma_semaphore, #tpu.memory_space<semaphore_mem>>, %arg27: memref<!tpu.dma_semaphore, #tpu.memory_space<semaphore_mem>>, %arg28: memref<!tpu.dma_semaphore, #tpu.memory_space<semaphore_mem>>, %arg29: memref<!tpu.dma_semaphore, #tpu.memory_space<semaphore_mem>>, %arg30: memref<!tpu.dma_semaphore, #tpu.memory_space<semaphore_mem>>, %arg31: memref<!tpu.dma_semaphore, #tpu.memory_space<semaphore_mem>>, %arg32: memref<!tpu.dma_semaphore, #tpu.memory_space<semaphore_mem>>, %arg33: memref<!tpu.dma_semaphore, #tpu.memory_space<semaphore_mem>>, %arg34: memref<!tpu.dma_semaphore, #tpu.memory_space<semaphore_mem>>, %arg35: memref<!tpu.dma_semaphore, #tpu.memory_space<semaphore_mem>>, %arg36: memref<!tpu.dma_semaphore, #tpu.memory_space<semaphore_mem>>, %arg37: memref<!tpu.dma_semaphore, #tpu.memory_space<semaphore_mem>>, %arg38: memref<!tpu.dma_semaphore, #tpu.memory_space<semaphore_mem>>) attributes {dimension_semantics = [#tpu.dimension_semantics<core_parallel>, #tpu.dimension_semantics<subcore_parallel>], iteration_bounds = array<i64: 2, 16>, scalar_prefetch = 0 : i64, scratch_operands = 33 : i64, tpu.core_type = #tpu.core_type<sc_vector_subcore>, window_params = [{transform_indices = #map}, {transform_indices = #map1}, {transform_indices = #map1}, {transform_indices = #map2}]} {
    %mul3A = arith.constant 16 : i32
    %mul3A_0 = arith.muli %arg0, %mul3A : i32
    %add3A = arith.addi %mul3A_0, %arg1 : i32
    %mul3A_1 = arith.constant 640 : i32
    %mul3A_2 = arith.muli %arg1, %mul3A_1 : i32
    %mul3A_3 = arith.constant 10000 : i32
    %mul3A_4 = arith.muli %add3A, %mul3A_3 : i32
    %broadcast_in_dim3A = arith.constant 0.000000e+00 : f32
    %broadcast_in_dim3A_5 = vector.broadcast %broadcast_in_dim3A : f32 to vector<16xf32>
    %scan3A = arith.constant 0 : i32
    %scan3A_6 = arith.constant 0 : i32
    %scan3A_7 = arith.constant 80 : i32
    %scan3A_8 = arith.addi %scan3A_6, %scan3A_7 : i32
    %scan3A_9 = arith.constant 1 : i32
    scf.for %scan3A_134 = %scan3A_6 to %scan3A_8 step %scan3A_9  : i32 {
      %swap3A = arith.index_cast %scan3A_134 : i32 to index
      %swap3A_135 = arith.constant 0 : index
      %swap3A_136 = tpu.vector_load %arg8[%swap3A, %swap3A_135] {strides = array<i32>} : memref<80x128xf32, #tpu.memory_space<vmem>>, vector<1x16xf32>,
      %swap3A_137 = vector.shape_cast %swap3A_136 : vector<1x16xf32> to vector<16xf32>
      %swap3A_138 = vector.shape_cast %broadcast_in_dim3A_5 : vector<16xf32> to vector<1x16xf32>
      tpu.vector_store %arg8[%swap3A, %swap3A_135], %swap3A_138 {strides = array<i32>} : memref<80x128xf32, #tpu.memory_space<vmem>>, vector<1x16xf32>,
      %swap3A_139 = arith.index_cast %scan3A_134 : i32 to index
      %swap3A_140 = arith.constant 16 : index
      %swap3A_141 = tpu.vector_load %arg8[%swap3A_139, %swap3A_140] {strides = array<i32>} : memref<80x128xf32, #tpu.memory_space<vmem>>, vector<1x16xf32>,
      %swap3A_142 = vector.shape_cast %swap3A_141 : vector<1x16xf32> to vector<16xf32>
      %swap3A_143 = vector.shape_cast %broadcast_in_dim3A_5 : vector<16xf32> to vector<1x16xf32>
      tpu.vector_store %arg8[%swap3A_139, %swap3A_140], %swap3A_143 {strides = array<i32>} : memref<80x128xf32, #tpu.memory_space<vmem>>, vector<1x16xf32>,
      %swap3A_144 = arith.index_cast %scan3A_134 : i32 to index
      %swap3A_145 = arith.constant 32 : index
      %swap3A_146 = tpu.vector_load %arg8[%swap3A_144, %swap3A_145] {strides = array<i32>} : memref<80x128xf32, #tpu.memory_space<vmem>>, vector<1x16xf32>,
      %swap3A_147 = vector.shape_cast %swap3A_146 : vector<1x16xf32> to vector<16xf32>
      %swap3A_148 = vector.shape_cast %broadcast_in_dim3A_5 : vector<16xf32> to vector<1x16xf32>
      tpu.vector_store %arg8[%swap3A_144, %swap3A_145], %swap3A_148 {strides = array<i32>} : memref<80x128xf32, #tpu.memory_space<vmem>>, vector<1x16xf32>,
      %swap3A_149 = arith.index_cast %scan3A_134 : i32 to index
      %swap3A_150 = arith.constant 48 : index
      %swap3A_151 = tpu.vector_load %arg8[%swap3A_149, %swap3A_150] {strides = array<i32>} : memref<80x128xf32, #tpu.memory_space<vmem>>, vector<1x16xf32>,
      %swap3A_152 = vector.shape_cast %swap3A_151 : vector<1x16xf32> to vector<16xf32>
      %swap3A_153 = vector.shape_cast %broadcast_in_dim3A_5 : vector<16xf32> to vector<1x16xf32>
      tpu.vector_store %arg8[%swap3A_149, %swap3A_150], %swap3A_153 {strides = array<i32>} : memref<80x128xf32, #tpu.memory_space<vmem>>, vector<1x16xf32>,
      %swap3A_154 = arith.index_cast %scan3A_134 : i32 to index
      %swap3A_155 = arith.constant 64 : index
      %swap3A_156 = tpu.vector_load %arg8[%swap3A_154, %swap3A_155] {strides = array<i32>} : memref<80x128xf32, #tpu.memory_space<vmem>>, vector<1x16xf32>,
      %swap3A_157 = vector.shape_cast %swap3A_156 : vector<1x16xf32> to vector<16xf32>
      %swap3A_158 = vector.shape_cast %broadcast_in_dim3A_5 : vector<16xf32> to vector<1x16xf32>
      tpu.vector_store %arg8[%swap3A_154, %swap3A_155], %swap3A_158 {strides = array<i32>} : memref<80x128xf32, #tpu.memory_space<vmem>>, vector<1x16xf32>,
      %swap3A_159 = arith.index_cast %scan3A_134 : i32 to index
      %swap3A_160 = arith.constant 80 : index
      %swap3A_161 = tpu.vector_load %arg8[%swap3A_159, %swap3A_160] {strides = array<i32>} : memref<80x128xf32, #tpu.memory_space<vmem>>, vector<1x16xf32>,
      %swap3A_162 = vector.shape_cast %swap3A_161 : vector<1x16xf32> to vector<16xf32>
      %swap3A_163 = vector.shape_cast %broadcast_in_dim3A_5 : vector<16xf32> to vector<1x16xf32>
      tpu.vector_store %arg8[%swap3A_159, %swap3A_160], %swap3A_163 {strides = array<i32>} : memref<80x128xf32, #tpu.memory_space<vmem>>, vector<1x16xf32>,
      %swap3A_164 = arith.index_cast %scan3A_134 : i32 to index
      %swap3A_165 = arith.constant 96 : index
      %swap3A_166 = tpu.vector_load %arg8[%swap3A_164, %swap3A_165] {strides = array<i32>} : memref<80x128xf32, #tpu.memory_space<vmem>>, vector<1x16xf32>,
      %swap3A_167 = vector.shape_cast %swap3A_166 : vector<1x16xf32> to vector<16xf32>
      %swap3A_168 = vector.shape_cast %broadcast_in_dim3A_5 : vector<16xf32> to vector<1x16xf32>
      tpu.vector_store %arg8[%swap3A_164, %swap3A_165], %swap3A_168 {strides = array<i32>} : memref<80x128xf32, #tpu.memory_space<vmem>>, vector<1x16xf32>,
      %swap3A_169 = arith.index_cast %scan3A_134 : i32 to index
      %swap3A_170 = arith.constant 112 : index
      %swap3A_171 = tpu.vector_load %arg8[%swap3A_169, %swap3A_170] {strides = array<i32>} : memref<80x128xf32, #tpu.memory_space<vmem>>, vector<1x16xf32>,
      %swap3A_172 = vector.shape_cast %swap3A_171 : vector<1x16xf32> to vector<16xf32>
      %swap3A_173 = vector.shape_cast %broadcast_in_dim3A_5 : vector<16xf32> to vector<1x16xf32>
      tpu.vector_store %arg8[%swap3A_169, %swap3A_170], %swap3A_173 {strides = array<i32>} : memref<80x128xf32, #tpu.memory_space<vmem>>, vector<1x16xf32>,
    }
    %scan3A_10 = arith.constant 80 : i32
    %add3A_11 = arith.constant 0 : i32
    %add3A_12 = arith.addi %mul3A_2, %add3A_11 : i32
    "tpu.region"() ({
      %run_scoped3A = tpu.sem_alloc : memref<!tpu.dma_semaphore, #tpu.memory_space<semaphore_mem>>
      %dma_start3A_134 = arith.constant 0 : i32
      %dma_start3A_135 = tpu.memref_slice %arg6[%add3A_12, %dma_start3A_134] : memref<10240x128xf32, #tpu.memory_space<vmem_shared>> -> memref<80x128xf32, #tpu.memory_space<vmem_shared>>
      %dma_start3A_136 = arith.constant 0 : i32
      %dma_start3A_137 = tpu.memref_slice %arg6[%add3A_12, %dma_start3A_136] : memref<10240x128xf32, #tpu.memory_space<vmem_shared>> -> memref<80x128xf32, #tpu.memory_space<vmem_shared>>
      tpu.enqueue_dma source(%arg8 : memref<80x128xf32, #tpu.memory_space<vmem>>) target(%dma_start3A_137 : memref<80x128xf32, #tpu.memory_space<vmem_shared>>) target_semaphore(%run_scoped3A : memref<!tpu.dma_semaphore, #tpu.memory_space<semaphore_mem>>)
      %dma_wait3A_138 = arith.constant 0 : i32
      %dma_wait3A_139 = tpu.memref_slice %arg6[%add3A_12, %dma_wait3A_138] : memref<10240x128xf32, #tpu.memory_space<vmem_shared>> -> memref<80x128xf32, #tpu.memory_space<vmem_shared>>
      %dma_wait3A_140 = arith.constant 0 : i32
      %dma_wait3A_141 = tpu.memref_slice %arg6[%add3A_12, %dma_wait3A_140] : memref<10240x128xf32, #tpu.memory_space<vmem_shared>> -> memref<80x128xf32, #tpu.memory_space<vmem_shared>>
      tpu.wait_dma2 semaphore(%run_scoped3A : memref<!tpu.dma_semaphore, #tpu.memory_space<semaphore_mem>>) src(%arg8 : memref<80x128xf32, #tpu.memory_space<vmem>>) dst(%dma_wait3A_141 : memref<80x128xf32, #tpu.memory_space<vmem_shared>>)
      tpu.yield
    }) : () -> ()
    %add3A_13 = arith.constant 80 : i32
    %add3A_14 = arith.addi %mul3A_2, %add3A_13 : i32
    "tpu.region"() ({
      %run_scoped3A = tpu.sem_alloc : memref<!tpu.dma_semaphore, #tpu.memory_space<semaphore_mem>>
      %dma_start3A_134 = arith.constant 0 : i32
      %dma_start3A_135 = tpu.memref_slice %arg6[%add3A_14, %dma_start3A_134] : memref<10240x128xf32, #tpu.memory_space<vmem_shared>> -> memref<80x128xf32, #tpu.memory_space<vmem_shared>>
      %dma_start3A_136 = arith.constant 0 : i32
      %dma_start3A_137 = tpu.memref_slice %arg6[%add3A_14, %dma_start3A_136] : memref<10240x128xf32, #tpu.memory_space<vmem_shared>> -> memref<80x128xf32, #tpu.memory_space<vmem_shared>>
      tpu.enqueue_dma source(%arg8 : memref<80x128xf32, #tpu.memory_space<vmem>>) target(%dma_start3A_137 : memref<80x128xf32, #tpu.memory_space<vmem_shared>>) target_semaphore(%run_scoped3A : memref<!tpu.dma_semaphore, #tpu.memory_space<semaphore_mem>>)
      %dma_wait3A_138 = arith.constant 0 : i32
      %dma_wait3A_139 = tpu.memref_slice %arg6[%add3A_14, %dma_wait3A_138] : memref<10240x128xf32, #tpu.memory_space<vmem_shared>> -> memref<80x128xf32, #tpu.memory_space<vmem_shared>>
      %dma_wait3A_140 = arith.constant 0 : i32
      %dma_wait3A_141 = tpu.memref_slice %arg6[%add3A_14, %dma_wait3A_140] : memref<10240x128xf32, #tpu.memory_space<vmem_shared>> -> memref<80x128xf32, #tpu.memory_space<vmem_shared>>
      tpu.wait_dma2 semaphore(%run_scoped3A : memref<!tpu.dma_semaphore, #tpu.memory_space<semaphore_mem>>) src(%arg8 : memref<80x128xf32, #tpu.memory_space<vmem>>) dst(%dma_wait3A_141 : memref<80x128xf32, #tpu.memory_space<vmem_shared>>)
      tpu.yield
    }) : () -> ()
    %add3A_15 = arith.constant 160 : i32
    %add3A_16 = arith.addi %mul3A_2, %add3A_15 : i32
    "tpu.region"() ({
      %run_scoped3A = tpu.sem_alloc : memref<!tpu.dma_semaphore, #tpu.memory_space<semaphore_mem>>
      %dma_start3A_134 = arith.constant 0 : i32
      %dma_start3A_135 = tpu.memref_slice %arg6[%add3A_16, %dma_start3A_134] : memref<10240x128xf32, #tpu.memory_space<vmem_shared>> -> memref<80x128xf32, #tpu.memory_space<vmem_shared>>
      %dma_start3A_136 = arith.constant 0 : i32
      %dma_start3A_137 = tpu.memref_slice %arg6[%add3A_16, %dma_start3A_136] : memref<10240x128xf32, #tpu.memory_space<vmem_shared>> -> memref<80x128xf32, #tpu.memory_space<vmem_shared>>
      tpu.enqueue_dma source(%arg8 : memref<80x128xf32, #tpu.memory_space<vmem>>) target(%dma_start3A_137 : memref<80x128xf32, #tpu.memory_space<vmem_shared>>) target_semaphore(%run_scoped3A : memref<!tpu.dma_semaphore, #tpu.memory_space<semaphore_mem>>)
      %dma_wait3A_138 = arith.constant 0 : i32
      %dma_wait3A_139 = tpu.memref_slice %arg6[%add3A_16, %dma_wait3A_138] : memref<10240x128xf32, #tpu.memory_space<vmem_shared>> -> memref<80x128xf32, #tpu.memory_space<vmem_shared>>
      %dma_wait3A_140 = arith.constant 0 : i32
      %dma_wait3A_141 = tpu.memref_slice %arg6[%add3A_16, %dma_wait3A_140] : memref<10240x128xf32, #tpu.memory_space<vmem_shared>> -> memref<80x128xf32, #tpu.memory_space<vmem_shared>>
      tpu.wait_dma2 semaphore(%run_scoped3A : memref<!tpu.dma_semaphore, #tpu.memory_space<semaphore_mem>>) src(%arg8 : memref<80x128xf32, #tpu.memory_space<vmem>>) dst(%dma_wait3A_141 : memref<80x128xf32, #tpu.memory_space<vmem_shared>>)
      tpu.yield
    }) : () -> ()
    %add3A_17 = arith.constant 240 : i32
    %add3A_18 = arith.addi %mul3A_2, %add3A_17 : i32
    "tpu.region"() ({
      %run_scoped3A = tpu.sem_alloc : memref<!tpu.dma_semaphore, #tpu.memory_space<semaphore_mem>>
      %dma_start3A_134 = arith.constant 0 : i32
      %dma_start3A_135 = tpu.memref_slice %arg6[%add3A_18, %dma_start3A_134] : memref<10240x128xf32, #tpu.memory_space<vmem_shared>> -> memref<80x128xf32, #tpu.memory_space<vmem_shared>>
      %dma_start3A_136 = arith.constant 0 : i32
      %dma_start3A_137 = tpu.memref_slice %arg6[%add3A_18, %dma_start3A_136] : memref<10240x128xf32, #tpu.memory_space<vmem_shared>> -> memref<80x128xf32, #tpu.memory_space<vmem_shared>>
      tpu.enqueue_dma source(%arg8 : memref<80x128xf32, #tpu.memory_space<vmem>>) target(%dma_start3A_137 : memref<80x128xf32, #tpu.memory_space<vmem_shared>>) target_semaphore(%run_scoped3A : memref<!tpu.dma_semaphore, #tpu.memory_space<semaphore_mem>>)
      %dma_wait3A_138 = arith.constant 0 : i32
      %dma_wait3A_139 = tpu.memref_slice %arg6[%add3A_18, %dma_wait3A_138] : memref<10240x128xf32, #tpu.memory_space<vmem_shared>> -> memref<80x128xf32, #tpu.memory_space<vmem_shared>>
      %dma_wait3A_140 = arith.constant 0 : i32
      %dma_wait3A_141 = tpu.memref_slice %arg6[%add3A_18, %dma_wait3A_140] : memref<10240x128xf32, #tpu.memory_space<vmem_shared>> -> memref<80x128xf32, #tpu.memory_space<vmem_shared>>
      tpu.wait_dma2 semaphore(%run_scoped3A : memref<!tpu.dma_semaphore, #tpu.memory_space<semaphore_mem>>) src(%arg8 : memref<80x128xf32, #tpu.memory_space<vmem>>) dst(%dma_wait3A_141 : memref<80x128xf32, #tpu.memory_space<vmem_shared>>)
      tpu.yield
    }) : () -> ()
    %add3A_19 = arith.constant 320 : i32
    %add3A_20 = arith.addi %mul3A_2, %add3A_19 : i32
    "tpu.region"() ({
      %run_scoped3A = tpu.sem_alloc : memref<!tpu.dma_semaphore, #tpu.memory_space<semaphore_mem>>
      %dma_start3A_134 = arith.constant 0 : i32
      %dma_start3A_135 = tpu.memref_slice %arg6[%add3A_20, %dma_start3A_134] : memref<10240x128xf32, #tpu.memory_space<vmem_shared>> -> memref<80x128xf32, #tpu.memory_space<vmem_shared>>
      %dma_start3A_136 = arith.constant 0 : i32
      %dma_start3A_137 = tpu.memref_slice %arg6[%add3A_20, %dma_start3A_136] : memref<10240x128xf32, #tpu.memory_space<vmem_shared>> -> memref<80x128xf32, #tpu.memory_space<vmem_shared>>
      tpu.enqueue_dma source(%arg8 : memref<80x128xf32, #tpu.memory_space<vmem>>) target(%dma_start3A_137 : memref<80x128xf32, #tpu.memory_space<vmem_shared>>) target_semaphore(%run_scoped3A : memref<!tpu.dma_semaphore, #tpu.memory_space<semaphore_mem>>)
      %dma_wait3A_138 = arith.constant 0 : i32
      %dma_wait3A_139 = tpu.memref_slice %arg6[%add3A_20, %dma_wait3A_138] : memref<10240x128xf32, #tpu.memory_space<vmem_shared>> -> memref<80x128xf32, #tpu.memory_space<vmem_shared>>
      %dma_wait3A_140 = arith.constant 0 : i32
      %dma_wait3A_141 = tpu.memref_slice %arg6[%add3A_20, %dma_wait3A_140] : memref<10240x128xf32, #tpu.memory_space<vmem_shared>> -> memref<80x128xf32, #tpu.memory_space<vmem_shared>>
      tpu.wait_dma2 semaphore(%run_scoped3A : memref<!tpu.dma_semaphore, #tpu.memory_space<semaphore_mem>>) src(%arg8 : memref<80x128xf32, #tpu.memory_space<vmem>>) dst(%dma_wait3A_141 : memref<80x128xf32, #tpu.memory_space<vmem_shared>>)
      tpu.yield
    }) : () -> ()
    %add3A_21 = arith.constant 400 : i32
    %add3A_22 = arith.addi %mul3A_2, %add3A_21 : i32
    "tpu.region"() ({
      %run_scoped3A = tpu.sem_alloc : memref<!tpu.dma_semaphore, #tpu.memory_space<semaphore_mem>>
      %dma_start3A_134 = arith.constant 0 : i32
      %dma_start3A_135 = tpu.memref_slice %arg6[%add3A_22, %dma_start3A_134] : memref<10240x128xf32, #tpu.memory_space<vmem_shared>> -> memref<80x128xf32, #tpu.memory_space<vmem_shared>>
      %dma_start3A_136 = arith.constant 0 : i32
      %dma_start3A_137 = tpu.memref_slice %arg6[%add3A_22, %dma_start3A_136] : memref<10240x128xf32, #tpu.memory_space<vmem_shared>> -> memref<80x128xf32, #tpu.memory_space<vmem_shared>>
      tpu.enqueue_dma source(%arg8 : memref<80x128xf32, #tpu.memory_space<vmem>>) target(%dma_start3A_137 : memref<80x128xf32, #tpu.memory_space<vmem_shared>>) target_semaphore(%run_scoped3A : memref<!tpu.dma_semaphore, #tpu.memory_space<semaphore_mem>>)
      %dma_wait3A_138 = arith.constant 0 : i32
      %dma_wait3A_139 = tpu.memref_slice %arg6[%add3A_22, %dma_wait3A_138] : memref<10240x128xf32, #tpu.memory_space<vmem_shared>> -> memref<80x128xf32, #tpu.memory_space<vmem_shared>>
      %dma_wait3A_140 = arith.constant 0 : i32
      %dma_wait3A_141 = tpu.memref_slice %arg6[%add3A_22, %dma_wait3A_140] : memref<10240x128xf32, #tpu.memory_space<vmem_shared>> -> memref<80x128xf32, #tpu.memory_space<vmem_shared>>
      tpu.wait_dma2 semaphore(%run_scoped3A : memref<!tpu.dma_semaphore, #tpu.memory_space<semaphore_mem>>) src(%arg8 : memref<80x128xf32, #tpu.memory_space<vmem>>) dst(%dma_wait3A_141 : memref<80x128xf32, #tpu.memory_space<vmem_shared>>)
      tpu.yield
    }) : () -> ()
    %add3A_23 = arith.constant 480 : i32
    %add3A_24 = arith.addi %mul3A_2, %add3A_23 : i32
    "tpu.region"() ({
      %run_scoped3A = tpu.sem_alloc : memref<!tpu.dma_semaphore, #tpu.memory_space<semaphore_mem>>
      %dma_start3A_134 = arith.constant 0 : i32
      %dma_start3A_135 = tpu.memref_slice %arg6[%add3A_24, %dma_start3A_134] : memref<10240x128xf32, #tpu.memory_space<vmem_shared>> -> memref<80x128xf32, #tpu.memory_space<vmem_shared>>
      %dma_start3A_136 = arith.constant 0 : i32
      %dma_start3A_137 = tpu.memref_slice %arg6[%add3A_24, %dma_start3A_136] : memref<10240x128xf32, #tpu.memory_space<vmem_shared>> -> memref<80x128xf32, #tpu.memory_space<vmem_shared>>
      tpu.enqueue_dma source(%arg8 : memref<80x128xf32, #tpu.memory_space<vmem>>) target(%dma_start3A_137 : memref<80x128xf32, #tpu.memory_space<vmem_shared>>) target_semaphore(%run_scoped3A : memref<!tpu.dma_semaphore, #tpu.memory_space<semaphore_mem>>)
      %dma_wait3A_138 = arith.constant 0 : i32
      %dma_wait3A_139 = tpu.memref_slice %arg6[%add3A_24, %dma_wait3A_138] : memref<10240x128xf32, #tpu.memory_space<vmem_shared>> -> memref<80x128xf32, #tpu.memory_space<vmem_shared>>
      %dma_wait3A_140 = arith.constant 0 : i32
      %dma_wait3A_141 = tpu.memref_slice %arg6[%add3A_24, %dma_wait3A_140] : memref<10240x128xf32, #tpu.memory_space<vmem_shared>> -> memref<80x128xf32, #tpu.memory_space<vmem_shared>>
      tpu.wait_dma2 semaphore(%run_scoped3A : memref<!tpu.dma_semaphore, #tpu.memory_space<semaphore_mem>>) src(%arg8 : memref<80x128xf32, #tpu.memory_space<vmem>>) dst(%dma_wait3A_141 : memref<80x128xf32, #tpu.memory_space<vmem_shared>>)
      tpu.yield
    }) : () -> ()
    %add3A_25 = arith.constant 560 : i32
    %add3A_26 = arith.addi %mul3A_2, %add3A_25 : i32
    "tpu.region"() ({
      %run_scoped3A = tpu.sem_alloc : memref<!tpu.dma_semaphore, #tpu.memory_space<semaphore_mem>>
      %dma_start3A_134 = arith.constant 0 : i32
      %dma_start3A_135 = tpu.memref_slice %arg6[%add3A_26, %dma_start3A_134] : memref<10240x128xf32, #tpu.memory_space<vmem_shared>> -> memref<80x128xf32, #tpu.memory_space<vmem_shared>>
      %dma_start3A_136 = arith.constant 0 : i32
      %dma_start3A_137 = tpu.memref_slice %arg6[%add3A_26, %dma_start3A_136] : memref<10240x128xf32, #tpu.memory_space<vmem_shared>> -> memref<80x128xf32, #tpu.memory_space<vmem_shared>>
      tpu.enqueue_dma source(%arg8 : memref<80x128xf32, #tpu.memory_space<vmem>>) target(%dma_start3A_137 : memref<80x128xf32, #tpu.memory_space<vmem_shared>>) target_semaphore(%run_scoped3A : memref<!tpu.dma_semaphore, #tpu.memory_space<semaphore_mem>>)
      %dma_wait3A_138 = arith.constant 0 : i32
      %dma_wait3A_139 = tpu.memref_slice %arg6[%add3A_26, %dma_wait3A_138] : memref<10240x128xf32, #tpu.memory_space<vmem_shared>> -> memref<80x128xf32, #tpu.memory_space<vmem_shared>>
      %dma_wait3A_140 = arith.constant 0 : i32
      %dma_wait3A_141 = tpu.memref_slice %arg6[%add3A_26, %dma_wait3A_140] : memref<10240x128xf32, #tpu.memory_space<vmem_shared>> -> memref<80x128xf32, #tpu.memory_space<vmem_shared>>
      tpu.wait_dma2 semaphore(%run_scoped3A : memref<!tpu.dma_semaphore, #tpu.memory_space<semaphore_mem>>) src(%arg8 : memref<80x128xf32, #tpu.memory_space<vmem>>) dst(%dma_wait3A_141 : memref<80x128xf32, #tpu.memory_space<vmem_shared>>)
      tpu.yield
    }) : () -> ()
    %barrier3A = arith.constant 0 : index
    tpu.barrier barrier_id(%barrier3A)
    %add3A_27 = arith.constant 0 : i32
    %add3A_28 = arith.addi %mul3A_4, %add3A_27 : i32
    %dma_start3A = tpu.memref_slice %arg3[%add3A_28] : memref<320000xi32, #tpu.memory_space<hbm>> -> memref<80xi32, #tpu.memory_space<hbm>>
    %dma_start3A_29 = tpu.memref_slice %arg3[%add3A_28] : memref<320000xi32, #tpu.memory_space<hbm>> -> memref<80xi32, #tpu.memory_space<hbm>>
    tpu.enqueue_dma source(%dma_start3A_29 : memref<80xi32, #tpu.memory_space<hbm>>) target(%arg15 : memref<80xi32, #tpu.memory_space<vmem>>) target_semaphore(%arg31 : memref<!tpu.dma_semaphore, #tpu.memory_space<semaphore_mem>>)
    %add3A_30 = arith.constant 80 : i32
    %add3A_31 = arith.addi %mul3A_4, %add3A_30 : i32
    %dma_start3A_32 = tpu.memref_slice %arg3[%add3A_31] : memref<320000xi32, #tpu.memory_space<hbm>> -> memref<80xi32, #tpu.memory_space<hbm>>
    %dma_start3A_33 = tpu.memref_slice %arg3[%add3A_31] : memref<320000xi32, #tpu.memory_space<hbm>> -> memref<80xi32, #tpu.memory_space<hbm>>
    tpu.enqueue_dma source(%dma_start3A_33 : memref<80xi32, #tpu.memory_space<hbm>>) target(%arg16 : memref<80xi32, #tpu.memory_space<vmem>>) target_semaphore(%arg32 : memref<!tpu.dma_semaphore, #tpu.memory_space<semaphore_mem>>)
    %add3A_34 = arith.constant 160 : i32
    %add3A_35 = arith.addi %mul3A_4, %add3A_34 : i32
    %dma_start3A_36 = tpu.memref_slice %arg3[%add3A_35] : memref<320000xi32, #tpu.memory_space<hbm>> -> memref<80xi32, #tpu.memory_space<hbm>>
    %dma_start3A_37 = tpu.memref_slice %arg3[%add3A_35] : memref<320000xi32, #tpu.memory_space<hbm>> -> memref<80xi32, #tpu.memory_space<hbm>>
    tpu.enqueue_dma source(%dma_start3A_37 : memref<80xi32, #tpu.memory_space<hbm>>) target(%arg17 : memref<80xi32, #tpu.memory_space<vmem>>) target_semaphore(%arg33 : memref<!tpu.dma_semaphore, #tpu.memory_space<semaphore_mem>>)
    %add3A_38 = arith.constant 240 : i32
    %add3A_39 = arith.addi %mul3A_4, %add3A_38 : i32
    %dma_start3A_40 = tpu.memref_slice %arg3[%add3A_39] : memref<320000xi32, #tpu.memory_space<hbm>> -> memref<80xi32, #tpu.memory_space<hbm>>
    %dma_start3A_41 = tpu.memref_slice %arg3[%add3A_39] : memref<320000xi32, #tpu.memory_space<hbm>> -> memref<80xi32, #tpu.memory_space<hbm>>
    tpu.enqueue_dma source(%dma_start3A_41 : memref<80xi32, #tpu.memory_space<hbm>>) target(%arg18 : memref<80xi32, #tpu.memory_space<vmem>>) target_semaphore(%arg34 : memref<!tpu.dma_semaphore, #tpu.memory_space<semaphore_mem>>)
    %add3A_42 = arith.constant 320 : i32
    %add3A_43 = arith.addi %mul3A_4, %add3A_42 : i32
    %dma_start3A_44 = tpu.memref_slice %arg3[%add3A_43] : memref<320000xi32, #tpu.memory_space<hbm>> -> memref<80xi32, #tpu.memory_space<hbm>>
    %dma_start3A_45 = tpu.memref_slice %arg3[%add3A_43] : memref<320000xi32, #tpu.memory_space<hbm>> -> memref<80xi32, #tpu.memory_space<hbm>>
    tpu.enqueue_dma source(%dma_start3A_45 : memref<80xi32, #tpu.memory_space<hbm>>) target(%arg19 : memref<80xi32, #tpu.memory_space<vmem>>) target_semaphore(%arg35 : memref<!tpu.dma_semaphore, #tpu.memory_space<semaphore_mem>>)
    %add3A_46 = arith.constant 400 : i32
    %add3A_47 = arith.addi %mul3A_4, %add3A_46 : i32
    %dma_start3A_48 = tpu.memref_slice %arg3[%add3A_47] : memref<320000xi32, #tpu.memory_space<hbm>> -> memref<80xi32, #tpu.memory_space<hbm>>
    %dma_start3A_49 = tpu.memref_slice %arg3[%add3A_47] : memref<320000xi32, #tpu.memory_space<hbm>> -> memref<80xi32, #tpu.memory_space<hbm>>
    tpu.enqueue_dma source(%dma_start3A_49 : memref<80xi32, #tpu.memory_space<hbm>>) target(%arg20 : memref<80xi32, #tpu.memory_space<vmem>>) target_semaphore(%arg36 : memref<!tpu.dma_semaphore, #tpu.memory_space<semaphore_mem>>)
    %add3A_50 = arith.constant 480 : i32
    %add3A_51 = arith.addi %mul3A_4, %add3A_50 : i32
    %dma_start3A_52 = tpu.memref_slice %arg3[%add3A_51] : memref<320000xi32, #tpu.memory_space<hbm>> -> memref<80xi32, #tpu.memory_space<hbm>>
    %dma_start3A_53 = tpu.memref_slice %arg3[%add3A_51] : memref<320000xi32, #tpu.memory_space<hbm>> -> memref<80xi32, #tpu.memory_space<hbm>>
    tpu.enqueue_dma source(%dma_start3A_53 : memref<80xi32, #tpu.memory_space<hbm>>) target(%arg21 : memref<80xi32, #tpu.memory_space<vmem>>) target_semaphore(%arg37 : memref<!tpu.dma_semaphore, #tpu.memory_space<semaphore_mem>>)
    %add3A_54 = arith.constant 560 : i32
    %add3A_55 = arith.addi %mul3A_4, %add3A_54 : i32
    %dma_start3A_56 = tpu.memref_slice %arg3[%add3A_55] : memref<320000xi32, #tpu.memory_space<hbm>> -> memref<80xi32, #tpu.memory_space<hbm>>
    %dma_start3A_57 = tpu.memref_slice %arg3[%add3A_55] : memref<320000xi32, #tpu.memory_space<hbm>> -> memref<80xi32, #tpu.memory_space<hbm>>
    tpu.enqueue_dma source(%dma_start3A_57 : memref<80xi32, #tpu.memory_space<hbm>>) target(%arg22 : memref<80xi32, #tpu.memory_space<vmem>>) target_semaphore(%arg38 : memref<!tpu.dma_semaphore, #tpu.memory_space<semaphore_mem>>)
    %dma_wait3A = tpu.memref_slice %arg3[%mul3A_4] : memref<320000xi32, #tpu.memory_space<hbm>> -> memref<80xi32, #tpu.memory_space<hbm>>
    %dma_wait3A_58 = tpu.memref_slice %arg3[%mul3A_4] : memref<320000xi32, #tpu.memory_space<hbm>> -> memref<80xi32, #tpu.memory_space<hbm>>
    tpu.wait_dma2 semaphore(%arg31 : memref<!tpu.dma_semaphore, #tpu.memory_space<semaphore_mem>>) src(%dma_wait3A_58 : memref<80xi32, #tpu.memory_space<hbm>>) dst(%arg15 : memref<80xi32, #tpu.memory_space<vmem>>)
    %dma_start3A_59 = arith.constant 0 : i32
    %dma_start3A_60 = arith.constant 0 : i32
    %dma_start3A_61 = tpu.memref_slice %arg2[%dma_start3A_59, %dma_start3A_60] : memref<10000x128xf32, #tpu.memory_space<hbm>> -> memref<10000x128xf32, #tpu.memory_space<hbm>>
    tpu.enqueue_indirect_dma source(%dma_start3A_61 : memref<10000x128xf32, #tpu.memory_space<hbm>>) target(%arg7 : memref<80x128xf32, #tpu.memory_space<vmem>>) offsets(%arg15 : memref<80xi32, #tpu.memory_space<vmem>>) semaphore(%arg23 : memref<!tpu.dma_semaphore, #tpu.memory_space<semaphore_mem>>)
    %add3A_62 = arith.constant 0 : i32
    %add3A_63 = arith.addi %mul3A_4, %add3A_62 : i32
    %dma_start3A_64 = tpu.memref_slice %arg4[%add3A_63] : memref<320000xi32, #tpu.memory_space<hbm>> -> memref<80xi32, #tpu.memory_space<hbm>>
    %dma_start3A_65 = tpu.memref_slice %arg4[%add3A_63] : memref<320000xi32, #tpu.memory_space<hbm>> -> memref<80xi32, #tpu.memory_space<hbm>>
    tpu.enqueue_dma source(%dma_start3A_65 : memref<80xi32, #tpu.memory_space<hbm>>) target(%arg11 : memref<80xi32, #tpu.memory_space<vmem>>) target_semaphore(%arg27 : memref<!tpu.dma_semaphore, #tpu.memory_space<semaphore_mem>>)
    %dma_wait3A_66 = tpu.memref_slice %arg3[%mul3A_4] : memref<320000xi32, #tpu.memory_space<hbm>> -> memref<80xi32, #tpu.memory_space<hbm>>
    %dma_wait3A_67 = tpu.memref_slice %arg3[%mul3A_4] : memref<320000xi32, #tpu.memory_space<hbm>> -> memref<80xi32, #tpu.memory_space<hbm>>
    tpu.wait_dma2 semaphore(%arg32 : memref<!tpu.dma_semaphore, #tpu.memory_space<semaphore_mem>>) src(%dma_wait3A_67 : memref<80xi32, #tpu.memory_space<hbm>>) dst(%arg16 : memref<80xi32, #tpu.memory_space<vmem>>)
    %dma_start3A_68 = arith.constant 0 : i32
    %dma_start3A_69 = arith.constant 0 : i32
    %dma_start3A_70 = tpu.memref_slice %arg2[%dma_start3A_68, %dma_start3A_69] : memref<10000x128xf32, #tpu.memory_space<hbm>> -> memref<10000x128xf32, #tpu.memory_space<hbm>>
    tpu.enqueue_indirect_dma source(%dma_start3A_70 : memref<10000x128xf32, #tpu.memory_space<hbm>>) target(%arg8 : memref<80x128xf32, #tpu.memory_space<vmem>>) offsets(%arg16 : memref<80xi32, #tpu.memory_space<vmem>>) semaphore(%arg24 : memref<!tpu.dma_semaphore, #tpu.memory_space<semaphore_mem>>)
    %add3A_71 = arith.constant 80 : i32
    %add3A_72 = arith.addi %mul3A_4, %add3A_71 : i32
    %dma_start3A_73 = tpu.memref_slice %arg4[%add3A_72] : memref<320000xi32, #tpu.memory_space<hbm>> -> memref<80xi32, #tpu.memory_space<hbm>>
    %dma_start3A_74 = tpu.memref_slice %arg4[%add3A_72] : memref<320000xi32, #tpu.memory_space<hbm>> -> memref<80xi32, #tpu.memory_space<hbm>>
    tpu.enqueue_dma source(%dma_start3A_74 : memref<80xi32, #tpu.memory_space<hbm>>) target(%arg12 : memref<80xi32, #tpu.memory_space<vmem>>) target_semaphore(%arg28 : memref<!tpu.dma_semaphore, #tpu.memory_space<semaphore_mem>>)
    %dma_wait3A_75 = tpu.memref_slice %arg3[%mul3A_4] : memref<320000xi32, #tpu.memory_space<hbm>> -> memref<80xi32, #tpu.memory_space<hbm>>
    %dma_wait3A_76 = tpu.memref_slice %arg3[%mul3A_4] : memref<320000xi32, #tpu.memory_space<hbm>> -> memref<80xi32, #tpu.memory_space<hbm>>
    tpu.wait_dma2 semaphore(%arg33 : memref<!tpu.dma_semaphore, #tpu.memory_space<semaphore_mem>>) src(%dma_wait3A_76 : memref<80xi32, #tpu.memory_space<hbm>>) dst(%arg17 : memref<80xi32, #tpu.memory_space<vmem>>)
    %dma_start3A_77 = arith.constant 0 : i32
    %dma_start3A_78 = arith.constant 0 : i32
    %dma_start3A_79 = tpu.memref_slice %arg2[%dma_start3A_77, %dma_start3A_78] : memref<10000x128xf32, #tpu.memory_space<hbm>> -> memref<10000x128xf32, #tpu.memory_space<hbm>>
    tpu.enqueue_indirect_dma source(%dma_start3A_79 : memref<10000x128xf32, #tpu.memory_space<hbm>>) target(%arg9 : memref<80x128xf32, #tpu.memory_space<vmem>>) offsets(%arg17 : memref<80xi32, #tpu.memory_space<vmem>>) semaphore(%arg25 : memref<!tpu.dma_semaphore, #tpu.memory_space<semaphore_mem>>)
    %add3A_80 = arith.constant 160 : i32
    %add3A_81 = arith.addi %mul3A_4, %add3A_80 : i32
    %dma_start3A_82 = tpu.memref_slice %arg4[%add3A_81] : memref<320000xi32, #tpu.memory_space<hbm>> -> memref<80xi32, #tpu.memory_space<hbm>>
    %dma_start3A_83 = tpu.memref_slice %arg4[%add3A_81] : memref<320000xi32, #tpu.memory_space<hbm>> -> memref<80xi32, #tpu.memory_space<hbm>>
    tpu.enqueue_dma source(%dma_start3A_83 : memref<80xi32, #tpu.memory_space<hbm>>) target(%arg13 : memref<80xi32, #tpu.memory_space<vmem>>) target_semaphore(%arg29 : memref<!tpu.dma_semaphore, #tpu.memory_space<semaphore_mem>>)
    %dma_wait3A_84 = tpu.memref_slice %arg3[%mul3A_4] : memref<320000xi32, #tpu.memory_space<hbm>> -> memref<80xi32, #tpu.memory_space<hbm>>
    %dma_wait3A_85 = tpu.memref_slice %arg3[%mul3A_4] : memref<320000xi32, #tpu.memory_space<hbm>> -> memref<80xi32, #tpu.memory_space<hbm>>
    tpu.wait_dma2 semaphore(%arg34 : memref<!tpu.dma_semaphore, #tpu.memory_space<semaphore_mem>>) src(%dma_wait3A_85 : memref<80xi32, #tpu.memory_space<hbm>>) dst(%arg18 : memref<80xi32, #tpu.memory_space<vmem>>)
    %dma_start3A_86 = arith.constant 0 : i32
    %dma_start3A_87 = arith.constant 0 : i32
    %dma_start3A_88 = tpu.memref_slice %arg2[%dma_start3A_86, %dma_start3A_87] : memref<10000x128xf32, #tpu.memory_space<hbm>> -> memref<10000x128xf32, #tpu.memory_space<hbm>>
    tpu.enqueue_indirect_dma source(%dma_start3A_88 : memref<10000x128xf32, #tpu.memory_space<hbm>>) target(%arg10 : memref<80x128xf32, #tpu.memory_space<vmem>>) offsets(%arg18 : memref<80xi32, #tpu.memory_space<vmem>>) semaphore(%arg26 : memref<!tpu.dma_semaphore, #tpu.memory_space<semaphore_mem>>)
    %add3A_89 = arith.constant 240 : i32
    %add3A_90 = arith.addi %mul3A_4, %add3A_89 : i32
    %dma_start3A_91 = tpu.memref_slice %arg4[%add3A_90] : memref<320000xi32, #tpu.memory_space<hbm>> -> memref<80xi32, #tpu.memory_space<hbm>>
    %dma_start3A_92 = tpu.memref_slice %arg4[%add3A_90] : memref<320000xi32, #tpu.memory_space<hbm>> -> memref<80xi32, #tpu.memory_space<hbm>>
    tpu.enqueue_dma source(%dma_start3A_92 : memref<80xi32, #tpu.memory_space<hbm>>) target(%arg14 : memref<80xi32, #tpu.memory_space<vmem>>) target_semaphore(%arg30 : memref<!tpu.dma_semaphore, #tpu.memory_space<semaphore_mem>>)
    %scan3A_93 = arith.constant 0 : i32
    %scan3A_94 = arith.constant 0 : i32
    %scan3A_95 = arith.constant 15 : i32
    %scan3A_96 = arith.addi %scan3A_94, %scan3A_95 : i32
    %scan3A_97 = arith.constant 1 : i32
    scf.for %scan3A_134 = %scan3A_94 to %scan3A_96 step %scan3A_97  : i32 {
      %mul3A_135 = arith.constant 8 : i32
      %mul3A_136 = arith.muli %scan3A_134, %mul3A_135 : i32
      %add3A_137 = arith.constant 0 : i32
      %add3A_138 = arith.addi %mul3A_136, %add3A_137 : i32
      %dma_wait3A_139 = arith.constant 0 : i32
      %dma_wait3A_140 = arith.constant 0 : i32
      %dma_wait3A_141 = tpu.memref_slice %arg2[%dma_wait3A_139, %dma_wait3A_140] : memref<10000x128xf32, #tpu.memory_space<hbm>> -> memref<10000x128xf32, #tpu.memory_space<hbm>>
      tpu.wait_indirect_dma semaphore(%arg23 : memref<!tpu.dma_semaphore, #tpu.memory_space<semaphore_mem>>) src(%dma_wait3A_141 : memref<10000x128xf32, #tpu.memory_space<hbm>>) dst(%arg7 : memref<80x128xf32, #tpu.memory_space<vmem>>)
      %dma_wait3A_142 = tpu.memref_slice %arg4[%mul3A_4] : memref<320000xi32, #tpu.memory_space<hbm>> -> memref<80xi32, #tpu.memory_space<hbm>>
      %dma_wait3A_143 = tpu.memref_slice %arg4[%mul3A_4] : memref<320000xi32, #tpu.memory_space<hbm>> -> memref<80xi32, #tpu.memory_space<hbm>>
      tpu.wait_dma2 semaphore(%arg27 : memref<!tpu.dma_semaphore, #tpu.memory_space<semaphore_mem>>) src(%dma_wait3A_143 : memref<80xi32, #tpu.memory_space<hbm>>) dst(%arg11 : memref<80xi32, #tpu.memory_space<vmem>>)
      "tpu.region"() ({
        %run_scoped3A = tpu.sem_alloc : memref<!tpu.dma_semaphore, #tpu.memory_space<semaphore_mem>>
        %dma_start3A_356 = arith.constant 0 : i32
        %dma_start3A_357 = arith.constant 0 : i32
        %dma_start3A_358 = tpu.memref_slice %arg6[%dma_start3A_356, %dma_start3A_357] : memref<10240x128xf32, #tpu.memory_space<vmem_shared>> -> memref<10240x128xf32, #tpu.memory_space<vmem_shared>>
        tpu.enqueue_indirect_dma source(%arg7 : memref<80x128xf32, #tpu.memory_space<vmem>>) target(%dma_start3A_358 : memref<10240x128xf32, #tpu.memory_space<vmem_shared>>) offsets(%arg11 : memref<80xi32, #tpu.memory_space<vmem>>) semaphore(%run_scoped3A : memref<!tpu.dma_semaphore, #tpu.memory_space<semaphore_mem>>) {add = true}
        %dma_wait3A_359 = arith.constant 0 : i32
        %dma_wait3A_360 = arith.constant 0 : i32
        %dma_wait3A_361 = tpu.memref_slice %arg6[%dma_wait3A_359, %dma_wait3A_360] : memref<10240x128xf32, #tpu.memory_space<vmem_shared>> -> memref<10240x128xf32, #tpu.memory_space<vmem_shared>>
        tpu.wait_indirect_dma semaphore(%run_scoped3A : memref<!tpu.dma_semaphore, #tpu.memory_space<semaphore_mem>>) src(%arg7 : memref<80x128xf32, #tpu.memory_space<vmem>>) dst(%dma_wait3A_361 : memref<10240x128xf32, #tpu.memory_space<vmem_shared>>)
        tpu.yield
      }) : () -> ()
      %add3A_144 = arith.constant 4 : i32
      %add3A_145 = arith.addi %add3A_138, %add3A_144 : i32
      %dma_wait3A_146 = tpu.memref_slice %arg3[%mul3A_4] : memref<320000xi32, #tpu.memory_space<hbm>> -> memref<80xi32, #tpu.memory_space<hbm>>
      %dma_wait3A_147 = tpu.memref_slice %arg3[%mul3A_4] : memref<320000xi32, #tpu.memory_space<hbm>> -> memref<80xi32, #tpu.memory_space<hbm>>
      tpu.wait_dma2 semaphore(%arg35 : memref<!tpu.dma_semaphore, #tpu.memory_space<semaphore_mem>>) src(%dma_wait3A_147 : memref<80xi32, #tpu.memory_space<hbm>>) dst(%arg19 : memref<80xi32, #tpu.memory_space<vmem>>)
      %dma_start3A_148 = arith.constant 0 : i32
      %dma_start3A_149 = arith.constant 0 : i32
      %dma_start3A_150 = tpu.memref_slice %arg2[%dma_start3A_148, %dma_start3A_149] : memref<10000x128xf32, #tpu.memory_space<hbm>> -> memref<10000x128xf32, #tpu.memory_space<hbm>>
      tpu.enqueue_indirect_dma source(%dma_start3A_150 : memref<10000x128xf32, #tpu.memory_space<hbm>>) target(%arg7 : memref<80x128xf32, #tpu.memory_space<vmem>>) offsets(%arg19 : memref<80xi32, #tpu.memory_space<vmem>>) semaphore(%arg23 : memref<!tpu.dma_semaphore, #tpu.memory_space<semaphore_mem>>)
      %mul3A_151 = arith.constant 80 : i32
      %mul3A_152 = arith.muli %add3A_145, %mul3A_151 : i32
      %add3A_153 = arith.addi %mul3A_4, %mul3A_152 : i32
      %dma_start3A_154 = tpu.memref_slice %arg4[%add3A_153] : memref<320000xi32, #tpu.memory_space<hbm>> -> memref<80xi32, #tpu.memory_space<hbm>>
      %dma_start3A_155 = tpu.memref_slice %arg4[%add3A_153] : memref<320000xi32, #tpu.memory_space<hbm>> -> memref<80xi32, #tpu.memory_space<hbm>>
      tpu.enqueue_dma source(%dma_start3A_155 : memref<80xi32, #tpu.memory_space<hbm>>) target(%arg11 : memref<80xi32, #tpu.memory_space<vmem>>) target_semaphore(%arg27 : memref<!tpu.dma_semaphore, #tpu.memory_space<semaphore_mem>>)
      %add3A_156 = arith.constant 8 : i32
      %add3A_157 = arith.addi %add3A_138, %add3A_156 : i32
      %lt3A = arith.constant 125 : i32
      %lt3A_158 = arith.cmpi slt, %add3A_157, %lt3A : i32
      %convert_element_type3A = arith.extui %lt3A_158 : i1 to i32
      %cond3A = arith.constant 0 : i32
      %cond3A_159 = arith.cmpi ne, %convert_element_type3A, %cond3A : i32
      scf.if %cond3A_159 {
        %mul3A_356 = arith.constant 80 : i32
        %mul3A_357 = arith.muli %add3A_157, %mul3A_356 : i32
        %add3A_358 = arith.addi %mul3A_4, %mul3A_357 : i32
        %dma_start3A_359 = tpu.memref_slice %arg3[%add3A_358] : memref<320000xi32, #tpu.memory_space<hbm>> -> memref<80xi32, #tpu.memory_space<hbm>>
        %dma_start3A_360 = tpu.memref_slice %arg3[%add3A_358] : memref<320000xi32, #tpu.memory_space<hbm>> -> memref<80xi32, #tpu.memory_space<hbm>>
        tpu.enqueue_dma source(%dma_start3A_360 : memref<80xi32, #tpu.memory_space<hbm>>) target(%arg15 : memref<80xi32, #tpu.memory_space<vmem>>) target_semaphore(%arg31 : memref<!tpu.dma_semaphore, #tpu.memory_space<semaphore_mem>>)
      } else {
      }
      %mul3A_160 = arith.constant 8 : i32
      %mul3A_161 = arith.muli %scan3A_134, %mul3A_160 : i32
      %add3A_162 = arith.constant 1 : i32
      %add3A_163 = arith.addi %mul3A_161, %add3A_162 : i32
      %dma_wait3A_164 = arith.constant 0 : i32
      %dma_wait3A_165 = arith.constant 0 : i32
      %dma_wait3A_166 = tpu.memref_slice %arg2[%dma_wait3A_164, %dma_wait3A_165] : memref<10000x128xf32, #tpu.memory_space<hbm>> -> memref<10000x128xf32, #tpu.memory_space<hbm>>
      tpu.wait_indirect_dma semaphore(%arg24 : memref<!tpu.dma_semaphore, #tpu.memory_space<semaphore_mem>>) src(%dma_wait3A_166 : memref<10000x128xf32, #tpu.memory_space<hbm>>) dst(%arg8 : memref<80x128xf32, #tpu.memory_space<vmem>>)
      %dma_wait3A_167 = tpu.memref_slice %arg4[%mul3A_4] : memref<320000xi32, #tpu.memory_space<hbm>> -> memref<80xi32, #tpu.memory_space<hbm>>
      %dma_wait3A_168 = tpu.memref_slice %arg4[%mul3A_4] : memref<320000xi32, #tpu.memory_space<hbm>> -> memref<80xi32, #tpu.memory_space<hbm>>
      tpu.wait_dma2 semaphore(%arg28 : memref<!tpu.dma_semaphore, #tpu.memory_space<semaphore_mem>>) src(%dma_wait3A_168 : memref<80xi32, #tpu.memory_space<hbm>>) dst(%arg12 : memref<80xi32, #tpu.memory_space<vmem>>)
      "tpu.region"() ({
        %run_scoped3A = tpu.sem_alloc : memref<!tpu.dma_semaphore, #tpu.memory_space<semaphore_mem>>
        %dma_start3A_356 = arith.constant 0 : i32
        %dma_start3A_357 = arith.constant 0 : i32
        %dma_start3A_358 = tpu.memref_slice %arg6[%dma_start3A_356, %dma_start3A_357] : memref<10240x128xf32, #tpu.memory_space<vmem_shared>> -> memref<10240x128xf32, #tpu.memory_space<vmem_shared>>
        tpu.enqueue_indirect_dma source(%arg8 : memref<80x128xf32, #tpu.memory_space<vmem>>) target(%dma_start3A_358 : memref<10240x128xf32, #tpu.memory_space<vmem_shared>>) offsets(%arg12 : memref<80xi32, #tpu.memory_space<vmem>>) semaphore(%run_scoped3A : memref<!tpu.dma_semaphore, #tpu.memory_space<semaphore_mem>>) {add = true}
        %dma_wait3A_359 = arith.constant 0 : i32
        %dma_wait3A_360 = arith.constant 0 : i32
        %dma_wait3A_361 = tpu.memref_slice %arg6[%dma_wait3A_359, %dma_wait3A_360] : memref<10240x128xf32, #tpu.memory_space<vmem_shared>> -> memref<10240x128xf32, #tpu.memory_space<vmem_shared>>
        tpu.wait_indirect_dma semaphore(%run_scoped3A : memref<!tpu.dma_semaphore, #tpu.memory_space<semaphore_mem>>) src(%arg8 : memref<80x128xf32, #tpu.memory_space<vmem>>) dst(%dma_wait3A_361 : memref<10240x128xf32, #tpu.memory_space<vmem_shared>>)
        tpu.yield
      }) : () -> ()
      %add3A_169 = arith.constant 4 : i32
      %add3A_170 = arith.addi %add3A_163, %add3A_169 : i32
      %dma_wait3A_171 = tpu.memref_slice %arg3[%mul3A_4] : memref<320000xi32, #tpu.memory_space<hbm>> -> memref<80xi32, #tpu.memory_space<hbm>>
      %dma_wait3A_172 = tpu.memref_slice %arg3[%mul3A_4] : memref<320000xi32, #tpu.memory_space<hbm>> -> memref<80xi32, #tpu.memory_space<hbm>>
      tpu.wait_dma2 semaphore(%arg36 : memref<!tpu.dma_semaphore, #tpu.memory_space<semaphore_mem>>) src(%dma_wait3A_172 : memref<80xi32, #tpu.memory_space<hbm>>) dst(%arg20 : memref<80xi32, #tpu.memory_space<vmem>>)
      %dma_start3A_173 = arith.constant 0 : i32
      %dma_start3A_174 = arith.constant 0 : i32
      %dma_start3A_175 = tpu.memref_slice %arg2[%dma_start3A_173, %dma_start3A_174] : memref<10000x128xf32, #tpu.memory_space<hbm>> -> memref<10000x128xf32, #tpu.memory_space<hbm>>
      tpu.enqueue_indirect_dma source(%dma_start3A_175 : memref<10000x128xf32, #tpu.memory_space<hbm>>) target(%arg8 : memref<80x128xf32, #tpu.memory_space<vmem>>) offsets(%arg20 : memref<80xi32, #tpu.memory_space<vmem>>) semaphore(%arg24 : memref<!tpu.dma_semaphore, #tpu.memory_space<semaphore_mem>>)
      %mul3A_176 = arith.constant 80 : i32
      %mul3A_177 = arith.muli %add3A_170, %mul3A_176 : i32
      %add3A_178 = arith.addi %mul3A_4, %mul3A_177 : i32
      %dma_start3A_179 = tpu.memref_slice %arg4[%add3A_178] : memref<320000xi32, #tpu.memory_space<hbm>> -> memref<80xi32, #tpu.memory_space<hbm>>
      %dma_start3A_180 = tpu.memref_slice %arg4[%add3A_178] : memref<320000xi32, #tpu.memory_space<hbm>> -> memref<80xi32, #tpu.memory_space<hbm>>
      tpu.enqueue_dma source(%dma_start3A_180 : memref<80xi32, #tpu.memory_space<hbm>>) target(%arg12 : memref<80xi32, #tpu.memory_space<vmem>>) target_semaphore(%arg28 : memref<!tpu.dma_semaphore, #tpu.memory_space<semaphore_mem>>)
      %add3A_181 = arith.constant 8 : i32
      %add3A_182 = arith.addi %add3A_163, %add3A_181 : i32
      %lt3A_183 = arith.constant 125 : i32
      %lt3A_184 = arith.cmpi slt, %add3A_182, %lt3A_183 : i32
      %convert_element_type3A_185 = arith.extui %lt3A_184 : i1 to i32
      %cond3A_186 = arith.constant 0 : i32
      %cond3A_187 = arith.cmpi ne, %convert_element_type3A_185, %cond3A_186 : i32
      scf.if %cond3A_187 {
        %mul3A_356 = arith.constant 80 : i32
        %mul3A_357 = arith.muli %add3A_182, %mul3A_356 : i32
        %add3A_358 = arith.addi %mul3A_4, %mul3A_357 : i32
        %dma_start3A_359 = tpu.memref_slice %arg3[%add3A_358] : memref<320000xi32, #tpu.memory_space<hbm>> -> memref<80xi32, #tpu.memory_space<hbm>>
        %dma_start3A_360 = tpu.memref_slice %arg3[%add3A_358] : memref<320000xi32, #tpu.memory_space<hbm>> -> memref<80xi32, #tpu.memory_space<hbm>>
        tpu.enqueue_dma source(%dma_start3A_360 : memref<80xi32, #tpu.memory_space<hbm>>) target(%arg16 : memref<80xi32, #tpu.memory_space<vmem>>) target_semaphore(%arg32 : memref<!tpu.dma_semaphore, #tpu.memory_space<semaphore_mem>>)
      } else {
      }
      %mul3A_188 = arith.constant 8 : i32
      %mul3A_189 = arith.muli %scan3A_134, %mul3A_188 : i32
      %add3A_190 = arith.constant 2 : i32
      %add3A_191 = arith.addi %mul3A_189, %add3A_190 : i32
      %dma_wait3A_192 = arith.constant 0 : i32
      %dma_wait3A_193 = arith.constant 0 : i32
      %dma_wait3A_194 = tpu.memref_slice %arg2[%dma_wait3A_192, %dma_wait3A_193] : memref<10000x128xf32, #tpu.memory_space<hbm>> -> memref<10000x128xf32, #tpu.memory_space<hbm>>
      tpu.wait_indirect_dma semaphore(%arg25 : memref<!tpu.dma_semaphore, #tpu.memory_space<semaphore_mem>>) src(%dma_wait3A_194 : memref<10000x128xf32, #tpu.memory_space<hbm>>) dst(%arg9 : memref<80x128xf32, #tpu.memory_space<vmem>>)
      %dma_wait3A_195 = tpu.memref_slice %arg4[%mul3A_4] : memref<320000xi32, #tpu.memory_space<hbm>> -> memref<80xi32, #tpu.memory_space<hbm>>
      %dma_wait3A_196 = tpu.memref_slice %arg4[%mul3A_4] : memref<320000xi32, #tpu.memory_space<hbm>> -> memref<80xi32, #tpu.memory_space<hbm>>
      tpu.wait_dma2 semaphore(%arg29 : memref<!tpu.dma_semaphore, #tpu.memory_space<semaphore_mem>>) src(%dma_wait3A_196 : memref<80xi32, #tpu.memory_space<hbm>>) dst(%arg13 : memref<80xi32, #tpu.memory_space<vmem>>)
      "tpu.region"() ({
        %run_scoped3A = tpu.sem_alloc : memref<!tpu.dma_semaphore, #tpu.memory_space<semaphore_mem>>
        %dma_start3A_356 = arith.constant 0 : i32
        %dma_start3A_357 = arith.constant 0 : i32
        %dma_start3A_358 = tpu.memref_slice %arg6[%dma_start3A_356, %dma_start3A_357] : memref<10240x128xf32, #tpu.memory_space<vmem_shared>> -> memref<10240x128xf32, #tpu.memory_space<vmem_shared>>
        tpu.enqueue_indirect_dma source(%arg9 : memref<80x128xf32, #tpu.memory_space<vmem>>) target(%dma_start3A_358 : memref<10240x128xf32, #tpu.memory_space<vmem_shared>>) offsets(%arg13 : memref<80xi32, #tpu.memory_space<vmem>>) semaphore(%run_scoped3A : memref<!tpu.dma_semaphore, #tpu.memory_space<semaphore_mem>>) {add = true}
        %dma_wait3A_359 = arith.constant 0 : i32
        %dma_wait3A_360 = arith.constant 0 : i32
        %dma_wait3A_361 = tpu.memref_slice %arg6[%dma_wait3A_359, %dma_wait3A_360] : memref<10240x128xf32, #tpu.memory_space<vmem_shared>> -> memref<10240x128xf32, #tpu.memory_space<vmem_shared>>
        tpu.wait_indirect_dma semaphore(%run_scoped3A : memref<!tpu.dma_semaphore, #tpu.memory_space<semaphore_mem>>) src(%arg9 : memref<80x128xf32, #tpu.memory_space<vmem>>) dst(%dma_wait3A_361 : memref<10240x128xf32, #tpu.memory_space<vmem_shared>>)
        tpu.yield
      }) : () -> ()
      %add3A_197 = arith.constant 4 : i32
      %add3A_198 = arith.addi %add3A_191, %add3A_197 : i32
      %dma_wait3A_199 = tpu.memref_slice %arg3[%mul3A_4] : memref<320000xi32, #tpu.memory_space<hbm>> -> memref<80xi32, #tpu.memory_space<hbm>>
      %dma_wait3A_200 = tpu.memref_slice %arg3[%mul3A_4] : memref<320000xi32, #tpu.memory_space<hbm>> -> memref<80xi32, #tpu.memory_space<hbm>>
      tpu.wait_dma2 semaphore(%arg37 : memref<!tpu.dma_semaphore, #tpu.memory_space<semaphore_mem>>) src(%dma_wait3A_200 : memref<80xi32, #tpu.memory_space<hbm>>) dst(%arg21 : memref<80xi32, #tpu.memory_space<vmem>>)
      %dma_start3A_201 = arith.constant 0 : i32
      %dma_start3A_202 = arith.constant 0 : i32
      %dma_start3A_203 = tpu.memref_slice %arg2[%dma_start3A_201, %dma_start3A_202] : memref<10000x128xf32, #tpu.memory_space<hbm>> -> memref<10000x128xf32, #tpu.memory_space<hbm>>
      tpu.enqueue_indirect_dma source(%dma_start3A_203 : memref<10000x128xf32, #tpu.memory_space<hbm>>) target(%arg9 : memref<80x128xf32, #tpu.memory_space<vmem>>) offsets(%arg21 : memref<80xi32, #tpu.memory_space<vmem>>) semaphore(%arg25 : memref<!tpu.dma_semaphore, #tpu.memory_space<semaphore_mem>>)
      %mul3A_204 = arith.constant 80 : i32
      %mul3A_205 = arith.muli %add3A_198, %mul3A_204 : i32
      %add3A_206 = arith.addi %mul3A_4, %mul3A_205 : i32
      %dma_start3A_207 = tpu.memref_slice %arg4[%add3A_206] : memref<320000xi32, #tpu.memory_space<hbm>> -> memref<80xi32, #tpu.memory_space<hbm>>
      %dma_start3A_208 = tpu.memref_slice %arg4[%add3A_206] : memref<320000xi32, #tpu.memory_space<hbm>> -> memref<80xi32, #tpu.memory_space<hbm>>
      tpu.enqueue_dma source(%dma_start3A_208 : memref<80xi32, #tpu.memory_space<hbm>>) target(%arg13 : memref<80xi32, #tpu.memory_space<vmem>>) target_semaphore(%arg29 : memref<!tpu.dma_semaphore, #tpu.memory_space<semaphore_mem>>)
      %add3A_209 = arith.constant 8 : i32
      %add3A_210 = arith.addi %add3A_191, %add3A_209 : i32
      %lt3A_211 = arith.constant 125 : i32
      %lt3A_212 = arith.cmpi slt, %add3A_210, %lt3A_211 : i32
      %convert_element_type3A_213 = arith.extui %lt3A_212 : i1 to i32
      %cond3A_214 = arith.constant 0 : i32
      %cond3A_215 = arith.cmpi ne, %convert_element_type3A_213, %cond3A_214 : i32
      scf.if %cond3A_215 {
        %mul3A_356 = arith.constant 80 : i32
        %mul3A_357 = arith.muli %add3A_210, %mul3A_356 : i32
        %add3A_358 = arith.addi %mul3A_4, %mul3A_357 : i32
        %dma_start3A_359 = tpu.memref_slice %arg3[%add3A_358] : memref<320000xi32, #tpu.memory_space<hbm>> -> memref<80xi32, #tpu.memory_space<hbm>>
        %dma_start3A_360 = tpu.memref_slice %arg3[%add3A_358] : memref<320000xi32, #tpu.memory_space<hbm>> -> memref<80xi32, #tpu.memory_space<hbm>>
        tpu.enqueue_dma source(%dma_start3A_360 : memref<80xi32, #tpu.memory_space<hbm>>) target(%arg17 : memref<80xi32, #tpu.memory_space<vmem>>) target_semaphore(%arg33 : memref<!tpu.dma_semaphore, #tpu.memory_space<semaphore_mem>>)
      } else {
      }
      %mul3A_216 = arith.constant 8 : i32
      %mul3A_217 = arith.muli %scan3A_134, %mul3A_216 : i32
      %add3A_218 = arith.constant 3 : i32
      %add3A_219 = arith.addi %mul3A_217, %add3A_218 : i32
      %dma_wait3A_220 = arith.constant 0 : i32
      %dma_wait3A_221 = arith.constant 0 : i32
      %dma_wait3A_222 = tpu.memref_slice %arg2[%dma_wait3A_220, %dma_wait3A_221] : memref<10000x128xf32, #tpu.memory_space<hbm>> -> memref<10000x128xf32, #tpu.memory_space<hbm>>
      tpu.wait_indirect_dma semaphore(%arg26 : memref<!tpu.dma_semaphore, #tpu.memory_space<semaphore_mem>>) src(%dma_wait3A_222 : memref<10000x128xf32, #tpu.memory_space<hbm>>) dst(%arg10 : memref<80x128xf32, #tpu.memory_space<vmem>>)
      %dma_wait3A_223 = tpu.memref_slice %arg4[%mul3A_4] : memref<320000xi32, #tpu.memory_space<hbm>> -> memref<80xi32, #tpu.memory_space<hbm>>
      %dma_wait3A_224 = tpu.memref_slice %arg4[%mul3A_4] : memref<320000xi32, #tpu.memory_space<hbm>> -> memref<80xi32, #tpu.memory_space<hbm>>
      tpu.wait_dma2 semaphore(%arg30 : memref<!tpu.dma_semaphore, #tpu.memory_space<semaphore_mem>>) src(%dma_wait3A_224 : memref<80xi32, #tpu.memory_space<hbm>>) dst(%arg14 : memref<80xi32, #tpu.memory_space<vmem>>)
      "tpu.region"() ({
        %run_scoped3A = tpu.sem_alloc : memref<!tpu.dma_semaphore, #tpu.memory_space<semaphore_mem>>
        %dma_start3A_356 = arith.constant 0 : i32
        %dma_start3A_357 = arith.constant 0 : i32
        %dma_start3A_358 = tpu.memref_slice %arg6[%dma_start3A_356, %dma_start3A_357] : memref<10240x128xf32, #tpu.memory_space<vmem_shared>> -> memref<10240x128xf32, #tpu.memory_space<vmem_shared>>
        tpu.enqueue_indirect_dma source(%arg10 : memref<80x128xf32, #tpu.memory_space<vmem>>) target(%dma_start3A_358 : memref<10240x128xf32, #tpu.memory_space<vmem_shared>>) offsets(%arg14 : memref<80xi32, #tpu.memory_space<vmem>>) semaphore(%run_scoped3A : memref<!tpu.dma_semaphore, #tpu.memory_space<semaphore_mem>>) {add = true}
        %dma_wait3A_359 = arith.constant 0 : i32
        %dma_wait3A_360 = arith.constant 0 : i32
        %dma_wait3A_361 = tpu.memref_slice %arg6[%dma_wait3A_359, %dma_wait3A_360] : memref<10240x128xf32, #tpu.memory_space<vmem_shared>> -> memref<10240x128xf32, #tpu.memory_space<vmem_shared>>
        tpu.wait_indirect_dma semaphore(%run_scoped3A : memref<!tpu.dma_semaphore, #tpu.memory_space<semaphore_mem>>) src(%arg10 : memref<80x128xf32, #tpu.memory_space<vmem>>) dst(%dma_wait3A_361 : memref<10240x128xf32, #tpu.memory_space<vmem_shared>>)
        tpu.yield
      }) : () -> ()
      %add3A_225 = arith.constant 4 : i32
      %add3A_226 = arith.addi %add3A_219, %add3A_225 : i32
      %dma_wait3A_227 = tpu.memref_slice %arg3[%mul3A_4] : memref<320000xi32, #tpu.memory_space<hbm>> -> memref<80xi32, #tpu.memory_space<hbm>>
      %dma_wait3A_228 = tpu.memref_slice %arg3[%mul3A_4] : memref<320000xi32, #tpu.memory_space<hbm>> -> memref<80xi32, #tpu.memory_space<hbm>>
      tpu.wait_dma2 semaphore(%arg38 : memref<!tpu.dma_semaphore, #tpu.memory_space<semaphore_mem>>) src(%dma_wait3A_228 : memref<80xi32, #tpu.memory_space<hbm>>) dst(%arg22 : memref<80xi32, #tpu.memory_space<vmem>>)
      %dma_start3A_229 = arith.constant 0 : i32
      %dma_start3A_230 = arith.constant 0 : i32
      %dma_start3A_231 = tpu.memref_slice %arg2[%dma_start3A_229, %dma_start3A_230] : memref<10000x128xf32, #tpu.memory_space<hbm>> -> memref<10000x128xf32, #tpu.memory_space<hbm>>
      tpu.enqueue_indirect_dma source(%dma_start3A_231 : memref<10000x128xf32, #tpu.memory_space<hbm>>) target(%arg10 : memref<80x128xf32, #tpu.memory_space<vmem>>) offsets(%arg22 : memref<80xi32, #tpu.memory_space<vmem>>) semaphore(%arg26 : memref<!tpu.dma_semaphore, #tpu.memory_space<semaphore_mem>>)
      %mul3A_232 = arith.constant 80 : i32
      %mul3A_233 = arith.muli %add3A_226, %mul3A_232 : i32
      %add3A_234 = arith.addi %mul3A_4, %mul3A_233 : i32
      %dma_start3A_235 = tpu.memref_slice %arg4[%add3A_234] : memref<320000xi32, #tpu.memory_space<hbm>> -> memref<80xi32, #tpu.memory_space<hbm>>
      %dma_start3A_236 = tpu.memref_slice %arg4[%add3A_234] : memref<320000xi32, #tpu.memory_space<hbm>> -> memref<80xi32, #tpu.memory_space<hbm>>
      tpu.enqueue_dma source(%dma_start3A_236 : memref<80xi32, #tpu.memory_space<hbm>>) target(%arg14 : memref<80xi32, #tpu.memory_space<vmem>>) target_semaphore(%arg30 : memref<!tpu.dma_semaphore, #tpu.memory_space<semaphore_mem>>)
      %add3A_237 = arith.constant 8 : i32
      %add3A_238 = arith.addi %add3A_219, %add3A_237 : i32
      %lt3A_239 = arith.constant 125 : i32
      %lt3A_240 = arith.cmpi slt, %add3A_238, %lt3A_239 : i32
      %convert_element_type3A_241 = arith.extui %lt3A_240 : i1 to i32
      %cond3A_242 = arith.constant 0 : i32
      %cond3A_243 = arith.cmpi ne, %convert_element_type3A_241, %cond3A_242 : i32
      scf.if %cond3A_243 {
        %mul3A_356 = arith.constant 80 : i32
        %mul3A_357 = arith.muli %add3A_238, %mul3A_356 : i32
        %add3A_358 = arith.addi %mul3A_4, %mul3A_357 : i32
        %dma_start3A_359 = tpu.memref_slice %arg3[%add3A_358] : memref<320000xi32, #tpu.memory_space<hbm>> -> memref<80xi32, #tpu.memory_space<hbm>>
        %dma_start3A_360 = tpu.memref_slice %arg3[%add3A_358] : memref<320000xi32, #tpu.memory_space<hbm>> -> memref<80xi32, #tpu.memory_space<hbm>>
        tpu.enqueue_dma source(%dma_start3A_360 : memref<80xi32, #tpu.memory_space<hbm>>) target(%arg18 : memref<80xi32, #tpu.memory_space<vmem>>) target_semaphore(%arg34 : memref<!tpu.dma_semaphore, #tpu.memory_space<semaphore_mem>>)
      } else {
      }
      %mul3A_244 = arith.constant 8 : i32
      %mul3A_245 = arith.muli %scan3A_134, %mul3A_244 : i32
      %add3A_246 = arith.constant 4 : i32
      %add3A_247 = arith.addi %mul3A_245, %add3A_246 : i32
      %dma_wait3A_248 = arith.constant 0 : i32
      %dma_wait3A_249 = arith.constant 0 : i32
      %dma_wait3A_250 = tpu.memref_slice %arg2[%dma_wait3A_248, %dma_wait3A_249] : memref<10000x128xf32, #tpu.memory_space<hbm>> -> memref<10000x128xf32, #tpu.memory_space<hbm>>
      tpu.wait_indirect_dma semaphore(%arg23 : memref<!tpu.dma_semaphore, #tpu.memory_space<semaphore_mem>>) src(%dma_wait3A_250 : memref<10000x128xf32, #tpu.memory_space<hbm>>) dst(%arg7 : memref<80x128xf32, #tpu.memory_space<vmem>>)
      %dma_wait3A_251 = tpu.memref_slice %arg4[%mul3A_4] : memref<320000xi32, #tpu.memory_space<hbm>> -> memref<80xi32, #tpu.memory_space<hbm>>
      %dma_wait3A_252 = tpu.memref_slice %arg4[%mul3A_4] : memref<320000xi32, #tpu.memory_space<hbm>> -> memref<80xi32, #tpu.memory_space<hbm>>
      tpu.wait_dma2 semaphore(%arg27 : memref<!tpu.dma_semaphore, #tpu.memory_space<semaphore_mem>>) src(%dma_wait3A_252 : memref<80xi32, #tpu.memory_space<hbm>>) dst(%arg11 : memref<80xi32, #tpu.memory_space<vmem>>)
      "tpu.region"() ({
        %run_scoped3A = tpu.sem_alloc : memref<!tpu.dma_semaphore, #tpu.memory_space<semaphore_mem>>
        %dma_start3A_356 = arith.constant 0 : i32
        %dma_start3A_357 = arith.constant 0 : i32
        %dma_start3A_358 = tpu.memref_slice %arg6[%dma_start3A_356, %dma_start3A_357] : memref<10240x128xf32, #tpu.memory_space<vmem_shared>> -> memref<10240x128xf32, #tpu.memory_space<vmem_shared>>
        tpu.enqueue_indirect_dma source(%arg7 : memref<80x128xf32, #tpu.memory_space<vmem>>) target(%dma_start3A_358 : memref<10240x128xf32, #tpu.memory_space<vmem_shared>>) offsets(%arg11 : memref<80xi32, #tpu.memory_space<vmem>>) semaphore(%run_scoped3A : memref<!tpu.dma_semaphore, #tpu.memory_space<semaphore_mem>>) {add = true}
        %dma_wait3A_359 = arith.constant 0 : i32
        %dma_wait3A_360 = arith.constant 0 : i32
        %dma_wait3A_361 = tpu.memref_slice %arg6[%dma_wait3A_359, %dma_wait3A_360] : memref<10240x128xf32, #tpu.memory_space<vmem_shared>> -> memref<10240x128xf32, #tpu.memory_space<vmem_shared>>
        tpu.wait_indirect_dma semaphore(%run_scoped3A : memref<!tpu.dma_semaphore, #tpu.memory_space<semaphore_mem>>) src(%arg7 : memref<80x128xf32, #tpu.memory_space<vmem>>) dst(%dma_wait3A_361 : memref<10240x128xf32, #tpu.memory_space<vmem_shared>>)
        tpu.yield
      }) : () -> ()
      %add3A_253 = arith.constant 4 : i32
      %add3A_254 = arith.addi %add3A_247, %add3A_253 : i32
      %dma_wait3A_255 = tpu.memref_slice %arg3[%mul3A_4] : memref<320000xi32, #tpu.memory_space<hbm>> -> memref<80xi32, #tpu.memory_space<hbm>>
      %dma_wait3A_256 = tpu.memref_slice %arg3[%mul3A_4] : memref<320000xi32, #tpu.memory_space<hbm>> -> memref<80xi32, #tpu.memory_space<hbm>>
      tpu.wait_dma2 semaphore(%arg31 : memref<!tpu.dma_semaphore, #tpu.memory_space<semaphore_mem>>) src(%dma_wait3A_256 : memref<80xi32, #tpu.memory_space<hbm>>) dst(%arg15 : memref<80xi32, #tpu.memory_space<vmem>>)
      %dma_start3A_257 = arith.constant 0 : i32
      %dma_start3A_258 = arith.constant 0 : i32
      %dma_start3A_259 = tpu.memref_slice %arg2[%dma_start3A_257, %dma_start3A_258] : memref<10000x128xf32, #tpu.memory_space<hbm>> -> memref<10000x128xf32, #tpu.memory_space<hbm>>
      tpu.enqueue_indirect_dma source(%dma_start3A_259 : memref<10000x128xf32, #tpu.memory_space<hbm>>) target(%arg7 : memref<80x128xf32, #tpu.memory_space<vmem>>) offsets(%arg15 : memref<80xi32, #tpu.memory_space<vmem>>) semaphore(%arg23 : memref<!tpu.dma_semaphore, #tpu.memory_space<semaphore_mem>>)
      %mul3A_260 = arith.constant 80 : i32
      %mul3A_261 = arith.muli %add3A_254, %mul3A_260 : i32
      %add3A_262 = arith.addi %mul3A_4, %mul3A_261 : i32
      %dma_start3A_263 = tpu.memref_slice %arg4[%add3A_262] : memref<320000xi32, #tpu.memory_space<hbm>> -> memref<80xi32, #tpu.memory_space<hbm>>
      %dma_start3A_264 = tpu.memref_slice %arg4[%add3A_262] : memref<320000xi32, #tpu.memory_space<hbm>> -> memref<80xi32, #tpu.memory_space<hbm>>
      tpu.enqueue_dma source(%dma_start3A_264 : memref<80xi32, #tpu.memory_space<hbm>>) target(%arg11 : memref<80xi32, #tpu.memory_space<vmem>>) target_semaphore(%arg27 : memref<!tpu.dma_semaphore, #tpu.memory_space<semaphore_mem>>)
      %add3A_265 = arith.constant 8 : i32
      %add3A_266 = arith.addi %add3A_247, %add3A_265 : i32
      %lt3A_267 = arith.constant 125 : i32
      %lt3A_268 = arith.cmpi slt, %add3A_266, %lt3A_267 : i32
      %convert_element_type3A_269 = arith.extui %lt3A_268 : i1 to i32
      %cond3A_270 = arith.constant 0 : i32
      %cond3A_271 = arith.cmpi ne, %convert_element_type3A_269, %cond3A_270 : i32
      scf.if %cond3A_271 {
        %mul3A_356 = arith.constant 80 : i32
        %mul3A_357 = arith.muli %add3A_266, %mul3A_356 : i32
        %add3A_358 = arith.addi %mul3A_4, %mul3A_357 : i32
        %dma_start3A_359 = tpu.memref_slice %arg3[%add3A_358] : memref<320000xi32, #tpu.memory_space<hbm>> -> memref<80xi32, #tpu.memory_space<hbm>>
        %dma_start3A_360 = tpu.memref_slice %arg3[%add3A_358] : memref<320000xi32, #tpu.memory_space<hbm>> -> memref<80xi32, #tpu.memory_space<hbm>>
        tpu.enqueue_dma source(%dma_start3A_360 : memref<80xi32, #tpu.memory_space<hbm>>) target(%arg19 : memref<80xi32, #tpu.memory_space<vmem>>) target_semaphore(%arg35 : memref<!tpu.dma_semaphore, #tpu.memory_space<semaphore_mem>>)
      } else {
      }
      %mul3A_272 = arith.constant 8 : i32
      %mul3A_273 = arith.muli %scan3A_134, %mul3A_272 : i32
      %add3A_274 = arith.constant 5 : i32
      %add3A_275 = arith.addi %mul3A_273, %add3A_274 : i32
      %dma_wait3A_276 = arith.constant 0 : i32
      %dma_wait3A_277 = arith.constant 0 : i32
      %dma_wait3A_278 = tpu.memref_slice %arg2[%dma_wait3A_276, %dma_wait3A_277] : memref<10000x128xf32, #tpu.memory_space<hbm>> -> memref<10000x128xf32, #tpu.memory_space<hbm>>
      tpu.wait_indirect_dma semaphore(%arg24 : memref<!tpu.dma_semaphore, #tpu.memory_space<semaphore_mem>>) src(%dma_wait3A_278 : memref<10000x128xf32, #tpu.memory_space<hbm>>) dst(%arg8 : memref<80x128xf32, #tpu.memory_space<vmem>>)
      %dma_wait3A_279 = tpu.memref_slice %arg4[%mul3A_4] : memref<320000xi32, #tpu.memory_space<hbm>> -> memref<80xi32, #tpu.memory_space<hbm>>
      %dma_wait3A_280 = tpu.memref_slice %arg4[%mul3A_4] : memref<320000xi32, #tpu.memory_space<hbm>> -> memref<80xi32, #tpu.memory_space<hbm>>
      tpu.wait_dma2 semaphore(%arg28 : memref<!tpu.dma_semaphore, #tpu.memory_space<semaphore_mem>>) src(%dma_wait3A_280 : memref<80xi32, #tpu.memory_space<hbm>>) dst(%arg12 : memref<80xi32, #tpu.memory_space<vmem>>)
      "tpu.region"() ({
        %run_scoped3A = tpu.sem_alloc : memref<!tpu.dma_semaphore, #tpu.memory_space<semaphore_mem>>
        %dma_start3A_356 = arith.constant 0 : i32
        %dma_start3A_357 = arith.constant 0 : i32
        %dma_start3A_358 = tpu.memref_slice %arg6[%dma_start3A_356, %dma_start3A_357] : memref<10240x128xf32, #tpu.memory_space<vmem_shared>> -> memref<10240x128xf32, #tpu.memory_space<vmem_shared>>
        tpu.enqueue_indirect_dma source(%arg8 : memref<80x128xf32, #tpu.memory_space<vmem>>) target(%dma_start3A_358 : memref<10240x128xf32, #tpu.memory_space<vmem_shared>>) offsets(%arg12 : memref<80xi32, #tpu.memory_space<vmem>>) semaphore(%run_scoped3A : memref<!tpu.dma_semaphore, #tpu.memory_space<semaphore_mem>>) {add = true}
        %dma_wait3A_359 = arith.constant 0 : i32
        %dma_wait3A_360 = arith.constant 0 : i32
        %dma_wait3A_361 = tpu.memref_slice %arg6[%dma_wait3A_359, %dma_wait3A_360] : memref<10240x128xf32, #tpu.memory_space<vmem_shared>> -> memref<10240x128xf32, #tpu.memory_space<vmem_shared>>
        tpu.wait_indirect_dma semaphore(%run_scoped3A : memref<!tpu.dma_semaphore, #tpu.memory_space<semaphore_mem>>) src(%arg8 : memref<80x128xf32, #tpu.memory_space<vmem>>) dst(%dma_wait3A_361 : memref<10240x128xf32, #tpu.memory_space<vmem_shared>>)
        tpu.yield
      }) : () -> ()
      %add3A_281 = arith.constant 4 : i32
      %add3A_282 = arith.addi %add3A_275, %add3A_281 : i32
      %dma_wait3A_283 = tpu.memref_slice %arg3[%mul3A_4] : memref<320000xi32, #tpu.memory_space<hbm>> -> memref<80xi32, #tpu.memory_space<hbm>>
      %dma_wait3A_284 = tpu.memref_slice %arg3[%mul3A_4] : memref<320000xi32, #tpu.memory_space<hbm>> -> memref<80xi32, #tpu.memory_space<hbm>>
      tpu.wait_dma2 semaphore(%arg32 : memref<!tpu.dma_semaphore, #tpu.memory_space<semaphore_mem>>) src(%dma_wait3A_284 : memref<80xi32, #tpu.memory_space<hbm>>) dst(%arg16 : memref<80xi32, #tpu.memory_space<vmem>>)
      %dma_start3A_285 = arith.constant 0 : i32
      %dma_start3A_286 = arith.constant 0 : i32
      %dma_start3A_287 = tpu.memref_slice %arg2[%dma_start3A_285, %dma_start3A_286] : memref<10000x128xf32, #tpu.memory_space<hbm>> -> memref<10000x128xf32, #tpu.memory_space<hbm>>
      tpu.enqueue_indirect_dma source(%dma_start3A_287 : memref<10000x128xf32, #tpu.memory_space<hbm>>) target(%arg8 : memref<80x128xf32, #tpu.memory_space<vmem>>) offsets(%arg16 : memref<80xi32, #tpu.memory_space<vmem>>) semaphore(%arg24 : memref<!tpu.dma_semaphore, #tpu.memory_space<semaphore_mem>>)
      %mul3A_288 = arith.constant 80 : i32
      %mul3A_289 = arith.muli %add3A_282, %mul3A_288 : i32
      %add3A_290 = arith.addi %mul3A_4, %mul3A_289 : i32
      %dma_start3A_291 = tpu.memref_slice %arg4[%add3A_290] : memref<320000xi32, #tpu.memory_space<hbm>> -> memref<80xi32, #tpu.memory_space<hbm>>
      %dma_start3A_292 = tpu.memref_slice %arg4[%add3A_290] : memref<320000xi32, #tpu.memory_space<hbm>> -> memref<80xi32, #tpu.memory_space<hbm>>
      tpu.enqueue_dma source(%dma_start3A_292 : memref<80xi32, #tpu.memory_space<hbm>>) target(%arg12 : memref<80xi32, #tpu.memory_space<vmem>>) target_semaphore(%arg28 : memref<!tpu.dma_semaphore, #tpu.memory_space<semaphore_mem>>)
      %add3A_293 = arith.constant 8 : i32
      %add3A_294 = arith.addi %add3A_275, %add3A_293 : i32
      %lt3A_295 = arith.constant 125 : i32
      %lt3A_296 = arith.cmpi slt, %add3A_294, %lt3A_295 : i32
      %convert_element_type3A_297 = arith.extui %lt3A_296 : i1 to i32
      %cond3A_298 = arith.constant 0 : i32
      %cond3A_299 = arith.cmpi ne, %convert_element_type3A_297, %cond3A_298 : i32
      scf.if %cond3A_299 {
        %mul3A_356 = arith.constant 80 : i32
        %mul3A_357 = arith.muli %add3A_294, %mul3A_356 : i32
        %add3A_358 = arith.addi %mul3A_4, %mul3A_357 : i32
        %dma_start3A_359 = tpu.memref_slice %arg3[%add3A_358] : memref<320000xi32, #tpu.memory_space<hbm>> -> memref<80xi32, #tpu.memory_space<hbm>>
        %dma_start3A_360 = tpu.memref_slice %arg3[%add3A_358] : memref<320000xi32, #tpu.memory_space<hbm>> -> memref<80xi32, #tpu.memory_space<hbm>>
        tpu.enqueue_dma source(%dma_start3A_360 : memref<80xi32, #tpu.memory_space<hbm>>) target(%arg20 : memref<80xi32, #tpu.memory_space<vmem>>) target_semaphore(%arg36 : memref<!tpu.dma_semaphore, #tpu.memory_space<semaphore_mem>>)
      } else {
      }
      %mul3A_300 = arith.constant 8 : i32
      %mul3A_301 = arith.muli %scan3A_134, %mul3A_300 : i32
      %add3A_302 = arith.constant 6 : i32
      %add3A_303 = arith.addi %mul3A_301, %add3A_302 : i32
      %dma_wait3A_304 = arith.constant 0 : i32
      %dma_wait3A_305 = arith.constant 0 : i32
      %dma_wait3A_306 = tpu.memref_slice %arg2[%dma_wait3A_304, %dma_wait3A_305] : memref<10000x128xf32, #tpu.memory_space<hbm>> -> memref<10000x128xf32, #tpu.memory_space<hbm>>
      tpu.wait_indirect_dma semaphore(%arg25 : memref<!tpu.dma_semaphore, #tpu.memory_space<semaphore_mem>>) src(%dma_wait3A_306 : memref<10000x128xf32, #tpu.memory_space<hbm>>) dst(%arg9 : memref<80x128xf32, #tpu.memory_space<vmem>>)
      %dma_wait3A_307 = tpu.memref_slice %arg4[%mul3A_4] : memref<320000xi32, #tpu.memory_space<hbm>> -> memref<80xi32, #tpu.memory_space<hbm>>
      %dma_wait3A_308 = tpu.memref_slice %arg4[%mul3A_4] : memref<320000xi32, #tpu.memory_space<hbm>> -> memref<80xi32, #tpu.memory_space<hbm>>
      tpu.wait_dma2 semaphore(%arg29 : memref<!tpu.dma_semaphore, #tpu.memory_space<semaphore_mem>>) src(%dma_wait3A_308 : memref<80xi32, #tpu.memory_space<hbm>>) dst(%arg13 : memref<80xi32, #tpu.memory_space<vmem>>)
      "tpu.region"() ({
        %run_scoped3A = tpu.sem_alloc : memref<!tpu.dma_semaphore, #tpu.memory_space<semaphore_mem>>
        %dma_start3A_356 = arith.constant 0 : i32
        %dma_start3A_357 = arith.constant 0 : i32
        %dma_start3A_358 = tpu.memref_slice %arg6[%dma_start3A_356, %dma_start3A_357] : memref<10240x128xf32, #tpu.memory_space<vmem_shared>> -> memref<10240x128xf32, #tpu.memory_space<vmem_shared>>
        tpu.enqueue_indirect_dma source(%arg9 : memref<80x128xf32, #tpu.memory_space<vmem>>) target(%dma_start3A_358 : memref<10240x128xf32, #tpu.memory_space<vmem_shared>>) offsets(%arg13 : memref<80xi32, #tpu.memory_space<vmem>>) semaphore(%run_scoped3A : memref<!tpu.dma_semaphore, #tpu.memory_space<semaphore_mem>>) {add = true}
        %dma_wait3A_359 = arith.constant 0 : i32
        %dma_wait3A_360 = arith.constant 0 : i32
        %dma_wait3A_361 = tpu.memref_slice %arg6[%dma_wait3A_359, %dma_wait3A_360] : memref<10240x128xf32, #tpu.memory_space<vmem_shared>> -> memref<10240x128xf32, #tpu.memory_space<vmem_shared>>
        tpu.wait_indirect_dma semaphore(%run_scoped3A : memref<!tpu.dma_semaphore, #tpu.memory_space<semaphore_mem>>) src(%arg9 : memref<80x128xf32, #tpu.memory_space<vmem>>) dst(%dma_wait3A_361 : memref<10240x128xf32, #tpu.memory_space<vmem_shared>>)
        tpu.yield
      }) : () -> ()
      %add3A_309 = arith.constant 4 : i32
      %add3A_310 = arith.addi %add3A_303, %add3A_309 : i32
      %dma_wait3A_311 = tpu.memref_slice %arg3[%mul3A_4] : memref<320000xi32, #tpu.memory_space<hbm>> -> memref<80xi32, #tpu.memory_space<hbm>>
      %dma_wait3A_312 = tpu.memref_slice %arg3[%mul3A_4] : memref<320000xi32, #tpu.memory_space<hbm>> -> memref<80xi32, #tpu.memory_space<hbm>>
      tpu.wait_dma2 semaphore(%arg33 : memref<!tpu.dma_semaphore, #tpu.memory_space<semaphore_mem>>) src(%dma_wait3A_312 : memref<80xi32, #tpu.memory_space<hbm>>) dst(%arg17 : memref<80xi32, #tpu.memory_space<vmem>>)
      %dma_start3A_313 = arith.constant 0 : i32
      %dma_start3A_314 = arith.constant 0 : i32
      %dma_start3A_315 = tpu.memref_slice %arg2[%dma_start3A_313, %dma_start3A_314] : memref<10000x128xf32, #tpu.memory_space<hbm>> -> memref<10000x128xf32, #tpu.memory_space<hbm>>
      tpu.enqueue_indirect_dma source(%dma_start3A_315 : memref<10000x128xf32, #tpu.memory_space<hbm>>) target(%arg9 : memref<80x128xf32, #tpu.memory_space<vmem>>) offsets(%arg17 : memref<80xi32, #tpu.memory_space<vmem>>) semaphore(%arg25 : memref<!tpu.dma_semaphore, #tpu.memory_space<semaphore_mem>>)
      %mul3A_316 = arith.constant 80 : i32
      %mul3A_317 = arith.muli %add3A_310, %mul3A_316 : i32
      %add3A_318 = arith.addi %mul3A_4, %mul3A_317 : i32
      %dma_start3A_319 = tpu.memref_slice %arg4[%add3A_318] : memref<320000xi32, #tpu.memory_space<hbm>> -> memref<80xi32, #tpu.memory_space<hbm>>
      %dma_start3A_320 = tpu.memref_slice %arg4[%add3A_318] : memref<320000xi32, #tpu.memory_space<hbm>> -> memref<80xi32, #tpu.memory_space<hbm>>
      tpu.enqueue_dma source(%dma_start3A_320 : memref<80xi32, #tpu.memory_space<hbm>>) target(%arg13 : memref<80xi32, #tpu.memory_space<vmem>>) target_semaphore(%arg29 : memref<!tpu.dma_semaphore, #tpu.memory_space<semaphore_mem>>)
      %add3A_321 = arith.constant 8 : i32
      %add3A_322 = arith.addi %add3A_303, %add3A_321 : i32
      %lt3A_323 = arith.constant 125 : i32
      %lt3A_324 = arith.cmpi slt, %add3A_322, %lt3A_323 : i32
      %convert_element_type3A_325 = arith.extui %lt3A_324 : i1 to i32
      %cond3A_326 = arith.constant 0 : i32
      %cond3A_327 = arith.cmpi ne, %convert_element_type3A_325, %cond3A_326 : i32
      scf.if %cond3A_327 {
        %mul3A_356 = arith.constant 80 : i32
        %mul3A_357 = arith.muli %add3A_322, %mul3A_356 : i32
        %add3A_358 = arith.addi %mul3A_4, %mul3A_357 : i32
        %dma_start3A_359 = tpu.memref_slice %arg3[%add3A_358] : memref<320000xi32, #tpu.memory_space<hbm>> -> memref<80xi32, #tpu.memory_space<hbm>>
        %dma_start3A_360 = tpu.memref_slice %arg3[%add3A_358] : memref<320000xi32, #tpu.memory_space<hbm>> -> memref<80xi32, #tpu.memory_space<hbm>>
        tpu.enqueue_dma source(%dma_start3A_360 : memref<80xi32, #tpu.memory_space<hbm>>) target(%arg21 : memref<80xi32, #tpu.memory_space<vmem>>) target_semaphore(%arg37 : memref<!tpu.dma_semaphore, #tpu.memory_space<semaphore_mem>>)
      } else {
      }
      %mul3A_328 = arith.constant 8 : i32
      %mul3A_329 = arith.muli %scan3A_134, %mul3A_328 : i32
      %add3A_330 = arith.constant 7 : i32
      %add3A_331 = arith.addi %mul3A_329, %add3A_330 : i32
      %dma_wait3A_332 = arith.constant 0 : i32
      %dma_wait3A_333 = arith.constant 0 : i32
      %dma_wait3A_334 = tpu.memref_slice %arg2[%dma_wait3A_332, %dma_wait3A_333] : memref<10000x128xf32, #tpu.memory_space<hbm>> -> memref<10000x128xf32, #tpu.memory_space<hbm>>
      tpu.wait_indirect_dma semaphore(%arg26 : memref<!tpu.dma_semaphore, #tpu.memory_space<semaphore_mem>>) src(%dma_wait3A_334 : memref<10000x128xf32, #tpu.memory_space<hbm>>) dst(%arg10 : memref<80x128xf32, #tpu.memory_space<vmem>>)
      %dma_wait3A_335 = tpu.memref_slice %arg4[%mul3A_4] : memref<320000xi32, #tpu.memory_space<hbm>> -> memref<80xi32, #tpu.memory_space<hbm>>
      %dma_wait3A_336 = tpu.memref_slice %arg4[%mul3A_4] : memref<320000xi32, #tpu.memory_space<hbm>> -> memref<80xi32, #tpu.memory_space<hbm>>
      tpu.wait_dma2 semaphore(%arg30 : memref<!tpu.dma_semaphore, #tpu.memory_space<semaphore_mem>>) src(%dma_wait3A_336 : memref<80xi32, #tpu.memory_space<hbm>>) dst(%arg14 : memref<80xi32, #tpu.memory_space<vmem>>)
      "tpu.region"() ({
        %run_scoped3A = tpu.sem_alloc : memref<!tpu.dma_semaphore, #tpu.memory_space<semaphore_mem>>
        %dma_start3A_356 = arith.constant 0 : i32
        %dma_start3A_357 = arith.constant 0 : i32
        %dma_start3A_358 = tpu.memref_slice %arg6[%dma_start3A_356, %dma_start3A_357] : memref<10240x128xf32, #tpu.memory_space<vmem_shared>> -> memref<10240x128xf32, #tpu.memory_space<vmem_shared>>
        tpu.enqueue_indirect_dma source(%arg10 : memref<80x128xf32, #tpu.memory_space<vmem>>) target(%dma_start3A_358 : memref<10240x128xf32, #tpu.memory_space<vmem_shared>>) offsets(%arg14 : memref<80xi32, #tpu.memory_space<vmem>>) semaphore(%run_scoped3A : memref<!tpu.dma_semaphore, #tpu.memory_space<semaphore_mem>>) {add = true}
        %dma_wait3A_359 = arith.constant 0 : i32
        %dma_wait3A_360 = arith.constant 0 : i32
        %dma_wait3A_361 = tpu.memref_slice %arg6[%dma_wait3A_359, %dma_wait3A_360] : memref<10240x128xf32, #tpu.memory_space<vmem_shared>> -> memref<10240x128xf32, #tpu.memory_space<vmem_shared>>
        tpu.wait_indirect_dma semaphore(%run_scoped3A : memref<!tpu.dma_semaphore, #tpu.memory_space<semaphore_mem>>) src(%arg10 : memref<80x128xf32, #tpu.memory_space<vmem>>) dst(%dma_wait3A_361 : memref<10240x128xf32, #tpu.memory_space<vmem_shared>>)
        tpu.yield
      }) : () -> ()
      %add3A_337 = arith.constant 4 : i32
      %add3A_338 = arith.addi %add3A_331, %add3A_337 : i32
      %dma_wait3A_339 = tpu.memref_slice %arg3[%mul3A_4] : memref<320000xi32, #tpu.memory_space<hbm>> -> memref<80xi32, #tpu.memory_space<hbm>>
      %dma_wait3A_340 = tpu.memref_slice %arg3[%mul3A_4] : memref<320000xi32, #tpu.memory_space<hbm>> -> memref<80xi32, #tpu.memory_space<hbm>>
      tpu.wait_dma2 semaphore(%arg34 : memref<!tpu.dma_semaphore, #tpu.memory_space<semaphore_mem>>) src(%dma_wait3A_340 : memref<80xi32, #tpu.memory_space<hbm>>) dst(%arg18 : memref<80xi32, #tpu.memory_space<vmem>>)
      %dma_start3A_341 = arith.constant 0 : i32
      %dma_start3A_342 = arith.constant 0 : i32
      %dma_start3A_343 = tpu.memref_slice %arg2[%dma_start3A_341, %dma_start3A_342] : memref<10000x128xf32, #tpu.memory_space<hbm>> -> memref<10000x128xf32, #tpu.memory_space<hbm>>
      tpu.enqueue_indirect_dma source(%dma_start3A_343 : memref<10000x128xf32, #tpu.memory_space<hbm>>) target(%arg10 : memref<80x128xf32, #tpu.memory_space<vmem>>) offsets(%arg18 : memref<80xi32, #tpu.memory_space<vmem>>) semaphore(%arg26 : memref<!tpu.dma_semaphore, #tpu.memory_space<semaphore_mem>>)
      %mul3A_344 = arith.constant 80 : i32
      %mul3A_345 = arith.muli %add3A_338, %mul3A_344 : i32
      %add3A_346 = arith.addi %mul3A_4, %mul3A_345 : i32
      %dma_start3A_347 = tpu.memref_slice %arg4[%add3A_346] : memref<320000xi32, #tpu.memory_space<hbm>> -> memref<80xi32, #tpu.memory_space<hbm>>
      %dma_start3A_348 = tpu.memref_slice %arg4[%add3A_346] : memref<320000xi32, #tpu.memory_space<hbm>> -> memref<80xi32, #tpu.memory_space<hbm>>
      tpu.enqueue_dma source(%dma_start3A_348 : memref<80xi32, #tpu.memory_space<hbm>>) target(%arg14 : memref<80xi32, #tpu.memory_space<vmem>>) target_semaphore(%arg30 : memref<!tpu.dma_semaphore, #tpu.memory_space<semaphore_mem>>)
      %add3A_349 = arith.constant 8 : i32
      %add3A_350 = arith.addi %add3A_331, %add3A_349 : i32
      %lt3A_351 = arith.constant 125 : i32
      %lt3A_352 = arith.cmpi slt, %add3A_350, %lt3A_351 : i32
      %convert_element_type3A_353 = arith.extui %lt3A_352 : i1 to i32
      %cond3A_354 = arith.constant 0 : i32
      %cond3A_355 = arith.cmpi ne, %convert_element_type3A_353, %cond3A_354 : i32
      scf.if %cond3A_355 {
        %mul3A_356 = arith.constant 80 : i32
        %mul3A_357 = arith.muli %add3A_350, %mul3A_356 : i32
        %add3A_358 = arith.addi %mul3A_4, %mul3A_357 : i32
        %dma_start3A_359 = tpu.memref_slice %arg3[%add3A_358] : memref<320000xi32, #tpu.memory_space<hbm>> -> memref<80xi32, #tpu.memory_space<hbm>>
        %dma_start3A_360 = tpu.memref_slice %arg3[%add3A_358] : memref<320000xi32, #tpu.memory_space<hbm>> -> memref<80xi32, #tpu.memory_space<hbm>>
        tpu.enqueue_dma source(%dma_start3A_360 : memref<80xi32, #tpu.memory_space<hbm>>) target(%arg22 : memref<80xi32, #tpu.memory_space<vmem>>) target_semaphore(%arg38 : memref<!tpu.dma_semaphore, #tpu.memory_space<semaphore_mem>>)
      } else {
      }
    }
    %scan3A_98 = arith.constant 15 : i32
    %dma_wait3A_99 = arith.constant 0 : i32
    %dma_wait3A_100 = arith.constant 0 : i32
    %dma_wait3A_101 = tpu.memref_slice %arg2[%dma_wait3A_99, %dma_wait3A_100] : memref<10000x128xf32, #tpu.memory_space<hbm>> -> memref<10000x128xf32, #tpu.memory_space<hbm>>
    tpu.wait_indirect_dma semaphore(%arg23 : memref<!tpu.dma_semaphore, #tpu.memory_space<semaphore_mem>>) src(%dma_wait3A_101 : memref<10000x128xf32, #tpu.memory_space<hbm>>) dst(%arg7 : memref<80x128xf32, #tpu.memory_space<vmem>>)
    %dma_wait3A_102 = tpu.memref_slice %arg4[%mul3A_4] : memref<320000xi32, #tpu.memory_space<hbm>> -> memref<80xi32, #tpu.memory_space<hbm>>
    %dma_wait3A_103 = tpu.memref_slice %arg4[%mul3A_4] : memref<320000xi32, #tpu.memory_space<hbm>> -> memref<80xi32, #tpu.memory_space<hbm>>
    tpu.wait_dma2 semaphore(%arg27 : memref<!tpu.dma_semaphore, #tpu.memory_space<semaphore_mem>>) src(%dma_wait3A_103 : memref<80xi32, #tpu.memory_space<hbm>>) dst(%arg11 : memref<80xi32, #tpu.memory_space<vmem>>)
    "tpu.region"() ({
      %run_scoped3A = tpu.sem_alloc : memref<!tpu.dma_semaphore, #tpu.memory_space<semaphore_mem>>
      %dma_start3A_134 = arith.constant 0 : i32
      %dma_start3A_135 = arith.constant 0 : i32
      %dma_start3A_136 = tpu.memref_slice %arg6[%dma_start3A_134, %dma_start3A_135] : memref<10240x128xf32, #tpu.memory_space<vmem_shared>> -> memref<10240x128xf32, #tpu.memory_space<vmem_shared>>
      tpu.enqueue_indirect_dma source(%arg7 : memref<80x128xf32, #tpu.memory_space<vmem>>) target(%dma_start3A_136 : memref<10240x128xf32, #tpu.memory_space<vmem_shared>>) offsets(%arg11 : memref<80xi32, #tpu.memory_space<vmem>>) semaphore(%run_scoped3A : memref<!tpu.dma_semaphore, #tpu.memory_space<semaphore_mem>>) {add = true}
      %dma_wait3A_137 = arith.constant 0 : i32
      %dma_wait3A_138 = arith.constant 0 : i32
      %dma_wait3A_139 = tpu.memref_slice %arg6[%dma_wait3A_137, %dma_wait3A_138] : memref<10240x128xf32, #tpu.memory_space<vmem_shared>> -> memref<10240x128xf32, #tpu.memory_space<vmem_shared>>
      tpu.wait_indirect_dma semaphore(%run_scoped3A : memref<!tpu.dma_semaphore, #tpu.memory_space<semaphore_mem>>) src(%arg7 : memref<80x128xf32, #tpu.memory_space<vmem>>) dst(%dma_wait3A_139 : memref<10240x128xf32, #tpu.memory_space<vmem_shared>>)
      tpu.yield
    }) : () -> ()
    %dma_wait3A_104 = tpu.memref_slice %arg3[%mul3A_4] : memref<320000xi32, #tpu.memory_space<hbm>> -> memref<80xi32, #tpu.memory_space<hbm>>
    %dma_wait3A_105 = tpu.memref_slice %arg3[%mul3A_4] : memref<320000xi32, #tpu.memory_space<hbm>> -> memref<80xi32, #tpu.memory_space<hbm>>
    tpu.wait_dma2 semaphore(%arg35 : memref<!tpu.dma_semaphore, #tpu.memory_space<semaphore_mem>>) src(%dma_wait3A_105 : memref<80xi32, #tpu.memory_space<hbm>>) dst(%arg19 : memref<80xi32, #tpu.memory_space<vmem>>)
    %dma_start3A_106 = arith.constant 0 : i32
    %dma_start3A_107 = arith.constant 0 : i32
    %dma_start3A_108 = tpu.memref_slice %arg2[%dma_start3A_106, %dma_start3A_107] : memref<10000x128xf32, #tpu.memory_space<hbm>> -> memref<10000x128xf32, #tpu.memory_space<hbm>>
    tpu.enqueue_indirect_dma source(%dma_start3A_108 : memref<10000x128xf32, #tpu.memory_space<hbm>>) target(%arg7 : memref<80x128xf32, #tpu.memory_space<vmem>>) offsets(%arg19 : memref<80xi32, #tpu.memory_space<vmem>>) semaphore(%arg23 : memref<!tpu.dma_semaphore, #tpu.memory_space<semaphore_mem>>)
    %add3A_109 = arith.constant 9920 : i32
    %add3A_110 = arith.addi %mul3A_4, %add3A_109 : i32
    %dma_start3A_111 = tpu.memref_slice %arg4[%add3A_110] : memref<320000xi32, #tpu.memory_space<hbm>> -> memref<80xi32, #tpu.memory_space<hbm>>
    %dma_start3A_112 = tpu.memref_slice %arg4[%add3A_110] : memref<320000xi32, #tpu.memory_space<hbm>> -> memref<80xi32, #tpu.memory_space<hbm>>
    tpu.enqueue_dma source(%dma_start3A_112 : memref<80xi32, #tpu.memory_space<hbm>>) target(%arg11 : memref<80xi32, #tpu.memory_space<vmem>>) target_semaphore(%arg27 : memref<!tpu.dma_semaphore, #tpu.memory_space<semaphore_mem>>)
    %dma_wait3A_113 = arith.constant 0 : i32
    %dma_wait3A_114 = arith.constant 0 : i32
    %dma_wait3A_115 = tpu.memref_slice %arg2[%dma_wait3A_113, %dma_wait3A_114] : memref<10000x128xf32, #tpu.memory_space<hbm>> -> memref<10000x128xf32, #tpu.memory_space<hbm>>
    tpu.wait_indirect_dma semaphore(%arg24 : memref<!tpu.dma_semaphore, #tpu.memory_space<semaphore_mem>>) src(%dma_wait3A_115 : memref<10000x128xf32, #tpu.memory_space<hbm>>) dst(%arg8 : memref<80x128xf32, #tpu.memory_space<vmem>>)
    %dma_wait3A_116 = tpu.memref_slice %arg4[%mul3A_4] : memref<320000xi32, #tpu.memory_space<hbm>> -> memref<80xi32, #tpu.memory_space<hbm>>
    %dma_wait3A_117 = tpu.memref_slice %arg4[%mul3A_4] : memref<320000xi32, #tpu.memory_space<hbm>> -> memref<80xi32, #tpu.memory_space<hbm>>
    tpu.wait_dma2 semaphore(%arg28 : memref<!tpu.dma_semaphore, #tpu.memory_space<semaphore_mem>>) src(%dma_wait3A_117 : memref<80xi32, #tpu.memory_space<hbm>>) dst(%arg12 : memref<80xi32, #tpu.memory_space<vmem>>)
    "tpu.region"() ({
      %run_scoped3A = tpu.sem_alloc : memref<!tpu.dma_semaphore, #tpu.memory_space<semaphore_mem>>
      %dma_start3A_134 = arith.constant 0 : i32
      %dma_start3A_135 = arith.constant 0 : i32
      %dma_start3A_136 = tpu.memref_slice %arg6[%dma_start3A_134, %dma_start3A_135] : memref<10240x128xf32, #tpu.memory_space<vmem_shared>> -> memref<10240x128xf32, #tpu.memory_space<vmem_shared>>
      tpu.enqueue_indirect_dma source(%arg8 : memref<80x128xf32, #tpu.memory_space<vmem>>) target(%dma_start3A_136 : memref<10240x128xf32, #tpu.memory_space<vmem_shared>>) offsets(%arg12 : memref<80xi32, #tpu.memory_space<vmem>>) semaphore(%run_scoped3A : memref<!tpu.dma_semaphore, #tpu.memory_space<semaphore_mem>>) {add = true}
      %dma_wait3A_137 = arith.constant 0 : i32
      %dma_wait3A_138 = arith.constant 0 : i32
      %dma_wait3A_139 = tpu.memref_slice %arg6[%dma_wait3A_137, %dma_wait3A_138] : memref<10240x128xf32, #tpu.memory_space<vmem_shared>> -> memref<10240x128xf32, #tpu.memory_space<vmem_shared>>
      tpu.wait_indirect_dma semaphore(%run_scoped3A : memref<!tpu.dma_semaphore, #tpu.memory_space<semaphore_mem>>) src(%arg8 : memref<80x128xf32, #tpu.memory_space<vmem>>) dst(%dma_wait3A_139 : memref<10240x128xf32, #tpu.memory_space<vmem_shared>>)
      tpu.yield
    }) : () -> ()
    %dma_wait3A_118 = arith.constant 0 : i32
    %dma_wait3A_119 = arith.constant 0 : i32
    %dma_wait3A_120 = tpu.memref_slice %arg2[%dma_wait3A_118, %dma_wait3A_119] : memref<10000x128xf32, #tpu.memory_space<hbm>> -> memref<10000x128xf32, #tpu.memory_space<hbm>>
    tpu.wait_indirect_dma semaphore(%arg25 : memref<!tpu.dma_semaphore, #tpu.memory_space<semaphore_mem>>) src(%dma_wait3A_120 : memref<10000x128xf32, #tpu.memory_space<hbm>>) dst(%arg9 : memref<80x128xf32, #tpu.memory_space<vmem>>)
    %dma_wait3A_121 = tpu.memref_slice %arg4[%mul3A_4] : memref<320000xi32, #tpu.memory_space<hbm>> -> memref<80xi32, #tpu.memory_space<hbm>>
    %dma_wait3A_122 = tpu.memref_slice %arg4[%mul3A_4] : memref<320000xi32, #tpu.memory_space<hbm>> -> memref<80xi32, #tpu.memory_space<hbm>>
    tpu.wait_dma2 semaphore(%arg29 : memref<!tpu.dma_semaphore, #tpu.memory_space<semaphore_mem>>) src(%dma_wait3A_122 : memref<80xi32, #tpu.memory_space<hbm>>) dst(%arg13 : memref<80xi32, #tpu.memory_space<vmem>>)
    "tpu.region"() ({
      %run_scoped3A = tpu.sem_alloc : memref<!tpu.dma_semaphore, #tpu.memory_space<semaphore_mem>>
      %dma_start3A_134 = arith.constant 0 : i32
      %dma_start3A_135 = arith.constant 0 : i32
      %dma_start3A_136 = tpu.memref_slice %arg6[%dma_start3A_134, %dma_start3A_135] : memref<10240x128xf32, #tpu.memory_space<vmem_shared>> -> memref<10240x128xf32, #tpu.memory_space<vmem_shared>>
      tpu.enqueue_indirect_dma source(%arg9 : memref<80x128xf32, #tpu.memory_space<vmem>>) target(%dma_start3A_136 : memref<10240x128xf32, #tpu.memory_space<vmem_shared>>) offsets(%arg13 : memref<80xi32, #tpu.memory_space<vmem>>) semaphore(%run_scoped3A : memref<!tpu.dma_semaphore, #tpu.memory_space<semaphore_mem>>) {add = true}
      %dma_wait3A_137 = arith.constant 0 : i32
      %dma_wait3A_138 = arith.constant 0 : i32
      %dma_wait3A_139 = tpu.memref_slice %arg6[%dma_wait3A_137, %dma_wait3A_138] : memref<10240x128xf32, #tpu.memory_space<vmem_shared>> -> memref<10240x128xf32, #tpu.memory_space<vmem_shared>>
      tpu.wait_indirect_dma semaphore(%run_scoped3A : memref<!tpu.dma_semaphore, #tpu.memory_space<semaphore_mem>>) src(%arg9 : memref<80x128xf32, #tpu.memory_space<vmem>>) dst(%dma_wait3A_139 : memref<10240x128xf32, #tpu.memory_space<vmem_shared>>)
      tpu.yield
    }) : () -> ()
    %dma_wait3A_123 = arith.constant 0 : i32
    %dma_wait3A_124 = arith.constant 0 : i32
    %dma_wait3A_125 = tpu.memref_slice %arg2[%dma_wait3A_123, %dma_wait3A_124] : memref<10000x128xf32, #tpu.memory_space<hbm>> -> memref<10000x128xf32, #tpu.memory_space<hbm>>
    tpu.wait_indirect_dma semaphore(%arg26 : memref<!tpu.dma_semaphore, #tpu.memory_space<semaphore_mem>>) src(%dma_wait3A_125 : memref<10000x128xf32, #tpu.memory_space<hbm>>) dst(%arg10 : memref<80x128xf32, #tpu.memory_space<vmem>>)
    %dma_wait3A_126 = tpu.memref_slice %arg4[%mul3A_4] : memref<320000xi32, #tpu.memory_space<hbm>> -> memref<80xi32, #tpu.memory_space<hbm>>
    %dma_wait3A_127 = tpu.memref_slice %arg4[%mul3A_4] : memref<320000xi32, #tpu.memory_space<hbm>> -> memref<80xi32, #tpu.memory_space<hbm>>
    tpu.wait_dma2 semaphore(%arg30 : memref<!tpu.dma_semaphore, #tpu.memory_space<semaphore_mem>>) src(%dma_wait3A_127 : memref<80xi32, #tpu.memory_space<hbm>>) dst(%arg14 : memref<80xi32, #tpu.memory_space<vmem>>)
    "tpu.region"() ({
      %run_scoped3A = tpu.sem_alloc : memref<!tpu.dma_semaphore, #tpu.memory_space<semaphore_mem>>
      %dma_start3A_134 = arith.constant 0 : i32
      %dma_start3A_135 = arith.constant 0 : i32
      %dma_start3A_136 = tpu.memref_slice %arg6[%dma_start3A_134, %dma_start3A_135] : memref<10240x128xf32, #tpu.memory_space<vmem_shared>> -> memref<10240x128xf32, #tpu.memory_space<vmem_shared>>
      tpu.enqueue_indirect_dma source(%arg10 : memref<80x128xf32, #tpu.memory_space<vmem>>) target(%dma_start3A_136 : memref<10240x128xf32, #tpu.memory_space<vmem_shared>>) offsets(%arg14 : memref<80xi32, #tpu.memory_space<vmem>>) semaphore(%run_scoped3A : memref<!tpu.dma_semaphore, #tpu.memory_space<semaphore_mem>>) {add = true}
      %dma_wait3A_137 = arith.constant 0 : i32
      %dma_wait3A_138 = arith.constant 0 : i32
      %dma_wait3A_139 = tpu.memref_slice %arg6[%dma_wait3A_137, %dma_wait3A_138] : memref<10240x128xf32, #tpu.memory_space<vmem_shared>> -> memref<10240x128xf32, #tpu.memory_space<vmem_shared>>
      tpu.wait_indirect_dma semaphore(%run_scoped3A : memref<!tpu.dma_semaphore, #tpu.memory_space<semaphore_mem>>) src(%arg10 : memref<80x128xf32, #tpu.memory_space<vmem>>) dst(%dma_wait3A_139 : memref<10240x128xf32, #tpu.memory_space<vmem_shared>>)
      tpu.yield
    }) : () -> ()
    %dma_wait3A_128 = arith.constant 0 : i32
    %dma_wait3A_129 = arith.constant 0 : i32
    %dma_wait3A_130 = tpu.memref_slice %arg2[%dma_wait3A_128, %dma_wait3A_129] : memref<10000x128xf32, #tpu.memory_space<hbm>> -> memref<10000x128xf32, #tpu.memory_space<hbm>>
    tpu.wait_indirect_dma semaphore(%arg23 : memref<!tpu.dma_semaphore, #tpu.memory_space<semaphore_mem>>) src(%dma_wait3A_130 : memref<10000x128xf32, #tpu.memory_space<hbm>>) dst(%arg7 : memref<80x128xf32, #tpu.memory_space<vmem>>)
    %dma_wait3A_131 = tpu.memref_slice %arg4[%mul3A_4] : memref<320000xi32, #tpu.memory_space<hbm>> -> memref<80xi32, #tpu.memory_space<hbm>>
    %dma_wait3A_132 = tpu.memref_slice %arg4[%mul3A_4] : memref<320000xi32, #tpu.memory_space<hbm>> -> memref<80xi32, #tpu.memory_space<hbm>>
    tpu.wait_dma2 semaphore(%arg27 : memref<!tpu.dma_semaphore, #tpu.memory_space<semaphore_mem>>) src(%dma_wait3A_132 : memref<80xi32, #tpu.memory_space<hbm>>) dst(%arg11 : memref<80xi32, #tpu.memory_space<vmem>>)
    "tpu.region"() ({
      %run_scoped3A = tpu.sem_alloc : memref<!tpu.dma_semaphore, #tpu.memory_space<semaphore_mem>>
      %dma_start3A_134 = arith.constant 0 : i32
      %dma_start3A_135 = arith.constant 0 : i32
      %dma_start3A_136 = tpu.memref_slice %arg6[%dma_start3A_134, %dma_start3A_135] : memref<10240x128xf32, #tpu.memory_space<vmem_shared>> -> memref<10240x128xf32, #tpu.memory_space<vmem_shared>>
      tpu.enqueue_indirect_dma source(%arg7 : memref<80x128xf32, #tpu.memory_space<vmem>>) target(%dma_start3A_136 : memref<10240x128xf32, #tpu.memory_space<vmem_shared>>) offsets(%arg11 : memref<80xi32, #tpu.memory_space<vmem>>) semaphore(%run_scoped3A : memref<!tpu.dma_semaphore, #tpu.memory_space<semaphore_mem>>) {add = true}
      %dma_wait3A_137 = arith.constant 0 : i32
      %dma_wait3A_138 = arith.constant 0 : i32
      %dma_wait3A_139 = tpu.memref_slice %arg6[%dma_wait3A_137, %dma_wait3A_138] : memref<10240x128xf32, #tpu.memory_space<vmem_shared>> -> memref<10240x128xf32, #tpu.memory_space<vmem_shared>>
      tpu.wait_indirect_dma semaphore(%run_scoped3A : memref<!tpu.dma_semaphore, #tpu.memory_space<semaphore_mem>>) src(%arg7 : memref<80x128xf32, #tpu.memory_space<vmem>>) dst(%dma_wait3A_139 : memref<10240x128xf32, #tpu.memory_space<vmem_shared>>)
      tpu.yield
    }) : () -> ()
    %barrier3A_133 = arith.constant 0 : index
    tpu.barrier barrier_id(%barrier3A_133)
    "tpu.region"() ({
      %run_scoped3A = tpu.sem_alloc : memref<!tpu.dma_semaphore, #tpu.memory_space<semaphore_mem>>
      %dma_start3A_134 = arith.constant 0 : i32
      %dma_start3A_135 = tpu.memref_slice %arg5[%arg0, %mul3A_2, %dma_start3A_134] : memref<2x10240x128xf32, #tpu.memory_space<hbm>> -> memref<1x640x128xf32, #tpu.memory_space<hbm>>
      %dma_start3A_136 = tpu.memref_squeeze %dma_start3A_135 : memref<1x640x128xf32, #tpu.memory_space<hbm>> -> memref<640x128xf32, #tpu.memory_space<hbm>>
      %dma_start3A_137 = arith.constant 0 : i32
      %dma_start3A_138 = tpu.memref_slice %arg6[%mul3A_2, %dma_start3A_137] : memref<10240x128xf32, #tpu.memory_space<vmem_shared>> -> memref<640x128xf32, #tpu.memory_space<vmem_shared>>
      tpu.enqueue_dma source(%dma_start3A_138 : memref<640x128xf32, #tpu.memory_space<vmem_shared>>) target(%dma_start3A_136 : memref<640x128xf32, #tpu.memory_space<hbm>>) target_semaphore(%run_scoped3A : memref<!tpu.dma_semaphore, #tpu.memory_space<semaphore_mem>>)
      %dma_wait3A_139 = arith.constant 0 : i32
      %dma_wait3A_140 = tpu.memref_slice %arg5[%arg0, %mul3A_2, %dma_wait3A_139] : memref<2x10240x128xf32, #tpu.memory_space<hbm>> -> memref<1x640x128xf32, #tpu.memory_space<hbm>>
      %dma_wait3A_141 = tpu.memref_squeeze %dma_wait3A_140 : memref<1x640x128xf32, #tpu.memory_space<hbm>> -> memref<640x128xf32, #tpu.memory_space<hbm>>
      %dma_wait3A_142 = arith.constant 0 : i32
      %dma_wait3A_143 = tpu.memref_slice %arg6[%mul3A_2, %dma_wait3A_142] : memref<10240x128xf32, #tpu.memory_space<vmem_shared>> -> memref<640x128xf32, #tpu.memory_space<vmem_shared>>
      tpu.wait_dma2 semaphore(%run_scoped3A : memref<!tpu.dma_semaphore, #tpu.memory_space<semaphore_mem>>) src(%dma_wait3A_143 : memref<640x128xf32, #tpu.memory_space<vmem_shared>>) dst(%dma_wait3A_141 : memref<640x128xf32, #tpu.memory_space<hbm>>)
      tpu.yield
    }) : () -> ()
    return
  }
}

module attributes {stable_mosaic.version = 14 : i64} {
  func.func @body(%arg0: i32, %arg1: memref<1000x128xf32, #tpu.memory_space<vmem>>, %arg2: memref<2x1000x128xf32, #tpu.memory_space<vmem>>, %arg3: memref<2x1000x128xf32, #tpu.memory_space<vmem>>, %arg4: memref<128x128xf32, #tpu.memory_space<vmem>>, %arg5: memref<128x128xf32, #tpu.memory_space<vmem>>, %arg6: memref<1000x128xf32, #tpu.memory_space<vmem>>) attributes {dimension_semantics = [#tpu.dimension_semantics<arbitrary>], iteration_bounds = array<i64: 10>, scalar_prefetch = 0 : i64, scratch_operands = 0 : i64, tpu.core_type = #tpu.core_type<tc>, window_params = [{transform_indices = @transform_0, window_bounds = array<i64: 1000, 128>}, {transform_indices = @transform_1, window_bounds = array<i64: 2, 1000, 128>}, {transform_indices = @transform_2, window_bounds = array<i64: 2, 1000, 128>}, {pipeline_mode = #tpu.pipeline_mode<synchronous>, transform_indices = @transform_3, window_bounds = array<i64: 128, 128>}, {pipeline_mode = #tpu.pipeline_mode<synchronous>, transform_indices = @transform_4, window_bounds = array<i64: 128, 128>}, {transform_indices = @transform_5, window_bounds = array<i64: 1000, 128>}]} {
    %get3A = arith.constant 0 : index
    %get3A_0 = arith.constant 0 : index
    %get3A_1 = arith.constant 0 : index
    %get3A_2 = vector.load %arg3[%get3A, %get3A_0, %get3A_1] : memref<2x1000x128xf32, #tpu.memory_space<vmem>>, vector<2x1000x128xf32>
    %slice3A = vector.extract_strided_slice %get3A_2 {offsets = [0, 0, 0], sizes = [1, 1000, 1], strides = [1, 1, 1]} : vector<2x1000x128xf32> to vector<1x1000x1xf32>
    %squeeze3A = vector.shape_cast %slice3A : vector<1x1000x1xf32> to vector<1000xf32>
    %slice3A_3 = vector.extract_strided_slice %get3A_2 {offsets = [1, 0, 0], sizes = [1, 1000, 1], strides = [1, 1, 1]} : vector<2x1000x128xf32> to vector<1x1000x1xf32>
    %squeeze3A_4 = vector.shape_cast %slice3A_3 : vector<1x1000x1xf32> to vector<1000xf32>
    %add3A = arith.addf %squeeze3A, %squeeze3A_4 : vector<1000xf32>
    %max3A = arith.constant 1.000000e+00 : f32
    %max3A_5 = vector.broadcast %max3A : f32 to vector<1000xf32>
    %max3A_6 = arith.maximumf %add3A, %max3A_5 : vector<1000xf32>
    %div3A = arith.constant 1.000000e+00 : f32
    %div3A_7 = vector.broadcast %div3A : f32 to vector<1000xf32>
    %div3A_8 = arith.divf %div3A_7, %max3A_6 : vector<1000xf32>
    %get3A_9 = arith.constant 0 : index
    %get3A_10 = arith.constant 0 : index
    %get3A_11 = arith.constant 0 : index
    %get3A_12 = vector.load %arg2[%get3A_9, %get3A_10, %get3A_11] : memref<2x1000x128xf32, #tpu.memory_space<vmem>>, vector<1x1000x128xf32>
    %get3A_13 = vector.shape_cast %get3A_12 : vector<1x1000x128xf32> to vector<1000x128xf32>
    %get3A_14 = arith.constant 1 : index
    %get3A_15 = arith.constant 0 : index
    %get3A_16 = arith.constant 0 : index
    %get3A_17 = vector.load %arg2[%get3A_14, %get3A_15, %get3A_16] : memref<2x1000x128xf32, #tpu.memory_space<vmem>>, vector<1x1000x128xf32>
    %get3A_18 = vector.shape_cast %get3A_17 : vector<1x1000x128xf32> to vector<1000x128xf32>
    %add3A_19 = arith.addf %get3A_13, %get3A_18 : vector<1000x128xf32>
    %broadcast_in_dim3A = vector.shape_cast %div3A_8 : vector<1000xf32> to vector<1000x1xf32>
    %mul3A = vector.broadcast %broadcast_in_dim3A : vector<1000x1xf32> to vector<1000x128xf32>
    %mul3A_20 = arith.mulf %add3A_19, %mul3A : vector<1000x128xf32>
    %get3A_21 = arith.constant 0 : index
    %get3A_22 = arith.constant 0 : index
    %get3A_23 = vector.load %arg1[%get3A_21, %get3A_22] : memref<1000x128xf32, #tpu.memory_space<vmem>>, vector<1000x128xf32>
    %get3A_24 = arith.constant 0 : index
    %get3A_25 = arith.constant 0 : index
    %get3A_26 = vector.load %arg4[%get3A_24, %get3A_25] : memref<128x128xf32, #tpu.memory_space<vmem>>, vector<128x128xf32>
    %dot_general3A = arith.constant dense<0.000000e+00> : vector<1000x128xf32>
    %dot_general3A_27 = tpu.matmul %get3A_23, %get3A_26, %dot_general3A {dimension_numbers = #tpu.dot_dimension_numbers<[1], [0], [0], [1], [0, 0, 1, 1], [], []>, transpose_lhs_hint = false} : vector<1000x128xf32>, vector<128x128xf32>, vector<1000x128xf32> -> vector<1000x128xf32>
    %get3A_28 = arith.constant 0 : index
    %get3A_29 = arith.constant 0 : index
    %get3A_30 = vector.load %arg5[%get3A_28, %get3A_29] : memref<128x128xf32, #tpu.memory_space<vmem>>, vector<128x128xf32>
    %dot_general3A_31 = arith.constant dense<0.000000e+00> : vector<1000x128xf32>
    %dot_general3A_32 = tpu.matmul %mul3A_20, %get3A_30, %dot_general3A_31 {dimension_numbers = #tpu.dot_dimension_numbers<[1], [0], [0], [1], [0, 0, 1, 1], [], []>, transpose_lhs_hint = false} : vector<1000x128xf32>, vector<128x128xf32>, vector<1000x128xf32> -> vector<1000x128xf32>
    %add3A_33 = arith.addf %dot_general3A_27, %dot_general3A_32 : vector<1000x128xf32>
    %swap3A = arith.constant 0 : index
    %swap3A_34 = arith.constant 0 : index
    %swap3A_35 = vector.load %arg6[%swap3A, %swap3A_34] : memref<1000x128xf32, #tpu.memory_space<vmem>>, vector<1000x128xf32>
    tpu.vector_store %arg6[%swap3A, %swap3A_34], %add3A_33 {strides = array<i32>} : memref<1000x128xf32, #tpu.memory_space<vmem>>, vector<1000x128xf32>,
    return
  }
  func.func @transform_0(%arg0: i32) -> (i32, i32) {
    %c0_i32 = arith.constant 0 : i32
    %c0_i32_0 = arith.constant 0 : i32
    return %arg0, %c0_i32 : i32, i32
  }
  func.func @transform_1(%arg0: i32) -> (i32, i32, i32) {
    %c0_i32 = arith.constant 0 : i32
    %c0_i32_0 = arith.constant 0 : i32
    %c0_i32_1 = arith.constant 0 : i32
    return %c0_i32, %arg0, %c0_i32_0 : i32, i32, i32
  }
  func.func @transform_2(%arg0: i32) -> (i32, i32, i32) {
    %c0_i32 = arith.constant 0 : i32
    %c0_i32_0 = arith.constant 0 : i32
    %c0_i32_1 = arith.constant 0 : i32
    return %c0_i32, %arg0, %c0_i32_0 : i32, i32, i32
  }
  func.func @transform_3(%arg0: i32) -> (i32, i32) {
    %c0_i32 = arith.constant 0 : i32
    %c0_i32_0 = arith.constant 0 : i32
    %c0_i32_1 = arith.constant 0 : i32
    return %c0_i32, %c0_i32_0 : i32, i32
  }
  func.func @transform_4(%arg0: i32) -> (i32, i32) {
    %c0_i32 = arith.constant 0 : i32
    %c0_i32_0 = arith.constant 0 : i32
    %c0_i32_1 = arith.constant 0 : i32
    return %c0_i32, %c0_i32_0 : i32, i32
  }
  func.func @transform_5(%arg0: i32) -> (i32, i32) {
    %c0_i32 = arith.constant 0 : i32
    %c0_i32_0 = arith.constant 0 : i32
    return %arg0, %c0_i32 : i32, i32
  }
}

module attributes {stable_mosaic.version = 14 : i64} {
  func.func @body(%arg0: i32, %arg1: memref<1000x128xf32, #tpu.memory_space<vmem>>, %arg2: memref<2x1000x128xf32, #tpu.memory_space<vmem>>, %arg3: memref<2x1000x128xf32, #tpu.memory_space<vmem>>, %arg4: memref<128x128xf32, #tpu.memory_space<vmem>>, %arg5: memref<128x128xf32, #tpu.memory_space<vmem>>, %arg6: memref<1000x128xf32, #tpu.memory_space<vmem>>) attributes {dimension_semantics = [#tpu.dimension_semantics<arbitrary>], iteration_bounds = array<i64: 10>, scalar_prefetch = 0 : i64, scratch_operands = 0 : i64, tpu.core_type = #tpu.core_type<tc>, window_params = [{transform_indices = @transform_0, window_bounds = array<i64: 1000, 128>}, {transform_indices = @transform_1, window_bounds = array<i64: 2, 1000, 128>}, {transform_indices = @transform_2, window_bounds = array<i64: 2, 1000, 128>}, {pipeline_mode = #tpu.pipeline_mode<synchronous>, transform_indices = @transform_3, window_bounds = array<i64: 128, 128>}, {pipeline_mode = #tpu.pipeline_mode<synchronous>, transform_indices = @transform_4, window_bounds = array<i64: 128, 128>}, {transform_indices = @transform_5, window_bounds = array<i64: 1000, 128>}]} {
    %get3A = arith.constant 0 : index
    %get3A_0 = arith.constant 0 : index
    %get3A_1 = arith.constant 0 : index
    %get3A_2 = vector.load %arg3[%get3A, %get3A_0, %get3A_1] : memref<2x1000x128xf32, #tpu.memory_space<vmem>>, vector<2x1000x128xf32>
    %slice3A = vector.extract_strided_slice %get3A_2 {offsets = [0, 0, 0], sizes = [1, 1000, 1], strides = [1, 1, 1]} : vector<2x1000x128xf32> to vector<1x1000x1xf32>
    %squeeze3A = vector.shape_cast %slice3A : vector<1x1000x1xf32> to vector<1000xf32>
    %slice3A_3 = vector.extract_strided_slice %get3A_2 {offsets = [1, 0, 0], sizes = [1, 1000, 1], strides = [1, 1, 1]} : vector<2x1000x128xf32> to vector<1x1000x1xf32>
    %squeeze3A_4 = vector.shape_cast %slice3A_3 : vector<1x1000x1xf32> to vector<1000xf32>
    %add3A = arith.addf %squeeze3A, %squeeze3A_4 : vector<1000xf32>
    %max3A = arith.constant 1.000000e+00 : f32
    %max3A_5 = vector.broadcast %max3A : f32 to vector<1000xf32>
    %max3A_6 = arith.maximumf %add3A, %max3A_5 : vector<1000xf32>
    %div3A = arith.constant 1.000000e+00 : f32
    %div3A_7 = vector.broadcast %div3A : f32 to vector<1000xf32>
    %div3A_8 = arith.divf %div3A_7, %max3A_6 : vector<1000xf32>
    %get3A_9 = arith.constant 0 : index
    %get3A_10 = arith.constant 0 : index
    %get3A_11 = arith.constant 0 : index
    %get3A_12 = vector.load %arg2[%get3A_9, %get3A_10, %get3A_11] : memref<2x1000x128xf32, #tpu.memory_space<vmem>>, vector<1x1000x128xf32>
    %get3A_13 = vector.shape_cast %get3A_12 : vector<1x1000x128xf32> to vector<1000x128xf32>
    %get3A_14 = arith.constant 1 : index
    %get3A_15 = arith.constant 0 : index
    %get3A_16 = arith.constant 0 : index
    %get3A_17 = vector.load %arg2[%get3A_14, %get3A_15, %get3A_16] : memref<2x1000x128xf32, #tpu.memory_space<vmem>>, vector<1x1000x128xf32>
    %get3A_18 = vector.shape_cast %get3A_17 : vector<1x1000x128xf32> to vector<1000x128xf32>
    %add3A_19 = arith.addf %get3A_13, %get3A_18 : vector<1000x128xf32>
    %broadcast_in_dim3A = vector.shape_cast %div3A_8 : vector<1000xf32> to vector<1000x1xf32>
    %mul3A = vector.broadcast %broadcast_in_dim3A : vector<1000x1xf32> to vector<1000x128xf32>
    %mul3A_20 = arith.mulf %add3A_19, %mul3A : vector<1000x128xf32>
    %get3A_21 = arith.constant 0 : index
    %get3A_22 = arith.constant 0 : index
    %get3A_23 = vector.load %arg1[%get3A_21, %get3A_22] : memref<1000x128xf32, #tpu.memory_space<vmem>>, vector<1000x128xf32>
    %get3A_24 = arith.constant 0 : index
    %get3A_25 = arith.constant 0 : index
    %get3A_26 = vector.load %arg4[%get3A_24, %get3A_25] : memref<128x128xf32, #tpu.memory_space<vmem>>, vector<128x128xf32>
    %dot_general3A = arith.constant dense<0.000000e+00> : vector<1000x128xf32>
    %dot_general3A_27 = tpu.matmul %get3A_23, %get3A_26, %dot_general3A {dimension_numbers = #tpu.dot_dimension_numbers<[1], [0], [0], [1], [0, 0, 1, 1], [], []>, transpose_lhs_hint = false} : vector<1000x128xf32>, vector<128x128xf32>, vector<1000x128xf32> -> vector<1000x128xf32>
    %get3A_28 = arith.constant 0 : index
    %get3A_29 = arith.constant 0 : index
    %get3A_30 = vector.load %arg5[%get3A_28, %get3A_29] : memref<128x128xf32, #tpu.memory_space<vmem>>, vector<128x128xf32>
    %dot_general3A_31 = arith.constant dense<0.000000e+00> : vector<1000x128xf32>
    %dot_general3A_32 = tpu.matmul %mul3A_20, %get3A_30, %dot_general3A_31 {dimension_numbers = #tpu.dot_dimension_numbers<[1], [0], [0], [1], [0, 0, 1, 1], [], []>, transpose_lhs_hint = false} : vector<1000x128xf32>, vector<128x128xf32>, vector<1000x128xf32> -> vector<1000x128xf32>
    %add3A_33 = arith.addf %dot_general3A_27, %dot_general3A_32 : vector<1000x128xf32>
    %max3A_34 = arith.constant 0.000000e+00 : f32
    %max3A_35 = vector.broadcast %max3A_34 : f32 to vector<1000x128xf32>
    %max3A_36 = arith.maximumf %add3A_33, %max3A_35 : vector<1000x128xf32>
    %swap3A = arith.constant 0 : index
    %swap3A_37 = arith.constant 0 : index
    %swap3A_38 = vector.load %arg6[%swap3A, %swap3A_37] : memref<1000x128xf32, #tpu.memory_space<vmem>>, vector<1000x128xf32>
    tpu.vector_store %arg6[%swap3A, %swap3A_37], %max3A_36 {strides = array<i32>} : memref<1000x128xf32, #tpu.memory_space<vmem>>, vector<1000x128xf32>,
    return
  }
  func.func @transform_0(%arg0: i32) -> (i32, i32) {
    %c0_i32 = arith.constant 0 : i32
    %c0_i32_0 = arith.constant 0 : i32
    return %arg0, %c0_i32 : i32, i32
  }
  func.func @transform_1(%arg0: i32) -> (i32, i32, i32) {
    %c0_i32 = arith.constant 0 : i32
    %c0_i32_0 = arith.constant 0 : i32
    %c0_i32_1 = arith.constant 0 : i32
    return %c0_i32, %arg0, %c0_i32_0 : i32, i32, i32
  }
  func.func @transform_2(%arg0: i32) -> (i32, i32, i32) {
    %c0_i32 = arith.constant 0 : i32
    %c0_i32_0 = arith.constant 0 : i32
    %c0_i32_1 = arith.constant 0 : i32
    return %c0_i32, %arg0, %c0_i32_0 : i32, i32, i32
  }
  func.func @transform_3(%arg0: i32) -> (i32, i32) {
    %c0_i32 = arith.constant 0 : i32
    %c0_i32_0 = arith.constant 0 : i32
    %c0_i32_1 = arith.constant 0 : i32
    return %c0_i32, %c0_i32_0 : i32, i32
  }
  func.func @transform_4(%arg0: i32) -> (i32, i32) {
    %c0_i32 = arith.constant 0 : i32
    %c0_i32_0 = arith.constant 0 : i32
    %c0_i32_1 = arith.constant 0 : i32
    return %c0_i32, %c0_i32_0 : i32, i32
  }
  func.func @transform_5(%arg0: i32) -> (i32, i32) {
    %c0_i32 = arith.constant 0 : i32
    %c0_i32_0 = arith.constant 0 : i32
    return %arg0, %c0_i32 : i32, i32
  }
}

</mosaic_0001>

<sc_bundles>
// kernel: kernel.6.cloned.1.call-start
scs
__scs_entry_jumppad:
0x0: {  	(pc) =	sbr.rel $0x88, $3  }
0x1: {  	(tag) =	ssettag $0x0;
	lr =	simm.s32 $0x1  }
0x2: {  	[smem:$0x3F9B] =	sst lr;
	_ =	strace $0xD0000000  }
0x3: {  	_ = 	snop  }
0x4: {  	_ = 	snop  }
0x5: {  	_ = 	snop  }
0x6: {  	_ = 	snop  }
0x7: {  	_ = 	snop  }
__scs_overlays_trampoline_lowered:
0x8: {  	[smem:$0x3FAA] =	sst s0  }
0x9: {  	[smem:$0x3FAB] =	sst s1  }
0xa: {  	[smem:$0x3FAC] =	sst s2  }
0xb: {  	[smem:$0x3FAD] =	sst s3  }
0xc: {  	[smem:$0x3FAE] =	sst s4  }
0xd: {  	[smem:$0x3FAF] =	sst s5  }
0xe: {  	[smem:$0x3FB0] =	sst s6  }
0xf: {  	[smem:$0x3FB1] =	sst s7  }
0x10: {  	[smem:$0x3FB2] =	sst s8  }
0x11: {  	[smem:$0x3FB3] =	sst s9;
	s0 =	simm.s32 @!p0 $0x0  }
0x12: {  	s1 =	sld [smem:$0x3F99];
	s0 =	simm.s32 @p0 $0x1  }
0x13: {  	[smem:$0x3FB4] =	sst s0;
	s0 =	simm.s32 @!p1 $0x0  }
0x14: {  	s2 =	sld [smem:$0x3F98];
	s0 =	simm.s32 @p1 $0x1  }
0x15: {  	[smem:$0x3FB5] =	sst s0;
	s0 =	simm.s32 @!p2 $0x0  }
0x16: {  	s3 =	sld [smem:$0x3FDB];
	s0 =	simm.s32 @p2 $0x1  }
0x17: {  	s4 =	simm.s32 $0x1BF5;
	[smem:$0x3FB7] =	sst s0  }
0x18: {  	s0 =	sld [smem:$0x3F9A];
	_ =	swait.ge [sflag:s4], $0x0  }
0x19: {  	s7 =	sld [smem:$0x3F9B]  }
0x1a: {  	s8 =	sadd.s32 $0xFFFFE003, lr  }
0x1b: {  	s9 =	sadd.s32 $0xFFFFFEF7, lr;
	s5 =	simm.s32 $0xFFFFFFFF;
	p2 =	slt.u32 s8, $0xFFFFF086  }
0x1c: {  	p1 =	slt.u32 s9, $0xF7A;
	s5 =	simm.s32 @!p2 $0x0  }
0x1d: {  	s5 =	simm.s32 @p1 $0x1;
	p0 =	seq.s32 s7, s2  }
0x1e: {  	s7 =	smul.u32 @!p0 $0xF7A, s2;
	p2 =	seq.s32 @!p0 s5, $0x0  }
0x1f: {  	s9 =	smul.u32 $0xF7A, s1;
	s8 =	simm.s32 @!p0 $0x1BF5;
	p2 =	por !p2, p0  }
0x20: {  	[sflag:s8] =	ssyncset.s32 @!p0 $0xFFFFF086;
	s6 =	sadd.s32 @!p0 s3, s7;
	s7 =	simm.s32 @!p0 $0x108  }
0x21: {  	s3 =	sadd.s32 s3, s9;
	s6 =	sadd.s32 @!p0 $0x88, s6;
	s7 =	simm.s32 @p2 $0x1082  }
0x22: {  	[simem:s7], [sflag:s8] =	dma.local @!p0 [hbm:s6], $0xF7A  }
0x23: {  	s9 =	sor.u32 $0xD0000000, s2;
	s6 =	simm.s32 $0x108;
	_ =	swait.ge @!p0 [sflag:s8], $0x0  }
0x24: {  	s3 =	sadd.s32 $0x88, s3;
	s6 =	simm.s32 @!p1 $0x1082;
	[sflag:s4] =	ssyncset.s32 $0xFFFFF086  }
0x25: {  	[simem:s6], [sflag:s4] =	dma.local [hbm:s3], $0xF7A  }
0x26: {  	[smem:$0x3F9B] =	sst s1;
	(tag) =	ssettag s2;
	_ =	strace s9  }
0x27: {  	s1 =	sld [smem:$0x3FAB]  }
0x28: {  	s2 =	sld [smem:$0x3FAC]  }
0x29: {  	s4 =	sld [smem:$0x3FAE]  }
0x2a: {  	p0 =	seq.s32 s5, $0x0;
	s5 =	sld [smem:$0x3FAF]  }
0x2b: {  	s6 =	sld [smem:$0x3FB0]  }
0x2c: {  	s7 =	sld [smem:$0x3FB1]  }
0x2d: {  	s3 =	simm.s32 $0x108;
	s8 =	sld [smem:$0x3FB2]  }
0x2e: {  	s3 =	simm.s32 @!p0 $0x1082;
	s9 =	sld [smem:$0x3FB3]  }
0x2f: {  	lr =	sadd.s32 s0, s3;
	s0 =	sld [smem:$0x3FAA]  }
0x30: {  	s3 =	sld [smem:$0x3FAD]  }
0x31: {  	[smem:$0x3FB6] =	sst s10  }
0x32: {  	s10 =	sld [smem:$0x3FB4];
	_ =	sdelay $0x3  }
0x33: {  	p0 =	seq.s32 s10, $0x1;
	s10 =	sld [smem:$0x3FB6];
	_ =	sdelay $0x3  }
0x34: {  	[smem:$0x3FB6] =	sst s10  }
0x35: {  	s10 =	sld [smem:$0x3FB5];
	_ =	sdelay $0x3  }
0x36: {  	p1 =	seq.s32 s10, $0x1;
	s10 =	sld [smem:$0x3FB6];
	_ =	sdelay $0x3  }
0x37: {  	[smem:$0x3FB6] =	sst s10  }
0x38: {  	s10 =	sld [smem:$0x3FB7]  }
0x39: {  	_ = 	snop;
	(pc) =	sbr.ind lr, $3  }
0x3a: {  	_ = 	snop  }
0x3b: {  	_ = 	snop  }
0x3c: {  	p2 =	seq.s32 s10, $0x1;
	s10 =	sld [smem:$0x3FB6]  }
0x3d: {  	_ =	shalt  }
0x3e: {  	_ =	shalt  }
0x3f: {  	_ =	shalt  }
0x40: {  	_ =	shalt  }
0x41: {  	_ =	shalt  }
0x42: {  	_ =	shalt  }
0x43: {  	_ =	shalt  }
0x44: {  	_ =	shalt  }
0x45: {  	_ =	shalt  }
0x46: {  	_ =	shalt  }
0x47: {  	_ =	shalt  }
0x48: {  	_ =	shalt  }
0x49: {  	_ =	shalt  }
0x4a: {  	_ =	shalt  }
0x4b: {  	_ =	shalt  }
0x4c: {  	_ =	shalt  }
0x4d: {  	_ =	shalt  }
0x4e: {  	_ =	shalt  }
0x4f: {  	_ =	shalt  }
0x50: {  	_ =	shalt  }
0x51: {  	_ =	shalt  }
0x52: {  	_ =	shalt  }
0x53: {  	_ =	shalt  }
0x54: {  	_ =	shalt  }
0x55: {  	_ =	shalt  }
0x56: {  	_ =	shalt  }
0x57: {  	_ =	shalt  }
0x58: {  	_ =	shalt  }
0x59: {  	_ =	shalt  }
0x5a: {  	_ =	shalt  }
0x5b: {  	_ =	shalt  }
0x5c: {  	_ =	shalt  }
0x5d: {  	_ =	shalt  }
0x5e: {  	_ =	shalt  }
0x5f: {  	_ =	shalt  }
0x60: {  	_ =	shalt  }
0x61: {  	_ =	shalt  }
0x62: {  	_ =	shalt  }
0x63: {  	_ =	shalt  }
0x64: {  	_ =	shalt  }
0x65: {  	_ =	shalt  }
0x66: {  	_ =	shalt  }
0x67: {  	_ =	shalt  }
0x68: {  	_ =	shalt  }
0x69: {  	_ =	shalt  }
0x6a: {  	_ =	shalt  }
0x6b: {  	_ =	shalt  }
0x6c: {  	_ =	shalt  }
0x6d: {  	_ =	shalt  }
0x6e: {  	_ =	shalt  }
0x6f: {  	_ =	shalt  }
0x70: {  	_ =	shalt  }
0x71: {  	_ =	shalt  }
0x72: {  	_ =	shalt  }
0x73: {  	_ =	shalt  }
0x74: {  	_ =	shalt  }
0x75: {  	_ =	shalt  }
0x76: {  	_ =	shalt  }
0x77: {  	_ =	shalt  }
0x78: {  	_ =	shalt  }
0x79: {  	_ =	shalt  }
0x7a: {  	_ =	shalt  }
0x7b: {  	_ =	shalt  }
0x7c: {  	_ =	shalt  }
0x7d: {  	_ =	shalt  }
0x7e: {  	_ =	shalt  }
0x7f: {  	_ =	shalt  }
0x80: {  	_ =	shalt  }
0x81: {  	_ =	shalt  }
0x82: {  	_ =	shalt  }
0x83: {  	_ =	shalt  }
0x84: {  	_ =	shalt  }
0x85: {  	_ =	shalt  }
0x86: {  	_ =	shalt  }
0x87: {  	_ =	shalt  }
.Lfunc_end0:
.L_simem_size_0:
called_computation_lowered:
.L_overlay_start_0:
0x88: {  	s2 =	sld [smem:$0x3FD9]  }
0x89: {  	s3 =	sld [smem:$0x3FFE];
	_ =	sdelay $0x1  }
0x8a: {  	s1 =	srdreg.scid  }
0x8b: {  	s0 =	sand.u32 $0x1, s1  }
0x8c: {  	s17 =	sshll.u32 s0, $0xA;
	s2 =	sadd.s32 s3, s2  }
0x8d: {  	s2 =	sadd.s32 s2, s17  }
0x8e: {  	[smem:$0x3FC2] =	sst s2  }
0x8f: {  	_ = 	snop  }
0x90: {  	s2 =	sld [smem:$0x3FC9];
	(tm) =	ssettm $0x1  }
0x91: {  	s18 =	sld [smem:$0x3FFB];
	_ =	sdelay $0x3  }
0x92: {  	_ =	strace s18  }
0x93: {  	s3 =	sld [smem:$0x3FFC];
	_ =	sdelay $0x3  }
0x94: {  	_ =	strace s3  }
0x95: {  	s3 =	sld [smem:$0x3FFD];
	_ =	sdelay $0x3  }
0x96: {  	_ =	strace s3  }
0x97: {  	_ =	strace $0x8FFFFFFF  }
0x98: {  	s19 =	sld [smem:$0x3FDB];
	_ =	sdelay $0x1  }
0x99: {  	s4 =	simm.s32 $_scs_section_size  }
0x9a: {  	s5 =	simm.s32 $_size__tile_overlayer_lowered;
	s6 =	simm.s32 $_tile_overlayer_lowered  }
0x9b: {  	s22 =	simm.s32 $0x1BFF;
	s21 =	sshll.u32 s6, $0x1;
	s3 =	sadd.s32 s4, s19  }
0x9c: {  	s7 =	simm.s32 $0x0;
	s20 =	sshll.u32 s5, $0x1;
	s5 =	sadd.s32 s21, s3  }
0x9d: {  	[timem:s7], [sflag:s22] =	dma.local [hbm:s5], s20  }
0x9e: {  	_ =	swait.ge [sflag:s22], s20  }
0x9f: {  	s4 =	ssub.s32 $0x0, s20;
	[sflag:s22] =	ssyncset.done $0x0  }
0xa0: {  	[sflag:s22] =	ssyncadd.s32 s4;
	_ =	sdelay $0x1  }
0xa1: {  	s23 =	simm.s32 $0x1B8B  }
0xa2: {  	_ =	swait.ge [sflag:s23], $0x1  }
0xa3: {  	[sflag:s23] =	ssyncset.done $0x0  }
0xa4: {  	s25 =	simm.s32 $0x1B8E;
	s24 =	sld [smem:$0x3FFE];
	[sflag:s23] =	ssyncadd.s32 $0xFFFFFFFF  }
0xa5: {  	s26 =	simm.s32 $execute0_lowered;
	[smem:$0x3FD2] =	sst s25  }
0xa6: {  	s5 =	sshll.u32 s26, $0x1;
	_ =	strace $0x80000046;
	[dreg:$0x1] =	wrdreg $0xFFFFFFFF  }
0xa7: {  	s28 =	simm.s32 $_size_execute0_lowered;
	s3 =	sadd.s32 s3, s5;
	[dreg:$0x0] =	wrdreg $0x0  }
0xa8: {  	s5 =	sshll.u32 s28, $0x1;
	[dreg:$0x2] =	wrdreg s3  }
0xa9: {  	[dreg:$0x3] =	wrdreg s5  }
0xaa: {  	[dreg:$0x4] =	wrdreg $0xC0  }
0xab: {  	_ =	task [dreg:s7], $0x5FFFF  }
0xac: {  	[dreg:$0x1] =	wrdreg $0xFFFFFFFF  }
0xad: {  	[dreg:$0x0] =	wrdreg $0x60  }
0xae: {  	[dreg:$0x2] =	wrdreg s2  }
0xaf: {  	[dreg:$0x3] =	wrdreg s24  }
0xb0: {  	[dreg:$0x4] =	wrdreg $0x0  }
0xb1: {  	[dreg:$0x5] =	wrdreg $0x9  }
0xb2: {  	_ =	task.clear_ibuf [dreg:s7], $0x6FFFF;
	_ =	strace $0x90000046  }
0xb3: {  	s29 =	simm.s32 $0x9;
	_ =	strace $0x80000048  }
0xb4: {  	_ =	swait.ge [sflag:s29], $0x1  }
0xb5: {  	[sflag:s29] =	ssyncadd.s32 $0xFFFFFFFF  }
0xb6: {  	_ =	strace $0x90000048  }
0xb7: {  	_ =	sfence  }
0xb8: {  	s30 =	sld [smem:$0x0];
	_ =	sdelay $0x2  }
0xb9: {  	s31 =	sshll.u32 s1, $0xD;
	s1 =	sshrl.u32 s1, $0x2  }
0xba: {  	s3 =	sand.u32 $0x4000, s31;
	s1 =	sadd.s32 s1, s30  }
0xbb: {  	s0 =	sor.u32 s3, s0;
	s1 =	sshll.u32 s1, $0x11  }
0xbc: {  	s0 =	sor.u32 s1, s0  }
0xbd: {  	s0 =	sadd.s32 $0x8F2B, s0  }
0xbe: {  	[sflag:s0] =	ssyncadd.remote.s32 $0x1  }
0xbf: {  	_ =	sfence.sel $0xFFFF  }
0xc0: {  	[dreg:$0x0] =	wrdreg $0xFFFFFFFF;
	(pc) =	sbr.abs _section_cstart, $3  }
0xc1: {  	[dreg:$0x1] =	wrdreg $0xFFFFFFFF  }
0xc2: {  	_ =	task.clear_ibuf [dreg:s7], $0x2FFFF;
	_ =	strace $0x9FFFFFFF  }
0xc3: {  	(tm) =	ssettm $0x7FFFFFFF  }
tec
execute0_lowered:
.L_overlay_start_1:
0x0: {  	(tag) =	ssettag $0x1  }
0x1: {  	s0 =	rddreg [dreg:$0x1]  }
0x2: {  	s2 =	rddreg [dreg:$0x2]  }
0x3: {  	s3 =	srdreg.scid;
	s11 =	stileid.u32  }
0x4: {  	s4 =	simm.s32 $0x0;
	s31 =	simm.s32 $0x14000;
	s6 =	smul.u32 $0x14000, s11  }
0x5: {  	s30 =	simm.s32 $0x6;
	s3 =	sand.u32 $0x1, s3;
	s9 =	smul.u32 $0x50000, s11  }
0x6: {  	[smem:$0x7FF] =	sst s4;
	s12 =	sadd.s32 $0xBA00, s0;
	s5 =	smul.u32 $0x140000, s3  }
0x7: {  	s7 =	sshll.u32 s3, $0x4;
	_ =	strace $0x80000047;
	s8 =	ssub.s32 $0x2, s3  }
0x8: {  	s3 =	smul.u32 $0x27100, s3;
	[dreg:$0x4] =	wrdreg s12;
	s7 =	sor.u32 s11, s7  }
0x9: {  	s18 =	sshrl.u32 s8, $0x1;
	s19 =	sshrl.u32 s9, $0x2;
	s11 =	smul.u32 $0x2710, s11  }
0xa: {  	s5 =	sadd.s32 s6, s5;
	s7 =	smul.u32 $0x2710, s7;
	s6 =	sadd.s32 $0x1C00, s0  }
0xb: {  	s13 =	sadd.s32 s19, s2;
	s5 =	sshrl.u32 s5, $0x3;
	s3 =	sadd.s32 s11, s3  }
0xc: {  	[dreg:$0x5] =	wrdreg s13;
	s0 =	sadd.s32 s5, s0;
	s5 =	ssub.s32 s8, s18  }
0xd: {  	s7 =	sshrl.u32 s7, $0x3;
	s29 =	sadd.s32 $0x230, s3;
	s24 =	sadd.s32 $0x65800, s0  }
0xe: {  	s1 =	sadd.s32 $0x1E0, s3;
	s0 =	sadd.s32 $0x15800, s0;
	[dreg:$0xa] =	wrdreg s24  }
0xf: {  	s17 =	sadd.s32 $0x2D0, s3;
	s5 =	smax.u32 s5, $0x1;
	[dreg:$0xf] =	wrdreg s0  }
0x10: {  	s18 =	sshrl.u32 s17, $0x3;
	s17 =	sadd.s32 $0xA000, s13;
	[dreg:$0x10] =	wrdreg s5  }
0x11: {  	s14 =	sadd.s32 s6, s7;
	s20 =	sadd.s32 $0xA, s7;
	[smem:$0x7F3] =	sst s17  }
0x12: {  	s22 =	sadd.s32 $0x14, s7;
	s21 =	sadd.s32 s6, s20;
	[dreg:$0x6] =	wrdreg s14  }
0x13: {  	s23 =	sadd.s32 $0x1E, s7;
	s10 =	sadd.s32 s6, s22;
	[dreg:$0x7] =	wrdreg s21  }
0x14: {  	s9 =	sadd.s32 $0x370, s3;
	s15 =	sadd.s32 s6, s23;
	[dreg:$0x8] =	wrdreg s10  }
0x15: {  	s11 =	sadd.s32 $0x320, s3;
	s25 =	sadd.s32 s12, s20;
	[dreg:$0x9] =	wrdreg s15  }
0x16: {  	s26 =	sadd.s32 s12, s22;
	s28 =	sadd.s32 s12, s23;
	[dreg:$0xc] =	wrdreg s25  }
0x17: {  	s0 =	sshrl.u32 s29, $0x3;
	s5 =	sshrl.u32 s1, $0x3;
	[dreg:$0xd] =	wrdreg s26  }
0x18: {  	s23 =	sadd.s32 s18, s6;
	s24 =	sadd.s32 $0x4B0, s3;
	[dreg:$0xe] =	wrdreg s28  }
0x19: {  	s29 =	sadd.s32 $0x140, s3;
	s1 =	sadd.s32 $0x280, s3;
	[dreg:$0x15] =	wrdreg s23  }
0x1a: {  	s17 =	simm.s32 $0x5;
	s20 =	sadd.s32 s5, s6;
	[dreg:$0x19] =	wrdreg s1  }
0x1b: {  	s5 =	sshrl.u32 s11, $0x3;
	s11 =	sadd.s32 $0x2800, s13;
	[dreg:$0x18] =	wrdreg s29  }
0x1c: {  	s15 =	sadd.s32 s12, s7;
	s23 =	sadd.s32 $0x11800, s13;
	[dreg:$0x1d] =	wrdreg s11  }
0x1d: {  	s19 =	sadd.s32 s0, s6;
	s7 =	sadd.s32 $0x190, s3;
	[smem:$0x7F6] =	sst s23  }
0x1e: {  	s10 =	sshrl.u32 s9, $0x3;
	s29 =	sshrl.u32 s29, $0x3;
	[dreg:$0xb] =	wrdreg s15  }
0x1f: {  	s25 =	sshrl.u32 s24, $0x3;
	s16 =	sadd.s32 s10, s6;
	[smem:$0x7FB] =	sst s29  }
0x20: {  	s26 =	sadd.s32 $0x460, s3;
	s0 =	sadd.s32 s10, s12;
	[dreg:$0x11] =	wrdreg s16  }
0x21: {  	s1 =	simm.s32 $0x0;
	s22 =	sadd.s32 s5, s6;
	[dreg:$0x12] =	wrdreg s0  }
0x22: {  	s8 =	sshrl.u32 s7, $0x3;
	s5 =	sadd.s32 s5, s12;
	[dreg:$0x13] =	wrdreg s22  }
0x23: {  	s28 =	sshrl.u32 s26, $0x3;
	s24 =	sadd.s32 $0x28, s15;
	[dreg:$0x14] =	wrdreg s5  }
0x24: {  	s26 =	sadd.s32 $0x3C, s15;
	s11 =	simm.s32 $0x11;
	[smem:$0x7F7] =	sst s24  }
0x25: {  	s7 =	simm.s32 $0x8;
	s0 =	sadd.s32 s18, s12;
	[smem:$0x7F9] =	sst s26  }
0x26: {  	s23 =	simm.s32 $0x19000;
	s16 =	sadd.s32 $0x7800, s13;
	[dreg:$0x16] =	wrdreg s0  }
0x27: {  	s21 =	sadd.s32 s8, s6;
	s18 =	sadd.s32 $0xC800, s13;
	[dreg:$0x1f] =	wrdreg s16  }
0x28: {  	s8 =	sadd.s32 $0x410, s3;
	s22 =	sadd.s32 $0xF000, s13;
	[smem:$0x7F4] =	sst s18  }
0x29: {  	s3 =	sadd.s32 $0x3C0, s3;
	s0 =	sadd.s32 s25, s12;
	[smem:$0x7F5] =	sst s22  }
0x2a: {  	s9 =	sshrl.u32 s8, $0x3;
	s25 =	sadd.s32 $0x32, s15;
	[dreg:$0x17] =	wrdreg s0  }
0x2b: {  	s3 =	sshrl.u32 s3, $0x3;
	s0 =	sadd.s32 s28, s12;
	[smem:$0x7F8] =	sst s25  }
0x2c: {  	s8 =	simm.s32 $0x1E000;
	s10 =	sadd.s32 s3, s12;
	[dreg:$0x1a] =	wrdreg s0  }
0x2d: {  	s16 =	simm.s32 $0x1E180;
	s28 =	sadd.s32 $0x46, s15;
	[dreg:$0x1c] =	wrdreg s10  }
.Ltmp0:
0x2e: {  	s0 =	sadd.s32 s9, s12;
	[smem:$0x7FA] =	sst s28;
	(pc) =	sbr.rel .LBB2_1-.Ltmp0, $4  }
0x2f: {  	s18 =	simm.s32 $0x50;
	s12 =	sadd.s32 $0x5000, s13;
	[dreg:$0x1b] =	wrdreg s0  }
0x30: {  	s15 =	simm.s32 $0x1E100;
	[dreg:$0x1e] =	wrdreg s12;
	s0 =	sadd.s32 s29, s6  }
0x31: {  	s25 =	simm.s32 $0x1B800;
	s12 =	sadd.s32 $0x4D8, s14;
	[smem:$0x7FC] =	sst s0  }
0x32: {  	v0 =	vimm.f32 $0.0e+00;
	v1 =	vimm.f32 $1.000000000e+00;
	s13 =	simm.s32 $0x7;
	s14 =	simm.s32 $0x1E080;
	[smem:$0x7FD] =	sst s12  }
.LBB2_10:
0x33: {  	s3 =	simm.s32 $0x1  }
0x34: {  	_ =	swait.ge [sflag:s3], $0x2800  }
0x35: {  	[sflag:s3] =	ssyncset.done $0x0  }
0x36: {  	[sflag:s3] =	ssyncadd.s32 $0xFFFFD800  }
0x37: {  	_ =	swait.ge [sflag:s17], $0x50  }
0x38: {  	[sflag:s17] =	ssyncset.done $0x0  }
0x39: {  	[sflag:s17] =	ssyncadd.s32 $0xFFFFFFB0  }
0x3a: {  	[spmem:s2] =	stream.indirect.scatter.add.f32 [tilespmem:s31], [sflag:$0x11], $0x80, s8, s18, $0xb8;
	[tilespmem:$0x1E600] =	vst v63  }
0x3b: {  	_ =	swait.ge [sflag:s11], $0x2800  }
0x3c: {  	[sflag:s11] =	ssyncset.done $0x0  }
0x3d: {  	s0 =	simm.s32 $0xD;
	[sflag:s11] =	ssyncadd.s32 $0xFFFFD800  }
0x3e: {  	_ =	swait.ge [sflag:s0], $0x50  }
0x3f: {  	[sflag:s0] =	ssyncset.done $0x0  }
0x40: {  	s12 =	sld [smem:$0x7FD];
	[sflag:s0] =	ssyncadd.s32 $0xFFFFFFB0  }
0x41: {  	s1 =	simm.s32 $0x1E400;
	s0 =	rddreg [dreg:$0x0]  }
0x42: {  	[tilespmem:s31], [sflag:$0x1] =	stream.indirect.gather [hbm4b:s0+s18], $0x80, s1, s18, $0xb8;
	[tilespmem:$0x1E600] =	vst v63  }
0x43: {  	s5 =	simm.s32 $0x2  }
0x44: {  	[tilespmem:s8], [sflag:$0x5] =	stream.linear.gather [hbm4b:s12+s4], $0x50, $0x38;
	[tilespmem:$0x1E600] =	vst v63  }
0x45: {  	_ =	swait.ge [sflag:s5], $0x2800  }
0x46: {  	[sflag:s5] =	ssyncset.done $0x0  }
0x47: {  	[sflag:s5] =	ssyncadd.s32 $0xFFFFD800  }
0x48: {  	_ =	swait.ge [sflag:s30], $0x50  }
0x49: {  	[sflag:s30] =	ssyncset.done $0x0  }
0x4a: {  	[sflag:s30] =	ssyncadd.s32 $0xFFFFFFB0  }
0x4b: {  	[spmem:s2] =	stream.indirect.scatter.add.f32 [tilespmem:s9], [sflag:$0x11], $0x80, s14, s18, $0xb8;
	[tilespmem:$0x1E600] =	vst v63  }
0x4c: {  	_ =	swait.ge [sflag:s11], $0x2800  }
0x4d: {  	[sflag:s11] =	ssyncset.done $0x0  }
0x4e: {  	s9 =	simm.s32 $0x3;
	[sflag:s11] =	ssyncadd.s32 $0xFFFFD800  }
0x4f: {  	_ =	swait.ge [sflag:s9], $0x2800  }
0x50: {  	[sflag:s9] =	ssyncset.done $0x0  }
0x51: {  	[sflag:s9] =	ssyncadd.s32 $0xFFFFD800  }
0x52: {  	_ =	swait.ge [sflag:s13], $0x50  }
0x53: {  	[sflag:s13] =	ssyncset.done $0x0  }
0x54: {  	[sflag:s13] =	ssyncadd.s32 $0xFFFFFFB0  }
0x55: {  	[spmem:s2] =	stream.indirect.scatter.add.f32 [tilespmem:s23], [sflag:$0x11], $0x80, s15, s18, $0xb8;
	[tilespmem:$0x1E600] =	vst v63  }
0x56: {  	_ =	swait.ge [sflag:s11], $0x2800  }
0x57: {  	[sflag:s11] =	ssyncset.done $0x0  }
0x58: {  	s10 =	simm.s32 $0x4;
	[sflag:s11] =	ssyncadd.s32 $0xFFFFD800  }
0x59: {  	_ =	swait.ge [sflag:s10], $0x2800  }
0x5a: {  	[sflag:s10] =	ssyncset.done $0x0  }
0x5b: {  	[sflag:s10] =	ssyncadd.s32 $0xFFFFD800  }
0x5c: {  	_ =	swait.ge [sflag:s7], $0x50  }
0x5d: {  	[sflag:s7] =	ssyncset.done $0x0  }
0x5e: {  	[sflag:s7] =	ssyncadd.s32 $0xFFFFFFB0  }
0x5f: {  	[spmem:s2] =	stream.indirect.scatter.add.f32 [tilespmem:s25], [sflag:$0x11], $0x80, s16, s18, $0xb8;
	[tilespmem:$0x1E600] =	vst v63  }
0x60: {  	_ =	swait.ge [sflag:s11], $0x2800  }
0x61: {  	[sflag:s11] =	ssyncset.done $0x0  }
0x62: {  	[sflag:s11] =	ssyncadd.s32 $0xFFFFD800  }
0x63: {  	_ =	swait.ge [sflag:s3], $0x2800  }
0x64: {  	[sflag:s3] =	ssyncset.done $0x0  }
0x65: {  	[sflag:s3] =	ssyncadd.s32 $0xFFFFD800  }
0x66: {  	_ =	swait.ge [sflag:s17], $0x50  }
0x67: {  	[sflag:s17] =	ssyncset.done $0x0  }
0x68: {  	[sflag:s17] =	ssyncadd.s32 $0xFFFFFFB0  }
0x69: {  	[spmem:s2] =	stream.indirect.scatter.add.f32 [tilespmem:s31], [sflag:$0x11], $0x80, s8, s18, $0xb8;
	[tilespmem:$0x1E600] =	vst v63  }
0x6a: {  	_ =	swait.ge [sflag:s11], $0x2800  }
0x6b: {  	[sflag:s11] =	ssyncset.done $0x0  }
0x6c: {  	[sflag:s11] =	ssyncadd.s32 $0xFFFFD800  }
0x6d: {  	[bflag:$0x0] =	sbarrier.arrive $0xFFFF  }
0x6e: {  	s24 =	sld [smem:$0x7F0]  }
0x6f: {  	s26 =	sld [smem:$0x7F1];
	_ =	sdelay $0x1  }
0x70: {  	s22 =	rddreg [dreg:$0xf]  }
0x71: {  	[hbm:s22], [sflag:s24] =	dma.local [spmem:s26], $0x2800  }
0x72: {  	_ =	swait.ge [sflag:s11], $0x2800  }
0x73: {  	s28 =	sld [smem:$0x7F2];
	_ =	sdelay $0x2  }
0x74: {  	s29 =	rddreg [dreg:$0x10];
	s1 =	sadd.s32 $0x1, s28  }
0x75: {  	p0 =	sne.s32 s1, s29  }
.Ltmp1:
0x76: {  	_ = 	snop;
	(pc) =	sbr.rel @!p0 .LBB2_11-.Ltmp1, $3  }
0x77: {  	_ =	sdelay $0x1  }
0x78: {  	[sflag:s11] =	ssyncset.done $0x0  }
0x79: {  	[sflag:s11] =	ssyncadd.s32 $0xFFFFD800  }
.LBB2_1:
0x7a: {  	s24 =	simm.s32 $0x0;
	s26 =	simm.s32 $0x200  }
.LBB2_2:
0x7b: {  	p0 =	sne.s32 s26, $0x9E00;
	[tilespmem:s24+$0x16870] =	vst v0  }
0x7c: {  	[tilespmem:s24+$0x16800] =	vst v0  }
0x7d: {  	[tilespmem:s24+$0x16810] =	vst v0  }
.Ltmp2:
0x7e: {  	[tilespmem:s24+$0x16820] =	vst v0;
	(pc) =	sbr.rel @p0 .LBB2_2-.Ltmp2, $4  }
0x7f: {  	[tilespmem:s24+$0x16830] =	vst v0  }
0x80: {  	[tilespmem:s24+$0x16840] =	vst v0  }
0x81: {  	[tilespmem:s24+$0x16850] =	vst v0  }
0x82: {  	[tilespmem:s24+$0x16860] =	vst v0;
	s24 =	sshra.s32 s26, $0x2;
	s26 =	sadd.s32 $0x200, s26  }
0x83: {  	[tilespmem:s24+$0x16870] =	vst v0  }
0x84: {  	[tilespmem:s24+$0x16800] =	vst v0  }
0x85: {  	[tilespmem:s24+$0x16810] =	vst v0  }
0x86: {  	[tilespmem:s24+$0x16820] =	vst v0  }
0x87: {  	[tilespmem:s24+$0x16830] =	vst v0  }
0x88: {  	[tilespmem:s24+$0x16840] =	vst v0  }
0x89: {  	[tilespmem:s24+$0x16850] =	vst v0  }
0x8a: {  	[tilespmem:s24+$0x16860] =	vst v0;
	s0 =	rddreg [dreg:$0x5];
	s3 =	simm.s32 $0x16800  }
0x8b: {  	[spmem:s0] =	stream.linear.scatter [tilespmem:s3], [sflag:$0x11], $0x2800, $0x38;
	[tilespmem:$0x1E600] =	vst v63  }
0x8c: {  	_ =	swait.ge [sflag:s11], $0x2800  }
0x8d: {  	[sflag:s11] =	ssyncset.done $0x0  }
0x8e: {  	s9 =	rddreg [dreg:$0x1d];
	[sflag:s11] =	ssyncadd.s32 $0xFFFFD800  }
0x8f: {  	[spmem:s9] =	stream.linear.scatter [tilespmem:s3], [sflag:$0x11], $0x2800, $0x38;
	[tilespmem:$0x1E600] =	vst v63  }
0x90: {  	_ =	swait.ge [sflag:s11], $0x2800  }
0x91: {  	[sflag:s11] =	ssyncset.done $0x0  }
0x92: {  	s10 =	rddreg [dreg:$0x1e];
	[sflag:s11] =	ssyncadd.s32 $0xFFFFD800  }
0x93: {  	[spmem:s10] =	stream.linear.scatter [tilespmem:s3], [sflag:$0x11], $0x2800, $0x38;
	[tilespmem:$0x1E600] =	vst v63  }
0x94: {  	_ =	swait.ge [sflag:s11], $0x2800  }
0x95: {  	[sflag:s11] =	ssyncset.done $0x0  }
0x96: {  	s22 =	rddreg [dreg:$0x1f];
	[sflag:s11] =	ssyncadd.s32 $0xFFFFD800  }
0x97: {  	[spmem:s22] =	stream.linear.scatter [tilespmem:s3], [sflag:$0x11], $0x2800, $0x38;
	[tilespmem:$0x1E600] =	vst v63  }
0x98: {  	_ =	swait.ge [sflag:s11], $0x2800  }
0x99: {  	s24 =	sld [smem:$0x7F3]  }
0x9a: {  	[sflag:s11] =	ssyncset.done $0x0  }
0x9b: {  	[sflag:s11] =	ssyncadd.s32 $0xFFFFD800  }
0x9c: {  	[spmem:s24] =	stream.linear.scatter [tilespmem:s3], [sflag:$0x11], $0x2800, $0x38;
	[tilespmem:$0x1E600] =	vst v63  }
0x9d: {  	_ =	swait.ge [sflag:s11], $0x2800  }
0x9e: {  	s26 =	sld [smem:$0x7F4]  }
0x9f: {  	[sflag:s11] =	ssyncset.done $0x0  }
0xa0: {  	[sflag:s11] =	ssyncadd.s32 $0xFFFFD800  }
0xa1: {  	[spmem:s26] =	stream.linear.scatter [tilespmem:s3], [sflag:$0x11], $0x2800, $0x38;
	[tilespmem:$0x1E600] =	vst v63  }
0xa2: {  	_ =	swait.ge [sflag:s11], $0x2800  }
0xa3: {  	s28 =	sld [smem:$0x7F5]  }
0xa4: {  	[sflag:s11] =	ssyncset.done $0x0  }
0xa5: {  	[sflag:s11] =	ssyncadd.s32 $0xFFFFD800  }
0xa6: {  	[spmem:s28] =	stream.linear.scatter [tilespmem:s3], [sflag:$0x11], $0x2800, $0x38;
	[tilespmem:$0x1E600] =	vst v63  }
0xa7: {  	_ =	swait.ge [sflag:s11], $0x2800  }
0xa8: {  	s29 =	sld [smem:$0x7F6]  }
0xa9: {  	[sflag:s11] =	ssyncset.done $0x0  }
0xaa: {  	[sflag:s11] =	ssyncadd.s32 $0xFFFFD800  }
0xab: {  	[spmem:s29] =	stream.linear.scatter [tilespmem:s3], [sflag:$0x11], $0x2800, $0x38;
	[tilespmem:$0x1E600] =	vst v63  }
0xac: {  	_ =	swait.ge [sflag:s11], $0x2800  }
0xad: {  	[sflag:s11] =	ssyncset.done $0x0  }
0xae: {  	[sflag:s11] =	ssyncadd.s32 $0xFFFFD800  }
0xaf: {  	s24 =	simm.s32 $0x0;
	s26 =	simm.s32 $0x200;
	[bflag:$0x0] =	sbarrier.arrive $0xFFFF  }
.LBB2_4:
0xb0: {  	p0 =	sne.s32 s26, $0x9E00;
	[tilespmem:s24+$0x14070] =	vst v1  }
0xb1: {  	[tilespmem:s24+$0x14000] =	vst v1  }
0xb2: {  	[tilespmem:s24+$0x14010] =	vst v1  }
.Ltmp3:
0xb3: {  	[tilespmem:s24+$0x14020] =	vst v1;
	(pc) =	sbr.rel @p0 .LBB2_4-.Ltmp3, $4  }
0xb4: {  	[tilespmem:s24+$0x14030] =	vst v1  }
0xb5: {  	[tilespmem:s24+$0x14040] =	vst v1  }
0xb6: {  	[tilespmem:s24+$0x14050] =	vst v1  }
0xb7: {  	[tilespmem:s24+$0x14060] =	vst v1;
	s24 =	sshra.s32 s26, $0x2;
	s26 =	sadd.s32 $0x200, s26  }
0xb8: {  	[tilespmem:s24+$0x14070] =	vst v1  }
0xb9: {  	[tilespmem:s24+$0x14000] =	vst v1  }
0xba: {  	[tilespmem:s24+$0x14010] =	vst v1  }
0xbb: {  	[tilespmem:s24+$0x14020] =	vst v1  }
0xbc: {  	[tilespmem:s24+$0x14030] =	vst v1  }
0xbd: {  	[tilespmem:s24+$0x14040] =	vst v1  }
0xbe: {  	[smem:$0x7F2] =	sst s1;
	[tilespmem:s24+$0x14050] =	vst v1  }
0xbf: {  	[tilespmem:s24+$0x14060] =	vst v1;
	s29 =	simm.s32 $0x0;
	s0 =	rddreg [dreg:$0x6]  }
0xc0: {  	[tilespmem:s8], [sflag:$0x5] =	stream.linear.gather [hbm4b:s0+s29], $0x50, $0x38;
	[tilespmem:$0x1E600] =	vst v63  }
0xc1: {  	s1 =	rddreg [dreg:$0x7]  }
0xc2: {  	[tilespmem:s14], [sflag:$0x6] =	stream.linear.gather [hbm4b:s1+s29], $0x50, $0x38;
	[tilespmem:$0x1E600] =	vst v63  }
0xc3: {  	s3 =	rddreg [dreg:$0x8]  }
0xc4: {  	[tilespmem:s15], [sflag:$0x7] =	stream.linear.gather [hbm4b:s3+s29], $0x50, $0x38;
	[tilespmem:$0x1E600] =	vst v63  }
0xc5: {  	s5 =	rddreg [dreg:$0x9]  }
0xc6: {  	[tilespmem:s16], [sflag:$0x8] =	stream.linear.gather [hbm4b:s5+s29], $0x50, $0x38;
	[tilespmem:$0x1E600] =	vst v63  }
0xc7: {  	_ =	swait.ge [sflag:s17], $0x50  }
0xc8: {  	[sflag:s17] =	ssyncset.done $0x0  }
0xc9: {  	[sflag:s17] =	ssyncadd.s32 $0xFFFFFFB0  }
0xca: {  	[spmem:s2] =	stream.indirect.scatter.add.f32 [tilespmem:s31], [sflag:$0x11], $0x80, s8, s18, $0xb8;
	[tilespmem:$0x1E600] =	vst v63  }
0xcb: {  	_ =	swait.ge [sflag:s11], $0x2800  }
0xcc: {  	s9 =	sld [smem:$0x7FB];
	_ =	sdelay $0x1  }
0xcd: {  	[sflag:s11] =	ssyncset.done $0x0  }
0xce: {  	[sflag:s11] =	ssyncadd.s32 $0xFFFFD800;
	s10 =	sadd.s32 s6, s9  }
0xcf: {  	[tilespmem:s8], [sflag:$0x5] =	stream.linear.gather [hbm4b:s10+s4], $0x50, $0x38;
	[tilespmem:$0x1E600] =	vst v63  }
0xd0: {  	_ =	swait.ge [sflag:s30], $0x50  }
0xd1: {  	[sflag:s30] =	ssyncset.done $0x0  }
0xd2: {  	[sflag:s30] =	ssyncadd.s32 $0xFFFFFFB0  }
0xd3: {  	[spmem:s2] =	stream.indirect.scatter.add.f32 [tilespmem:s31], [sflag:$0x11], $0x80, s14, s18, $0xb8;
	[tilespmem:$0x1E600] =	vst v63  }
0xd4: {  	_ =	swait.ge [sflag:s11], $0x2800  }
0xd5: {  	[sflag:s11] =	ssyncset.done $0x0  }
0xd6: {  	s22 =	sadd.s32 $0x0, s21;
	[sflag:s11] =	ssyncadd.s32 $0xFFFFD800  }
0xd7: {  	[tilespmem:s14], [sflag:$0x6] =	stream.linear.gather [hbm4b:s22+s4], $0x50, $0x38;
	[tilespmem:$0x1E600] =	vst v63  }
0xd8: {  	_ =	swait.ge [sflag:s13], $0x50  }
0xd9: {  	[sflag:s13] =	ssyncset.done $0x0  }
0xda: {  	[sflag:s13] =	ssyncadd.s32 $0xFFFFFFB0  }
0xdb: {  	[spmem:s2] =	stream.indirect.scatter.add.f32 [tilespmem:s31], [sflag:$0x11], $0x80, s15, s18, $0xb8;
	[tilespmem:$0x1E600] =	vst v63  }
0xdc: {  	_ =	swait.ge [sflag:s11], $0x2800  }
0xdd: {  	[sflag:s11] =	ssyncset.done $0x0  }
0xde: {  	s26 =	sadd.s32 $0x0, s20;
	[sflag:s11] =	ssyncadd.s32 $0xFFFFD800  }
0xdf: {  	[tilespmem:s15], [sflag:$0x7] =	stream.linear.gather [hbm4b:s26+s4], $0x50, $0x38;
	[tilespmem:$0x1E600] =	vst v63  }
0xe0: {  	_ =	swait.ge [sflag:s7], $0x50  }
0xe1: {  	[sflag:s7] =	ssyncset.done $0x0  }
0xe2: {  	[sflag:s7] =	ssyncadd.s32 $0xFFFFFFB0  }
0xe3: {  	[spmem:s2] =	stream.indirect.scatter.add.f32 [tilespmem:s31], [sflag:$0x11], $0x80, s16, s18, $0xb8;
	[tilespmem:$0x1E600] =	vst v63  }
0xe4: {  	_ =	swait.ge [sflag:s11], $0x2800  }
0xe5: {  	s24 =	simm.s32 $0x28;
	[sflag:s11] =	ssyncset.done $0x0;
	s29 =	rddreg [dreg:$0x18]  }
0xe6: {  	s28 =	sadd.s32 $0x0, s19;
	[sflag:s11] =	ssyncadd.s32 $0xFFFFD800;
	s26 =	sadd.s32 $0x140, s29  }
.LBB2_6:
0xe7: {  	[tilespmem:s16], [sflag:$0x8] =	stream.linear.gather [hbm4b:s28+s4], $0x50, $0x38;
	[tilespmem:$0x1E600] =	vst v63  }
0xe8: {  	s28 =	smov.u32 s24  }
0xe9: {  	p0 =	sne.s32 s24, $0x488;
	s24 =	sadd.s32 $0x28, s24;
	_ =	swait.ge [sflag:s17], $0x50  }
0xea: {  	[sflag:s17] =	ssyncset.done $0x0  }
0xeb: {  	[sflag:s17] =	ssyncadd.s32 $0xFFFFFFB0  }
0xec: {  	[spmem:s2] =	stream.indirect.scatter.add.f32 [tilespmem:s31], [sflag:$0x11], $0x80, s8, s18, $0xb8;
	[tilespmem:$0x1E600] =	vst v63  }
0xed: {  	_ =	swait.ge [sflag:s11], $0x2800  }
0xee: {  	s0 =	sshrl.u32 s26, $0x3;
	[sflag:s11] =	ssyncset.done $0x0  }
0xef: {  	s0 =	sadd.s32 s6, s0;
	[sflag:s11] =	ssyncadd.s32 $0xFFFFD800  }
0xf0: {  	[tilespmem:s8], [sflag:$0x5] =	stream.linear.gather [hbm4b:s0+s4], $0x50, $0x38;
	[tilespmem:$0x1E600] =	vst v63  }
0xf1: {  	_ =	swait.ge [sflag:s30], $0x50  }
0xf2: {  	[sflag:s30] =	ssyncset.done $0x0  }
0xf3: {  	[sflag:s30] =	ssyncadd.s32 $0xFFFFFFB0  }
0xf4: {  	[spmem:s2] =	stream.indirect.scatter.add.f32 [tilespmem:s31], [sflag:$0x11], $0x80, s14, s18, $0xb8;
	[tilespmem:$0x1E600] =	vst v63  }
0xf5: {  	_ =	swait.ge [sflag:s11], $0x2800  }
0xf6: {  	[sflag:s11] =	ssyncset.done $0x0  }
0xf7: {  	s0 =	sadd.s32 s28, s21;
	[sflag:s11] =	ssyncadd.s32 $0xFFFFD800  }
0xf8: {  	[tilespmem:s14], [sflag:$0x6] =	stream.linear.gather [hbm4b:s0+s4], $0x50, $0x38;
	[tilespmem:$0x1E600] =	vst v63  }
0xf9: {  	_ =	swait.ge [sflag:s13], $0x50  }
0xfa: {  	[sflag:s13] =	ssyncset.done $0x0  }
0xfb: {  	[sflag:s13] =	ssyncadd.s32 $0xFFFFFFB0  }
0xfc: {  	[spmem:s2] =	stream.indirect.scatter.add.f32 [tilespmem:s31], [sflag:$0x11], $0x80, s15, s18, $0xb8;
	[tilespmem:$0x1E600] =	vst v63  }
0xfd: {  	_ =	swait.ge [sflag:s11], $0x2800  }
0xfe: {  	[sflag:s11] =	ssyncset.done $0x0  }
0xff: {  	s0 =	sadd.s32 s28, s20;
	[sflag:s11] =	ssyncadd.s32 $0xFFFFD800  }
0x100: {  	[tilespmem:s15], [sflag:$0x7] =	stream.linear.gather [hbm4b:s0+s4], $0x50, $0x38;
	[tilespmem:$0x1E600] =	vst v63  }
0x101: {  	_ =	swait.ge [sflag:s7], $0x50  }
0x102: {  	[sflag:s7] =	ssyncset.done $0x0  }
.Ltmp4:
0x103: {  	[sflag:s7] =	ssyncadd.s32 $0xFFFFFFB0;
	(pc) =	sbr.rel @p0 .LBB2_6-.Ltmp4, $4  }
0x104: {  	[spmem:s2] =	stream.indirect.scatter.add.f32 [tilespmem:s31], [sflag:$0x11], $0x80, s16, s18, $0xb8;
	[tilespmem:$0x1E600] =	vst v63  }
0x105: {  	_ =	swait.ge [sflag:s11], $0x2800  }
0x106: {  	[sflag:s11] =	ssyncset.done $0x0  }
0x107: {  	s26 =	sadd.s32 $0x140, s26;
	s28 =	sadd.s32 s28, s19;
	[sflag:s11] =	ssyncadd.s32 $0xFFFFD800  }
0x108: {  	[tilespmem:s16], [sflag:$0x8] =	stream.linear.gather [hbm4b:s28+s4], $0x50, $0x38;
	[tilespmem:$0x1E600] =	vst v63  }
0x109: {  	_ =	swait.ge [sflag:s17], $0x50  }
0x10a: {  	[sflag:s17] =	ssyncset.done $0x0  }
0x10b: {  	[sflag:s17] =	ssyncadd.s32 $0xFFFFFFB0  }
0x10c: {  	[spmem:s2] =	stream.indirect.scatter.add.f32 [tilespmem:s31], [sflag:$0x11], $0x80, s8, s18, $0xb8;
	[tilespmem:$0x1E600] =	vst v63  }
0x10d: {  	_ =	swait.ge [sflag:s11], $0x2800  }
0x10e: {  	[sflag:s11] =	ssyncset.done $0x0  }
0x10f: {  	s24 =	simm.s32 $0x0;
	[sflag:s11] =	ssyncadd.s32 $0xFFFFD800  }
0x110: {  	[tilespmem:s8], [sflag:$0x5] =	stream.linear.gather [hbm4b:s12+s24], $0x50, $0x38;
	[tilespmem:$0x1E600] =	vst v63  }
0x111: {  	_ =	swait.ge [sflag:s30], $0x50  }
0x112: {  	[sflag:s30] =	ssyncset.done $0x0  }
0x113: {  	[sflag:s30] =	ssyncadd.s32 $0xFFFFFFB0  }
0x114: {  	[spmem:s2] =	stream.indirect.scatter.add.f32 [tilespmem:s31], [sflag:$0x11], $0x80, s14, s18, $0xb8;
	[tilespmem:$0x1E600] =	vst v63  }
0x115: {  	_ =	swait.ge [sflag:s11], $0x2800  }
0x116: {  	[sflag:s11] =	ssyncset.done $0x0  }
0x117: {  	[sflag:s11] =	ssyncadd.s32 $0xFFFFD800  }
0x118: {  	_ =	swait.ge [sflag:s13], $0x50  }
0x119: {  	[sflag:s13] =	ssyncset.done $0x0  }
0x11a: {  	[sflag:s13] =	ssyncadd.s32 $0xFFFFFFB0  }
0x11b: {  	[spmem:s2] =	stream.indirect.scatter.add.f32 [tilespmem:s31], [sflag:$0x11], $0x80, s15, s18, $0xb8;
	[tilespmem:$0x1E600] =	vst v63  }
0x11c: {  	_ =	swait.ge [sflag:s11], $0x2800  }
0x11d: {  	[sflag:s11] =	ssyncset.done $0x0  }
0x11e: {  	[sflag:s11] =	ssyncadd.s32 $0xFFFFD800  }
0x11f: {  	_ =	swait.ge [sflag:s7], $0x50  }
0x120: {  	[sflag:s7] =	ssyncset.done $0x0  }
0x121: {  	[sflag:s7] =	ssyncadd.s32 $0xFFFFFFB0  }
0x122: {  	[spmem:s2] =	stream.indirect.scatter.add.f32 [tilespmem:s31], [sflag:$0x11], $0x80, s16, s18, $0xb8;
	[tilespmem:$0x1E600] =	vst v63  }
0x123: {  	_ =	swait.ge [sflag:s11], $0x2800  }
0x124: {  	[sflag:s11] =	ssyncset.done $0x0  }
0x125: {  	[sflag:s11] =	ssyncadd.s32 $0xFFFFD800  }
0x126: {  	_ =	swait.ge [sflag:s17], $0x50  }
0x127: {  	[sflag:s17] =	ssyncset.done $0x0  }
0x128: {  	[sflag:s17] =	ssyncadd.s32 $0xFFFFFFB0  }
0x129: {  	[spmem:s2] =	stream.indirect.scatter.add.f32 [tilespmem:s31], [sflag:$0x11], $0x80, s8, s18, $0xb8;
	[tilespmem:$0x1E600] =	vst v63  }
0x12a: {  	_ =	swait.ge [sflag:s11], $0x2800  }
0x12b: {  	[sflag:s11] =	ssyncset.done $0x0  }
0x12c: {  	[sflag:s11] =	ssyncadd.s32 $0xFFFFD800  }
0x12d: {  	s0 =	stileid.u32;
	[bflag:$0x0] =	sbarrier.arrive $0xFFFF  }
0x12e: {  	s0 =	sshll.u32 s0, $0x6;
	s26 =	rddreg [dreg:$0x5]  }
0x12f: {  	s1 =	sor.u32 $0x1C11, s0;
	s28 =	rddreg [dreg:$0xa]  }
0x130: {  	[smem:$0x7F0] =	sst s1;
	s3 =	sshrl.u32 s26, $0x3  }
0x131: {  	[smem:$0x7F1] =	sst s3  }
0x132: {  	[hbm:s28], [sflag:s1] =	dma.local [spmem:s3], $0x2800  }
0x133: {  	_ =	swait.ge [sflag:s11], $0x2800  }
0x134: {  	[sflag:s11] =	ssyncset.done $0x0  }
0x135: {  	s9 =	simm.s32 $0x16800;
	[sflag:s11] =	ssyncadd.s32 $0xFFFFD800  }
0x136: {  	[spmem:s26] =	stream.linear.scatter [tilespmem:s9], [sflag:$0x11], $0x2800, $0x38;
	[tilespmem:$0x1E600] =	vst v63  }
0x137: {  	_ =	swait.ge [sflag:s11], $0x2800  }
0x138: {  	[sflag:s11] =	ssyncset.done $0x0  }
0x139: {  	s3 =	rddreg [dreg:$0x1d];
	[sflag:s11] =	ssyncadd.s32 $0xFFFFD800  }
0x13a: {  	[spmem:s3] =	stream.linear.scatter [tilespmem:s9], [sflag:$0x11], $0x2800, $0x38;
	[tilespmem:$0x1E600] =	vst v63  }
0x13b: {  	_ =	swait.ge [sflag:s11], $0x2800  }
0x13c: {  	[sflag:s11] =	ssyncset.done $0x0  }
0x13d: {  	s5 =	rddreg [dreg:$0x1e];
	[sflag:s11] =	ssyncadd.s32 $0xFFFFD800  }
0x13e: {  	[spmem:s5] =	stream.linear.scatter [tilespmem:s9], [sflag:$0x11], $0x2800, $0x38;
	[tilespmem:$0x1E600] =	vst v63  }
0x13f: {  	_ =	swait.ge [sflag:s11], $0x2800  }
0x140: {  	[sflag:s11] =	ssyncset.done $0x0  }
0x141: {  	s10 =	rddreg [dreg:$0x1f];
	[sflag:s11] =	ssyncadd.s32 $0xFFFFD800  }
0x142: {  	[spmem:s10] =	stream.linear.scatter [tilespmem:s9], [sflag:$0x11], $0x2800, $0x38;
	[tilespmem:$0x1E600] =	vst v63  }
0x143: {  	_ =	swait.ge [sflag:s11], $0x2800  }
0x144: {  	s12 =	sld [smem:$0x7F3]  }
0x145: {  	[sflag:s11] =	ssyncset.done $0x0  }
0x146: {  	[sflag:s11] =	ssyncadd.s32 $0xFFFFD800  }
0x147: {  	[spmem:s12] =	stream.linear.scatter [tilespmem:s9], [sflag:$0x11], $0x2800, $0x38;
	[tilespmem:$0x1E600] =	vst v63  }
0x148: {  	_ =	swait.ge [sflag:s11], $0x2800  }
0x149: {  	s22 =	sld [smem:$0x7F4]  }
0x14a: {  	[sflag:s11] =	ssyncset.done $0x0  }
0x14b: {  	[sflag:s11] =	ssyncadd.s32 $0xFFFFD800  }
0x14c: {  	[spmem:s22] =	stream.linear.scatter [tilespmem:s9], [sflag:$0x11], $0x2800, $0x38;
	[tilespmem:$0x1E600] =	vst v63  }
0x14d: {  	_ =	swait.ge [sflag:s11], $0x2800  }
0x14e: {  	s26 =	sld [smem:$0x7F5]  }
0x14f: {  	[sflag:s11] =	ssyncset.done $0x0  }
0x150: {  	[sflag:s11] =	ssyncadd.s32 $0xFFFFD800  }
0x151: {  	[spmem:s26] =	stream.linear.scatter [tilespmem:s9], [sflag:$0x11], $0x2800, $0x38;
	[tilespmem:$0x1E600] =	vst v63  }
0x152: {  	_ =	swait.ge [sflag:s11], $0x2800  }
0x153: {  	s28 =	sld [smem:$0x7F6]  }
0x154: {  	[sflag:s11] =	ssyncset.done $0x0  }
0x155: {  	[sflag:s11] =	ssyncadd.s32 $0xFFFFD800  }
0x156: {  	[spmem:s28] =	stream.linear.scatter [tilespmem:s9], [sflag:$0x11], $0x2800, $0x38;
	[tilespmem:$0x1E600] =	vst v63  }
0x157: {  	_ =	swait.ge [sflag:s11], $0x2800  }
0x158: {  	[sflag:s11] =	ssyncset.done $0x0  }
0x159: {  	[sflag:s11] =	ssyncadd.s32 $0xFFFFD800  }
0x15a: {  	[bflag:$0x0] =	sbarrier.arrive $0xFFFF  }
0x15b: {  	s1 =	rddreg [dreg:$0xb]  }
0x15c: {  	s12 =	simm.s32 $0x1E200;
	s3 =	rddreg [dreg:$0xc]  }
0x15d: {  	[tilespmem:s12], [sflag:$0x9] =	stream.linear.gather [hbm4b:s1+s24], $0x50, $0x38;
	[tilespmem:$0x1E600] =	vst v63  }
0x15e: {  	s22 =	simm.s32 $0x1E280;
	s5 =	rddreg [dreg:$0xd]  }
0x15f: {  	[tilespmem:s22], [sflag:$0xA] =	stream.linear.gather [hbm4b:s3+s24], $0x50, $0x38;
	[tilespmem:$0x1E600] =	vst v63  }
0x160: {  	s10 =	rddreg [dreg:$0xe];
	s3 =	simm.s32 $0x1E300  }
0x161: {  	[tilespmem:s3], [sflag:$0xB] =	stream.linear.gather [hbm4b:s5+s24], $0x50, $0x38;
	[tilespmem:$0x1E600] =	vst v63  }
0x162: {  	s26 =	sld [smem:$0x7F7];
	s5 =	simm.s32 $0x1E380  }
0x163: {  	[tilespmem:s5], [sflag:$0xC] =	stream.linear.gather [hbm4b:s10+s24], $0x50, $0x38;
	[tilespmem:$0x1E600] =	vst v63  }
0x164: {  	s28 =	simm.s32 $0x1E400;
	s1 =	sld [smem:$0x7F8]  }
0x165: {  	[tilespmem:s28], [sflag:$0xD] =	stream.linear.gather [hbm4b:s26+s24], $0x50, $0x38;
	[tilespmem:$0x1E600] =	vst v63  }
0x166: {  	s10 =	simm.s32 $0x1E480  }
0x167: {  	[tilespmem:s10], [sflag:$0xE] =	stream.linear.gather [hbm4b:s1+s24], $0x50, $0x38;
	[tilespmem:$0x1E600] =	vst v63  }
0x168: {  	s10 =	sld [smem:$0x7F9];
	_ =	sdelay $0x1  }
0x169: {  	s26 =	simm.s32 $0x1E500;
	s28 =	sld [smem:$0x7FA]  }
0x16a: {  	[tilespmem:s26], [sflag:$0xF] =	stream.linear.gather [hbm4b:s10+s24], $0x50, $0x38;
	[tilespmem:$0x1E600] =	vst v63  }
0x16b: {  	s1 =	simm.s32 $0x9;
	s10 =	simm.s32 $0x1E580  }
0x16c: {  	[tilespmem:s10], [sflag:$0x10] =	stream.linear.gather [hbm4b:s28+s24], $0x50, $0x38;
	[tilespmem:$0x1E600] =	vst v63  }
0x16d: {  	_ =	swait.ge [sflag:s1], $0x50  }
0x16e: {  	[sflag:s1] =	ssyncset.done $0x0  }
0x16f: {  	[sflag:s1] =	ssyncadd.s32 $0xFFFFFFB0  }
0x170: {  	s1 =	rddreg [dreg:$0x0]  }
0x171: {  	[tilespmem:s31], [sflag:$0x1] =	stream.indirect.gather [hbm4b:s1+s18], $0x80, s12, s18, $0xb8;
	[tilespmem:$0x1E600] =	vst v63  }
0x172: {  	s28 =	simm.s32 $0xA;
	s26 =	rddreg [dreg:$0x6]  }
0x173: {  	[tilespmem:s8], [sflag:$0x5] =	stream.linear.gather [hbm4b:s26+s24], $0x50, $0x38;
	[tilespmem:$0x1E600] =	vst v63  }
0x174: {  	_ =	swait.ge [sflag:s28], $0x50  }
0x175: {  	[sflag:s28] =	ssyncset.done $0x0  }
0x176: {  	[sflag:s28] =	ssyncadd.s32 $0xFFFFFFB0  }
0x177: {  	[tilespmem:s9], [sflag:$0x2] =	stream.indirect.gather [hbm4b:s1+s18], $0x80, s22, s18, $0xb8;
	[tilespmem:$0x1E600] =	vst v63  }
0x178: {  	s12 =	rddreg [dreg:$0x7];
	s22 =	simm.s32 $0xB  }
0x179: {  	[tilespmem:s14], [sflag:$0x6] =	stream.linear.gather [hbm4b:s12+s24], $0x50, $0x38;
	[tilespmem:$0x1E600] =	vst v63  }
0x17a: {  	_ =	swait.ge [sflag:s22], $0x50  }
0x17b: {  	[sflag:s22] =	ssyncset.done $0x0  }
0x17c: {  	[sflag:s22] =	ssyncadd.s32 $0xFFFFFFB0  }
0x17d: {  	[tilespmem:s23], [sflag:$0x3] =	stream.indirect.gather [hbm4b:s1+s18], $0x80, s3, s18, $0xb8;
	[tilespmem:$0x1E600] =	vst v63  }
0x17e: {  	s26 =	simm.s32 $0xC;
	s23 =	rddreg [dreg:$0x8]  }
0x17f: {  	[tilespmem:s15], [sflag:$0x7] =	stream.linear.gather [hbm4b:s23+s24], $0x50, $0x38;
	[tilespmem:$0x1E600] =	vst v63  }
0x180: {  	_ =	swait.ge [sflag:s26], $0x50  }
0x181: {  	[sflag:s26] =	ssyncset.done $0x0  }
0x182: {  	s28 =	rddreg [dreg:$0x9];
	[sflag:s26] =	ssyncadd.s32 $0xFFFFFFB0  }
0x183: {  	[tilespmem:s25], [sflag:$0x4] =	stream.indirect.gather [hbm4b:s1+s18], $0x80, s5, s18, $0xb8;
	[tilespmem:$0x1E600] =	vst v63  }
0x184: {  	s29 =	rddreg [dreg:$0x19]  }
0x185: {  	[tilespmem:s16], [sflag:$0x8] =	stream.linear.gather [hbm4b:s28+s24], $0x50, $0x38;
	[tilespmem:$0x1E600] =	vst v63  }
.LBB2_8:
0x186: {  	s22 =	simm.s32 $0x1  }
0x187: {  	_ =	swait.ge [sflag:s22], $0x2800  }
0x188: {  	[sflag:s22] =	ssyncset.done $0x0  }
0x189: {  	[sflag:s22] =	ssyncadd.s32 $0xFFFFD800  }
0x18a: {  	_ =	swait.ge [sflag:s17], $0x50  }
0x18b: {  	[sflag:s17] =	ssyncset.done $0x0  }
0x18c: {  	[sflag:s17] =	ssyncadd.s32 $0xFFFFFFB0  }
0x18d: {  	[spmem:s2] =	stream.indirect.scatter.add.f32 [tilespmem:s31], [sflag:$0x11], $0x80, s8, s18, $0xb8;
	[tilespmem:$0x1E600] =	vst v63  }
0x18e: {  	_ =	swait.ge [sflag:s11], $0x2800  }
0x18f: {  	[sflag:s11] =	ssyncset.done $0x0  }
0x190: {  	s0 =	simm.s32 $0xD;
	[sflag:s11] =	ssyncadd.s32 $0xFFFFD800  }
0x191: {  	_ =	swait.ge [sflag:s0], $0x50  }
0x192: {  	[sflag:s0] =	ssyncset.done $0x0  }
0x193: {  	s1 =	sld [smem:$0x7FC];
	[sflag:s0] =	ssyncadd.s32 $0xFFFFFFB0  }
0x194: {  	s28 =	simm.s32 $0x1E400;
	s26 =	rddreg [dreg:$0x0]  }
0x195: {  	[tilespmem:s31], [sflag:$0x1] =	stream.indirect.gather [hbm4b:s26+s18], $0x80, s28, s18, $0xb8;
	[tilespmem:$0x1E600] =	vst v63  }
0x196: {  	s3 =	rddreg [dreg:$0x4];
	s0 =	sadd.s32 s24, s1;
	s28 =	sshrl.u32 s29, $0x3  }
0x197: {  	[tilespmem:s8], [sflag:$0x5] =	stream.linear.gather [hbm4b:s0+s4], $0x50, $0x38;
	[tilespmem:$0x1E600] =	vst v63  }
0x198: {  	s12 =	simm.s32 $0x1E200;
	s9 =	simm.s32 $0x2;
	s0 =	sadd.s32 s3, s28  }
0x199: {  	[tilespmem:s12], [sflag:$0x9] =	stream.linear.gather [hbm4b:s0+s4], $0x50, $0x38;
	[tilespmem:$0x1E600] =	vst v63  }
0x19a: {  	_ =	swait.ge [sflag:s9], $0x2800  }
0x19b: {  	[sflag:s9] =	ssyncset.done $0x0  }
0x19c: {  	[sflag:s9] =	ssyncadd.s32 $0xFFFFD800  }
0x19d: {  	_ =	swait.ge [sflag:s30], $0x50  }
0x19e: {  	[sflag:s30] =	ssyncset.done $0x0  }
0x19f: {  	s23 =	simm.s32 $0x16800;
	[sflag:s30] =	ssyncadd.s32 $0xFFFFFFB0  }
0x1a0: {  	[spmem:s2] =	stream.indirect.scatter.add.f32 [tilespmem:s23], [sflag:$0x11], $0x80, s14, s18, $0xb8;
	[tilespmem:$0x1E600] =	vst v63  }
0x1a1: {  	_ =	swait.ge [sflag:s11], $0x2800  }
0x1a2: {  	[sflag:s11] =	ssyncset.done $0x0  }
0x1a3: {  	s5 =	simm.s32 $0xE;
	[sflag:s11] =	ssyncadd.s32 $0xFFFFD800  }
0x1a4: {  	_ =	swait.ge [sflag:s5], $0x50  }
0x1a5: {  	[sflag:s5] =	ssyncset.done $0x0  }
0x1a6: {  	s25 =	simm.s32 $0x1E480;
	[sflag:s5] =	ssyncadd.s32 $0xFFFFFFB0  }
0x1a7: {  	[tilespmem:s23], [sflag:$0x2] =	stream.indirect.gather [hbm4b:s26+s18], $0x80, s25, s18, $0xb8;
	[tilespmem:$0x1E600] =	vst v63  }
0x1a8: {  	s1 =	sadd.s32 s24, s21;
	s3 =	rddreg [dreg:$0x16]  }
0x1a9: {  	[tilespmem:s14], [sflag:$0x6] =	stream.linear.gather [hbm4b:s1+s4], $0x50, $0x38;
	[tilespmem:$0x1E600] =	vst v63  }
0x1aa: {  	s0 =	sadd.s32 s24, s3;
	s3 =	simm.s32 $0x3;
	s1 =	simm.s32 $0x1E280  }
0x1ab: {  	[tilespmem:s1], [sflag:$0xA] =	stream.linear.gather [hbm4b:s0+s4], $0x50, $0x38;
	[tilespmem:$0x1E600] =	vst v63  }
0x1ac: {  	_ =	swait.ge [sflag:s3], $0x2800  }
0x1ad: {  	[sflag:s3] =	ssyncset.done $0x0  }
0x1ae: {  	[sflag:s3] =	ssyncadd.s32 $0xFFFFD800  }
0x1af: {  	_ =	swait.ge [sflag:s13], $0x50  }
0x1b0: {  	[sflag:s13] =	ssyncset.done $0x0  }
0x1b1: {  	s25 =	simm.s32 $0x19000;
	[sflag:s13] =	ssyncadd.s32 $0xFFFFFFB0  }
0x1b2: {  	[spmem:s2] =	stream.indirect.scatter.add.f32 [tilespmem:s25], [sflag:$0x11], $0x80, s15, s18, $0xb8;
	[tilespmem:$0x1E600] =	vst v63  }
0x1b3: {  	_ =	swait.ge [sflag:s11], $0x2800  }
0x1b4: {  	[sflag:s11] =	ssyncset.done $0x0  }
0x1b5: {  	s5 =	simm.s32 $0xF;
	[sflag:s11] =	ssyncadd.s32 $0xFFFFD800  }
0x1b6: {  	_ =	swait.ge [sflag:s5], $0x50  }
0x1b7: {  	[sflag:s5] =	ssyncset.done $0x0  }
0x1b8: {  	s1 =	simm.s32 $0x1E500;
	[sflag:s5] =	ssyncadd.s32 $0xFFFFFFB0  }
0x1b9: {  	[tilespmem:s25], [sflag:$0x3] =	stream.indirect.gather [hbm4b:s26+s18], $0x80, s1, s18, $0xb8;
	[tilespmem:$0x1E600] =	vst v63  }
0x1ba: {  	s5 =	sadd.s32 s24, s20;
	s1 =	rddreg [dreg:$0x14]  }
0x1bb: {  	[tilespmem:s15], [sflag:$0x7] =	stream.linear.gather [hbm4b:s5+s4], $0x50, $0x38;
	[tilespmem:$0x1E600] =	vst v63  }
0x1bc: {  	s0 =	sadd.s32 s24, s1;
	s5 =	simm.s32 $0x1E300  }
0x1bd: {  	[tilespmem:s5], [sflag:$0xB] =	stream.linear.gather [hbm4b:s0+s4], $0x50, $0x38;
	[tilespmem:$0x1E600] =	vst v63  }
0x1be: {  	s5 =	simm.s32 $0x4  }
0x1bf: {  	_ =	swait.ge [sflag:s5], $0x2800  }
0x1c0: {  	[sflag:s5] =	ssyncset.done $0x0  }
0x1c1: {  	[sflag:s5] =	ssyncadd.s32 $0xFFFFD800  }
0x1c2: {  	_ =	swait.ge [sflag:s7], $0x50  }
0x1c3: {  	[sflag:s7] =	ssyncset.done $0x0  }
0x1c4: {  	s1 =	simm.s32 $0x1B800;
	[sflag:s7] =	ssyncadd.s32 $0xFFFFFFB0  }
0x1c5: {  	[spmem:s2] =	stream.indirect.scatter.add.f32 [tilespmem:s1], [sflag:$0x11], $0x80, s16, s18, $0xb8;
	[tilespmem:$0x1E600] =	vst v63  }
0x1c6: {  	_ =	swait.ge [sflag:s11], $0x2800  }
0x1c7: {  	[sflag:s11] =	ssyncset.done $0x0  }
0x1c8: {  	s0 =	simm.s32 $0x10;
	[sflag:s11] =	ssyncadd.s32 $0xFFFFD800  }
0x1c9: {  	_ =	swait.ge [sflag:s0], $0x50  }
0x1ca: {  	[sflag:s0] =	ssyncset.done $0x0  }
0x1cb: {  	[sflag:s0] =	ssyncadd.s32 $0xFFFFFFB0  }
0x1cc: {  	[tilespmem:s1], [sflag:$0x4] =	stream.indirect.gather [hbm4b:s26+s18], $0x80, s10, s18, $0xb8;
	[tilespmem:$0x1E600] =	vst v63  }
0x1cd: {  	s10 =	sadd.s32 s24, s19  }
0x1ce: {  	[tilespmem:s16], [sflag:$0x8] =	stream.linear.gather [hbm4b:s10+s4], $0x50, $0x38;
	[tilespmem:$0x1E600] =	vst v63  }
0x1cf: {  	s10 =	rddreg [dreg:$0x12]  }
0x1d0: {  	s0 =	sadd.s32 s24, s10;
	s10 =	simm.s32 $0x1E380  }
0x1d1: {  	[tilespmem:s10], [sflag:$0xC] =	stream.linear.gather [hbm4b:s0+s4], $0x50, $0x38;
	[tilespmem:$0x1E600] =	vst v63  }
0x1d2: {  	_ =	swait.ge [sflag:s22], $0x2800  }
0x1d3: {  	[sflag:s22] =	ssyncset.done $0x0  }
0x1d4: {  	[sflag:s22] =	ssyncadd.s32 $0xFFFFD800  }
0x1d5: {  	_ =	swait.ge [sflag:s17], $0x50  }
0x1d6: {  	[sflag:s17] =	ssyncset.done $0x0  }
0x1d7: {  	[sflag:s17] =	ssyncadd.s32 $0xFFFFFFB0  }
0x1d8: {  	[spmem:s2] =	stream.indirect.scatter.add.f32 [tilespmem:s31], [sflag:$0x11], $0x80, s8, s18, $0xb8;
	[tilespmem:$0x1E600] =	vst v63  }
0x1d9: {  	_ =	swait.ge [sflag:s11], $0x2800  }
0x1da: {  	[sflag:s11] =	ssyncset.done $0x0  }
0x1db: {  	s22 =	simm.s32 $0x9;
	[sflag:s11] =	ssyncadd.s32 $0xFFFFD800  }
0x1dc: {  	_ =	swait.ge [sflag:s22], $0x50  }
0x1dd: {  	[sflag:s22] =	ssyncset.done $0x0  }
0x1de: {  	[sflag:s22] =	ssyncadd.s32 $0xFFFFFFB0  }
0x1df: {  	[tilespmem:s31], [sflag:$0x1] =	stream.indirect.gather [hbm4b:s26+s18], $0x80, s12, s18, $0xb8;
	[tilespmem:$0x1E600] =	vst v63  }
0x1e0: {  	s22 =	rddreg [dreg:$0x1c];
	s12 =	sadd.s32 s6, s28  }
0x1e1: {  	[tilespmem:s8], [sflag:$0x5] =	stream.linear.gather [hbm4b:s12+s4], $0x50, $0x38;
	[tilespmem:$0x1E600] =	vst v63  }
0x1e2: {  	s0 =	sadd.s32 s24, s22;
	s28 =	simm.s32 $0x1E400  }
0x1e3: {  	[tilespmem:s28], [sflag:$0xD] =	stream.linear.gather [hbm4b:s0+s4], $0x50, $0x38;
	[tilespmem:$0x1E600] =	vst v63  }
0x1e4: {  	_ =	swait.ge [sflag:s9], $0x2800  }
0x1e5: {  	[sflag:s9] =	ssyncset.done $0x0  }
0x1e6: {  	[sflag:s9] =	ssyncadd.s32 $0xFFFFD800  }
0x1e7: {  	_ =	swait.ge [sflag:s30], $0x50  }
0x1e8: {  	[sflag:s30] =	ssyncset.done $0x0  }
0x1e9: {  	[sflag:s30] =	ssyncadd.s32 $0xFFFFFFB0  }
0x1ea: {  	[spmem:s2] =	stream.indirect.scatter.add.f32 [tilespmem:s23], [sflag:$0x11], $0x80, s14, s18, $0xb8;
	[tilespmem:$0x1E600] =	vst v63  }
0x1eb: {  	_ =	swait.ge [sflag:s11], $0x2800  }
0x1ec: {  	[sflag:s11] =	ssyncset.done $0x0  }
0x1ed: {  	s12 =	simm.s32 $0xA;
	[sflag:s11] =	ssyncadd.s32 $0xFFFFD800  }
0x1ee: {  	_ =	swait.ge [sflag:s12], $0x50  }
0x1ef: {  	[sflag:s12] =	ssyncset.done $0x0  }
0x1f0: {  	s28 =	simm.s32 $0x1E280;
	[sflag:s12] =	ssyncadd.s32 $0xFFFFFFB0;
	s12 =	rddreg [dreg:$0x15]  }
0x1f1: {  	[tilespmem:s23], [sflag:$0x2] =	stream.indirect.gather [hbm4b:s26+s18], $0x80, s28, s18, $0xb8;
	[tilespmem:$0x1E600] =	vst v63  }
0x1f2: {  	s0 =	sadd.s32 s24, s12  }
0x1f3: {  	[tilespmem:s14], [sflag:$0x6] =	stream.linear.gather [hbm4b:s0+s4], $0x50, $0x38;
	[tilespmem:$0x1E600] =	vst v63  }
0x1f4: {  	p0 =	seq.s32 s24, $0x460;
	s0 =	rddreg [dreg:$0x1b]  }
0x1f5: {  	s28 =	simm.s32 @!p0 $0x0;
	s12 =	simm.s32 @!p0 $0x1E480;
	s0 =	sadd.s32 @!p0 s24, s0  }
0x1f6: {  	[tilespmem:s12], [sflag:$0xE] =	stream.linear.gather @!p0 [hbm4b:s0+s28], $0x50, $0x38;
	[tilespmem:$0x1E600] =	vst v63  }
0x1f7: {  	_ =	swait.ge [sflag:s3], $0x2800  }
0x1f8: {  	[sflag:s3] =	ssyncset.done $0x0  }
0x1f9: {  	[sflag:s3] =	ssyncadd.s32 $0xFFFFD800  }
0x1fa: {  	_ =	swait.ge [sflag:s13], $0x50  }
0x1fb: {  	[sflag:s13] =	ssyncset.done $0x0  }
0x1fc: {  	[sflag:s13] =	ssyncadd.s32 $0xFFFFFFB0  }
0x1fd: {  	[spmem:s2] =	stream.indirect.scatter.add.f32 [tilespmem:s25], [sflag:$0x11], $0x80, s15, s18, $0xb8;
	[tilespmem:$0x1E600] =	vst v63  }
0x1fe: {  	_ =	swait.ge [sflag:s11], $0x2800  }
0x1ff: {  	[sflag:s11] =	ssyncset.done $0x0  }
0x200: {  	s23 =	simm.s32 $0xB;
	[sflag:s11] =	ssyncadd.s32 $0xFFFFD800  }
0x201: {  	_ =	swait.ge [sflag:s23], $0x50  }
0x202: {  	[sflag:s23] =	ssyncset.done $0x0  }
0x203: {  	s3 =	simm.s32 $0x1E300;
	s12 =	rddreg [dreg:$0x13];
	[sflag:s23] =	ssyncadd.s32 $0xFFFFFFB0  }
0x204: {  	[tilespmem:s25], [sflag:$0x3] =	stream.indirect.gather [hbm4b:s26+s18], $0x80, s3, s18, $0xb8;
	[tilespmem:$0x1E600] =	vst v63  }
0x205: {  	s0 =	sadd.s32 s24, s12  }
0x206: {  	[tilespmem:s15], [sflag:$0x7] =	stream.linear.gather [hbm4b:s0+s4], $0x50, $0x38;
	[tilespmem:$0x1E600] =	vst v63  }
0x207: {  	s0 =	rddreg [dreg:$0x1a]  }
0x208: {  	s12 =	simm.s32 @!p0 $0x1E500;
	s0 =	sadd.s32 @!p0 s24, s0  }
0x209: {  	[tilespmem:s12], [sflag:$0xF] =	stream.linear.gather @!p0 [hbm4b:s0+s28], $0x50, $0x38;
	[tilespmem:$0x1E600] =	vst v63  }
0x20a: {  	_ =	swait.ge [sflag:s5], $0x2800  }
0x20b: {  	[sflag:s5] =	ssyncset.done $0x0  }
0x20c: {  	[sflag:s5] =	ssyncadd.s32 $0xFFFFD800  }
0x20d: {  	_ =	swait.ge [sflag:s7], $0x50  }
0x20e: {  	[sflag:s7] =	ssyncset.done $0x0  }
0x20f: {  	[sflag:s7] =	ssyncadd.s32 $0xFFFFFFB0  }
0x210: {  	[spmem:s2] =	stream.indirect.scatter.add.f32 [tilespmem:s1], [sflag:$0x11], $0x80, s16, s18, $0xb8;
	[tilespmem:$0x1E600] =	vst v63  }
0x211: {  	_ =	swait.ge [sflag:s11], $0x2800  }
0x212: {  	[sflag:s11] =	ssyncset.done $0x0  }
0x213: {  	s25 =	simm.s32 $0xC;
	[sflag:s11] =	ssyncadd.s32 $0xFFFFD800  }
0x214: {  	_ =	swait.ge [sflag:s25], $0x50  }
.Ltmp5:
0x215: {  	s22 =	simm.s32 $0x1E580;
	[sflag:s25] =	ssyncset.done $0x0;
	(pc) =	sbr.rel @p0 .LBB2_10-.Ltmp5, $4  }
0x216: {  	s9 =	simm.s32 $0x16800;
	s28 =	rddreg [dreg:$0x11];
	[sflag:s25] =	ssyncadd.s32 $0xFFFFFFB0  }
0x217: {  	[tilespmem:s1], [sflag:$0x4] =	stream.indirect.gather [hbm4b:s26+s18], $0x80, s10, s18, $0xb8;
	[tilespmem:$0x1E600] =	vst v63  }
0x218: {  	s23 =	simm.s32 $0x19000;
	s25 =	simm.s32 $0x1B800;
	s0 =	sadd.s32 s24, s28  }
0x219: {  	[tilespmem:s16], [sflag:$0x8] =	stream.linear.gather [hbm4b:s0+s4], $0x50, $0x38;
	[tilespmem:$0x1E600] =	vst v63  }
.Ltmp6:
0x21a: {  	(pc) =	sbr.rel .LBB2_8-.Ltmp6, $4  }
0x21b: {  	_ = 	snop  }
0x21c: {  	s0 =	rddreg [dreg:$0x17];
	s29 =	sadd.s32 $0x280, s29  }
0x21d: {  	s10 =	simm.s32 $0x1E580;
	s0 =	sadd.s32 s24, s0;
	s24 =	sadd.s32 $0x50, s24  }
0x21e: {  	[tilespmem:s22], [sflag:$0x10] =	stream.linear.gather [hbm4b:s0+s4], $0x50, $0x38;
	[tilespmem:$0x1E600] =	vst v63  }
.LBB2_11:
0x21f: {  	_ =	sfence.sel $0x180000  }
0x220: {  	[bflag:$0x0] =	sbarrier.arrive $0xFFFF  }
0x221: {  	_ =	strace $0x90000047  }
0x222: {  	s0 =	stileid.u32;
	[bflag:$0x2] =	sbarrier.arrive $0xFFFF  }
0x223: {  	p0 =	sne.s32 s0, $0x0;
	s0 =	rddreg [dreg:$0x3]  }
0x224: {  	s0 =	sadd.s32 @!p0 $0x100000, s0  }
0x225: {  	[sflag:s0] =	ssyncadd.tile.s32 @!p0 $0x1;
	_ =	shalt  }
.Lfunc_end2:
_tile_overlayer_lowered:
.L_overlay_start_2:
0x226: {  	(tag) =	ssettag $0x2  }
0x227: {  	s0 =	rddreg [dreg:$0x0];
	s2 =	stileid.u32  }
0x228: {  	s1 =	rddreg [dreg:$0x1];
	p0 =	sne.s32 s2, $0x0  }
0x229: {  	s3 =	rddreg [dreg:$0x2];
	[bflag:$0x3] =	sbarrier.arrive $0xFFFF;
	s2 =	simm.s32 @!p0 $0x1C11  }
0x22a: {  	[timem:s3], [sflag:s2] =	dma.local @!p0 [hbm:s0], s1  }
0x22b: {  	s0 =	simm.s32 @!p0 $0x11  }
0x22c: {  	_ =	swait.ge @!p0 [sflag:s0], s1  }
0x22d: {  	s1 =	ssub.s32 @!p0 $0x0, s1;
	[sflag:s0] =	ssyncset.done @!p0 $0x0  }
0x22e: {  	[sflag:s0] =	ssyncadd.s32 @!p0 s1  }
0x22f: {  	[bflag:$0x3] =	sbarrier.arrive $0xFFFF  }
0x230: {  	_ =	shalt  }

// kernel: kernel.9.cloned.1.call-start
scs
__scs_entry_jumppad:
0x0: {  	(pc) =	sbr.rel $0x88, $3  }
0x1: {  	(tag) =	ssettag $0x0;
	lr =	simm.s32 $0x1  }
0x2: {  	[smem:$0x3F9B] =	sst lr;
	_ =	strace $0xD0000000  }
0x3: {  	_ = 	snop  }
0x4: {  	_ = 	snop  }
0x5: {  	_ = 	snop  }
0x6: {  	_ = 	snop  }
0x7: {  	_ = 	snop  }
__scs_overlays_trampoline_lowered:
0x8: {  	[smem:$0x3FAA] =	sst s0  }
0x9: {  	[smem:$0x3FAB] =	sst s1  }
0xa: {  	[smem:$0x3FAC] =	sst s2  }
0xb: {  	[smem:$0x3FAD] =	sst s3  }
0xc: {  	[smem:$0x3FAE] =	sst s4  }
0xd: {  	[smem:$0x3FAF] =	sst s5  }
0xe: {  	[smem:$0x3FB0] =	sst s6  }
0xf: {  	[smem:$0x3FB1] =	sst s7  }
0x10: {  	[smem:$0x3FB2] =	sst s8  }
0x11: {  	[smem:$0x3FB3] =	sst s9;
	s0 =	simm.s32 @!p0 $0x0  }
0x12: {  	s1 =	sld [smem:$0x3F99];
	s0 =	simm.s32 @p0 $0x1  }
0x13: {  	[smem:$0x3FB4] =	sst s0;
	s0 =	simm.s32 @!p1 $0x0  }
0x14: {  	s2 =	sld [smem:$0x3F98];
	s0 =	simm.s32 @p1 $0x1  }
0x15: {  	[smem:$0x3FB5] =	sst s0;
	s0 =	simm.s32 @!p2 $0x0  }
0x16: {  	s3 =	sld [smem:$0x3FDB];
	s0 =	simm.s32 @p2 $0x1  }
0x17: {  	s4 =	simm.s32 $0x1BF5;
	[smem:$0x3FB7] =	sst s0  }
0x18: {  	s0 =	sld [smem:$0x3F9A];
	_ =	swait.ge [sflag:s4], $0x0  }
0x19: {  	s7 =	sld [smem:$0x3F9B]  }
0x1a: {  	s8 =	sadd.s32 $0xFFFFE003, lr  }
0x1b: {  	s9 =	sadd.s32 $0xFFFFFEF7, lr;
	s5 =	simm.s32 $0xFFFFFFFF;
	p2 =	slt.u32 s8, $0xFFFFF086  }
0x1c: {  	p1 =	slt.u32 s9, $0xF7A;
	s5 =	simm.s32 @!p2 $0x0  }
0x1d: {  	s5 =	simm.s32 @p1 $0x1;
	p0 =	seq.s32 s7, s2  }
0x1e: {  	s7 =	smul.u32 @!p0 $0xF7A, s2;
	p2 =	seq.s32 @!p0 s5, $0x0  }
0x1f: {  	s9 =	smul.u32 $0xF7A, s1;
	s8 =	simm.s32 @!p0 $0x1BF5;
	p2 =	por !p2, p0  }
0x20: {  	[sflag:s8] =	ssyncset.s32 @!p0 $0xFFFFF086;
	s6 =	sadd.s32 @!p0 s3, s7;
	s7 =	simm.s32 @!p0 $0x108  }
0x21: {  	s3 =	sadd.s32 s3, s9;
	s6 =	sadd.s32 @!p0 $0x88, s6;
	s7 =	simm.s32 @p2 $0x1082  }
0x22: {  	[simem:s7], [sflag:s8] =	dma.local @!p0 [hbm:s6], $0xF7A  }
0x23: {  	s9 =	sor.u32 $0xD0000000, s2;
	s6 =	simm.s32 $0x108;
	_ =	swait.ge @!p0 [sflag:s8], $0x0  }
0x24: {  	s3 =	sadd.s32 $0x88, s3;
	s6 =	simm.s32 @!p1 $0x1082;
	[sflag:s4] =	ssyncset.s32 $0xFFFFF086  }
0x25: {  	[simem:s6], [sflag:s4] =	dma.local [hbm:s3], $0xF7A  }
0x26: {  	[smem:$0x3F9B] =	sst s1;
	(tag) =	ssettag s2;
	_ =	strace s9  }
0x27: {  	s1 =	sld [smem:$0x3FAB]  }
0x28: {  	s2 =	sld [smem:$0x3FAC]  }
0x29: {  	s4 =	sld [smem:$0x3FAE]  }
0x2a: {  	p0 =	seq.s32 s5, $0x0;
	s5 =	sld [smem:$0x3FAF]  }
0x2b: {  	s6 =	sld [smem:$0x3FB0]  }
0x2c: {  	s7 =	sld [smem:$0x3FB1]  }
0x2d: {  	s3 =	simm.s32 $0x108;
	s8 =	sld [smem:$0x3FB2]  }
0x2e: {  	s3 =	simm.s32 @!p0 $0x1082;
	s9 =	sld [smem:$0x3FB3]  }
0x2f: {  	lr =	sadd.s32 s0, s3;
	s0 =	sld [smem:$0x3FAA]  }
0x30: {  	s3 =	sld [smem:$0x3FAD]  }
0x31: {  	[smem:$0x3FB6] =	sst s10  }
0x32: {  	s10 =	sld [smem:$0x3FB4];
	_ =	sdelay $0x3  }
0x33: {  	p0 =	seq.s32 s10, $0x1;
	s10 =	sld [smem:$0x3FB6];
	_ =	sdelay $0x3  }
0x34: {  	[smem:$0x3FB6] =	sst s10  }
0x35: {  	s10 =	sld [smem:$0x3FB5];
	_ =	sdelay $0x3  }
0x36: {  	p1 =	seq.s32 s10, $0x1;
	s10 =	sld [smem:$0x3FB6];
	_ =	sdelay $0x3  }
0x37: {  	[smem:$0x3FB6] =	sst s10  }
0x38: {  	s10 =	sld [smem:$0x3FB7]  }
0x39: {  	_ = 	snop;
	(pc) =	sbr.ind lr, $3  }
0x3a: {  	_ = 	snop  }
0x3b: {  	_ = 	snop  }
0x3c: {  	p2 =	seq.s32 s10, $0x1;
	s10 =	sld [smem:$0x3FB6]  }
0x3d: {  	_ =	shalt  }
0x3e: {  	_ =	shalt  }
0x3f: {  	_ =	shalt  }
0x40: {  	_ =	shalt  }
0x41: {  	_ =	shalt  }
0x42: {  	_ =	shalt  }
0x43: {  	_ =	shalt  }
0x44: {  	_ =	shalt  }
0x45: {  	_ =	shalt  }
0x46: {  	_ =	shalt  }
0x47: {  	_ =	shalt  }
0x48: {  	_ =	shalt  }
0x49: {  	_ =	shalt  }
0x4a: {  	_ =	shalt  }
0x4b: {  	_ =	shalt  }
0x4c: {  	_ =	shalt  }
0x4d: {  	_ =	shalt  }
0x4e: {  	_ =	shalt  }
0x4f: {  	_ =	shalt  }
0x50: {  	_ =	shalt  }
0x51: {  	_ =	shalt  }
0x52: {  	_ =	shalt  }
0x53: {  	_ =	shalt  }
0x54: {  	_ =	shalt  }
0x55: {  	_ =	shalt  }
0x56: {  	_ =	shalt  }
0x57: {  	_ =	shalt  }
0x58: {  	_ =	shalt  }
0x59: {  	_ =	shalt  }
0x5a: {  	_ =	shalt  }
0x5b: {  	_ =	shalt  }
0x5c: {  	_ =	shalt  }
0x5d: {  	_ =	shalt  }
0x5e: {  	_ =	shalt  }
0x5f: {  	_ =	shalt  }
0x60: {  	_ =	shalt  }
0x61: {  	_ =	shalt  }
0x62: {  	_ =	shalt  }
0x63: {  	_ =	shalt  }
0x64: {  	_ =	shalt  }
0x65: {  	_ =	shalt  }
0x66: {  	_ =	shalt  }
0x67: {  	_ =	shalt  }
0x68: {  	_ =	shalt  }
0x69: {  	_ =	shalt  }
0x6a: {  	_ =	shalt  }
0x6b: {  	_ =	shalt  }
0x6c: {  	_ =	shalt  }
0x6d: {  	_ =	shalt  }
0x6e: {  	_ =	shalt  }
0x6f: {  	_ =	shalt  }
0x70: {  	_ =	shalt  }
0x71: {  	_ =	shalt  }
0x72: {  	_ =	shalt  }
0x73: {  	_ =	shalt  }
0x74: {  	_ =	shalt  }
0x75: {  	_ =	shalt  }
0x76: {  	_ =	shalt  }
0x77: {  	_ =	shalt  }
0x78: {  	_ =	shalt  }
0x79: {  	_ =	shalt  }
0x7a: {  	_ =	shalt  }
0x7b: {  	_ =	shalt  }
0x7c: {  	_ =	shalt  }
0x7d: {  	_ =	shalt  }
0x7e: {  	_ =	shalt  }
0x7f: {  	_ =	shalt  }
0x80: {  	_ =	shalt  }
0x81: {  	_ =	shalt  }
0x82: {  	_ =	shalt  }
0x83: {  	_ =	shalt  }
0x84: {  	_ =	shalt  }
0x85: {  	_ =	shalt  }
0x86: {  	_ =	shalt  }
0x87: {  	_ =	shalt  }
.Lfunc_end0:
.L_simem_size_0:
called_computation.1_lowered:
.L_overlay_start_0:
0x88: {  	s2 =	sld [smem:$0x3FD9]  }
0x89: {  	s3 =	sld [smem:$0x3FFE];
	_ =	sdelay $0x1  }
0x8a: {  	s1 =	srdreg.scid  }
0x8b: {  	s0 =	sand.u32 $0x1, s1  }
0x8c: {  	s17 =	sshll.u32 s0, $0xA;
	s2 =	sadd.s32 s3, s2  }
0x8d: {  	s2 =	sadd.s32 s2, s17  }
0x8e: {  	[smem:$0x3FC2] =	sst s2  }
0x8f: {  	_ = 	snop  }
0x90: {  	s2 =	sld [smem:$0x3FD0];
	(tm) =	ssettm $0x1  }
0x91: {  	s18 =	sld [smem:$0x3FFB];
	_ =	sdelay $0x3  }
0x92: {  	_ =	strace s18  }
0x93: {  	s3 =	sld [smem:$0x3FFC];
	_ =	sdelay $0x3  }
0x94: {  	_ =	strace s3  }
0x95: {  	s3 =	sld [smem:$0x3FFD];
	_ =	sdelay $0x3  }
0x96: {  	_ =	strace s3  }
0x97: {  	_ =	strace $0x8FFFFFFF  }
0x98: {  	s19 =	sld [smem:$0x3FDB];
	_ =	sdelay $0x1  }
0x99: {  	s4 =	simm.s32 $_scs_section_size  }
0x9a: {  	s5 =	simm.s32 $_size__tile_overlayer_lowered;
	s6 =	simm.s32 $_tile_overlayer_lowered  }
0x9b: {  	s22 =	simm.s32 $0x1BFF;
	s21 =	sshll.u32 s6, $0x1;
	s3 =	sadd.s32 s4, s19  }
0x9c: {  	s7 =	simm.s32 $0x0;
	s20 =	sshll.u32 s5, $0x1;
	s5 =	sadd.s32 s21, s3  }
0x9d: {  	[timem:s7], [sflag:s22] =	dma.local [hbm:s5], s20  }
0x9e: {  	_ =	swait.ge [sflag:s22], s20  }
0x9f: {  	s4 =	ssub.s32 $0x0, s20;
	[sflag:s22] =	ssyncset.done $0x0  }
0xa0: {  	[sflag:s22] =	ssyncadd.s32 s4;
	_ =	sdelay $0x1  }
0xa1: {  	s23 =	simm.s32 $0x1B8B  }
0xa2: {  	_ =	swait.ge [sflag:s23], $0x1  }
0xa3: {  	[sflag:s23] =	ssyncset.done $0x0  }
0xa4: {  	s25 =	simm.s32 $0x1B8E;
	s24 =	sld [smem:$0x3FFE];
	[sflag:s23] =	ssyncadd.s32 $0xFFFFFFFF  }
0xa5: {  	s26 =	simm.s32 $execute0_lowered;
	[smem:$0x3FD2] =	sst s25  }
0xa6: {  	s5 =	sshll.u32 s26, $0x1;
	_ =	strace $0x80000049;
	[dreg:$0x1] =	wrdreg $0xFFFFFFFF  }
0xa7: {  	s28 =	simm.s32 $_size_execute0_lowered;
	s3 =	sadd.s32 s3, s5;
	[dreg:$0x0] =	wrdreg $0x0  }
0xa8: {  	s5 =	sshll.u32 s28, $0x1;
	[dreg:$0x2] =	wrdreg s3  }
0xa9: {  	[dreg:$0x3] =	wrdreg s5  }
0xaa: {  	[dreg:$0x4] =	wrdreg $0xC0  }
0xab: {  	_ =	task [dreg:s7], $0x5FFFF  }
0xac: {  	[dreg:$0x1] =	wrdreg $0xFFFFFFFF  }
0xad: {  	[dreg:$0x0] =	wrdreg $0x60  }
0xae: {  	[dreg:$0x2] =	wrdreg s2  }
0xaf: {  	[dreg:$0x3] =	wrdreg s24  }
0xb0: {  	[dreg:$0x4] =	wrdreg $0x0  }
0xb1: {  	[dreg:$0x5] =	wrdreg $0x9  }
0xb2: {  	_ =	task.clear_ibuf [dreg:s7], $0x6FFFF;
	_ =	strace $0x90000049  }
0xb3: {  	s29 =	simm.s32 $0x9;
	_ =	strace $0x8000004B  }
0xb4: {  	_ =	swait.ge [sflag:s29], $0x1  }
0xb5: {  	[sflag:s29] =	ssyncadd.s32 $0xFFFFFFFF  }
0xb6: {  	_ =	strace $0x9000004B  }
0xb7: {  	_ =	sfence  }
0xb8: {  	s30 =	sld [smem:$0x0];
	_ =	sdelay $0x2  }
0xb9: {  	s31 =	sshll.u32 s1, $0xD;
	s1 =	sshrl.u32 s1, $0x2  }
0xba: {  	s3 =	sand.u32 $0x4000, s31;
	s1 =	sadd.s32 s1, s30  }
0xbb: {  	s0 =	sor.u32 s3, s0;
	s1 =	sshll.u32 s1, $0x11  }
0xbc: {  	s0 =	sor.u32 s1, s0  }
0xbd: {  	s0 =	sadd.s32 $0x8F2B, s0  }
0xbe: {  	[sflag:s0] =	ssyncadd.remote.s32 $0x1  }
0xbf: {  	_ =	sfence.sel $0xFFFF  }
0xc0: {  	[dreg:$0x0] =	wrdreg $0xFFFFFFFF;
	(pc) =	sbr.abs _section_cstart, $3  }
0xc1: {  	[dreg:$0x1] =	wrdreg $0xFFFFFFFF  }
0xc2: {  	_ =	task.clear_ibuf [dreg:s7], $0x2FFFF;
	_ =	strace $0x9FFFFFFF  }
0xc3: {  	(tm) =	ssettm $0x7FFFFFFF  }
tec
execute0_lowered:
.L_overlay_start_1:
0x0: {  	(tag) =	ssettag $0x1  }
0x1: {  	s1 =	rddreg [dreg:$0x0]  }
0x2: {  	s0 =	rddreg [dreg:$0x1]  }
0x3: {  	s3 =	rddreg [dreg:$0x2];
	s2 =	srdreg.scid  }
0x4: {  	s10 =	stileid.u32;
	s4 =	simm.s32 $0x0;
	s30 =	simm.s32 $0x1E580  }
0x5: {  	s28 =	simm.s32 $0x2;
	s29 =	simm.s32 $0x6;
	s6 =	smul.u32 $0x14000, s10  }
0x6: {  	s2 =	sand.u32 $0x1, s2;
	[smem:$0x7FF] =	sst s4;
	s19 =	smul.u32 $0x50000, s10  }
0x7: {  	s11 =	sadd.s32 $0xBA00, s0;
	s12 =	sadd.s32 $0x1C00, s0;
	s5 =	smul.u32 $0x140000, s2  }
0x8: {  	s7 =	sshll.u32 s2, $0x4;
	_ =	strace $0x8000004A;
	[dreg:$0x4] =	wrdreg s11  }
0x9: {  	s20 =	ssub.s32 $0x2, s2;
	s2 =	smul.u32 $0x27100, s2;
	[dreg:$0x5] =	wrdreg s12  }
0xa: {  	s7 =	sor.u32 s10, s7;
	s8 =	sshrl.u32 s20, $0x1;
	s10 =	smul.u32 $0x2710, s10  }
0xb: {  	s5 =	sadd.s32 s6, s5;
	s18 =	smul.u32 $0x2710, s7;
	s7 =	sshrl.u32 s19, $0x2  }
0xc: {  	s5 =	sshrl.u32 s5, $0x3;
	s17 =	sadd.s32 s7, s3;
	s2 =	sadd.s32 s10, s2  }
0xd: {  	s0 =	sadd.s32 s5, s0;
	s6 =	sshrl.u32 s18, $0x3;
	s5 =	ssub.s32 s20, s8  }
0xe: {  	s7 =	sadd.s32 $0x370, s2;
	s8 =	sadd.s32 $0x320, s2;
	s10 =	sadd.s32 $0x2D0, s2  }
0xf: {  	s19 =	sadd.s32 $0x4B0, s2;
	[dreg:$0x6] =	wrdreg s17;
	s0 =	sadd.s32 $0x15800, s0  }
0x10: {  	s21 =	sadd.s32 $0xA, s6;
	s5 =	smax.u32 s5, $0x1;
	[dreg:$0xf] =	wrdreg s0  }
0x11: {  	s20 =	sshrl.u32 s19, $0x3;
	s19 =	sadd.s32 $0xA000, s17;
	[dreg:$0x10] =	wrdreg s5  }
0x12: {  	s13 =	sadd.s32 s11, s6;
	s23 =	sadd.s32 $0x14, s6;
	[smem:$0x7F5] =	sst s19  }
0x13: {  	s9 =	sadd.s32 $0x1E, s6;
	s22 =	sadd.s32 s11, s21;
	[dreg:$0x7] =	wrdreg s13  }
0x14: {  	s16 =	sshrl.u32 s10, $0x3;
	s14 =	sadd.s32 s11, s23;
	[dreg:$0x8] =	wrdreg s22  }
0x15: {  	s24 =	sadd.s32 s11, s9;
	s25 =	sadd.s32 s12, s21;
	[dreg:$0x9] =	wrdreg s14  }
0x16: {  	s26 =	sadd.s32 s12, s23;
	s31 =	sadd.s32 s12, s9;
	[dreg:$0xa] =	wrdreg s24  }
0x17: {  	s0 =	sshrl.u32 s7, $0x3;
	s5 =	sshrl.u32 s8, $0x3;
	[dreg:$0xc] =	wrdreg s25  }
0x18: {  	s18 =	sadd.s32 s16, s12;
	s21 =	sadd.s32 $0x460, s2;
	[dreg:$0xd] =	wrdreg s26  }
0x19: {  	s23 =	sadd.s32 $0x410, s2;
	s8 =	sadd.s32 $0x190, s2;
	[dreg:$0xe] =	wrdreg s31  }
0x1a: {  	s19 =	simm.s32 $0x1E100;
	s9 =	sadd.s32 s0, s12;
	[dreg:$0x15] =	wrdreg s18  }
0x1b: {  	s14 =	sadd.s32 s12, s6;
	s0 =	sadd.s32 s0, s11;
	[dreg:$0x11] =	wrdreg s9  }
0x1c: {  	s15 =	sadd.s32 s5, s12;
	s5 =	sadd.s32 s5, s11;
	[dreg:$0x12] =	wrdreg s0  }
0x1d: {  	s22 =	sshrl.u32 s21, $0x3;
	s24 =	sshrl.u32 s23, $0x3;
	[dreg:$0x13] =	wrdreg s15  }
0x1e: {  	s25 =	sadd.s32 $0x3C0, s2;
	s18 =	sadd.s32 $0x7800, s17;
	[dreg:$0x14] =	wrdreg s5  }
0x1f: {  	s31 =	sadd.s32 $0x230, s2;
	s21 =	sadd.s32 $0xF000, s17;
	[smem:$0x7F4] =	sst s18  }
0x20: {  	s6 =	sadd.s32 $0x1E0, s2;
	s23 =	sadd.s32 $0x28, s13;
	[smem:$0x7F7] =	sst s21  }
0x21: {  	s0 =	sadd.s32 s16, s11;
	s26 =	sshrl.u32 s25, $0x3;
	[smem:$0x7F9] =	sst s23  }
0x22: {  	s5 =	sshrl.u32 s31, $0x3;
	s7 =	sshrl.u32 s6, $0x3;
	[dreg:$0xb] =	wrdreg s14  }
0x23: {  	s9 =	sadd.s32 $0x280, s2;
	s2 =	sadd.s32 $0x140, s2;
	[dreg:$0x16] =	wrdreg s0  }
0x24: {  	s15 =	sadd.s32 $0x2800, s17;
	s16 =	sadd.s32 $0x5000, s17;
	[dreg:$0x1c] =	wrdreg s9  }
0x25: {  	s25 =	sadd.s32 $0x3C, s13;
	s31 =	sadd.s32 $0x4D8, s14;
	[smem:$0x7F2] =	sst s15  }
0x26: {  	s6 =	simm.s32 $0x14000;
	s18 =	simm.s32 $0x19000;
	[smem:$0x7F3] =	sst s16  }
0x27: {  	s21 =	simm.s32 $0x1B800;
	s23 =	simm.s32 $0x1;
	[smem:$0x7FB] =	sst s25  }
0x28: {  	s14 =	simm.s32 $0x8;
	s0 =	sadd.s32 s20, s11;
	[smem:$0x7FD] =	sst s31  }
0x29: {  	s20 =	sadd.s32 $0xC800, s17;
	s15 =	simm.s32 $0x1E400;
	[dreg:$0x17] =	wrdreg s0  }
0x2a: {  	s25 =	simm.s32 $0x5;
	s0 =	sadd.s32 s22, s11;
	[smem:$0x7F6] =	sst s20  }
0x2b: {  	s9 =	simm.s32 $0x0;
	s22 =	sadd.s32 $0x11800, s17;
	[dreg:$0x18] =	wrdreg s0  }
0x2c: {  	s0 =	sadd.s32 s24, s11;
	[smem:$0x7F8] =	sst s22;
	s24 =	sadd.s32 $0x32, s13  }
0x2d: {  	s22 =	simm.s32 $0x1E180;
	[dreg:$0x19] =	wrdreg s0;
	s0 =	sadd.s32 s26, s11  }
0x2e: {  	s11 =	sshrl.u32 s2, $0x3;
	[smem:$0x7FA] =	sst s24;
	s26 =	sadd.s32 $0x46, s13  }
0x2f: {  	s2 =	simm.s32 $0x7;
	s13 =	simm.s32 $0x4;
	[dreg:$0x1a] =	wrdreg s0  }
0x30: {  	s0 =	sadd.s32 s5, s12;
	s5 =	sshrl.u32 s8, $0x3;
	[smem:$0x7FC] =	sst s26  }
.Ltmp0:
0x31: {  	[dreg:$0x1b] =	wrdreg s0;
	s0 =	sadd.s32 s7, s12;
	(pc) =	sbr.rel .LBB2_1-.Ltmp0, $4  }
0x32: {  	s8 =	simm.s32 $0x1E000;
	s10 =	sadd.s32 s5, s12;
	[dreg:$0x1d] =	wrdreg s0  }
0x33: {  	s26 =	simm.s32 $0x1E080;
	s7 =	simm.s32 $0x50;
	[dreg:$0x1e] =	wrdreg s10  }
0x34: {  	s0 =	sadd.s32 s11, s12;
	s10 =	simm.s32 $0x16800;
	s11 =	simm.s32 $0x11  }
0x35: {  	v0 =	vimm.f32 $0.0e+00;
	s12 =	simm.s32 $0x19000;
	[dreg:$0x1f] =	wrdreg s0;
	s0 =	simm.s32 $0x3  }
.LBB2_6:
0x36: {  	_ =	swait.ge [sflag:s23], $0x2800  }
0x37: {  	[sflag:s23] =	ssyncset.done $0x0  }
0x38: {  	[sflag:s23] =	ssyncadd.s32 $0xFFFFD800  }
0x39: {  	_ =	swait.ge [sflag:s25], $0x50  }
0x3a: {  	[sflag:s25] =	ssyncset.done $0x0  }
0x3b: {  	s9 =	simm.s32 $0x14000;
	[sflag:s25] =	ssyncadd.s32 $0xFFFFFFB0  }
0x3c: {  	[spmem:s3] =	stream.indirect.scatter.add.f32 [tilespmem:s9], [sflag:$0x11], $0x80, s8, s7, $0xb8;
	[tilespmem:$0x1E600] =	vst v63  }
0x3d: {  	_ =	swait.ge [sflag:s11], $0x2800  }
0x3e: {  	[sflag:s11] =	ssyncset.done $0x0  }
0x3f: {  	s5 =	simm.s32 $0xD;
	[sflag:s11] =	ssyncadd.s32 $0xFFFFD800  }
0x40: {  	_ =	swait.ge [sflag:s5], $0x50  }
0x41: {  	[sflag:s5] =	ssyncset.done $0x0  }
0x42: {  	s16 =	sld [smem:$0x7FD];
	[sflag:s5] =	ssyncadd.s32 $0xFFFFFFB0  }
0x43: {  	[tilespmem:s9], [sflag:$0x1] =	stream.indirect.gather [hbm4b:s1+s7], $0x80, s15, s7, $0xb8;
	[tilespmem:$0x1E600] =	vst v63  }
0x44: {  	_ = 	snop  }
0x45: {  	[tilespmem:s8], [sflag:$0x5] =	stream.linear.gather [hbm4b:s16+s4], $0x50, $0x38;
	[tilespmem:$0x1E600] =	vst v63  }
0x46: {  	_ =	swait.ge [sflag:s28], $0x2800  }
0x47: {  	[sflag:s28] =	ssyncset.done $0x0  }
0x48: {  	[sflag:s28] =	ssyncadd.s32 $0xFFFFD800  }
0x49: {  	_ =	swait.ge [sflag:s29], $0x50  }
0x4a: {  	[sflag:s29] =	ssyncset.done $0x0  }
0x4b: {  	[sflag:s29] =	ssyncadd.s32 $0xFFFFFFB0  }
0x4c: {  	[spmem:s3] =	stream.indirect.scatter.add.f32 [tilespmem:s10], [sflag:$0x11], $0x80, s26, s7, $0xb8;
	[tilespmem:$0x1E600] =	vst v63  }
0x4d: {  	_ =	swait.ge [sflag:s11], $0x2800  }
0x4e: {  	[sflag:s11] =	ssyncset.done $0x0  }
0x4f: {  	[sflag:s11] =	ssyncadd.s32 $0xFFFFD800  }
0x50: {  	_ =	swait.ge [sflag:s0], $0x2800  }
0x51: {  	[sflag:s0] =	ssyncset.done $0x0  }
0x52: {  	[sflag:s0] =	ssyncadd.s32 $0xFFFFD800  }
0x53: {  	_ =	swait.ge [sflag:s2], $0x50  }
0x54: {  	[sflag:s2] =	ssyncset.done $0x0  }
0x55: {  	[sflag:s2] =	ssyncadd.s32 $0xFFFFFFB0  }
0x56: {  	[spmem:s3] =	stream.indirect.scatter.add.f32 [tilespmem:s18], [sflag:$0x11], $0x80, s19, s7, $0xb8;
	[tilespmem:$0x1E600] =	vst v63  }
0x57: {  	_ =	swait.ge [sflag:s11], $0x2800  }
0x58: {  	[sflag:s11] =	ssyncset.done $0x0  }
0x59: {  	[sflag:s11] =	ssyncadd.s32 $0xFFFFD800  }
0x5a: {  	_ =	swait.ge [sflag:s13], $0x2800  }
0x5b: {  	[sflag:s13] =	ssyncset.done $0x0  }
0x5c: {  	[sflag:s13] =	ssyncadd.s32 $0xFFFFD800  }
0x5d: {  	_ =	swait.ge [sflag:s14], $0x50  }
0x5e: {  	[sflag:s14] =	ssyncset.done $0x0  }
0x5f: {  	[sflag:s14] =	ssyncadd.s32 $0xFFFFFFB0  }
0x60: {  	[spmem:s3] =	stream.indirect.scatter.add.f32 [tilespmem:s21], [sflag:$0x11], $0x80, s22, s7, $0xb8;
	[tilespmem:$0x1E600] =	vst v63  }
0x61: {  	_ =	swait.ge [sflag:s11], $0x2800  }
0x62: {  	[sflag:s11] =	ssyncset.done $0x0  }
0x63: {  	[sflag:s11] =	ssyncadd.s32 $0xFFFFD800  }
0x64: {  	_ =	swait.ge [sflag:s23], $0x2800  }
0x65: {  	[sflag:s23] =	ssyncset.done $0x0  }
0x66: {  	[sflag:s23] =	ssyncadd.s32 $0xFFFFD800  }
0x67: {  	_ =	swait.ge [sflag:s25], $0x50  }
0x68: {  	[sflag:s25] =	ssyncset.done $0x0  }
0x69: {  	[sflag:s25] =	ssyncadd.s32 $0xFFFFFFB0  }
0x6a: {  	[spmem:s3] =	stream.indirect.scatter.add.f32 [tilespmem:s9], [sflag:$0x11], $0x80, s8, s7, $0xb8;
	[tilespmem:$0x1E600] =	vst v63  }
0x6b: {  	_ =	swait.ge [sflag:s11], $0x2800  }
0x6c: {  	[sflag:s11] =	ssyncset.done $0x0  }
0x6d: {  	[sflag:s11] =	ssyncadd.s32 $0xFFFFD800  }
0x6e: {  	s17 =	stileid.u32;
	[bflag:$0x0] =	sbarrier.arrive $0xFFFF  }
0x6f: {  	s5 =	sshll.u32 s17, $0x6;
	s17 =	rddreg [dreg:$0x6]  }
0x70: {  	s5 =	sor.u32 $0x1C11, s5;
	s16 =	rddreg [dreg:$0xf];
	s20 =	sshrl.u32 s17, $0x3  }
0x71: {  	[hbm:s16], [sflag:s5] =	dma.local [spmem:s20], $0x2800  }
0x72: {  	_ =	swait.ge [sflag:s11], $0x2800  }
0x73: {  	s24 =	sld [smem:$0x7F1];
	_ =	sdelay $0x2  }
0x74: {  	s31 =	rddreg [dreg:$0x10];
	s9 =	sadd.s32 $0x1, s24  }
0x75: {  	p0 =	sne.s32 s9, s31  }
.Ltmp1:
0x76: {  	_ = 	snop;
	(pc) =	sbr.rel @!p0 .LBB2_7-.Ltmp1, $3  }
0x77: {  	_ =	sdelay $0x1  }
0x78: {  	[sflag:s11] =	ssyncset.done $0x0  }
0x79: {  	s6 =	simm.s32 $0x14000;
	s30 =	simm.s32 $0x1E580;
	[sflag:s11] =	ssyncadd.s32 $0xFFFFD800  }
.LBB2_1:
0x7a: {  	[smem:$0x7F1] =	sst s9;
	s9 =	simm.s32 $0x0;
	s16 =	simm.s32 $0x200  }
.LBB2_2:
0x7b: {  	p0 =	sne.s32 s16, $0x9E00;
	[tilespmem:s9+$0x16870] =	vst v0  }
0x7c: {  	[tilespmem:s9+$0x16800] =	vst v0  }
0x7d: {  	[tilespmem:s9+$0x16810] =	vst v0  }
.Ltmp2:
0x7e: {  	[tilespmem:s9+$0x16820] =	vst v0;
	(pc) =	sbr.rel @p0 .LBB2_2-.Ltmp2, $4  }
0x7f: {  	[tilespmem:s9+$0x16830] =	vst v0  }
0x80: {  	[tilespmem:s9+$0x16840] =	vst v0  }
0x81: {  	[tilespmem:s9+$0x16850] =	vst v0  }
0x82: {  	[tilespmem:s9+$0x16860] =	vst v0;
	s9 =	sshra.s32 s16, $0x2;
	s16 =	sadd.s32 $0x200, s16  }
0x83: {  	[tilespmem:s9+$0x16870] =	vst v0  }
0x84: {  	[tilespmem:s9+$0x16800] =	vst v0  }
0x85: {  	[tilespmem:s9+$0x16810] =	vst v0  }
0x86: {  	[tilespmem:s9+$0x16820] =	vst v0  }
0x87: {  	[tilespmem:s9+$0x16830] =	vst v0  }
0x88: {  	[tilespmem:s9+$0x16840] =	vst v0  }
0x89: {  	[tilespmem:s9+$0x16850] =	vst v0  }
0x8a: {  	[tilespmem:s9+$0x16860] =	vst v0  }
0x8b: {  	[spmem:s17] =	stream.linear.scatter [tilespmem:s10], [sflag:$0x11], $0x2800, $0x38;
	[tilespmem:$0x1E600] =	vst v63  }
0x8c: {  	_ =	swait.ge [sflag:s11], $0x2800  }
0x8d: {  	s5 =	sld [smem:$0x7F2]  }
0x8e: {  	[sflag:s11] =	ssyncset.done $0x0  }
0x8f: {  	[sflag:s11] =	ssyncadd.s32 $0xFFFFD800  }
0x90: {  	[spmem:s5] =	stream.linear.scatter [tilespmem:s10], [sflag:$0x11], $0x2800, $0x38;
	[tilespmem:$0x1E600] =	vst v63  }
0x91: {  	_ =	swait.ge [sflag:s11], $0x2800  }
0x92: {  	s17 =	sld [smem:$0x7F3]  }
0x93: {  	[sflag:s11] =	ssyncset.done $0x0  }
0x94: {  	[sflag:s11] =	ssyncadd.s32 $0xFFFFD800  }
0x95: {  	[spmem:s17] =	stream.linear.scatter [tilespmem:s10], [sflag:$0x11], $0x2800, $0x38;
	[tilespmem:$0x1E600] =	vst v63  }
0x96: {  	_ =	swait.ge [sflag:s11], $0x2800  }
0x97: {  	s20 =	sld [smem:$0x7F4]  }
0x98: {  	[sflag:s11] =	ssyncset.done $0x0  }
0x99: {  	[sflag:s11] =	ssyncadd.s32 $0xFFFFD800  }
0x9a: {  	[spmem:s20] =	stream.linear.scatter [tilespmem:s10], [sflag:$0x11], $0x2800, $0x38;
	[tilespmem:$0x1E600] =	vst v63  }
0x9b: {  	_ =	swait.ge [sflag:s11], $0x2800  }
0x9c: {  	s24 =	sld [smem:$0x7F5]  }
0x9d: {  	[sflag:s11] =	ssyncset.done $0x0  }
0x9e: {  	[sflag:s11] =	ssyncadd.s32 $0xFFFFD800  }
0x9f: {  	[spmem:s24] =	stream.linear.scatter [tilespmem:s10], [sflag:$0x11], $0x2800, $0x38;
	[tilespmem:$0x1E600] =	vst v63  }
0xa0: {  	_ =	swait.ge [sflag:s11], $0x2800  }
0xa1: {  	s31 =	sld [smem:$0x7F6]  }
0xa2: {  	[sflag:s11] =	ssyncset.done $0x0  }
0xa3: {  	[sflag:s11] =	ssyncadd.s32 $0xFFFFD800  }
0xa4: {  	[spmem:s31] =	stream.linear.scatter [tilespmem:s10], [sflag:$0x11], $0x2800, $0x38;
	[tilespmem:$0x1E600] =	vst v63  }
0xa5: {  	_ =	swait.ge [sflag:s11], $0x2800  }
0xa6: {  	s9 =	sld [smem:$0x7F7]  }
0xa7: {  	[sflag:s11] =	ssyncset.done $0x0  }
0xa8: {  	[sflag:s11] =	ssyncadd.s32 $0xFFFFD800  }
0xa9: {  	[spmem:s9] =	stream.linear.scatter [tilespmem:s10], [sflag:$0x11], $0x2800, $0x38;
	[tilespmem:$0x1E600] =	vst v63  }
0xaa: {  	_ =	swait.ge [sflag:s11], $0x2800  }
0xab: {  	s16 =	sld [smem:$0x7F8]  }
0xac: {  	[sflag:s11] =	ssyncset.done $0x0  }
0xad: {  	[sflag:s11] =	ssyncadd.s32 $0xFFFFD800  }
0xae: {  	[spmem:s16] =	stream.linear.scatter [tilespmem:s10], [sflag:$0x11], $0x2800, $0x38;
	[tilespmem:$0x1E600] =	vst v63  }
0xaf: {  	_ =	swait.ge [sflag:s11], $0x2800  }
0xb0: {  	[sflag:s11] =	ssyncset.done $0x0  }
0xb1: {  	[sflag:s11] =	ssyncadd.s32 $0xFFFFD800  }
0xb2: {  	[bflag:$0x0] =	sbarrier.arrive $0xFFFF  }
0xb3: {  	s9 =	simm.s32 $0x1E200;
	s16 =	simm.s32 $0x0;
	s17 =	rddreg [dreg:$0x7]  }
0xb4: {  	[tilespmem:s9], [sflag:$0x9] =	stream.linear.gather [hbm4b:s17+s16], $0x50, $0x38;
	[tilespmem:$0x1E600] =	vst v63  }
0xb5: {  	s20 =	rddreg [dreg:$0x8];
	s17 =	simm.s32 $0x1E280  }
0xb6: {  	[tilespmem:s17], [sflag:$0xA] =	stream.linear.gather [hbm4b:s20+s16], $0x50, $0x38;
	[tilespmem:$0x1E600] =	vst v63  }
0xb7: {  	s24 =	rddreg [dreg:$0x9];
	s20 =	simm.s32 $0x1E300  }
0xb8: {  	[tilespmem:s20], [sflag:$0xB] =	stream.linear.gather [hbm4b:s24+s16], $0x50, $0x38;
	[tilespmem:$0x1E600] =	vst v63  }
0xb9: {  	s31 =	rddreg [dreg:$0xa];
	s24 =	simm.s32 $0x1E380  }
0xba: {  	[tilespmem:s24], [sflag:$0xC] =	stream.linear.gather [hbm4b:s31+s16], $0x50, $0x38;
	[tilespmem:$0x1E600] =	vst v63  }
0xbb: {  	s31 =	sld [smem:$0x7F9];
	_ =	sdelay $0x2  }
0xbc: {  	[tilespmem:s15], [sflag:$0xD] =	stream.linear.gather [hbm4b:s31+s16], $0x50, $0x38;
	[tilespmem:$0x1E600] =	vst v63  }
0xbd: {  	s15 =	sld [smem:$0x7FA];
	_ =	sdelay $0x1  }
0xbe: {  	s31 =	simm.s32 $0x1E480  }
0xbf: {  	[tilespmem:s31], [sflag:$0xE] =	stream.linear.gather [hbm4b:s15+s16], $0x50, $0x38;
	[tilespmem:$0x1E600] =	vst v63  }
0xc0: {  	s15 =	sld [smem:$0x7FB];
	_ =	sdelay $0x1  }
0xc1: {  	s31 =	simm.s32 $0x1E500  }
0xc2: {  	[tilespmem:s31], [sflag:$0xF] =	stream.linear.gather [hbm4b:s15+s16], $0x50, $0x38;
	[tilespmem:$0x1E600] =	vst v63  }
0xc3: {  	s15 =	sld [smem:$0x7FC];
	_ =	sdelay $0x1  }
0xc4: {  	s31 =	simm.s32 $0x9  }
0xc5: {  	[tilespmem:s30], [sflag:$0x10] =	stream.linear.gather [hbm4b:s15+s16], $0x50, $0x38;
	[tilespmem:$0x1E600] =	vst v63  }
0xc6: {  	_ =	swait.ge [sflag:s31], $0x50  }
0xc7: {  	[sflag:s31] =	ssyncset.done $0x0  }
0xc8: {  	[sflag:s31] =	ssyncadd.s32 $0xFFFFFFB0  }
0xc9: {  	[tilespmem:s6], [sflag:$0x1] =	stream.indirect.gather [hbm4b:s1+s7], $0x80, s9, s7, $0xb8;
	[tilespmem:$0x1E600] =	vst v63  }
0xca: {  	s6 =	rddreg [dreg:$0xb];
	s9 =	simm.s32 $0xA  }
0xcb: {  	[tilespmem:s8], [sflag:$0x5] =	stream.linear.gather [hbm4b:s6+s16], $0x50, $0x38;
	[tilespmem:$0x1E600] =	vst v63  }
0xcc: {  	_ =	swait.ge [sflag:s9], $0x50  }
0xcd: {  	[sflag:s9] =	ssyncset.done $0x0  }
0xce: {  	[sflag:s9] =	ssyncadd.s32 $0xFFFFFFB0  }
0xcf: {  	[tilespmem:s10], [sflag:$0x2] =	stream.indirect.gather [hbm4b:s1+s7], $0x80, s17, s7, $0xb8;
	[tilespmem:$0x1E600] =	vst v63  }
0xd0: {  	s15 =	rddreg [dreg:$0xc];
	s17 =	simm.s32 $0xB  }
0xd1: {  	[tilespmem:s26], [sflag:$0x6] =	stream.linear.gather [hbm4b:s15+s16], $0x50, $0x38;
	[tilespmem:$0x1E600] =	vst v63  }
0xd2: {  	_ =	swait.ge [sflag:s17], $0x50  }
0xd3: {  	[sflag:s17] =	ssyncset.done $0x0  }
0xd4: {  	[sflag:s17] =	ssyncadd.s32 $0xFFFFFFB0  }
0xd5: {  	[tilespmem:s18], [sflag:$0x3] =	stream.indirect.gather [hbm4b:s1+s7], $0x80, s20, s7, $0xb8;
	[tilespmem:$0x1E600] =	vst v63  }
0xd6: {  	s26 =	simm.s32 $0xC;
	s20 =	rddreg [dreg:$0xd]  }
0xd7: {  	[tilespmem:s19], [sflag:$0x7] =	stream.linear.gather [hbm4b:s20+s16], $0x50, $0x38;
	[tilespmem:$0x1E600] =	vst v63  }
0xd8: {  	_ =	swait.ge [sflag:s26], $0x50  }
0xd9: {  	[sflag:s26] =	ssyncset.done $0x0  }
0xda: {  	s31 =	rddreg [dreg:$0xe];
	[sflag:s26] =	ssyncadd.s32 $0xFFFFFFB0  }
0xdb: {  	[tilespmem:s21], [sflag:$0x4] =	stream.indirect.gather [hbm4b:s1+s7], $0x80, s24, s7, $0xb8;
	[tilespmem:$0x1E600] =	vst v63  }
0xdc: {  	s17 =	rddreg [dreg:$0x1c]  }
0xdd: {  	[tilespmem:s22], [sflag:$0x8] =	stream.linear.gather [hbm4b:s31+s16], $0x50, $0x38;
	[tilespmem:$0x1E600] =	vst v63  }
.LBB2_4:
0xde: {  	_ =	swait.ge [sflag:s23], $0x2800  }
0xdf: {  	[sflag:s23] =	ssyncset.done $0x0  }
0xe0: {  	[sflag:s23] =	ssyncadd.s32 $0xFFFFD800  }
0xe1: {  	_ =	swait.ge [sflag:s25], $0x50  }
0xe2: {  	[sflag:s25] =	ssyncset.done $0x0  }
0xe3: {  	s15 =	simm.s32 $0x14000;
	[sflag:s25] =	ssyncadd.s32 $0xFFFFFFB0  }
0xe4: {  	[spmem:s3] =	stream.indirect.scatter.add.f32 [tilespmem:s15], [sflag:$0x11], $0x80, s8, s7, $0xb8;
	[tilespmem:$0x1E600] =	vst v63  }
0xe5: {  	_ =	swait.ge [sflag:s11], $0x2800  }
0xe6: {  	[sflag:s11] =	ssyncset.done $0x0  }
0xe7: {  	s5 =	simm.s32 $0xD;
	[sflag:s11] =	ssyncadd.s32 $0xFFFFD800  }
0xe8: {  	_ =	swait.ge [sflag:s5], $0x50  }
0xe9: {  	[sflag:s5] =	ssyncset.done $0x0  }
0xea: {  	s26 =	simm.s32 $0x1E400;
	s18 =	rddreg [dreg:$0x1f];
	[sflag:s5] =	ssyncadd.s32 $0xFFFFFFB0  }
0xeb: {  	[tilespmem:s15], [sflag:$0x1] =	stream.indirect.gather [hbm4b:s1+s7], $0x80, s26, s7, $0xb8;
	[tilespmem:$0x1E600] =	vst v63  }
0xec: {  	s9 =	sadd.s32 s16, s18  }
0xed: {  	[tilespmem:s8], [sflag:$0x5] =	stream.linear.gather [hbm4b:s9+s4], $0x50, $0x38;
	[tilespmem:$0x1E600] =	vst v63  }
0xee: {  	s20 =	rddreg [dreg:$0x4];
	s9 =	sshrl.u32 s17, $0x3  }
0xef: {  	s31 =	simm.s32 $0x1E200;
	s5 =	sadd.s32 s20, s9  }
0xf0: {  	[tilespmem:s31], [sflag:$0x9] =	stream.linear.gather [hbm4b:s5+s4], $0x50, $0x38;
	[tilespmem:$0x1E600] =	vst v63  }
0xf1: {  	_ =	swait.ge [sflag:s28], $0x2800  }
0xf2: {  	[sflag:s28] =	ssyncset.done $0x0  }
0xf3: {  	[sflag:s28] =	ssyncadd.s32 $0xFFFFD800  }
0xf4: {  	_ =	swait.ge [sflag:s29], $0x50  }
0xf5: {  	[sflag:s29] =	ssyncset.done $0x0  }
0xf6: {  	s18 =	simm.s32 $0x1E080;
	[sflag:s29] =	ssyncadd.s32 $0xFFFFFFB0  }
0xf7: {  	[spmem:s3] =	stream.indirect.scatter.add.f32 [tilespmem:s10], [sflag:$0x11], $0x80, s18, s7, $0xb8;
	[tilespmem:$0x1E600] =	vst v63  }
0xf8: {  	_ =	swait.ge [sflag:s11], $0x2800  }
0xf9: {  	[sflag:s11] =	ssyncset.done $0x0  }
0xfa: {  	s24 =	simm.s32 $0xE;
	[sflag:s11] =	ssyncadd.s32 $0xFFFFD800  }
0xfb: {  	_ =	swait.ge [sflag:s24], $0x50  }
0xfc: {  	[sflag:s24] =	ssyncset.done $0x0  }
0xfd: {  	s6 =	simm.s32 $0x1E480;
	s20 =	rddreg [dreg:$0x1e];
	[sflag:s24] =	ssyncadd.s32 $0xFFFFFFB0  }
0xfe: {  	[tilespmem:s10], [sflag:$0x2] =	stream.indirect.gather [hbm4b:s1+s7], $0x80, s6, s7, $0xb8;
	[tilespmem:$0x1E600] =	vst v63  }
0xff: {  	s5 =	sadd.s32 s16, s20;
	s24 =	rddreg [dreg:$0x16]  }
0x100: {  	[tilespmem:s18], [sflag:$0x6] =	stream.linear.gather [hbm4b:s5+s4], $0x50, $0x38;
	[tilespmem:$0x1E600] =	vst v63  }
0x101: {  	s5 =	sadd.s32 s16, s24;
	s24 =	simm.s32 $0x1E280  }
0x102: {  	[tilespmem:s24], [sflag:$0xA] =	stream.linear.gather [hbm4b:s5+s4], $0x50, $0x38;
	[tilespmem:$0x1E600] =	vst v63  }
0x103: {  	_ =	swait.ge [sflag:s0], $0x2800  }
0x104: {  	[sflag:s0] =	ssyncset.done $0x0  }
0x105: {  	[sflag:s0] =	ssyncadd.s32 $0xFFFFD800  }
0x106: {  	_ =	swait.ge [sflag:s2], $0x50  }
0x107: {  	[sflag:s2] =	ssyncset.done $0x0  }
0x108: {  	[sflag:s2] =	ssyncadd.s32 $0xFFFFFFB0  }
0x109: {  	[spmem:s3] =	stream.indirect.scatter.add.f32 [tilespmem:s12], [sflag:$0x11], $0x80, s19, s7, $0xb8;
	[tilespmem:$0x1E600] =	vst v63  }
0x10a: {  	_ =	swait.ge [sflag:s11], $0x2800  }
0x10b: {  	[sflag:s11] =	ssyncset.done $0x0  }
0x10c: {  	s6 =	simm.s32 $0xF;
	[sflag:s11] =	ssyncadd.s32 $0xFFFFD800  }
0x10d: {  	_ =	swait.ge [sflag:s6], $0x50  }
0x10e: {  	[sflag:s6] =	ssyncset.done $0x0  }
0x10f: {  	s20 =	simm.s32 $0x1E500;
	[sflag:s6] =	ssyncadd.s32 $0xFFFFFFB0;
	s6 =	rddreg [dreg:$0x1d]  }
0x110: {  	[tilespmem:s12], [sflag:$0x3] =	stream.indirect.gather [hbm4b:s1+s7], $0x80, s20, s7, $0xb8;
	[tilespmem:$0x1E600] =	vst v63  }
0x111: {  	s5 =	sadd.s32 s16, s6;
	s20 =	rddreg [dreg:$0x14]  }
0x112: {  	[tilespmem:s19], [sflag:$0x7] =	stream.linear.gather [hbm4b:s5+s4], $0x50, $0x38;
	[tilespmem:$0x1E600] =	vst v63  }
0x113: {  	s5 =	sadd.s32 s16, s20;
	s20 =	simm.s32 $0x1E300  }
0x114: {  	[tilespmem:s20], [sflag:$0xB] =	stream.linear.gather [hbm4b:s5+s4], $0x50, $0x38;
	[tilespmem:$0x1E600] =	vst v63  }
0x115: {  	_ =	swait.ge [sflag:s13], $0x2800  }
0x116: {  	[sflag:s13] =	ssyncset.done $0x0  }
0x117: {  	[sflag:s13] =	ssyncadd.s32 $0xFFFFD800  }
0x118: {  	_ =	swait.ge [sflag:s14], $0x50  }
0x119: {  	[sflag:s14] =	ssyncset.done $0x0  }
0x11a: {  	[sflag:s14] =	ssyncadd.s32 $0xFFFFFFB0  }
0x11b: {  	[spmem:s3] =	stream.indirect.scatter.add.f32 [tilespmem:s21], [sflag:$0x11], $0x80, s22, s7, $0xb8;
	[tilespmem:$0x1E600] =	vst v63  }
0x11c: {  	_ =	swait.ge [sflag:s11], $0x2800  }
0x11d: {  	[sflag:s11] =	ssyncset.done $0x0  }
0x11e: {  	s6 =	simm.s32 $0x10;
	[sflag:s11] =	ssyncadd.s32 $0xFFFFD800  }
0x11f: {  	_ =	swait.ge [sflag:s6], $0x50  }
0x120: {  	[sflag:s6] =	ssyncset.done $0x0  }
0x121: {  	[sflag:s6] =	ssyncadd.s32 $0xFFFFFFB0;
	s6 =	rddreg [dreg:$0x1b]  }
0x122: {  	[tilespmem:s21], [sflag:$0x4] =	stream.indirect.gather [hbm4b:s1+s7], $0x80, s30, s7, $0xb8;
	[tilespmem:$0x1E600] =	vst v63  }
0x123: {  	s5 =	sadd.s32 s16, s6;
	s30 =	rddreg [dreg:$0x12]  }
0x124: {  	[tilespmem:s22], [sflag:$0x8] =	stream.linear.gather [hbm4b:s5+s4], $0x50, $0x38;
	[tilespmem:$0x1E600] =	vst v63  }
0x125: {  	s5 =	sadd.s32 s16, s30;
	s30 =	simm.s32 $0x1E380  }
0x126: {  	[tilespmem:s30], [sflag:$0xC] =	stream.linear.gather [hbm4b:s5+s4], $0x50, $0x38;
	[tilespmem:$0x1E600] =	vst v63  }
0x127: {  	_ =	swait.ge [sflag:s23], $0x2800  }
0x128: {  	[sflag:s23] =	ssyncset.done $0x0  }
0x129: {  	[sflag:s23] =	ssyncadd.s32 $0xFFFFD800  }
0x12a: {  	_ =	swait.ge [sflag:s25], $0x50  }
0x12b: {  	[sflag:s25] =	ssyncset.done $0x0  }
0x12c: {  	[sflag:s25] =	ssyncadd.s32 $0xFFFFFFB0  }
0x12d: {  	[spmem:s3] =	stream.indirect.scatter.add.f32 [tilespmem:s15], [sflag:$0x11], $0x80, s8, s7, $0xb8;
	[tilespmem:$0x1E600] =	vst v63  }
0x12e: {  	_ =	swait.ge [sflag:s11], $0x2800  }
0x12f: {  	[sflag:s11] =	ssyncset.done $0x0  }
0x130: {  	s5 =	simm.s32 $0x9;
	[sflag:s11] =	ssyncadd.s32 $0xFFFFD800  }
0x131: {  	_ =	swait.ge [sflag:s5], $0x50  }
0x132: {  	[sflag:s5] =	ssyncset.done $0x0  }
0x133: {  	[sflag:s5] =	ssyncadd.s32 $0xFFFFFFB0  }
0x134: {  	[tilespmem:s15], [sflag:$0x1] =	stream.indirect.gather [hbm4b:s1+s7], $0x80, s31, s7, $0xb8;
	[tilespmem:$0x1E600] =	vst v63  }
0x135: {  	s31 =	rddreg [dreg:$0x5]  }
0x136: {  	s15 =	rddreg [dreg:$0x1a];
	s5 =	sadd.s32 s31, s9  }
0x137: {  	[tilespmem:s8], [sflag:$0x5] =	stream.linear.gather [hbm4b:s5+s4], $0x50, $0x38;
	[tilespmem:$0x1E600] =	vst v63  }
0x138: {  	s5 =	sadd.s32 s16, s15  }
0x139: {  	[tilespmem:s26], [sflag:$0xD] =	stream.linear.gather [hbm4b:s5+s4], $0x50, $0x38;
	[tilespmem:$0x1E600] =	vst v63  }
0x13a: {  	_ =	swait.ge [sflag:s28], $0x2800  }
0x13b: {  	[sflag:s28] =	ssyncset.done $0x0  }
0x13c: {  	[sflag:s28] =	ssyncadd.s32 $0xFFFFD800  }
0x13d: {  	_ =	swait.ge [sflag:s29], $0x50  }
0x13e: {  	[sflag:s29] =	ssyncset.done $0x0  }
0x13f: {  	[sflag:s29] =	ssyncadd.s32 $0xFFFFFFB0  }
0x140: {  	[spmem:s3] =	stream.indirect.scatter.add.f32 [tilespmem:s10], [sflag:$0x11], $0x80, s18, s7, $0xb8;
	[tilespmem:$0x1E600] =	vst v63  }
0x141: {  	_ =	swait.ge [sflag:s11], $0x2800  }
0x142: {  	[sflag:s11] =	ssyncset.done $0x0  }
0x143: {  	s31 =	simm.s32 $0xA;
	[sflag:s11] =	ssyncadd.s32 $0xFFFFD800  }
0x144: {  	_ =	swait.ge [sflag:s31], $0x50  }
0x145: {  	[sflag:s31] =	ssyncset.done $0x0  }
0x146: {  	s9 =	rddreg [dreg:$0x15];
	[sflag:s31] =	ssyncadd.s32 $0xFFFFFFB0  }
0x147: {  	[tilespmem:s10], [sflag:$0x2] =	stream.indirect.gather [hbm4b:s1+s7], $0x80, s24, s7, $0xb8;
	[tilespmem:$0x1E600] =	vst v63  }
0x148: {  	s5 =	sadd.s32 s16, s9  }
0x149: {  	[tilespmem:s18], [sflag:$0x6] =	stream.linear.gather [hbm4b:s5+s4], $0x50, $0x38;
	[tilespmem:$0x1E600] =	vst v63  }
0x14a: {  	p0 =	seq.s32 s16, $0x460;
	s5 =	rddreg [dreg:$0x19]  }
0x14b: {  	s9 =	simm.s32 @!p0 $0x0;
	s31 =	simm.s32 @!p0 $0x1E480;
	s5 =	sadd.s32 @!p0 s16, s5  }
0x14c: {  	[tilespmem:s31], [sflag:$0xE] =	stream.linear.gather @!p0 [hbm4b:s5+s9], $0x50, $0x38;
	[tilespmem:$0x1E600] =	vst v63  }
0x14d: {  	_ =	swait.ge [sflag:s0], $0x2800  }
0x14e: {  	[sflag:s0] =	ssyncset.done $0x0  }
0x14f: {  	[sflag:s0] =	ssyncadd.s32 $0xFFFFD800  }
0x150: {  	_ =	swait.ge [sflag:s2], $0x50  }
0x151: {  	[sflag:s2] =	ssyncset.done $0x0  }
0x152: {  	[sflag:s2] =	ssyncadd.s32 $0xFFFFFFB0  }
0x153: {  	[spmem:s3] =	stream.indirect.scatter.add.f32 [tilespmem:s12], [sflag:$0x11], $0x80, s19, s7, $0xb8;
	[tilespmem:$0x1E600] =	vst v63  }
0x154: {  	_ =	swait.ge [sflag:s11], $0x2800  }
0x155: {  	[sflag:s11] =	ssyncset.done $0x0  }
0x156: {  	s18 =	simm.s32 $0xB;
	[sflag:s11] =	ssyncadd.s32 $0xFFFFD800  }
0x157: {  	_ =	swait.ge [sflag:s18], $0x50  }
0x158: {  	[sflag:s18] =	ssyncset.done $0x0  }
0x159: {  	[sflag:s18] =	ssyncadd.s32 $0xFFFFFFB0  }
0x15a: {  	[tilespmem:s12], [sflag:$0x3] =	stream.indirect.gather [hbm4b:s1+s7], $0x80, s20, s7, $0xb8;
	[tilespmem:$0x1E600] =	vst v63  }
0x15b: {  	s20 =	rddreg [dreg:$0x13]  }
0x15c: {  	s5 =	sadd.s32 s16, s20  }
0x15d: {  	[tilespmem:s19], [sflag:$0x7] =	stream.linear.gather [hbm4b:s5+s4], $0x50, $0x38;
	[tilespmem:$0x1E600] =	vst v63  }
0x15e: {  	s5 =	rddreg [dreg:$0x18]  }
0x15f: {  	s31 =	simm.s32 @!p0 $0x1E500;
	s5 =	sadd.s32 @!p0 s16, s5  }
0x160: {  	[tilespmem:s31], [sflag:$0xF] =	stream.linear.gather @!p0 [hbm4b:s5+s9], $0x50, $0x38;
	[tilespmem:$0x1E600] =	vst v63  }
0x161: {  	_ =	swait.ge [sflag:s13], $0x2800  }
0x162: {  	[sflag:s13] =	ssyncset.done $0x0  }
0x163: {  	[sflag:s13] =	ssyncadd.s32 $0xFFFFD800  }
0x164: {  	_ =	swait.ge [sflag:s14], $0x50  }
0x165: {  	[sflag:s14] =	ssyncset.done $0x0  }
0x166: {  	[sflag:s14] =	ssyncadd.s32 $0xFFFFFFB0  }
0x167: {  	[spmem:s3] =	stream.indirect.scatter.add.f32 [tilespmem:s21], [sflag:$0x11], $0x80, s22, s7, $0xb8;
	[tilespmem:$0x1E600] =	vst v63  }
0x168: {  	_ =	swait.ge [sflag:s11], $0x2800  }
0x169: {  	[sflag:s11] =	ssyncset.done $0x0  }
0x16a: {  	s24 =	simm.s32 $0xC;
	[sflag:s11] =	ssyncadd.s32 $0xFFFFD800  }
0x16b: {  	_ =	swait.ge [sflag:s24], $0x50  }
.Ltmp3:
0x16c: {  	s6 =	simm.s32 $0x1E580;
	[sflag:s24] =	ssyncset.done $0x0;
	(pc) =	sbr.rel @p0 .LBB2_6-.Ltmp3, $4  }
0x16d: {  	s15 =	simm.s32 $0x1E400;
	s31 =	rddreg [dreg:$0x11];
	[sflag:s24] =	ssyncadd.s32 $0xFFFFFFB0  }
0x16e: {  	[tilespmem:s21], [sflag:$0x4] =	stream.indirect.gather [hbm4b:s1+s7], $0x80, s30, s7, $0xb8;
	[tilespmem:$0x1E600] =	vst v63  }
0x16f: {  	s26 =	simm.s32 $0x1E080;
	s18 =	simm.s32 $0x19000;
	s5 =	sadd.s32 s16, s31  }
0x170: {  	[tilespmem:s22], [sflag:$0x8] =	stream.linear.gather [hbm4b:s5+s4], $0x50, $0x38;
	[tilespmem:$0x1E600] =	vst v63  }
.Ltmp4:
0x171: {  	(pc) =	sbr.rel .LBB2_4-.Ltmp4, $4  }
0x172: {  	_ = 	snop  }
0x173: {  	s5 =	rddreg [dreg:$0x17];
	s17 =	sadd.s32 $0x280, s17  }
0x174: {  	s30 =	simm.s32 $0x1E580;
	s5 =	sadd.s32 s16, s5;
	s16 =	sadd.s32 $0x50, s16  }
0x175: {  	[tilespmem:s6], [sflag:$0x10] =	stream.linear.gather [hbm4b:s5+s4], $0x50, $0x38;
	[tilespmem:$0x1E600] =	vst v63  }
.LBB2_7:
0x176: {  	_ =	sfence.sel $0x180000  }
0x177: {  	[bflag:$0x0] =	sbarrier.arrive $0xFFFF  }
0x178: {  	_ =	strace $0x9000004A  }
0x179: {  	s0 =	stileid.u32;
	[bflag:$0x2] =	sbarrier.arrive $0xFFFF  }
0x17a: {  	p0 =	sne.s32 s0, $0x0;
	s0 =	rddreg [dreg:$0x3]  }
0x17b: {  	s0 =	sadd.s32 @!p0 $0x100000, s0  }
0x17c: {  	[sflag:s0] =	ssyncadd.tile.s32 @!p0 $0x1;
	_ =	shalt  }
.Lfunc_end2:
_tile_overlayer_lowered:
.L_overlay_start_2:
0x17d: {  	(tag) =	ssettag $0x2  }
0x17e: {  	s0 =	rddreg [dreg:$0x0];
	s2 =	stileid.u32  }
0x17f: {  	s1 =	rddreg [dreg:$0x1];
	p0 =	sne.s32 s2, $0x0  }
0x180: {  	s3 =	rddreg [dreg:$0x2];
	[bflag:$0x3] =	sbarrier.arrive $0xFFFF;
	s2 =	simm.s32 @!p0 $0x1C11  }
0x181: {  	[timem:s3], [sflag:s2] =	dma.local @!p0 [hbm:s0], s1  }
0x182: {  	s0 =	simm.s32 @!p0 $0x11  }
0x183: {  	_ =	swait.ge @!p0 [sflag:s0], s1  }
0x184: {  	s1 =	ssub.s32 @!p0 $0x0, s1;
	[sflag:s0] =	ssyncset.done @!p0 $0x0  }
0x185: {  	[sflag:s0] =	ssyncadd.s32 @!p0 s1  }
0x186: {  	[bflag:$0x3] =	sbarrier.arrive $0xFFFF  }
0x187: {  	_ =	shalt  }

</sc_bundles>
